<compile_context>
chip_gen: v7x
topology: tpu7x:2x2x1
jax: 0.10.2.dev20260603
libtpu: 0.0.44.dev20260713+nightly
codegen_flags: <defaults>
</compile_context>

<pallas_src>
import jax
import jax.numpy as jnp
from jax import lax
from jax.experimental import pallas as pl
from jax.experimental.pallas import tpu as pltpu
from jax.experimental.pallas import tpu_sc as plsc

NC = 2
NS = 16
CHUNK = 80


def _sc_aggregate(y, ei, n_chunks):
  N, F = y.shape
  EPW = n_chunks * CHUNK
  NP = ((N + NS * 8 - 1) // (NS * 8)) * NS * 8
  RPT = NP // NS
  ZR = RPT // 8
  assert RPT % 8 == 0 and n_chunks >= 5 and (n_chunks - 5) % 4 == 0
  assert CHUNK % 16 == 0
  assert F % 32 == 0 and N % 16 == 0

  mesh = plsc.VectorSubcoreMesh(core_axis_name="c", subcore_axis_name="s")

  def body(y_h, ei_h, acc_o, cnt_o,
           src_v, dst_v, rows_v, zf_v, cntl_v,
           sg0, sg1, sg2, sg3, sg4, sg5, sg6, sg7, acc_sh):
    c = lax.axis_index("c")
    s = lax.axis_index("s")

    base = (c * NS + s) * EPW
    pltpu.sync_copy(ei_h.at[0, pl.ds(base, EPW)], src_v)
    pltpu.sync_copy(ei_h.at[1, pl.ds(base, EPW)], dst_v)

    zeros16 = jnp.zeros((16,), jnp.float32)
    zeros32b = jnp.zeros((32,), jnp.bfloat16)
    ones16 = jnp.ones((16,), jnp.float32)

    def fill_zf(r, carry):
      def inner(k, carry2):
        zf_v[r, pl.ds(k * 32, 32)] = zeros32b
        return carry2
      return lax.fori_loop(0, F // 32, inner, carry)
    lax.fori_loop(0, ZR, fill_zf, 0)

    def fill_cnt(r, carry):
      cntl_v[pl.ds(r * 16, 16)] = zeros16
      return carry
    lax.fori_loop(0, N // 16, fill_cnt, 0)

    row0 = s * RPT
    for t in range(RPT // ZR):
      pltpu.sync_copy(zf_v, acc_sh.at[pl.ds(row0 + t * ZR, ZR)])
    plsc.subcore_barrier()

    gsems = (sg0, sg1, sg2, sg3, sg4, sg5, sg6, sg7)

    def issue_g(j, b):
      pltpu.async_copy(y_h.at[src_v.at[pl.ds(j * CHUNK, CHUNK)]],
                       rows_v.at[b], gsems[b])

    def wait_g(j, b):
      pltpu.make_async_copy(y_h.at[src_v.at[pl.ds(j * CHUNK, CHUNK)]],
                            rows_v.at[b], gsems[b]).wait()

    RING = 8

    def step(j, b, do_issue_g):
      wait_g(j, b)
      pltpu.sync_copy(rows_v.at[b],
                      acc_sh.at[dst_v.at[pl.ds(j * CHUNK, CHUNK)]],
                      add=True)
      for k in range(CHUNK // 16):
        idx = dst_v[pl.ds(j * CHUNK + k * 16, 16)]
        plsc.addupdate_scatter(cntl_v, [idx], ones16)
      if do_issue_g:
        issue_g(j + RING - 1, (b + RING - 1) % RING)

    for j in range(RING - 1):
      issue_g(j, j)

    def loop_ring(j4, carry):
      j0 = RING * j4
      for i in range(RING):
        step(j0 + i, i, True)
      return carry
    nfull = (n_chunks - (RING - 1)) // RING
    lax.fori_loop(0, nfull, loop_ring, 0)

    for j in range(RING * nfull, n_chunks):
      step(j, j % RING, j + RING - 1 < n_chunks)
    plsc.subcore_barrier()

    pltpu.sync_copy(acc_sh.at[pl.ds(row0, RPT)], acc_o.at[c, pl.ds(row0, RPT)])
    pltpu.sync_copy(cntl_v, cnt_o.at[c, s])

  kfn = pl.kernel(
      body,
      out_type=(jax.ShapeDtypeStruct((NC, NP, F), jnp.bfloat16),
                jax.ShapeDtypeStruct((NC, NS, N), jnp.float32)),
      mesh=mesh,
      compiler_params=pltpu.CompilerParams(use_tc_tiling_on_sc=False,
                                           needs_layout_passes=False),
      scratch_types=[
          pltpu.VMEM((EPW,), jnp.int32),
          pltpu.VMEM((EPW,), jnp.int32),
          pltpu.VMEM((8, CHUNK, F), jnp.bfloat16),
          pltpu.VMEM((ZR, F), jnp.bfloat16),
          pltpu.VMEM((N,), jnp.float32),
          pltpu.SemaphoreType.DMA,
          pltpu.SemaphoreType.DMA,
          pltpu.SemaphoreType.DMA,
          pltpu.SemaphoreType.DMA,
          pltpu.SemaphoreType.DMA,
          pltpu.SemaphoreType.DMA,
          pltpu.SemaphoreType.DMA,
          pltpu.SemaphoreType.DMA,
          pltpu.VMEM_SHARED((NP, F), jnp.bfloat16),
      ],
  )
  return kfn(y, ei)


def _t1_body(acc, cnt, x, wl1, bl1, wr1, wl2, wr2, bl2, h_o, y2_o, hr2_o):
  a = acc[0].astype(jnp.float32) + acc[1].astype(jnp.float32)
  c = jnp.sum(cnt[...], axis=1, keepdims=True)
  agg = a / jnp.maximum(c, 1.0)
  h = jnp.dot(agg, wl1[...], preferred_element_type=jnp.float32)
  h = h + bl1[...]
  h = h + jnp.dot(x[...], wr1[...], preferred_element_type=jnp.float32)
  h = jnp.maximum(h, 0.0)
  h_o[...] = h
  y2 = jnp.dot(h, wl2[...], preferred_element_type=jnp.float32)
  y2_o[...] = y2.astype(jnp.bfloat16)
  hr2_o[...] = jnp.dot(h, wr2[...], preferred_element_type=jnp.float32) + bl2[...]


def _t2_body(acc, cnt, hr2, out_o):
  a = acc[0].astype(jnp.float32) + acc[1].astype(jnp.float32)
  c = jnp.sum(cnt[...], axis=1, keepdims=True)
  out_o[...] = a / jnp.maximum(c, 1.0) + hr2[...]


def kernel(x, edge_index0, edge_index1, W_l1, b_l1, W_r1, W_l2, b_l2, W_r2):
  N, FIN = x.shape
  H = W_l1.shape[1]
  C = W_l2.shape[1]
  E = edge_index0.shape[1]
  NW = NC * NS
  EPW = E // NW
  n_chunks = EPW // CHUNK

  ei0 = edge_index0.astype(jnp.int32)
  ei1 = edge_index1.astype(jnp.int32)

  x_bf = x.astype(jnp.bfloat16)
  acc0, cnt0 = _sc_aggregate(x_bf, ei0, n_chunks)
  cnt0_t = jnp.transpose(cnt0, (2, 0, 1)).reshape(N, NW)

  BLK = 5000
  grid = (N // BLK,)
  h, y2, hr2 = pl.pallas_call(
      _t1_body,
      grid=grid,
      in_specs=[
          pl.BlockSpec((NC, BLK, H), lambda i: (0, i, 0)),
          pl.BlockSpec((BLK, NW), lambda i: (i, 0)),
          pl.BlockSpec((BLK, FIN), lambda i: (i, 0)),
          pl.BlockSpec((FIN, H), lambda i: (0, 0)),
          pl.BlockSpec((1, H), lambda i: (0, 0)),
          pl.BlockSpec((FIN, H), lambda i: (0, 0)),
          pl.BlockSpec((H, C), lambda i: (0, 0)),
          pl.BlockSpec((H, C), lambda i: (0, 0)),
          pl.BlockSpec((1, C), lambda i: (0, 0)),
      ],
      out_specs=[
          pl.BlockSpec((BLK, H), lambda i: (i, 0)),
          pl.BlockSpec((BLK, C), lambda i: (i, 0)),
          pl.BlockSpec((BLK, C), lambda i: (i, 0)),
      ],
      out_shape=[
          jax.ShapeDtypeStruct((N, H), jnp.float32),
          jax.ShapeDtypeStruct((N, C), jnp.bfloat16),
          jax.ShapeDtypeStruct((N, C), jnp.float32),
      ],
  )(acc0, cnt0_t, x, W_l1, b_l1.reshape(1, H), W_r1, W_l2, W_r2,
    b_l2.reshape(1, C))

  acc1, cnt1 = _sc_aggregate(y2, ei1, n_chunks)
  cnt1_t = jnp.transpose(cnt1, (2, 0, 1)).reshape(N, NW)

  out = pl.pallas_call(
      _t2_body,
      grid=grid,
      in_specs=[
          pl.BlockSpec((NC, BLK, C), lambda i: (0, i, 0)),
          pl.BlockSpec((BLK, NW), lambda i: (i, 0)),
          pl.BlockSpec((BLK, C), lambda i: (i, 0)),
      ],
      out_specs=pl.BlockSpec((BLK, C), lambda i: (i, 0)),
      out_shape=jax.ShapeDtypeStruct((N, C), jnp.float32),
  )(acc1, cnt1_t, hr2)

  return out

# --- scband reference (transcript-rebuilt; emitter-appended) ---
"""Pipeline reference for scband-sage-4020089389575 (READ-ONLY COPY).

The authoritative reference and input builder live on the scoring server;
editing this copy changes nothing except your own understanding.
"""

import jax, jax.numpy as jnp
import numpy as np

N = 10000
E = 320000
IN_FEATS = 128
N_HIDDEN = 128
N_CLASSES = 64


def setup_inputs(seed: int = 0):
    key = jax.random.key(seed)
    ks = jax.random.split(key, 8)
    x = jax.random.normal(ks[0], (N, IN_FEATS), dtype=jnp.float32)
    edge_index0 = jax.random.randint(ks[1], (2, E), 0, N)
    edge_index1 = jax.random.randint(ks[2], (2, E), 0, N)
    s1 = 1.0 / np.sqrt(IN_FEATS)
    W_l1 = jax.random.uniform(ks[3], (IN_FEATS, N_HIDDEN), jnp.float32, -s1, s1)
    b_l1 = jnp.zeros((N_HIDDEN,), jnp.float32)
    W_r1 = jax.random.uniform(ks[4], (IN_FEATS, N_HIDDEN), jnp.float32, -s1, s1)
    s2 = 1.0 / np.sqrt(N_HIDDEN)
    W_l2 = jax.random.uniform(ks[5], (N_HIDDEN, N_CLASSES), jnp.float32, -s2, s2)
    b_l2 = jnp.zeros((N_CLASSES,), jnp.float32)
    W_r2 = jax.random.uniform(ks[6], (N_HIDDEN, N_CLASSES), jnp.float32, -s2, s2)
    return {"x": x, "edge_index0": edge_index0, "edge_index1": edge_index1,
            "W_l1": W_l1, "b_l1": b_l1, "W_r1": W_r1,
            "W_l2": W_l2, "b_l2": b_l2, "W_r2": W_r2}


def _sage_conv(x, edge_index, W_l, b_l, W_r):
    # PyG SAGEConv(aggr='mean', normalize=False):
    #   out = lin_l(mean_{j in N(i)} x_j) + lin_r(x_i)
    src = edge_index[0]
    dst = edge_index[1]
    n = x.shape[0]
    msgs = jnp.take(x, src, axis=0)                      # gather source features  [E, d]
    agg = jax.ops.segment_sum(msgs, dst, num_segments=n)  # scatter-add to dst      [N, d]
    cnt = jax.ops.segment_sum(jnp.ones((src.shape[0],), x.dtype), dst, num_segments=n)
    agg = agg / jnp.maximum(cnt, 1.0)[:, None]            # mean aggregation
    return agg @ W_l + b_l + x @ W_r


def reference(x, edge_index0, edge_index1, W_l1, b_l1, W_r1, W_l2, b_l2, W_r2):
    # dropout p=0.0 -> identity (eval-mode determinism)
    h = _sage_conv(x, edge_index0, W_l1, b_l1, W_r1)
    h = jax.nn.relu(h)                                    # activation between layers
    out = _sage_conv(h, edge_index1, W_l2, b_l2, W_r2)    # last layer: no act/dropout
    return out

if __name__ == "__main__":
    import jax
    _d = setup_inputs()
    print(jax.jit(kernel)(*tuple(_d.values())))

</pallas_src>

<mosaic_0001>
#map = affine_map<(d0, d1) -> (0, 0)>
#map1 = affine_map<(d0, d1) -> (0, 0, 0)>
module attributes {stable_mosaic.version = 14 : i64} {
  func.func @body(%arg0: i32, %arg1: i32, %arg2: memref<10000x64xbf16, #tpu.memory_space<hbm>>, %arg3: memref<2x320000xi32, #tpu.memory_space<hbm>>, %arg4: memref<2x10112x64xbf16, #tpu.memory_space<hbm>>, %arg5: memref<2x16x10000xf32, #tpu.memory_space<hbm>>, %arg6: memref<10000xi32, #tpu.memory_space<vmem>>, %arg7: memref<10000xi32, #tpu.memory_space<vmem>>, %arg8: memref<8x80x64xbf16, #tpu.memory_space<vmem>>, %arg9: memref<79x64xbf16, #tpu.memory_space<vmem>>, %arg10: memref<10000xf32, #tpu.memory_space<vmem>>, %arg11: memref<!tpu.dma_semaphore, #tpu.memory_space<semaphore_mem>>, %arg12: memref<!tpu.dma_semaphore, #tpu.memory_space<semaphore_mem>>, %arg13: memref<!tpu.dma_semaphore, #tpu.memory_space<semaphore_mem>>, %arg14: memref<!tpu.dma_semaphore, #tpu.memory_space<semaphore_mem>>, %arg15: memref<!tpu.dma_semaphore, #tpu.memory_space<semaphore_mem>>, %arg16: memref<!tpu.dma_semaphore, #tpu.memory_space<semaphore_mem>>, %arg17: memref<!tpu.dma_semaphore, #tpu.memory_space<semaphore_mem>>, %arg18: memref<!tpu.dma_semaphore, #tpu.memory_space<semaphore_mem>>, %arg19: memref<10112x64xbf16, #tpu.memory_space<vmem_shared>>) attributes {dimension_semantics = [#tpu.dimension_semantics<core_parallel>, #tpu.dimension_semantics<subcore_parallel>], iteration_bounds = array<i64: 2, 16>, scalar_prefetch = 0 : i64, scratch_operands = 14 : i64, tpu.core_type = #tpu.core_type<sc_vector_subcore>, window_params = [{transform_indices = #map}, {transform_indices = #map}, {transform_indices = #map1}, {transform_indices = #map1}]} {
    %mul3A = arith.constant 16 : i32
    %mul3A_0 = arith.muli %arg0, %mul3A : i32
    %add3A = arith.addi %mul3A_0, %arg1 : i32
    %mul3A_1 = arith.constant 10000 : i32
    %mul3A_2 = arith.muli %add3A, %mul3A_1 : i32
    %run_scoped3A = arith.constant 0 : i32
    "tpu.region"() ({
      %run_scoped3A_445 = tpu.sem_alloc : memref<!tpu.dma_semaphore, #tpu.memory_space<semaphore_mem>>
      %dma_start3A_446 = tpu.memref_slice %arg3[%run_scoped3A, %mul3A_2] : memref<2x320000xi32, #tpu.memory_space<hbm>> -> memref<1x10000xi32, #tpu.memory_space<hbm>>
      %dma_start3A_447 = tpu.memref_squeeze %dma_start3A_446 : memref<1x10000xi32, #tpu.memory_space<hbm>> -> memref<10000xi32, #tpu.memory_space<hbm>>
      %dma_start3A_448 = tpu.memref_slice %arg3[%run_scoped3A, %mul3A_2] : memref<2x320000xi32, #tpu.memory_space<hbm>> -> memref<1x10000xi32, #tpu.memory_space<hbm>>
      %dma_start3A_449 = tpu.memref_squeeze %dma_start3A_448 : memref<1x10000xi32, #tpu.memory_space<hbm>> -> memref<10000xi32, #tpu.memory_space<hbm>>
      tpu.enqueue_dma source(%dma_start3A_449 : memref<10000xi32, #tpu.memory_space<hbm>>) target(%arg6 : memref<10000xi32, #tpu.memory_space<vmem>>) target_semaphore(%run_scoped3A_445 : memref<!tpu.dma_semaphore, #tpu.memory_space<semaphore_mem>>)
      %dma_wait3A_450 = tpu.memref_slice %arg3[%run_scoped3A, %mul3A_2] : memref<2x320000xi32, #tpu.memory_space<hbm>> -> memref<1x10000xi32, #tpu.memory_space<hbm>>
      %dma_wait3A_451 = tpu.memref_squeeze %dma_wait3A_450 : memref<1x10000xi32, #tpu.memory_space<hbm>> -> memref<10000xi32, #tpu.memory_space<hbm>>
      %dma_wait3A_452 = tpu.memref_slice %arg3[%run_scoped3A, %mul3A_2] : memref<2x320000xi32, #tpu.memory_space<hbm>> -> memref<1x10000xi32, #tpu.memory_space<hbm>>
      %dma_wait3A_453 = tpu.memref_squeeze %dma_wait3A_452 : memref<1x10000xi32, #tpu.memory_space<hbm>> -> memref<10000xi32, #tpu.memory_space<hbm>>
      tpu.wait_dma2 semaphore(%run_scoped3A_445 : memref<!tpu.dma_semaphore, #tpu.memory_space<semaphore_mem>>) src(%dma_wait3A_453 : memref<10000xi32, #tpu.memory_space<hbm>>) dst(%arg6 : memref<10000xi32, #tpu.memory_space<vmem>>)
      tpu.yield
    }) : () -> ()
    %run_scoped3A_3 = arith.constant 1 : i32
    "tpu.region"() ({
      %run_scoped3A_445 = tpu.sem_alloc : memref<!tpu.dma_semaphore, #tpu.memory_space<semaphore_mem>>
      %dma_start3A_446 = tpu.memref_slice %arg3[%run_scoped3A_3, %mul3A_2] : memref<2x320000xi32, #tpu.memory_space<hbm>> -> memref<1x10000xi32, #tpu.memory_space<hbm>>
      %dma_start3A_447 = tpu.memref_squeeze %dma_start3A_446 : memref<1x10000xi32, #tpu.memory_space<hbm>> -> memref<10000xi32, #tpu.memory_space<hbm>>
      %dma_start3A_448 = tpu.memref_slice %arg3[%run_scoped3A_3, %mul3A_2] : memref<2x320000xi32, #tpu.memory_space<hbm>> -> memref<1x10000xi32, #tpu.memory_space<hbm>>
      %dma_start3A_449 = tpu.memref_squeeze %dma_start3A_448 : memref<1x10000xi32, #tpu.memory_space<hbm>> -> memref<10000xi32, #tpu.memory_space<hbm>>
      tpu.enqueue_dma source(%dma_start3A_449 : memref<10000xi32, #tpu.memory_space<hbm>>) target(%arg7 : memref<10000xi32, #tpu.memory_space<vmem>>) target_semaphore(%run_scoped3A_445 : memref<!tpu.dma_semaphore, #tpu.memory_space<semaphore_mem>>)
      %dma_wait3A_450 = tpu.memref_slice %arg3[%run_scoped3A_3, %mul3A_2] : memref<2x320000xi32, #tpu.memory_space<hbm>> -> memref<1x10000xi32, #tpu.memory_space<hbm>>
      %dma_wait3A_451 = tpu.memref_squeeze %dma_wait3A_450 : memref<1x10000xi32, #tpu.memory_space<hbm>> -> memref<10000xi32, #tpu.memory_space<hbm>>
      %dma_wait3A_452 = tpu.memref_slice %arg3[%run_scoped3A_3, %mul3A_2] : memref<2x320000xi32, #tpu.memory_space<hbm>> -> memref<1x10000xi32, #tpu.memory_space<hbm>>
      %dma_wait3A_453 = tpu.memref_squeeze %dma_wait3A_452 : memref<1x10000xi32, #tpu.memory_space<hbm>> -> memref<10000xi32, #tpu.memory_space<hbm>>
      tpu.wait_dma2 semaphore(%run_scoped3A_445 : memref<!tpu.dma_semaphore, #tpu.memory_space<semaphore_mem>>) src(%dma_wait3A_453 : memref<10000xi32, #tpu.memory_space<hbm>>) dst(%arg7 : memref<10000xi32, #tpu.memory_space<vmem>>)
      tpu.yield
    }) : () -> ()
    %broadcast_in_dim3A = arith.constant 0.000000e+00 : f32
    %broadcast_in_dim3A_4 = vector.broadcast %broadcast_in_dim3A : f32 to vector<16xf32>
    %broadcast_in_dim3A_5 = arith.constant 0.000000e+00 : bf16
    %broadcast_in_dim3A_6 = vector.broadcast %broadcast_in_dim3A_5 : bf16 to vector<32xbf16>
    %broadcast_in_dim3A_7 = arith.constant 1.000000e+00 : f32
    %broadcast_in_dim3A_8 = vector.broadcast %broadcast_in_dim3A_7 : f32 to vector<16xf32>
    %scan3A = arith.constant 0 : i32
    %scan3A_9 = arith.constant 0 : i32
    %scan3A_10 = arith.constant 79 : i32
    %scan3A_11 = arith.addi %scan3A_9, %scan3A_10 : i32
    %scan3A_12 = arith.constant 1 : i32
    scf.for %scan3A_445 = %scan3A_9 to %scan3A_11 step %scan3A_12  : i32 {
      %scan3A_446 = arith.constant 0 : i32
      %scan3A_447 = arith.constant 2 : i32
      %scan3A_448 = arith.addi %scan3A_446, %scan3A_447 : i32
      %scan3A_449 = arith.constant 1 : i32
      scf.for %scan3A_451 = %scan3A_446 to %scan3A_448 step %scan3A_449  : i32 {
        %mul3A_452 = arith.constant 32 : i32
        %mul3A_453 = arith.muli %scan3A_451, %mul3A_452 : i32
        %swap3A = arith.index_cast %scan3A_445 : i32 to index
        %swap3A_454 = arith.index_cast %mul3A_453 : i32 to index
        %swap3A_455 = tpu.vector_load %arg9[%swap3A, %swap3A_454] {strides = array<i32>} : memref<79x64xbf16, #tpu.memory_space<vmem>>, vector<32xbf16>,
        tpu.vector_store %arg9[%swap3A, %swap3A_454], %broadcast_in_dim3A_6 {strides = array<i32>} : memref<79x64xbf16, #tpu.memory_space<vmem>>, vector<32xbf16>,
      }
      %scan3A_450 = arith.constant 2 : i32
    }
    %scan3A_13 = arith.constant 79 : i32
    %scan3A_14 = arith.constant 0 : i32
    %scan3A_15 = arith.constant 0 : i32
    %scan3A_16 = arith.constant 625 : i32
    %scan3A_17 = arith.addi %scan3A_15, %scan3A_16 : i32
    %scan3A_18 = arith.constant 1 : i32
    scf.for %scan3A_445 = %scan3A_15 to %scan3A_17 step %scan3A_18  : i32 {
      %mul3A_446 = arith.constant 16 : i32
      %mul3A_447 = arith.muli %scan3A_445, %mul3A_446 : i32
      %swap3A = arith.index_cast %mul3A_447 : i32 to index
      %swap3A_448 = tpu.vector_load %arg10[%swap3A] {strides = array<i32>} : memref<10000xf32, #tpu.memory_space<vmem>>, vector<16xf32>,
      tpu.vector_store %arg10[%swap3A], %broadcast_in_dim3A_4 {strides = array<i32>} : memref<10000xf32, #tpu.memory_space<vmem>>, vector<16xf32>,
    }
    %scan3A_19 = arith.constant 625 : i32
    %mul3A_20 = arith.constant 632 : i32
    %mul3A_21 = arith.muli %arg1, %mul3A_20 : i32
    %add3A_22 = arith.constant 0 : i32
    %add3A_23 = arith.addi %mul3A_21, %add3A_22 : i32
    "tpu.region"() ({
      %run_scoped3A_445 = tpu.sem_alloc : memref<!tpu.dma_semaphore, #tpu.memory_space<semaphore_mem>>
      %dma_start3A_446 = arith.constant 0 : i32
      %dma_start3A_447 = tpu.memref_slice %arg19[%add3A_23, %dma_start3A_446] : memref<10112x64xbf16, #tpu.memory_space<vmem_shared>> -> memref<79x64xbf16, #tpu.memory_space<vmem_shared>>
      %dma_start3A_448 = arith.constant 0 : i32
      %dma_start3A_449 = tpu.memref_slice %arg19[%add3A_23, %dma_start3A_448] : memref<10112x64xbf16, #tpu.memory_space<vmem_shared>> -> memref<79x64xbf16, #tpu.memory_space<vmem_shared>>
      tpu.enqueue_dma source(%arg9 : memref<79x64xbf16, #tpu.memory_space<vmem>>) target(%dma_start3A_449 : memref<79x64xbf16, #tpu.memory_space<vmem_shared>>) target_semaphore(%run_scoped3A_445 : memref<!tpu.dma_semaphore, #tpu.memory_space<semaphore_mem>>)
      %dma_wait3A_450 = arith.constant 0 : i32
      %dma_wait3A_451 = tpu.memref_slice %arg19[%add3A_23, %dma_wait3A_450] : memref<10112x64xbf16, #tpu.memory_space<vmem_shared>> -> memref<79x64xbf16, #tpu.memory_space<vmem_shared>>
      %dma_wait3A_452 = arith.constant 0 : i32
      %dma_wait3A_453 = tpu.memref_slice %arg19[%add3A_23, %dma_wait3A_452] : memref<10112x64xbf16, #tpu.memory_space<vmem_shared>> -> memref<79x64xbf16, #tpu.memory_space<vmem_shared>>
      tpu.wait_dma2 semaphore(%run_scoped3A_445 : memref<!tpu.dma_semaphore, #tpu.memory_space<semaphore_mem>>) src(%arg9 : memref<79x64xbf16, #tpu.memory_space<vmem>>) dst(%dma_wait3A_453 : memref<79x64xbf16, #tpu.memory_space<vmem_shared>>)
      tpu.yield
    }) : () -> ()
    %add3A_24 = arith.constant 79 : i32
    %add3A_25 = arith.addi %mul3A_21, %add3A_24 : i32
    "tpu.region"() ({
      %run_scoped3A_445 = tpu.sem_alloc : memref<!tpu.dma_semaphore, #tpu.memory_space<semaphore_mem>>
      %dma_start3A_446 = arith.constant 0 : i32
      %dma_start3A_447 = tpu.memref_slice %arg19[%add3A_25, %dma_start3A_446] : memref<10112x64xbf16, #tpu.memory_space<vmem_shared>> -> memref<79x64xbf16, #tpu.memory_space<vmem_shared>>
      %dma_start3A_448 = arith.constant 0 : i32
      %dma_start3A_449 = tpu.memref_slice %arg19[%add3A_25, %dma_start3A_448] : memref<10112x64xbf16, #tpu.memory_space<vmem_shared>> -> memref<79x64xbf16, #tpu.memory_space<vmem_shared>>
      tpu.enqueue_dma source(%arg9 : memref<79x64xbf16, #tpu.memory_space<vmem>>) target(%dma_start3A_449 : memref<79x64xbf16, #tpu.memory_space<vmem_shared>>) target_semaphore(%run_scoped3A_445 : memref<!tpu.dma_semaphore, #tpu.memory_space<semaphore_mem>>)
      %dma_wait3A_450 = arith.constant 0 : i32
      %dma_wait3A_451 = tpu.memref_slice %arg19[%add3A_25, %dma_wait3A_450] : memref<10112x64xbf16, #tpu.memory_space<vmem_shared>> -> memref<79x64xbf16, #tpu.memory_space<vmem_shared>>
      %dma_wait3A_452 = arith.constant 0 : i32
      %dma_wait3A_453 = tpu.memref_slice %arg19[%add3A_25, %dma_wait3A_452] : memref<10112x64xbf16, #tpu.memory_space<vmem_shared>> -> memref<79x64xbf16, #tpu.memory_space<vmem_shared>>
      tpu.wait_dma2 semaphore(%run_scoped3A_445 : memref<!tpu.dma_semaphore, #tpu.memory_space<semaphore_mem>>) src(%arg9 : memref<79x64xbf16, #tpu.memory_space<vmem>>) dst(%dma_wait3A_453 : memref<79x64xbf16, #tpu.memory_space<vmem_shared>>)
      tpu.yield
    }) : () -> ()
    %add3A_26 = arith.constant 158 : i32
    %add3A_27 = arith.addi %mul3A_21, %add3A_26 : i32
    "tpu.region"() ({
      %run_scoped3A_445 = tpu.sem_alloc : memref<!tpu.dma_semaphore, #tpu.memory_space<semaphore_mem>>
      %dma_start3A_446 = arith.constant 0 : i32
      %dma_start3A_447 = tpu.memref_slice %arg19[%add3A_27, %dma_start3A_446] : memref<10112x64xbf16, #tpu.memory_space<vmem_shared>> -> memref<79x64xbf16, #tpu.memory_space<vmem_shared>>
      %dma_start3A_448 = arith.constant 0 : i32
      %dma_start3A_449 = tpu.memref_slice %arg19[%add3A_27, %dma_start3A_448] : memref<10112x64xbf16, #tpu.memory_space<vmem_shared>> -> memref<79x64xbf16, #tpu.memory_space<vmem_shared>>
      tpu.enqueue_dma source(%arg9 : memref<79x64xbf16, #tpu.memory_space<vmem>>) target(%dma_start3A_449 : memref<79x64xbf16, #tpu.memory_space<vmem_shared>>) target_semaphore(%run_scoped3A_445 : memref<!tpu.dma_semaphore, #tpu.memory_space<semaphore_mem>>)
      %dma_wait3A_450 = arith.constant 0 : i32
      %dma_wait3A_451 = tpu.memref_slice %arg19[%add3A_27, %dma_wait3A_450] : memref<10112x64xbf16, #tpu.memory_space<vmem_shared>> -> memref<79x64xbf16, #tpu.memory_space<vmem_shared>>
      %dma_wait3A_452 = arith.constant 0 : i32
      %dma_wait3A_453 = tpu.memref_slice %arg19[%add3A_27, %dma_wait3A_452] : memref<10112x64xbf16, #tpu.memory_space<vmem_shared>> -> memref<79x64xbf16, #tpu.memory_space<vmem_shared>>
      tpu.wait_dma2 semaphore(%run_scoped3A_445 : memref<!tpu.dma_semaphore, #tpu.memory_space<semaphore_mem>>) src(%arg9 : memref<79x64xbf16, #tpu.memory_space<vmem>>) dst(%dma_wait3A_453 : memref<79x64xbf16, #tpu.memory_space<vmem_shared>>)
      tpu.yield
    }) : () -> ()
    %add3A_28 = arith.constant 237 : i32
    %add3A_29 = arith.addi %mul3A_21, %add3A_28 : i32
    "tpu.region"() ({
      %run_scoped3A_445 = tpu.sem_alloc : memref<!tpu.dma_semaphore, #tpu.memory_space<semaphore_mem>>
      %dma_start3A_446 = arith.constant 0 : i32
      %dma_start3A_447 = tpu.memref_slice %arg19[%add3A_29, %dma_start3A_446] : memref<10112x64xbf16, #tpu.memory_space<vmem_shared>> -> memref<79x64xbf16, #tpu.memory_space<vmem_shared>>
      %dma_start3A_448 = arith.constant 0 : i32
      %dma_start3A_449 = tpu.memref_slice %arg19[%add3A_29, %dma_start3A_448] : memref<10112x64xbf16, #tpu.memory_space<vmem_shared>> -> memref<79x64xbf16, #tpu.memory_space<vmem_shared>>
      tpu.enqueue_dma source(%arg9 : memref<79x64xbf16, #tpu.memory_space<vmem>>) target(%dma_start3A_449 : memref<79x64xbf16, #tpu.memory_space<vmem_shared>>) target_semaphore(%run_scoped3A_445 : memref<!tpu.dma_semaphore, #tpu.memory_space<semaphore_mem>>)
      %dma_wait3A_450 = arith.constant 0 : i32
      %dma_wait3A_451 = tpu.memref_slice %arg19[%add3A_29, %dma_wait3A_450] : memref<10112x64xbf16, #tpu.memory_space<vmem_shared>> -> memref<79x64xbf16, #tpu.memory_space<vmem_shared>>
      %dma_wait3A_452 = arith.constant 0 : i32
      %dma_wait3A_453 = tpu.memref_slice %arg19[%add3A_29, %dma_wait3A_452] : memref<10112x64xbf16, #tpu.memory_space<vmem_shared>> -> memref<79x64xbf16, #tpu.memory_space<vmem_shared>>
      tpu.wait_dma2 semaphore(%run_scoped3A_445 : memref<!tpu.dma_semaphore, #tpu.memory_space<semaphore_mem>>) src(%arg9 : memref<79x64xbf16, #tpu.memory_space<vmem>>) dst(%dma_wait3A_453 : memref<79x64xbf16, #tpu.memory_space<vmem_shared>>)
      tpu.yield
    }) : () -> ()
    %add3A_30 = arith.constant 316 : i32
    %add3A_31 = arith.addi %mul3A_21, %add3A_30 : i32
    "tpu.region"() ({
      %run_scoped3A_445 = tpu.sem_alloc : memref<!tpu.dma_semaphore, #tpu.memory_space<semaphore_mem>>
      %dma_start3A_446 = arith.constant 0 : i32
      %dma_start3A_447 = tpu.memref_slice %arg19[%add3A_31, %dma_start3A_446] : memref<10112x64xbf16, #tpu.memory_space<vmem_shared>> -> memref<79x64xbf16, #tpu.memory_space<vmem_shared>>
      %dma_start3A_448 = arith.constant 0 : i32
      %dma_start3A_449 = tpu.memref_slice %arg19[%add3A_31, %dma_start3A_448] : memref<10112x64xbf16, #tpu.memory_space<vmem_shared>> -> memref<79x64xbf16, #tpu.memory_space<vmem_shared>>
      tpu.enqueue_dma source(%arg9 : memref<79x64xbf16, #tpu.memory_space<vmem>>) target(%dma_start3A_449 : memref<79x64xbf16, #tpu.memory_space<vmem_shared>>) target_semaphore(%run_scoped3A_445 : memref<!tpu.dma_semaphore, #tpu.memory_space<semaphore_mem>>)
      %dma_wait3A_450 = arith.constant 0 : i32
      %dma_wait3A_451 = tpu.memref_slice %arg19[%add3A_31, %dma_wait3A_450] : memref<10112x64xbf16, #tpu.memory_space<vmem_shared>> -> memref<79x64xbf16, #tpu.memory_space<vmem_shared>>
      %dma_wait3A_452 = arith.constant 0 : i32
      %dma_wait3A_453 = tpu.memref_slice %arg19[%add3A_31, %dma_wait3A_452] : memref<10112x64xbf16, #tpu.memory_space<vmem_shared>> -> memref<79x64xbf16, #tpu.memory_space<vmem_shared>>
      tpu.wait_dma2 semaphore(%run_scoped3A_445 : memref<!tpu.dma_semaphore, #tpu.memory_space<semaphore_mem>>) src(%arg9 : memref<79x64xbf16, #tpu.memory_space<vmem>>) dst(%dma_wait3A_453 : memref<79x64xbf16, #tpu.memory_space<vmem_shared>>)
      tpu.yield
    }) : () -> ()
    %add3A_32 = arith.constant 395 : i32
    %add3A_33 = arith.addi %mul3A_21, %add3A_32 : i32
    "tpu.region"() ({
      %run_scoped3A_445 = tpu.sem_alloc : memref<!tpu.dma_semaphore, #tpu.memory_space<semaphore_mem>>
      %dma_start3A_446 = arith.constant 0 : i32
      %dma_start3A_447 = tpu.memref_slice %arg19[%add3A_33, %dma_start3A_446] : memref<10112x64xbf16, #tpu.memory_space<vmem_shared>> -> memref<79x64xbf16, #tpu.memory_space<vmem_shared>>
      %dma_start3A_448 = arith.constant 0 : i32
      %dma_start3A_449 = tpu.memref_slice %arg19[%add3A_33, %dma_start3A_448] : memref<10112x64xbf16, #tpu.memory_space<vmem_shared>> -> memref<79x64xbf16, #tpu.memory_space<vmem_shared>>
      tpu.enqueue_dma source(%arg9 : memref<79x64xbf16, #tpu.memory_space<vmem>>) target(%dma_start3A_449 : memref<79x64xbf16, #tpu.memory_space<vmem_shared>>) target_semaphore(%run_scoped3A_445 : memref<!tpu.dma_semaphore, #tpu.memory_space<semaphore_mem>>)
      %dma_wait3A_450 = arith.constant 0 : i32
      %dma_wait3A_451 = tpu.memref_slice %arg19[%add3A_33, %dma_wait3A_450] : memref<10112x64xbf16, #tpu.memory_space<vmem_shared>> -> memref<79x64xbf16, #tpu.memory_space<vmem_shared>>
      %dma_wait3A_452 = arith.constant 0 : i32
      %dma_wait3A_453 = tpu.memref_slice %arg19[%add3A_33, %dma_wait3A_452] : memref<10112x64xbf16, #tpu.memory_space<vmem_shared>> -> memref<79x64xbf16, #tpu.memory_space<vmem_shared>>
      tpu.wait_dma2 semaphore(%run_scoped3A_445 : memref<!tpu.dma_semaphore, #tpu.memory_space<semaphore_mem>>) src(%arg9 : memref<79x64xbf16, #tpu.memory_space<vmem>>) dst(%dma_wait3A_453 : memref<79x64xbf16, #tpu.memory_space<vmem_shared>>)
      tpu.yield
    }) : () -> ()
    %add3A_34 = arith.constant 474 : i32
    %add3A_35 = arith.addi %mul3A_21, %add3A_34 : i32
    "tpu.region"() ({
      %run_scoped3A_445 = tpu.sem_alloc : memref<!tpu.dma_semaphore, #tpu.memory_space<semaphore_mem>>
      %dma_start3A_446 = arith.constant 0 : i32
      %dma_start3A_447 = tpu.memref_slice %arg19[%add3A_35, %dma_start3A_446] : memref<10112x64xbf16, #tpu.memory_space<vmem_shared>> -> memref<79x64xbf16, #tpu.memory_space<vmem_shared>>
      %dma_start3A_448 = arith.constant 0 : i32
      %dma_start3A_449 = tpu.memref_slice %arg19[%add3A_35, %dma_start3A_448] : memref<10112x64xbf16, #tpu.memory_space<vmem_shared>> -> memref<79x64xbf16, #tpu.memory_space<vmem_shared>>
      tpu.enqueue_dma source(%arg9 : memref<79x64xbf16, #tpu.memory_space<vmem>>) target(%dma_start3A_449 : memref<79x64xbf16, #tpu.memory_space<vmem_shared>>) target_semaphore(%run_scoped3A_445 : memref<!tpu.dma_semaphore, #tpu.memory_space<semaphore_mem>>)
      %dma_wait3A_450 = arith.constant 0 : i32
      %dma_wait3A_451 = tpu.memref_slice %arg19[%add3A_35, %dma_wait3A_450] : memref<10112x64xbf16, #tpu.memory_space<vmem_shared>> -> memref<79x64xbf16, #tpu.memory_space<vmem_shared>>
      %dma_wait3A_452 = arith.constant 0 : i32
      %dma_wait3A_453 = tpu.memref_slice %arg19[%add3A_35, %dma_wait3A_452] : memref<10112x64xbf16, #tpu.memory_space<vmem_shared>> -> memref<79x64xbf16, #tpu.memory_space<vmem_shared>>
      tpu.wait_dma2 semaphore(%run_scoped3A_445 : memref<!tpu.dma_semaphore, #tpu.memory_space<semaphore_mem>>) src(%arg9 : memref<79x64xbf16, #tpu.memory_space<vmem>>) dst(%dma_wait3A_453 : memref<79x64xbf16, #tpu.memory_space<vmem_shared>>)
      tpu.yield
    }) : () -> ()
    %add3A_36 = arith.constant 553 : i32
    %add3A_37 = arith.addi %mul3A_21, %add3A_36 : i32
    "tpu.region"() ({
      %run_scoped3A_445 = tpu.sem_alloc : memref<!tpu.dma_semaphore, #tpu.memory_space<semaphore_mem>>
      %dma_start3A_446 = arith.constant 0 : i32
      %dma_start3A_447 = tpu.memref_slice %arg19[%add3A_37, %dma_start3A_446] : memref<10112x64xbf16, #tpu.memory_space<vmem_shared>> -> memref<79x64xbf16, #tpu.memory_space<vmem_shared>>
      %dma_start3A_448 = arith.constant 0 : i32
      %dma_start3A_449 = tpu.memref_slice %arg19[%add3A_37, %dma_start3A_448] : memref<10112x64xbf16, #tpu.memory_space<vmem_shared>> -> memref<79x64xbf16, #tpu.memory_space<vmem_shared>>
      tpu.enqueue_dma source(%arg9 : memref<79x64xbf16, #tpu.memory_space<vmem>>) target(%dma_start3A_449 : memref<79x64xbf16, #tpu.memory_space<vmem_shared>>) target_semaphore(%run_scoped3A_445 : memref<!tpu.dma_semaphore, #tpu.memory_space<semaphore_mem>>)
      %dma_wait3A_450 = arith.constant 0 : i32
      %dma_wait3A_451 = tpu.memref_slice %arg19[%add3A_37, %dma_wait3A_450] : memref<10112x64xbf16, #tpu.memory_space<vmem_shared>> -> memref<79x64xbf16, #tpu.memory_space<vmem_shared>>
      %dma_wait3A_452 = arith.constant 0 : i32
      %dma_wait3A_453 = tpu.memref_slice %arg19[%add3A_37, %dma_wait3A_452] : memref<10112x64xbf16, #tpu.memory_space<vmem_shared>> -> memref<79x64xbf16, #tpu.memory_space<vmem_shared>>
      tpu.wait_dma2 semaphore(%run_scoped3A_445 : memref<!tpu.dma_semaphore, #tpu.memory_space<semaphore_mem>>) src(%arg9 : memref<79x64xbf16, #tpu.memory_space<vmem>>) dst(%dma_wait3A_453 : memref<79x64xbf16, #tpu.memory_space<vmem_shared>>)
      tpu.yield
    }) : () -> ()
    %barrier3A = arith.constant 0 : index
    tpu.barrier barrier_id(%barrier3A)
    %dma_start3A = arith.constant 0 : i32
    %dma_start3A_38 = arith.constant 0 : i32
    %dma_start3A_39 = arith.constant 0 : i32
    %dma_start3A_40 = tpu.memref_slice %arg8[%dma_start3A, %dma_start3A_38, %dma_start3A_39] : memref<8x80x64xbf16, #tpu.memory_space<vmem>> -> memref<1x80x64xbf16, #tpu.memory_space<vmem>>
    %dma_start3A_41 = tpu.memref_squeeze %dma_start3A_40 : memref<1x80x64xbf16, #tpu.memory_space<vmem>> -> memref<80x64xbf16, #tpu.memory_space<vmem>>
    %dma_start3A_42 = arith.constant 0 : i32
    %dma_start3A_43 = tpu.memref_slice %arg6[%dma_start3A_42] : memref<10000xi32, #tpu.memory_space<vmem>> -> memref<80xi32, #tpu.memory_space<vmem>>
    %dma_start3A_44 = arith.constant 0 : i32
    %dma_start3A_45 = arith.constant 0 : i32
    %dma_start3A_46 = tpu.memref_slice %arg2[%dma_start3A_44, %dma_start3A_45] : memref<10000x64xbf16, #tpu.memory_space<hbm>> -> memref<10000x64xbf16, #tpu.memory_space<hbm>>
    tpu.enqueue_indirect_dma source(%dma_start3A_46 : memref<10000x64xbf16, #tpu.memory_space<hbm>>) target(%dma_start3A_41 : memref<80x64xbf16, #tpu.memory_space<vmem>>) offsets(%dma_start3A_43 : memref<80xi32, #tpu.memory_space<vmem>>) semaphore(%arg11 : memref<!tpu.dma_semaphore, #tpu.memory_space<semaphore_mem>>)
    %dma_start3A_47 = arith.constant 1 : i32
    %dma_start3A_48 = arith.constant 0 : i32
    %dma_start3A_49 = arith.constant 0 : i32
    %dma_start3A_50 = tpu.memref_slice %arg8[%dma_start3A_47, %dma_start3A_48, %dma_start3A_49] : memref<8x80x64xbf16, #tpu.memory_space<vmem>> -> memref<1x80x64xbf16, #tpu.memory_space<vmem>>
    %dma_start3A_51 = tpu.memref_squeeze %dma_start3A_50 : memref<1x80x64xbf16, #tpu.memory_space<vmem>> -> memref<80x64xbf16, #tpu.memory_space<vmem>>
    %dma_start3A_52 = arith.constant 80 : i32
    %dma_start3A_53 = tpu.memref_slice %arg6[%dma_start3A_52] : memref<10000xi32, #tpu.memory_space<vmem>> -> memref<80xi32, #tpu.memory_space<vmem>>
    %dma_start3A_54 = arith.constant 0 : i32
    %dma_start3A_55 = arith.constant 0 : i32
    %dma_start3A_56 = tpu.memref_slice %arg2[%dma_start3A_54, %dma_start3A_55] : memref<10000x64xbf16, #tpu.memory_space<hbm>> -> memref<10000x64xbf16, #tpu.memory_space<hbm>>
    tpu.enqueue_indirect_dma source(%dma_start3A_56 : memref<10000x64xbf16, #tpu.memory_space<hbm>>) target(%dma_start3A_51 : memref<80x64xbf16, #tpu.memory_space<vmem>>) offsets(%dma_start3A_53 : memref<80xi32, #tpu.memory_space<vmem>>) semaphore(%arg12 : memref<!tpu.dma_semaphore, #tpu.memory_space<semaphore_mem>>)
    %dma_start3A_57 = arith.constant 2 : i32
    %dma_start3A_58 = arith.constant 0 : i32
    %dma_start3A_59 = arith.constant 0 : i32
    %dma_start3A_60 = tpu.memref_slice %arg8[%dma_start3A_57, %dma_start3A_58, %dma_start3A_59] : memref<8x80x64xbf16, #tpu.memory_space<vmem>> -> memref<1x80x64xbf16, #tpu.memory_space<vmem>>
    %dma_start3A_61 = tpu.memref_squeeze %dma_start3A_60 : memref<1x80x64xbf16, #tpu.memory_space<vmem>> -> memref<80x64xbf16, #tpu.memory_space<vmem>>
    %dma_start3A_62 = arith.constant 160 : i32
    %dma_start3A_63 = tpu.memref_slice %arg6[%dma_start3A_62] : memref<10000xi32, #tpu.memory_space<vmem>> -> memref<80xi32, #tpu.memory_space<vmem>>
    %dma_start3A_64 = arith.constant 0 : i32
    %dma_start3A_65 = arith.constant 0 : i32
    %dma_start3A_66 = tpu.memref_slice %arg2[%dma_start3A_64, %dma_start3A_65] : memref<10000x64xbf16, #tpu.memory_space<hbm>> -> memref<10000x64xbf16, #tpu.memory_space<hbm>>
    tpu.enqueue_indirect_dma source(%dma_start3A_66 : memref<10000x64xbf16, #tpu.memory_space<hbm>>) target(%dma_start3A_61 : memref<80x64xbf16, #tpu.memory_space<vmem>>) offsets(%dma_start3A_63 : memref<80xi32, #tpu.memory_space<vmem>>) semaphore(%arg13 : memref<!tpu.dma_semaphore, #tpu.memory_space<semaphore_mem>>)
    %dma_start3A_67 = arith.constant 3 : i32
    %dma_start3A_68 = arith.constant 0 : i32
    %dma_start3A_69 = arith.constant 0 : i32
    %dma_start3A_70 = tpu.memref_slice %arg8[%dma_start3A_67, %dma_start3A_68, %dma_start3A_69] : memref<8x80x64xbf16, #tpu.memory_space<vmem>> -> memref<1x80x64xbf16, #tpu.memory_space<vmem>>
    %dma_start3A_71 = tpu.memref_squeeze %dma_start3A_70 : memref<1x80x64xbf16, #tpu.memory_space<vmem>> -> memref<80x64xbf16, #tpu.memory_space<vmem>>
    %dma_start3A_72 = arith.constant 240 : i32
    %dma_start3A_73 = tpu.memref_slice %arg6[%dma_start3A_72] : memref<10000xi32, #tpu.memory_space<vmem>> -> memref<80xi32, #tpu.memory_space<vmem>>
    %dma_start3A_74 = arith.constant 0 : i32
    %dma_start3A_75 = arith.constant 0 : i32
    %dma_start3A_76 = tpu.memref_slice %arg2[%dma_start3A_74, %dma_start3A_75] : memref<10000x64xbf16, #tpu.memory_space<hbm>> -> memref<10000x64xbf16, #tpu.memory_space<hbm>>
    tpu.enqueue_indirect_dma source(%dma_start3A_76 : memref<10000x64xbf16, #tpu.memory_space<hbm>>) target(%dma_start3A_71 : memref<80x64xbf16, #tpu.memory_space<vmem>>) offsets(%dma_start3A_73 : memref<80xi32, #tpu.memory_space<vmem>>) semaphore(%arg14 : memref<!tpu.dma_semaphore, #tpu.memory_space<semaphore_mem>>)
    %dma_start3A_77 = arith.constant 4 : i32
    %dma_start3A_78 = arith.constant 0 : i32
    %dma_start3A_79 = arith.constant 0 : i32
    %dma_start3A_80 = tpu.memref_slice %arg8[%dma_start3A_77, %dma_start3A_78, %dma_start3A_79] : memref<8x80x64xbf16, #tpu.memory_space<vmem>> -> memref<1x80x64xbf16, #tpu.memory_space<vmem>>
    %dma_start3A_81 = tpu.memref_squeeze %dma_start3A_80 : memref<1x80x64xbf16, #tpu.memory_space<vmem>> -> memref<80x64xbf16, #tpu.memory_space<vmem>>
    %dma_start3A_82 = arith.constant 320 : i32
    %dma_start3A_83 = tpu.memref_slice %arg6[%dma_start3A_82] : memref<10000xi32, #tpu.memory_space<vmem>> -> memref<80xi32, #tpu.memory_space<vmem>>
    %dma_start3A_84 = arith.constant 0 : i32
    %dma_start3A_85 = arith.constant 0 : i32
    %dma_start3A_86 = tpu.memref_slice %arg2[%dma_start3A_84, %dma_start3A_85] : memref<10000x64xbf16, #tpu.memory_space<hbm>> -> memref<10000x64xbf16, #tpu.memory_space<hbm>>
    tpu.enqueue_indirect_dma source(%dma_start3A_86 : memref<10000x64xbf16, #tpu.memory_space<hbm>>) target(%dma_start3A_81 : memref<80x64xbf16, #tpu.memory_space<vmem>>) offsets(%dma_start3A_83 : memref<80xi32, #tpu.memory_space<vmem>>) semaphore(%arg15 : memref<!tpu.dma_semaphore, #tpu.memory_space<semaphore_mem>>)
    %dma_start3A_87 = arith.constant 5 : i32
    %dma_start3A_88 = arith.constant 0 : i32
    %dma_start3A_89 = arith.constant 0 : i32
    %dma_start3A_90 = tpu.memref_slice %arg8[%dma_start3A_87, %dma_start3A_88, %dma_start3A_89] : memref<8x80x64xbf16, #tpu.memory_space<vmem>> -> memref<1x80x64xbf16, #tpu.memory_space<vmem>>
    %dma_start3A_91 = tpu.memref_squeeze %dma_start3A_90 : memref<1x80x64xbf16, #tpu.memory_space<vmem>> -> memref<80x64xbf16, #tpu.memory_space<vmem>>
    %dma_start3A_92 = arith.constant 400 : i32
    %dma_start3A_93 = tpu.memref_slice %arg6[%dma_start3A_92] : memref<10000xi32, #tpu.memory_space<vmem>> -> memref<80xi32, #tpu.memory_space<vmem>>
    %dma_start3A_94 = arith.constant 0 : i32
    %dma_start3A_95 = arith.constant 0 : i32
    %dma_start3A_96 = tpu.memref_slice %arg2[%dma_start3A_94, %dma_start3A_95] : memref<10000x64xbf16, #tpu.memory_space<hbm>> -> memref<10000x64xbf16, #tpu.memory_space<hbm>>
    tpu.enqueue_indirect_dma source(%dma_start3A_96 : memref<10000x64xbf16, #tpu.memory_space<hbm>>) target(%dma_start3A_91 : memref<80x64xbf16, #tpu.memory_space<vmem>>) offsets(%dma_start3A_93 : memref<80xi32, #tpu.memory_space<vmem>>) semaphore(%arg16 : memref<!tpu.dma_semaphore, #tpu.memory_space<semaphore_mem>>)
    %dma_start3A_97 = arith.constant 6 : i32
    %dma_start3A_98 = arith.constant 0 : i32
    %dma_start3A_99 = arith.constant 0 : i32
    %dma_start3A_100 = tpu.memref_slice %arg8[%dma_start3A_97, %dma_start3A_98, %dma_start3A_99] : memref<8x80x64xbf16, #tpu.memory_space<vmem>> -> memref<1x80x64xbf16, #tpu.memory_space<vmem>>
    %dma_start3A_101 = tpu.memref_squeeze %dma_start3A_100 : memref<1x80x64xbf16, #tpu.memory_space<vmem>> -> memref<80x64xbf16, #tpu.memory_space<vmem>>
    %dma_start3A_102 = arith.constant 480 : i32
    %dma_start3A_103 = tpu.memref_slice %arg6[%dma_start3A_102] : memref<10000xi32, #tpu.memory_space<vmem>> -> memref<80xi32, #tpu.memory_space<vmem>>
    %dma_start3A_104 = arith.constant 0 : i32
    %dma_start3A_105 = arith.constant 0 : i32
    %dma_start3A_106 = tpu.memref_slice %arg2[%dma_start3A_104, %dma_start3A_105] : memref<10000x64xbf16, #tpu.memory_space<hbm>> -> memref<10000x64xbf16, #tpu.memory_space<hbm>>
    tpu.enqueue_indirect_dma source(%dma_start3A_106 : memref<10000x64xbf16, #tpu.memory_space<hbm>>) target(%dma_start3A_101 : memref<80x64xbf16, #tpu.memory_space<vmem>>) offsets(%dma_start3A_103 : memref<80xi32, #tpu.memory_space<vmem>>) semaphore(%arg17 : memref<!tpu.dma_semaphore, #tpu.memory_space<semaphore_mem>>)
    %scan3A_107 = arith.constant 0 : i32
    %scan3A_108 = arith.constant 0 : i32
    %scan3A_109 = arith.constant 14 : i32
    %scan3A_110 = arith.addi %scan3A_108, %scan3A_109 : i32
    %scan3A_111 = arith.constant 1 : i32
    scf.for %scan3A_445 = %scan3A_108 to %scan3A_110 step %scan3A_111  : i32 {
      %mul3A_446 = arith.constant 8 : i32
      %mul3A_447 = arith.muli %mul3A_446, %scan3A_445 : i32
      %add3A_448 = arith.constant 0 : i32
      %add3A_449 = arith.addi %mul3A_447, %add3A_448 : i32
      %mul3A_450 = arith.constant 80 : i32
      %mul3A_451 = arith.muli %add3A_449, %mul3A_450 : i32
      %dma_wait3A_452 = arith.constant 0 : i32
      %dma_wait3A_453 = arith.constant 0 : i32
      %dma_wait3A_454 = arith.constant 0 : i32
      %dma_wait3A_455 = tpu.memref_slice %arg8[%dma_wait3A_452, %dma_wait3A_453, %dma_wait3A_454] : memref<8x80x64xbf16, #tpu.memory_space<vmem>> -> memref<1x80x64xbf16, #tpu.memory_space<vmem>>
      %dma_wait3A_456 = tpu.memref_squeeze %dma_wait3A_455 : memref<1x80x64xbf16, #tpu.memory_space<vmem>> -> memref<80x64xbf16, #tpu.memory_space<vmem>>
      %dma_wait3A_457 = tpu.memref_slice %arg6[%mul3A_451] : memref<10000xi32, #tpu.memory_space<vmem>> -> memref<80xi32, #tpu.memory_space<vmem>>
      %dma_wait3A_458 = arith.constant 0 : i32
      %dma_wait3A_459 = arith.constant 0 : i32
      %dma_wait3A_460 = tpu.memref_slice %arg2[%dma_wait3A_458, %dma_wait3A_459] : memref<10000x64xbf16, #tpu.memory_space<hbm>> -> memref<10000x64xbf16, #tpu.memory_space<hbm>>
      tpu.wait_indirect_dma semaphore(%arg11 : memref<!tpu.dma_semaphore, #tpu.memory_space<semaphore_mem>>) src(%dma_wait3A_460 : memref<10000x64xbf16, #tpu.memory_space<hbm>>) dst(%dma_wait3A_456 : memref<80x64xbf16, #tpu.memory_space<vmem>>)
      %mul3A_461 = arith.constant 80 : i32
      %mul3A_462 = arith.muli %add3A_449, %mul3A_461 : i32
      %run_scoped3A_463 = arith.constant 0 : i32
      "tpu.region"() ({
        %run_scoped3A_935 = tpu.sem_alloc : memref<!tpu.dma_semaphore, #tpu.memory_space<semaphore_mem>>
        %dma_start3A_936 = arith.constant 0 : i32
        %dma_start3A_937 = arith.constant 0 : i32
        %dma_start3A_938 = tpu.memref_slice %arg8[%run_scoped3A_463, %dma_start3A_936, %dma_start3A_937] : memref<8x80x64xbf16, #tpu.memory_space<vmem>> -> memref<1x80x64xbf16, #tpu.memory_space<vmem>>
        %dma_start3A_939 = tpu.memref_squeeze %dma_start3A_938 : memref<1x80x64xbf16, #tpu.memory_space<vmem>> -> memref<80x64xbf16, #tpu.memory_space<vmem>>
        %dma_start3A_940 = tpu.memref_slice %arg7[%mul3A_462] : memref<10000xi32, #tpu.memory_space<vmem>> -> memref<80xi32, #tpu.memory_space<vmem>>
        %dma_start3A_941 = arith.constant 0 : i32
        %dma_start3A_942 = arith.constant 0 : i32
        %dma_start3A_943 = tpu.memref_slice %arg19[%dma_start3A_941, %dma_start3A_942] : memref<10112x64xbf16, #tpu.memory_space<vmem_shared>> -> memref<10112x64xbf16, #tpu.memory_space<vmem_shared>>
        tpu.enqueue_indirect_dma source(%dma_start3A_939 : memref<80x64xbf16, #tpu.memory_space<vmem>>) target(%dma_start3A_943 : memref<10112x64xbf16, #tpu.memory_space<vmem_shared>>) offsets(%dma_start3A_940 : memref<80xi32, #tpu.memory_space<vmem>>) semaphore(%run_scoped3A_935 : memref<!tpu.dma_semaphore, #tpu.memory_space<semaphore_mem>>) {add = true}
        %dma_wait3A_944 = arith.constant 0 : i32
        %dma_wait3A_945 = arith.constant 0 : i32
        %dma_wait3A_946 = tpu.memref_slice %arg8[%run_scoped3A_463, %dma_wait3A_944, %dma_wait3A_945] : memref<8x80x64xbf16, #tpu.memory_space<vmem>> -> memref<1x80x64xbf16, #tpu.memory_space<vmem>>
        %dma_wait3A_947 = tpu.memref_squeeze %dma_wait3A_946 : memref<1x80x64xbf16, #tpu.memory_space<vmem>> -> memref<80x64xbf16, #tpu.memory_space<vmem>>
        %dma_wait3A_948 = tpu.memref_slice %arg7[%mul3A_462] : memref<10000xi32, #tpu.memory_space<vmem>> -> memref<80xi32, #tpu.memory_space<vmem>>
        %dma_wait3A_949 = arith.constant 0 : i32
        %dma_wait3A_950 = arith.constant 0 : i32
        %dma_wait3A_951 = tpu.memref_slice %arg19[%dma_wait3A_949, %dma_wait3A_950] : memref<10112x64xbf16, #tpu.memory_space<vmem_shared>> -> memref<10112x64xbf16, #tpu.memory_space<vmem_shared>>
        tpu.wait_indirect_dma semaphore(%run_scoped3A_935 : memref<!tpu.dma_semaphore, #tpu.memory_space<semaphore_mem>>) src(%dma_wait3A_947 : memref<80x64xbf16, #tpu.memory_space<vmem>>) dst(%dma_wait3A_951 : memref<10112x64xbf16, #tpu.memory_space<vmem_shared>>)
        tpu.yield
      }) : () -> ()
      %mul3A_464 = arith.constant 80 : i32
      %mul3A_465 = arith.muli %add3A_449, %mul3A_464 : i32
      %add3A_466 = arith.constant 0 : i32
      %add3A_467 = arith.addi %mul3A_465, %add3A_466 : i32
      %get3A_468 = arith.index_cast %add3A_467 : i32 to index
      %get3A_469 = tpu.vector_load %arg7[%get3A_468] {strides = array<i32>} : memref<10000xi32, #tpu.memory_space<vmem>>, vector<16xi32>,
      tpu.vector_store_idx %arg10[%get3A_469], %broadcast_in_dim3A_8 {add = true} : memref<10000xf32, #tpu.memory_space<vmem>>[vector<16xi32>], vector<16xf32>,
      %mul3A_470 = arith.constant 80 : i32
      %mul3A_471 = arith.muli %add3A_449, %mul3A_470 : i32
      %add3A_472 = arith.constant 16 : i32
      %add3A_473 = arith.addi %mul3A_471, %add3A_472 : i32
      %get3A_474 = arith.index_cast %add3A_473 : i32 to index
      %get3A_475 = tpu.vector_load %arg7[%get3A_474] {strides = array<i32>} : memref<10000xi32, #tpu.memory_space<vmem>>, vector<16xi32>,
      tpu.vector_store_idx %arg10[%get3A_475], %broadcast_in_dim3A_8 {add = true} : memref<10000xf32, #tpu.memory_space<vmem>>[vector<16xi32>], vector<16xf32>,
      %mul3A_476 = arith.constant 80 : i32
      %mul3A_477 = arith.muli %add3A_449, %mul3A_476 : i32
      %add3A_478 = arith.constant 32 : i32
      %add3A_479 = arith.addi %mul3A_477, %add3A_478 : i32
      %get3A_480 = arith.index_cast %add3A_479 : i32 to index
      %get3A_481 = tpu.vector_load %arg7[%get3A_480] {strides = array<i32>} : memref<10000xi32, #tpu.memory_space<vmem>>, vector<16xi32>,
      tpu.vector_store_idx %arg10[%get3A_481], %broadcast_in_dim3A_8 {add = true} : memref<10000xf32, #tpu.memory_space<vmem>>[vector<16xi32>], vector<16xf32>,
      %mul3A_482 = arith.constant 80 : i32
      %mul3A_483 = arith.muli %add3A_449, %mul3A_482 : i32
      %add3A_484 = arith.constant 48 : i32
      %add3A_485 = arith.addi %mul3A_483, %add3A_484 : i32
      %get3A_486 = arith.index_cast %add3A_485 : i32 to index
      %get3A_487 = tpu.vector_load %arg7[%get3A_486] {strides = array<i32>} : memref<10000xi32, #tpu.memory_space<vmem>>, vector<16xi32>,
      tpu.vector_store_idx %arg10[%get3A_487], %broadcast_in_dim3A_8 {add = true} : memref<10000xf32, #tpu.memory_space<vmem>>[vector<16xi32>], vector<16xf32>,
      %mul3A_488 = arith.constant 80 : i32
      %mul3A_489 = arith.muli %add3A_449, %mul3A_488 : i32
      %add3A_490 = arith.constant 64 : i32
      %add3A_491 = arith.addi %mul3A_489, %add3A_490 : i32
      %get3A_492 = arith.index_cast %add3A_491 : i32 to index
      %get3A_493 = tpu.vector_load %arg7[%get3A_492] {strides = array<i32>} : memref<10000xi32, #tpu.memory_space<vmem>>, vector<16xi32>,
      tpu.vector_store_idx %arg10[%get3A_493], %broadcast_in_dim3A_8 {add = true} : memref<10000xf32, #tpu.memory_space<vmem>>[vector<16xi32>], vector<16xf32>,
      %add3A_494 = arith.constant 8 : i32
      %add3A_495 = arith.addi %add3A_449, %add3A_494 : i32
      %sub3A = arith.constant 1 : i32
      %sub3A_496 = arith.subi %add3A_495, %sub3A : i32
      %mul3A_497 = arith.constant 80 : i32
      %mul3A_498 = arith.muli %sub3A_496, %mul3A_497 : i32
      %dma_start3A_499 = arith.constant 7 : i32
      %dma_start3A_500 = arith.constant 0 : i32
      %dma_start3A_501 = arith.constant 0 : i32
      %dma_start3A_502 = tpu.memref_slice %arg8[%dma_start3A_499, %dma_start3A_500, %dma_start3A_501] : memref<8x80x64xbf16, #tpu.memory_space<vmem>> -> memref<1x80x64xbf16, #tpu.memory_space<vmem>>
      %dma_start3A_503 = tpu.memref_squeeze %dma_start3A_502 : memref<1x80x64xbf16, #tpu.memory_space<vmem>> -> memref<80x64xbf16, #tpu.memory_space<vmem>>
      %dma_start3A_504 = tpu.memref_slice %arg6[%mul3A_498] : memref<10000xi32, #tpu.memory_space<vmem>> -> memref<80xi32, #tpu.memory_space<vmem>>
      %dma_start3A_505 = arith.constant 0 : i32
      %dma_start3A_506 = arith.constant 0 : i32
      %dma_start3A_507 = tpu.memref_slice %arg2[%dma_start3A_505, %dma_start3A_506] : memref<10000x64xbf16, #tpu.memory_space<hbm>> -> memref<10000x64xbf16, #tpu.memory_space<hbm>>
      tpu.enqueue_indirect_dma source(%dma_start3A_507 : memref<10000x64xbf16, #tpu.memory_space<hbm>>) target(%dma_start3A_503 : memref<80x64xbf16, #tpu.memory_space<vmem>>) offsets(%dma_start3A_504 : memref<80xi32, #tpu.memory_space<vmem>>) semaphore(%arg18 : memref<!tpu.dma_semaphore, #tpu.memory_space<semaphore_mem>>)
      %add3A_508 = arith.constant 1 : i32
      %add3A_509 = arith.addi %mul3A_447, %add3A_508 : i32
      %mul3A_510 = arith.constant 80 : i32
      %mul3A_511 = arith.muli %add3A_509, %mul3A_510 : i32
      %dma_wait3A_512 = arith.constant 1 : i32
      %dma_wait3A_513 = arith.constant 0 : i32
      %dma_wait3A_514 = arith.constant 0 : i32
      %dma_wait3A_515 = tpu.memref_slice %arg8[%dma_wait3A_512, %dma_wait3A_513, %dma_wait3A_514] : memref<8x80x64xbf16, #tpu.memory_space<vmem>> -> memref<1x80x64xbf16, #tpu.memory_space<vmem>>
      %dma_wait3A_516 = tpu.memref_squeeze %dma_wait3A_515 : memref<1x80x64xbf16, #tpu.memory_space<vmem>> -> memref<80x64xbf16, #tpu.memory_space<vmem>>
      %dma_wait3A_517 = tpu.memref_slice %arg6[%mul3A_511] : memref<10000xi32, #tpu.memory_space<vmem>> -> memref<80xi32, #tpu.memory_space<vmem>>
      %dma_wait3A_518 = arith.constant 0 : i32
      %dma_wait3A_519 = arith.constant 0 : i32
      %dma_wait3A_520 = tpu.memref_slice %arg2[%dma_wait3A_518, %dma_wait3A_519] : memref<10000x64xbf16, #tpu.memory_space<hbm>> -> memref<10000x64xbf16, #tpu.memory_space<hbm>>
      tpu.wait_indirect_dma semaphore(%arg12 : memref<!tpu.dma_semaphore, #tpu.memory_space<semaphore_mem>>) src(%dma_wait3A_520 : memref<10000x64xbf16, #tpu.memory_space<hbm>>) dst(%dma_wait3A_516 : memref<80x64xbf16, #tpu.memory_space<vmem>>)
      %mul3A_521 = arith.constant 80 : i32
      %mul3A_522 = arith.muli %add3A_509, %mul3A_521 : i32
      %run_scoped3A_523 = arith.constant 1 : i32
      "tpu.region"() ({
        %run_scoped3A_935 = tpu.sem_alloc : memref<!tpu.dma_semaphore, #tpu.memory_space<semaphore_mem>>
        %dma_start3A_936 = arith.constant 0 : i32
        %dma_start3A_937 = arith.constant 0 : i32
        %dma_start3A_938 = tpu.memref_slice %arg8[%run_scoped3A_523, %dma_start3A_936, %dma_start3A_937] : memref<8x80x64xbf16, #tpu.memory_space<vmem>> -> memref<1x80x64xbf16, #tpu.memory_space<vmem>>
        %dma_start3A_939 = tpu.memref_squeeze %dma_start3A_938 : memref<1x80x64xbf16, #tpu.memory_space<vmem>> -> memref<80x64xbf16, #tpu.memory_space<vmem>>
        %dma_start3A_940 = tpu.memref_slice %arg7[%mul3A_522] : memref<10000xi32, #tpu.memory_space<vmem>> -> memref<80xi32, #tpu.memory_space<vmem>>
        %dma_start3A_941 = arith.constant 0 : i32
        %dma_start3A_942 = arith.constant 0 : i32
        %dma_start3A_943 = tpu.memref_slice %arg19[%dma_start3A_941, %dma_start3A_942] : memref<10112x64xbf16, #tpu.memory_space<vmem_shared>> -> memref<10112x64xbf16, #tpu.memory_space<vmem_shared>>
        tpu.enqueue_indirect_dma source(%dma_start3A_939 : memref<80x64xbf16, #tpu.memory_space<vmem>>) target(%dma_start3A_943 : memref<10112x64xbf16, #tpu.memory_space<vmem_shared>>) offsets(%dma_start3A_940 : memref<80xi32, #tpu.memory_space<vmem>>) semaphore(%run_scoped3A_935 : memref<!tpu.dma_semaphore, #tpu.memory_space<semaphore_mem>>) {add = true}
        %dma_wait3A_944 = arith.constant 0 : i32
        %dma_wait3A_945 = arith.constant 0 : i32
        %dma_wait3A_946 = tpu.memref_slice %arg8[%run_scoped3A_523, %dma_wait3A_944, %dma_wait3A_945] : memref<8x80x64xbf16, #tpu.memory_space<vmem>> -> memref<1x80x64xbf16, #tpu.memory_space<vmem>>
        %dma_wait3A_947 = tpu.memref_squeeze %dma_wait3A_946 : memref<1x80x64xbf16, #tpu.memory_space<vmem>> -> memref<80x64xbf16, #tpu.memory_space<vmem>>
        %dma_wait3A_948 = tpu.memref_slice %arg7[%mul3A_522] : memref<10000xi32, #tpu.memory_space<vmem>> -> memref<80xi32, #tpu.memory_space<vmem>>
        %dma_wait3A_949 = arith.constant 0 : i32
        %dma_wait3A_950 = arith.constant 0 : i32
        %dma_wait3A_951 = tpu.memref_slice %arg19[%dma_wait3A_949, %dma_wait3A_950] : memref<10112x64xbf16, #tpu.memory_space<vmem_shared>> -> memref<10112x64xbf16, #tpu.memory_space<vmem_shared>>
        tpu.wait_indirect_dma semaphore(%run_scoped3A_935 : memref<!tpu.dma_semaphore, #tpu.memory_space<semaphore_mem>>) src(%dma_wait3A_947 : memref<80x64xbf16, #tpu.memory_space<vmem>>) dst(%dma_wait3A_951 : memref<10112x64xbf16, #tpu.memory_space<vmem_shared>>)
        tpu.yield
      }) : () -> ()
      %mul3A_524 = arith.constant 80 : i32
      %mul3A_525 = arith.muli %add3A_509, %mul3A_524 : i32
      %add3A_526 = arith.constant 0 : i32
      %add3A_527 = arith.addi %mul3A_525, %add3A_526 : i32
      %get3A_528 = arith.index_cast %add3A_527 : i32 to index
      %get3A_529 = tpu.vector_load %arg7[%get3A_528] {strides = array<i32>} : memref<10000xi32, #tpu.memory_space<vmem>>, vector<16xi32>,
      tpu.vector_store_idx %arg10[%get3A_529], %broadcast_in_dim3A_8 {add = true} : memref<10000xf32, #tpu.memory_space<vmem>>[vector<16xi32>], vector<16xf32>,
      %mul3A_530 = arith.constant 80 : i32
      %mul3A_531 = arith.muli %add3A_509, %mul3A_530 : i32
      %add3A_532 = arith.constant 16 : i32
      %add3A_533 = arith.addi %mul3A_531, %add3A_532 : i32
      %get3A_534 = arith.index_cast %add3A_533 : i32 to index
      %get3A_535 = tpu.vector_load %arg7[%get3A_534] {strides = array<i32>} : memref<10000xi32, #tpu.memory_space<vmem>>, vector<16xi32>,
      tpu.vector_store_idx %arg10[%get3A_535], %broadcast_in_dim3A_8 {add = true} : memref<10000xf32, #tpu.memory_space<vmem>>[vector<16xi32>], vector<16xf32>,
      %mul3A_536 = arith.constant 80 : i32
      %mul3A_537 = arith.muli %add3A_509, %mul3A_536 : i32
      %add3A_538 = arith.constant 32 : i32
      %add3A_539 = arith.addi %mul3A_537, %add3A_538 : i32
      %get3A_540 = arith.index_cast %add3A_539 : i32 to index
      %get3A_541 = tpu.vector_load %arg7[%get3A_540] {strides = array<i32>} : memref<10000xi32, #tpu.memory_space<vmem>>, vector<16xi32>,
      tpu.vector_store_idx %arg10[%get3A_541], %broadcast_in_dim3A_8 {add = true} : memref<10000xf32, #tpu.memory_space<vmem>>[vector<16xi32>], vector<16xf32>,
      %mul3A_542 = arith.constant 80 : i32
      %mul3A_543 = arith.muli %add3A_509, %mul3A_542 : i32
      %add3A_544 = arith.constant 48 : i32
      %add3A_545 = arith.addi %mul3A_543, %add3A_544 : i32
      %get3A_546 = arith.index_cast %add3A_545 : i32 to index
      %get3A_547 = tpu.vector_load %arg7[%get3A_546] {strides = array<i32>} : memref<10000xi32, #tpu.memory_space<vmem>>, vector<16xi32>,
      tpu.vector_store_idx %arg10[%get3A_547], %broadcast_in_dim3A_8 {add = true} : memref<10000xf32, #tpu.memory_space<vmem>>[vector<16xi32>], vector<16xf32>,
      %mul3A_548 = arith.constant 80 : i32
      %mul3A_549 = arith.muli %add3A_509, %mul3A_548 : i32
      %add3A_550 = arith.constant 64 : i32
      %add3A_551 = arith.addi %mul3A_549, %add3A_550 : i32
      %get3A_552 = arith.index_cast %add3A_551 : i32 to index
      %get3A_553 = tpu.vector_load %arg7[%get3A_552] {strides = array<i32>} : memref<10000xi32, #tpu.memory_space<vmem>>, vector<16xi32>,
      tpu.vector_store_idx %arg10[%get3A_553], %broadcast_in_dim3A_8 {add = true} : memref<10000xf32, #tpu.memory_space<vmem>>[vector<16xi32>], vector<16xf32>,
      %add3A_554 = arith.constant 8 : i32
      %add3A_555 = arith.addi %add3A_509, %add3A_554 : i32
      %sub3A_556 = arith.constant 1 : i32
      %sub3A_557 = arith.subi %add3A_555, %sub3A_556 : i32
      %mul3A_558 = arith.constant 80 : i32
      %mul3A_559 = arith.muli %sub3A_557, %mul3A_558 : i32
      %dma_start3A_560 = arith.constant 0 : i32
      %dma_start3A_561 = arith.constant 0 : i32
      %dma_start3A_562 = arith.constant 0 : i32
      %dma_start3A_563 = tpu.memref_slice %arg8[%dma_start3A_560, %dma_start3A_561, %dma_start3A_562] : memref<8x80x64xbf16, #tpu.memory_space<vmem>> -> memref<1x80x64xbf16, #tpu.memory_space<vmem>>
      %dma_start3A_564 = tpu.memref_squeeze %dma_start3A_563 : memref<1x80x64xbf16, #tpu.memory_space<vmem>> -> memref<80x64xbf16, #tpu.memory_space<vmem>>
      %dma_start3A_565 = tpu.memref_slice %arg6[%mul3A_559] : memref<10000xi32, #tpu.memory_space<vmem>> -> memref<80xi32, #tpu.memory_space<vmem>>
      %dma_start3A_566 = arith.constant 0 : i32
      %dma_start3A_567 = arith.constant 0 : i32
      %dma_start3A_568 = tpu.memref_slice %arg2[%dma_start3A_566, %dma_start3A_567] : memref<10000x64xbf16, #tpu.memory_space<hbm>> -> memref<10000x64xbf16, #tpu.memory_space<hbm>>
      tpu.enqueue_indirect_dma source(%dma_start3A_568 : memref<10000x64xbf16, #tpu.memory_space<hbm>>) target(%dma_start3A_564 : memref<80x64xbf16, #tpu.memory_space<vmem>>) offsets(%dma_start3A_565 : memref<80xi32, #tpu.memory_space<vmem>>) semaphore(%arg11 : memref<!tpu.dma_semaphore, #tpu.memory_space<semaphore_mem>>)
      %add3A_569 = arith.constant 2 : i32
      %add3A_570 = arith.addi %mul3A_447, %add3A_569 : i32
      %mul3A_571 = arith.constant 80 : i32
      %mul3A_572 = arith.muli %add3A_570, %mul3A_571 : i32
      %dma_wait3A_573 = arith.constant 2 : i32
      %dma_wait3A_574 = arith.constant 0 : i32
      %dma_wait3A_575 = arith.constant 0 : i32
      %dma_wait3A_576 = tpu.memref_slice %arg8[%dma_wait3A_573, %dma_wait3A_574, %dma_wait3A_575] : memref<8x80x64xbf16, #tpu.memory_space<vmem>> -> memref<1x80x64xbf16, #tpu.memory_space<vmem>>
      %dma_wait3A_577 = tpu.memref_squeeze %dma_wait3A_576 : memref<1x80x64xbf16, #tpu.memory_space<vmem>> -> memref<80x64xbf16, #tpu.memory_space<vmem>>
      %dma_wait3A_578 = tpu.memref_slice %arg6[%mul3A_572] : memref<10000xi32, #tpu.memory_space<vmem>> -> memref<80xi32, #tpu.memory_space<vmem>>
      %dma_wait3A_579 = arith.constant 0 : i32
      %dma_wait3A_580 = arith.constant 0 : i32
      %dma_wait3A_581 = tpu.memref_slice %arg2[%dma_wait3A_579, %dma_wait3A_580] : memref<10000x64xbf16, #tpu.memory_space<hbm>> -> memref<10000x64xbf16, #tpu.memory_space<hbm>>
      tpu.wait_indirect_dma semaphore(%arg13 : memref<!tpu.dma_semaphore, #tpu.memory_space<semaphore_mem>>) src(%dma_wait3A_581 : memref<10000x64xbf16, #tpu.memory_space<hbm>>) dst(%dma_wait3A_577 : memref<80x64xbf16, #tpu.memory_space<vmem>>)
      %mul3A_582 = arith.constant 80 : i32
      %mul3A_583 = arith.muli %add3A_570, %mul3A_582 : i32
      %run_scoped3A_584 = arith.constant 2 : i32
      "tpu.region"() ({
        %run_scoped3A_935 = tpu.sem_alloc : memref<!tpu.dma_semaphore, #tpu.memory_space<semaphore_mem>>
        %dma_start3A_936 = arith.constant 0 : i32
        %dma_start3A_937 = arith.constant 0 : i32
        %dma_start3A_938 = tpu.memref_slice %arg8[%run_scoped3A_584, %dma_start3A_936, %dma_start3A_937] : memref<8x80x64xbf16, #tpu.memory_space<vmem>> -> memref<1x80x64xbf16, #tpu.memory_space<vmem>>
        %dma_start3A_939 = tpu.memref_squeeze %dma_start3A_938 : memref<1x80x64xbf16, #tpu.memory_space<vmem>> -> memref<80x64xbf16, #tpu.memory_space<vmem>>
        %dma_start3A_940 = tpu.memref_slice %arg7[%mul3A_583] : memref<10000xi32, #tpu.memory_space<vmem>> -> memref<80xi32, #tpu.memory_space<vmem>>
        %dma_start3A_941 = arith.constant 0 : i32
        %dma_start3A_942 = arith.constant 0 : i32
        %dma_start3A_943 = tpu.memref_slice %arg19[%dma_start3A_941, %dma_start3A_942] : memref<10112x64xbf16, #tpu.memory_space<vmem_shared>> -> memref<10112x64xbf16, #tpu.memory_space<vmem_shared>>
        tpu.enqueue_indirect_dma source(%dma_start3A_939 : memref<80x64xbf16, #tpu.memory_space<vmem>>) target(%dma_start3A_943 : memref<10112x64xbf16, #tpu.memory_space<vmem_shared>>) offsets(%dma_start3A_940 : memref<80xi32, #tpu.memory_space<vmem>>) semaphore(%run_scoped3A_935 : memref<!tpu.dma_semaphore, #tpu.memory_space<semaphore_mem>>) {add = true}
        %dma_wait3A_944 = arith.constant 0 : i32
        %dma_wait3A_945 = arith.constant 0 : i32
        %dma_wait3A_946 = tpu.memref_slice %arg8[%run_scoped3A_584, %dma_wait3A_944, %dma_wait3A_945] : memref<8x80x64xbf16, #tpu.memory_space<vmem>> -> memref<1x80x64xbf16, #tpu.memory_space<vmem>>
        %dma_wait3A_947 = tpu.memref_squeeze %dma_wait3A_946 : memref<1x80x64xbf16, #tpu.memory_space<vmem>> -> memref<80x64xbf16, #tpu.memory_space<vmem>>
        %dma_wait3A_948 = tpu.memref_slice %arg7[%mul3A_583] : memref<10000xi32, #tpu.memory_space<vmem>> -> memref<80xi32, #tpu.memory_space<vmem>>
        %dma_wait3A_949 = arith.constant 0 : i32
        %dma_wait3A_950 = arith.constant 0 : i32
        %dma_wait3A_951 = tpu.memref_slice %arg19[%dma_wait3A_949, %dma_wait3A_950] : memref<10112x64xbf16, #tpu.memory_space<vmem_shared>> -> memref<10112x64xbf16, #tpu.memory_space<vmem_shared>>
        tpu.wait_indirect_dma semaphore(%run_scoped3A_935 : memref<!tpu.dma_semaphore, #tpu.memory_space<semaphore_mem>>) src(%dma_wait3A_947 : memref<80x64xbf16, #tpu.memory_space<vmem>>) dst(%dma_wait3A_951 : memref<10112x64xbf16, #tpu.memory_space<vmem_shared>>)
        tpu.yield
      }) : () -> ()
      %mul3A_585 = arith.constant 80 : i32
      %mul3A_586 = arith.muli %add3A_570, %mul3A_585 : i32
      %add3A_587 = arith.constant 0 : i32
      %add3A_588 = arith.addi %mul3A_586, %add3A_587 : i32
      %get3A_589 = arith.index_cast %add3A_588 : i32 to index
      %get3A_590 = tpu.vector_load %arg7[%get3A_589] {strides = array<i32>} : memref<10000xi32, #tpu.memory_space<vmem>>, vector<16xi32>,
      tpu.vector_store_idx %arg10[%get3A_590], %broadcast_in_dim3A_8 {add = true} : memref<10000xf32, #tpu.memory_space<vmem>>[vector<16xi32>], vector<16xf32>,
      %mul3A_591 = arith.constant 80 : i32
      %mul3A_592 = arith.muli %add3A_570, %mul3A_591 : i32
      %add3A_593 = arith.constant 16 : i32
      %add3A_594 = arith.addi %mul3A_592, %add3A_593 : i32
      %get3A_595 = arith.index_cast %add3A_594 : i32 to index
      %get3A_596 = tpu.vector_load %arg7[%get3A_595] {strides = array<i32>} : memref<10000xi32, #tpu.memory_space<vmem>>, vector<16xi32>,
      tpu.vector_store_idx %arg10[%get3A_596], %broadcast_in_dim3A_8 {add = true} : memref<10000xf32, #tpu.memory_space<vmem>>[vector<16xi32>], vector<16xf32>,
      %mul3A_597 = arith.constant 80 : i32
      %mul3A_598 = arith.muli %add3A_570, %mul3A_597 : i32
      %add3A_599 = arith.constant 32 : i32
      %add3A_600 = arith.addi %mul3A_598, %add3A_599 : i32
      %get3A_601 = arith.index_cast %add3A_600 : i32 to index
      %get3A_602 = tpu.vector_load %arg7[%get3A_601] {strides = array<i32>} : memref<10000xi32, #tpu.memory_space<vmem>>, vector<16xi32>,
      tpu.vector_store_idx %arg10[%get3A_602], %broadcast_in_dim3A_8 {add = true} : memref<10000xf32, #tpu.memory_space<vmem>>[vector<16xi32>], vector<16xf32>,
      %mul3A_603 = arith.constant 80 : i32
      %mul3A_604 = arith.muli %add3A_570, %mul3A_603 : i32
      %add3A_605 = arith.constant 48 : i32
      %add3A_606 = arith.addi %mul3A_604, %add3A_605 : i32
      %get3A_607 = arith.index_cast %add3A_606 : i32 to index
      %get3A_608 = tpu.vector_load %arg7[%get3A_607] {strides = array<i32>} : memref<10000xi32, #tpu.memory_space<vmem>>, vector<16xi32>,
      tpu.vector_store_idx %arg10[%get3A_608], %broadcast_in_dim3A_8 {add = true} : memref<10000xf32, #tpu.memory_space<vmem>>[vector<16xi32>], vector<16xf32>,
      %mul3A_609 = arith.constant 80 : i32
      %mul3A_610 = arith.muli %add3A_570, %mul3A_609 : i32
      %add3A_611 = arith.constant 64 : i32
      %add3A_612 = arith.addi %mul3A_610, %add3A_611 : i32
      %get3A_613 = arith.index_cast %add3A_612 : i32 to index
      %get3A_614 = tpu.vector_load %arg7[%get3A_613] {strides = array<i32>} : memref<10000xi32, #tpu.memory_space<vmem>>, vector<16xi32>,
      tpu.vector_store_idx %arg10[%get3A_614], %broadcast_in_dim3A_8 {add = true} : memref<10000xf32, #tpu.memory_space<vmem>>[vector<16xi32>], vector<16xf32>,
      %add3A_615 = arith.constant 8 : i32
      %add3A_616 = arith.addi %add3A_570, %add3A_615 : i32
      %sub3A_617 = arith.constant 1 : i32
      %sub3A_618 = arith.subi %add3A_616, %sub3A_617 : i32
      %mul3A_619 = arith.constant 80 : i32
      %mul3A_620 = arith.muli %sub3A_618, %mul3A_619 : i32
      %dma_start3A_621 = arith.constant 1 : i32
      %dma_start3A_622 = arith.constant 0 : i32
      %dma_start3A_623 = arith.constant 0 : i32
      %dma_start3A_624 = tpu.memref_slice %arg8[%dma_start3A_621, %dma_start3A_622, %dma_start3A_623] : memref<8x80x64xbf16, #tpu.memory_space<vmem>> -> memref<1x80x64xbf16, #tpu.memory_space<vmem>>
      %dma_start3A_625 = tpu.memref_squeeze %dma_start3A_624 : memref<1x80x64xbf16, #tpu.memory_space<vmem>> -> memref<80x64xbf16, #tpu.memory_space<vmem>>
      %dma_start3A_626 = tpu.memref_slice %arg6[%mul3A_620] : memref<10000xi32, #tpu.memory_space<vmem>> -> memref<80xi32, #tpu.memory_space<vmem>>
      %dma_start3A_627 = arith.constant 0 : i32
      %dma_start3A_628 = arith.constant 0 : i32
      %dma_start3A_629 = tpu.memref_slice %arg2[%dma_start3A_627, %dma_start3A_628] : memref<10000x64xbf16, #tpu.memory_space<hbm>> -> memref<10000x64xbf16, #tpu.memory_space<hbm>>
      tpu.enqueue_indirect_dma source(%dma_start3A_629 : memref<10000x64xbf16, #tpu.memory_space<hbm>>) target(%dma_start3A_625 : memref<80x64xbf16, #tpu.memory_space<vmem>>) offsets(%dma_start3A_626 : memref<80xi32, #tpu.memory_space<vmem>>) semaphore(%arg12 : memref<!tpu.dma_semaphore, #tpu.memory_space<semaphore_mem>>)
      %add3A_630 = arith.constant 3 : i32
      %add3A_631 = arith.addi %mul3A_447, %add3A_630 : i32
      %mul3A_632 = arith.constant 80 : i32
      %mul3A_633 = arith.muli %add3A_631, %mul3A_632 : i32
      %dma_wait3A_634 = arith.constant 3 : i32
      %dma_wait3A_635 = arith.constant 0 : i32
      %dma_wait3A_636 = arith.constant 0 : i32
      %dma_wait3A_637 = tpu.memref_slice %arg8[%dma_wait3A_634, %dma_wait3A_635, %dma_wait3A_636] : memref<8x80x64xbf16, #tpu.memory_space<vmem>> -> memref<1x80x64xbf16, #tpu.memory_space<vmem>>
      %dma_wait3A_638 = tpu.memref_squeeze %dma_wait3A_637 : memref<1x80x64xbf16, #tpu.memory_space<vmem>> -> memref<80x64xbf16, #tpu.memory_space<vmem>>
      %dma_wait3A_639 = tpu.memref_slice %arg6[%mul3A_633] : memref<10000xi32, #tpu.memory_space<vmem>> -> memref<80xi32, #tpu.memory_space<vmem>>
      %dma_wait3A_640 = arith.constant 0 : i32
      %dma_wait3A_641 = arith.constant 0 : i32
      %dma_wait3A_642 = tpu.memref_slice %arg2[%dma_wait3A_640, %dma_wait3A_641] : memref<10000x64xbf16, #tpu.memory_space<hbm>> -> memref<10000x64xbf16, #tpu.memory_space<hbm>>
      tpu.wait_indirect_dma semaphore(%arg14 : memref<!tpu.dma_semaphore, #tpu.memory_space<semaphore_mem>>) src(%dma_wait3A_642 : memref<10000x64xbf16, #tpu.memory_space<hbm>>) dst(%dma_wait3A_638 : memref<80x64xbf16, #tpu.memory_space<vmem>>)
      %mul3A_643 = arith.constant 80 : i32
      %mul3A_644 = arith.muli %add3A_631, %mul3A_643 : i32
      %run_scoped3A_645 = arith.constant 3 : i32
      "tpu.region"() ({
        %run_scoped3A_935 = tpu.sem_alloc : memref<!tpu.dma_semaphore, #tpu.memory_space<semaphore_mem>>
        %dma_start3A_936 = arith.constant 0 : i32
        %dma_start3A_937 = arith.constant 0 : i32
        %dma_start3A_938 = tpu.memref_slice %arg8[%run_scoped3A_645, %dma_start3A_936, %dma_start3A_937] : memref<8x80x64xbf16, #tpu.memory_space<vmem>> -> memref<1x80x64xbf16, #tpu.memory_space<vmem>>
        %dma_start3A_939 = tpu.memref_squeeze %dma_start3A_938 : memref<1x80x64xbf16, #tpu.memory_space<vmem>> -> memref<80x64xbf16, #tpu.memory_space<vmem>>
        %dma_start3A_940 = tpu.memref_slice %arg7[%mul3A_644] : memref<10000xi32, #tpu.memory_space<vmem>> -> memref<80xi32, #tpu.memory_space<vmem>>
        %dma_start3A_941 = arith.constant 0 : i32
        %dma_start3A_942 = arith.constant 0 : i32
        %dma_start3A_943 = tpu.memref_slice %arg19[%dma_start3A_941, %dma_start3A_942] : memref<10112x64xbf16, #tpu.memory_space<vmem_shared>> -> memref<10112x64xbf16, #tpu.memory_space<vmem_shared>>
        tpu.enqueue_indirect_dma source(%dma_start3A_939 : memref<80x64xbf16, #tpu.memory_space<vmem>>) target(%dma_start3A_943 : memref<10112x64xbf16, #tpu.memory_space<vmem_shared>>) offsets(%dma_start3A_940 : memref<80xi32, #tpu.memory_space<vmem>>) semaphore(%run_scoped3A_935 : memref<!tpu.dma_semaphore, #tpu.memory_space<semaphore_mem>>) {add = true}
        %dma_wait3A_944 = arith.constant 0 : i32
        %dma_wait3A_945 = arith.constant 0 : i32
        %dma_wait3A_946 = tpu.memref_slice %arg8[%run_scoped3A_645, %dma_wait3A_944, %dma_wait3A_945] : memref<8x80x64xbf16, #tpu.memory_space<vmem>> -> memref<1x80x64xbf16, #tpu.memory_space<vmem>>
        %dma_wait3A_947 = tpu.memref_squeeze %dma_wait3A_946 : memref<1x80x64xbf16, #tpu.memory_space<vmem>> -> memref<80x64xbf16, #tpu.memory_space<vmem>>
        %dma_wait3A_948 = tpu.memref_slice %arg7[%mul3A_644] : memref<10000xi32, #tpu.memory_space<vmem>> -> memref<80xi32, #tpu.memory_space<vmem>>
        %dma_wait3A_949 = arith.constant 0 : i32
        %dma_wait3A_950 = arith.constant 0 : i32
        %dma_wait3A_951 = tpu.memref_slice %arg19[%dma_wait3A_949, %dma_wait3A_950] : memref<10112x64xbf16, #tpu.memory_space<vmem_shared>> -> memref<10112x64xbf16, #tpu.memory_space<vmem_shared>>
        tpu.wait_indirect_dma semaphore(%run_scoped3A_935 : memref<!tpu.dma_semaphore, #tpu.memory_space<semaphore_mem>>) src(%dma_wait3A_947 : memref<80x64xbf16, #tpu.memory_space<vmem>>) dst(%dma_wait3A_951 : memref<10112x64xbf16, #tpu.memory_space<vmem_shared>>)
        tpu.yield
      }) : () -> ()
      %mul3A_646 = arith.constant 80 : i32
      %mul3A_647 = arith.muli %add3A_631, %mul3A_646 : i32
      %add3A_648 = arith.constant 0 : i32
      %add3A_649 = arith.addi %mul3A_647, %add3A_648 : i32
      %get3A_650 = arith.index_cast %add3A_649 : i32 to index
      %get3A_651 = tpu.vector_load %arg7[%get3A_650] {strides = array<i32>} : memref<10000xi32, #tpu.memory_space<vmem>>, vector<16xi32>,
      tpu.vector_store_idx %arg10[%get3A_651], %broadcast_in_dim3A_8 {add = true} : memref<10000xf32, #tpu.memory_space<vmem>>[vector<16xi32>], vector<16xf32>,
      %mul3A_652 = arith.constant 80 : i32
      %mul3A_653 = arith.muli %add3A_631, %mul3A_652 : i32
      %add3A_654 = arith.constant 16 : i32
      %add3A_655 = arith.addi %mul3A_653, %add3A_654 : i32
      %get3A_656 = arith.index_cast %add3A_655 : i32 to index
      %get3A_657 = tpu.vector_load %arg7[%get3A_656] {strides = array<i32>} : memref<10000xi32, #tpu.memory_space<vmem>>, vector<16xi32>,
      tpu.vector_store_idx %arg10[%get3A_657], %broadcast_in_dim3A_8 {add = true} : memref<10000xf32, #tpu.memory_space<vmem>>[vector<16xi32>], vector<16xf32>,
      %mul3A_658 = arith.constant 80 : i32
      %mul3A_659 = arith.muli %add3A_631, %mul3A_658 : i32
      %add3A_660 = arith.constant 32 : i32
      %add3A_661 = arith.addi %mul3A_659, %add3A_660 : i32
      %get3A_662 = arith.index_cast %add3A_661 : i32 to index
      %get3A_663 = tpu.vector_load %arg7[%get3A_662] {strides = array<i32>} : memref<10000xi32, #tpu.memory_space<vmem>>, vector<16xi32>,
      tpu.vector_store_idx %arg10[%get3A_663], %broadcast_in_dim3A_8 {add = true} : memref<10000xf32, #tpu.memory_space<vmem>>[vector<16xi32>], vector<16xf32>,
      %mul3A_664 = arith.constant 80 : i32
      %mul3A_665 = arith.muli %add3A_631, %mul3A_664 : i32
      %add3A_666 = arith.constant 48 : i32
      %add3A_667 = arith.addi %mul3A_665, %add3A_666 : i32
      %get3A_668 = arith.index_cast %add3A_667 : i32 to index
      %get3A_669 = tpu.vector_load %arg7[%get3A_668] {strides = array<i32>} : memref<10000xi32, #tpu.memory_space<vmem>>, vector<16xi32>,
      tpu.vector_store_idx %arg10[%get3A_669], %broadcast_in_dim3A_8 {add = true} : memref<10000xf32, #tpu.memory_space<vmem>>[vector<16xi32>], vector<16xf32>,
      %mul3A_670 = arith.constant 80 : i32
      %mul3A_671 = arith.muli %add3A_631, %mul3A_670 : i32
      %add3A_672 = arith.constant 64 : i32
      %add3A_673 = arith.addi %mul3A_671, %add3A_672 : i32
      %get3A_674 = arith.index_cast %add3A_673 : i32 to index
      %get3A_675 = tpu.vector_load %arg7[%get3A_674] {strides = array<i32>} : memref<10000xi32, #tpu.memory_space<vmem>>, vector<16xi32>,
      tpu.vector_store_idx %arg10[%get3A_675], %broadcast_in_dim3A_8 {add = true} : memref<10000xf32, #tpu.memory_space<vmem>>[vector<16xi32>], vector<16xf32>,
      %add3A_676 = arith.constant 8 : i32
      %add3A_677 = arith.addi %add3A_631, %add3A_676 : i32
      %sub3A_678 = arith.constant 1 : i32
      %sub3A_679 = arith.subi %add3A_677, %sub3A_678 : i32
      %mul3A_680 = arith.constant 80 : i32
      %mul3A_681 = arith.muli %sub3A_679, %mul3A_680 : i32
      %dma_start3A_682 = arith.constant 2 : i32
      %dma_start3A_683 = arith.constant 0 : i32
      %dma_start3A_684 = arith.constant 0 : i32
      %dma_start3A_685 = tpu.memref_slice %arg8[%dma_start3A_682, %dma_start3A_683, %dma_start3A_684] : memref<8x80x64xbf16, #tpu.memory_space<vmem>> -> memref<1x80x64xbf16, #tpu.memory_space<vmem>>
      %dma_start3A_686 = tpu.memref_squeeze %dma_start3A_685 : memref<1x80x64xbf16, #tpu.memory_space<vmem>> -> memref<80x64xbf16, #tpu.memory_space<vmem>>
      %dma_start3A_687 = tpu.memref_slice %arg6[%mul3A_681] : memref<10000xi32, #tpu.memory_space<vmem>> -> memref<80xi32, #tpu.memory_space<vmem>>
      %dma_start3A_688 = arith.constant 0 : i32
      %dma_start3A_689 = arith.constant 0 : i32
      %dma_start3A_690 = tpu.memref_slice %arg2[%dma_start3A_688, %dma_start3A_689] : memref<10000x64xbf16, #tpu.memory_space<hbm>> -> memref<10000x64xbf16, #tpu.memory_space<hbm>>
      tpu.enqueue_indirect_dma source(%dma_start3A_690 : memref<10000x64xbf16, #tpu.memory_space<hbm>>) target(%dma_start3A_686 : memref<80x64xbf16, #tpu.memory_space<vmem>>) offsets(%dma_start3A_687 : memref<80xi32, #tpu.memory_space<vmem>>) semaphore(%arg13 : memref<!tpu.dma_semaphore, #tpu.memory_space<semaphore_mem>>)
      %add3A_691 = arith.constant 4 : i32
      %add3A_692 = arith.addi %mul3A_447, %add3A_691 : i32
      %mul3A_693 = arith.constant 80 : i32
      %mul3A_694 = arith.muli %add3A_692, %mul3A_693 : i32
      %dma_wait3A_695 = arith.constant 4 : i32
      %dma_wait3A_696 = arith.constant 0 : i32
      %dma_wait3A_697 = arith.constant 0 : i32
      %dma_wait3A_698 = tpu.memref_slice %arg8[%dma_wait3A_695, %dma_wait3A_696, %dma_wait3A_697] : memref<8x80x64xbf16, #tpu.memory_space<vmem>> -> memref<1x80x64xbf16, #tpu.memory_space<vmem>>
      %dma_wait3A_699 = tpu.memref_squeeze %dma_wait3A_698 : memref<1x80x64xbf16, #tpu.memory_space<vmem>> -> memref<80x64xbf16, #tpu.memory_space<vmem>>
      %dma_wait3A_700 = tpu.memref_slice %arg6[%mul3A_694] : memref<10000xi32, #tpu.memory_space<vmem>> -> memref<80xi32, #tpu.memory_space<vmem>>
      %dma_wait3A_701 = arith.constant 0 : i32
      %dma_wait3A_702 = arith.constant 0 : i32
      %dma_wait3A_703 = tpu.memref_slice %arg2[%dma_wait3A_701, %dma_wait3A_702] : memref<10000x64xbf16, #tpu.memory_space<hbm>> -> memref<10000x64xbf16, #tpu.memory_space<hbm>>
      tpu.wait_indirect_dma semaphore(%arg15 : memref<!tpu.dma_semaphore, #tpu.memory_space<semaphore_mem>>) src(%dma_wait3A_703 : memref<10000x64xbf16, #tpu.memory_space<hbm>>) dst(%dma_wait3A_699 : memref<80x64xbf16, #tpu.memory_space<vmem>>)
      %mul3A_704 = arith.constant 80 : i32
      %mul3A_705 = arith.muli %add3A_692, %mul3A_704 : i32
      %run_scoped3A_706 = arith.constant 4 : i32
      "tpu.region"() ({
        %run_scoped3A_935 = tpu.sem_alloc : memref<!tpu.dma_semaphore, #tpu.memory_space<semaphore_mem>>
        %dma_start3A_936 = arith.constant 0 : i32
        %dma_start3A_937 = arith.constant 0 : i32
        %dma_start3A_938 = tpu.memref_slice %arg8[%run_scoped3A_706, %dma_start3A_936, %dma_start3A_937] : memref<8x80x64xbf16, #tpu.memory_space<vmem>> -> memref<1x80x64xbf16, #tpu.memory_space<vmem>>
        %dma_start3A_939 = tpu.memref_squeeze %dma_start3A_938 : memref<1x80x64xbf16, #tpu.memory_space<vmem>> -> memref<80x64xbf16, #tpu.memory_space<vmem>>
        %dma_start3A_940 = tpu.memref_slice %arg7[%mul3A_705] : memref<10000xi32, #tpu.memory_space<vmem>> -> memref<80xi32, #tpu.memory_space<vmem>>
        %dma_start3A_941 = arith.constant 0 : i32
        %dma_start3A_942 = arith.constant 0 : i32
        %dma_start3A_943 = tpu.memref_slice %arg19[%dma_start3A_941, %dma_start3A_942] : memref<10112x64xbf16, #tpu.memory_space<vmem_shared>> -> memref<10112x64xbf16, #tpu.memory_space<vmem_shared>>
        tpu.enqueue_indirect_dma source(%dma_start3A_939 : memref<80x64xbf16, #tpu.memory_space<vmem>>) target(%dma_start3A_943 : memref<10112x64xbf16, #tpu.memory_space<vmem_shared>>) offsets(%dma_start3A_940 : memref<80xi32, #tpu.memory_space<vmem>>) semaphore(%run_scoped3A_935 : memref<!tpu.dma_semaphore, #tpu.memory_space<semaphore_mem>>) {add = true}
        %dma_wait3A_944 = arith.constant 0 : i32
        %dma_wait3A_945 = arith.constant 0 : i32
        %dma_wait3A_946 = tpu.memref_slice %arg8[%run_scoped3A_706, %dma_wait3A_944, %dma_wait3A_945] : memref<8x80x64xbf16, #tpu.memory_space<vmem>> -> memref<1x80x64xbf16, #tpu.memory_space<vmem>>
        %dma_wait3A_947 = tpu.memref_squeeze %dma_wait3A_946 : memref<1x80x64xbf16, #tpu.memory_space<vmem>> -> memref<80x64xbf16, #tpu.memory_space<vmem>>
        %dma_wait3A_948 = tpu.memref_slice %arg7[%mul3A_705] : memref<10000xi32, #tpu.memory_space<vmem>> -> memref<80xi32, #tpu.memory_space<vmem>>
        %dma_wait3A_949 = arith.constant 0 : i32
        %dma_wait3A_950 = arith.constant 0 : i32
        %dma_wait3A_951 = tpu.memref_slice %arg19[%dma_wait3A_949, %dma_wait3A_950] : memref<10112x64xbf16, #tpu.memory_space<vmem_shared>> -> memref<10112x64xbf16, #tpu.memory_space<vmem_shared>>
        tpu.wait_indirect_dma semaphore(%run_scoped3A_935 : memref<!tpu.dma_semaphore, #tpu.memory_space<semaphore_mem>>) src(%dma_wait3A_947 : memref<80x64xbf16, #tpu.memory_space<vmem>>) dst(%dma_wait3A_951 : memref<10112x64xbf16, #tpu.memory_space<vmem_shared>>)
        tpu.yield
      }) : () -> ()
      %mul3A_707 = arith.constant 80 : i32
      %mul3A_708 = arith.muli %add3A_692, %mul3A_707 : i32
      %add3A_709 = arith.constant 0 : i32
      %add3A_710 = arith.addi %mul3A_708, %add3A_709 : i32
      %get3A_711 = arith.index_cast %add3A_710 : i32 to index
      %get3A_712 = tpu.vector_load %arg7[%get3A_711] {strides = array<i32>} : memref<10000xi32, #tpu.memory_space<vmem>>, vector<16xi32>,
      tpu.vector_store_idx %arg10[%get3A_712], %broadcast_in_dim3A_8 {add = true} : memref<10000xf32, #tpu.memory_space<vmem>>[vector<16xi32>], vector<16xf32>,
      %mul3A_713 = arith.constant 80 : i32
      %mul3A_714 = arith.muli %add3A_692, %mul3A_713 : i32
      %add3A_715 = arith.constant 16 : i32
      %add3A_716 = arith.addi %mul3A_714, %add3A_715 : i32
      %get3A_717 = arith.index_cast %add3A_716 : i32 to index
      %get3A_718 = tpu.vector_load %arg7[%get3A_717] {strides = array<i32>} : memref<10000xi32, #tpu.memory_space<vmem>>, vector<16xi32>,
      tpu.vector_store_idx %arg10[%get3A_718], %broadcast_in_dim3A_8 {add = true} : memref<10000xf32, #tpu.memory_space<vmem>>[vector<16xi32>], vector<16xf32>,
      %mul3A_719 = arith.constant 80 : i32
      %mul3A_720 = arith.muli %add3A_692, %mul3A_719 : i32
      %add3A_721 = arith.constant 32 : i32
      %add3A_722 = arith.addi %mul3A_720, %add3A_721 : i32
      %get3A_723 = arith.index_cast %add3A_722 : i32 to index
      %get3A_724 = tpu.vector_load %arg7[%get3A_723] {strides = array<i32>} : memref<10000xi32, #tpu.memory_space<vmem>>, vector<16xi32>,
      tpu.vector_store_idx %arg10[%get3A_724], %broadcast_in_dim3A_8 {add = true} : memref<10000xf32, #tpu.memory_space<vmem>>[vector<16xi32>], vector<16xf32>,
      %mul3A_725 = arith.constant 80 : i32
      %mul3A_726 = arith.muli %add3A_692, %mul3A_725 : i32
      %add3A_727 = arith.constant 48 : i32
      %add3A_728 = arith.addi %mul3A_726, %add3A_727 : i32
      %get3A_729 = arith.index_cast %add3A_728 : i32 to index
      %get3A_730 = tpu.vector_load %arg7[%get3A_729] {strides = array<i32>} : memref<10000xi32, #tpu.memory_space<vmem>>, vector<16xi32>,
      tpu.vector_store_idx %arg10[%get3A_730], %broadcast_in_dim3A_8 {add = true} : memref<10000xf32, #tpu.memory_space<vmem>>[vector<16xi32>], vector<16xf32>,
      %mul3A_731 = arith.constant 80 : i32
      %mul3A_732 = arith.muli %add3A_692, %mul3A_731 : i32
      %add3A_733 = arith.constant 64 : i32
      %add3A_734 = arith.addi %mul3A_732, %add3A_733 : i32
      %get3A_735 = arith.index_cast %add3A_734 : i32 to index
      %get3A_736 = tpu.vector_load %arg7[%get3A_735] {strides = array<i32>} : memref<10000xi32, #tpu.memory_space<vmem>>, vector<16xi32>,
      tpu.vector_store_idx %arg10[%get3A_736], %broadcast_in_dim3A_8 {add = true} : memref<10000xf32, #tpu.memory_space<vmem>>[vector<16xi32>], vector<16xf32>,
      %add3A_737 = arith.constant 8 : i32
      %add3A_738 = arith.addi %add3A_692, %add3A_737 : i32
      %sub3A_739 = arith.constant 1 : i32
      %sub3A_740 = arith.subi %add3A_738, %sub3A_739 : i32
      %mul3A_741 = arith.constant 80 : i32
      %mul3A_742 = arith.muli %sub3A_740, %mul3A_741 : i32
      %dma_start3A_743 = arith.constant 3 : i32
      %dma_start3A_744 = arith.constant 0 : i32
      %dma_start3A_745 = arith.constant 0 : i32
      %dma_start3A_746 = tpu.memref_slice %arg8[%dma_start3A_743, %dma_start3A_744, %dma_start3A_745] : memref<8x80x64xbf16, #tpu.memory_space<vmem>> -> memref<1x80x64xbf16, #tpu.memory_space<vmem>>
      %dma_start3A_747 = tpu.memref_squeeze %dma_start3A_746 : memref<1x80x64xbf16, #tpu.memory_space<vmem>> -> memref<80x64xbf16, #tpu.memory_space<vmem>>
      %dma_start3A_748 = tpu.memref_slice %arg6[%mul3A_742] : memref<10000xi32, #tpu.memory_space<vmem>> -> memref<80xi32, #tpu.memory_space<vmem>>
      %dma_start3A_749 = arith.constant 0 : i32
      %dma_start3A_750 = arith.constant 0 : i32
      %dma_start3A_751 = tpu.memref_slice %arg2[%dma_start3A_749, %dma_start3A_750] : memref<10000x64xbf16, #tpu.memory_space<hbm>> -> memref<10000x64xbf16, #tpu.memory_space<hbm>>
      tpu.enqueue_indirect_dma source(%dma_start3A_751 : memref<10000x64xbf16, #tpu.memory_space<hbm>>) target(%dma_start3A_747 : memref<80x64xbf16, #tpu.memory_space<vmem>>) offsets(%dma_start3A_748 : memref<80xi32, #tpu.memory_space<vmem>>) semaphore(%arg14 : memref<!tpu.dma_semaphore, #tpu.memory_space<semaphore_mem>>)
      %add3A_752 = arith.constant 5 : i32
      %add3A_753 = arith.addi %mul3A_447, %add3A_752 : i32
      %mul3A_754 = arith.constant 80 : i32
      %mul3A_755 = arith.muli %add3A_753, %mul3A_754 : i32
      %dma_wait3A_756 = arith.constant 5 : i32
      %dma_wait3A_757 = arith.constant 0 : i32
      %dma_wait3A_758 = arith.constant 0 : i32
      %dma_wait3A_759 = tpu.memref_slice %arg8[%dma_wait3A_756, %dma_wait3A_757, %dma_wait3A_758] : memref<8x80x64xbf16, #tpu.memory_space<vmem>> -> memref<1x80x64xbf16, #tpu.memory_space<vmem>>
      %dma_wait3A_760 = tpu.memref_squeeze %dma_wait3A_759 : memref<1x80x64xbf16, #tpu.memory_space<vmem>> -> memref<80x64xbf16, #tpu.memory_space<vmem>>
      %dma_wait3A_761 = tpu.memref_slice %arg6[%mul3A_755] : memref<10000xi32, #tpu.memory_space<vmem>> -> memref<80xi32, #tpu.memory_space<vmem>>
      %dma_wait3A_762 = arith.constant 0 : i32
      %dma_wait3A_763 = arith.constant 0 : i32
      %dma_wait3A_764 = tpu.memref_slice %arg2[%dma_wait3A_762, %dma_wait3A_763] : memref<10000x64xbf16, #tpu.memory_space<hbm>> -> memref<10000x64xbf16, #tpu.memory_space<hbm>>
      tpu.wait_indirect_dma semaphore(%arg16 : memref<!tpu.dma_semaphore, #tpu.memory_space<semaphore_mem>>) src(%dma_wait3A_764 : memref<10000x64xbf16, #tpu.memory_space<hbm>>) dst(%dma_wait3A_760 : memref<80x64xbf16, #tpu.memory_space<vmem>>)
      %mul3A_765 = arith.constant 80 : i32
      %mul3A_766 = arith.muli %add3A_753, %mul3A_765 : i32
      %run_scoped3A_767 = arith.constant 5 : i32
      "tpu.region"() ({
        %run_scoped3A_935 = tpu.sem_alloc : memref<!tpu.dma_semaphore, #tpu.memory_space<semaphore_mem>>
        %dma_start3A_936 = arith.constant 0 : i32
        %dma_start3A_937 = arith.constant 0 : i32
        %dma_start3A_938 = tpu.memref_slice %arg8[%run_scoped3A_767, %dma_start3A_936, %dma_start3A_937] : memref<8x80x64xbf16, #tpu.memory_space<vmem>> -> memref<1x80x64xbf16, #tpu.memory_space<vmem>>
        %dma_start3A_939 = tpu.memref_squeeze %dma_start3A_938 : memref<1x80x64xbf16, #tpu.memory_space<vmem>> -> memref<80x64xbf16, #tpu.memory_space<vmem>>
        %dma_start3A_940 = tpu.memref_slice %arg7[%mul3A_766] : memref<10000xi32, #tpu.memory_space<vmem>> -> memref<80xi32, #tpu.memory_space<vmem>>
        %dma_start3A_941 = arith.constant 0 : i32
        %dma_start3A_942 = arith.constant 0 : i32
        %dma_start3A_943 = tpu.memref_slice %arg19[%dma_start3A_941, %dma_start3A_942] : memref<10112x64xbf16, #tpu.memory_space<vmem_shared>> -> memref<10112x64xbf16, #tpu.memory_space<vmem_shared>>
        tpu.enqueue_indirect_dma source(%dma_start3A_939 : memref<80x64xbf16, #tpu.memory_space<vmem>>) target(%dma_start3A_943 : memref<10112x64xbf16, #tpu.memory_space<vmem_shared>>) offsets(%dma_start3A_940 : memref<80xi32, #tpu.memory_space<vmem>>) semaphore(%run_scoped3A_935 : memref<!tpu.dma_semaphore, #tpu.memory_space<semaphore_mem>>) {add = true}
        %dma_wait3A_944 = arith.constant 0 : i32
        %dma_wait3A_945 = arith.constant 0 : i32
        %dma_wait3A_946 = tpu.memref_slice %arg8[%run_scoped3A_767, %dma_wait3A_944, %dma_wait3A_945] : memref<8x80x64xbf16, #tpu.memory_space<vmem>> -> memref<1x80x64xbf16, #tpu.memory_space<vmem>>
        %dma_wait3A_947 = tpu.memref_squeeze %dma_wait3A_946 : memref<1x80x64xbf16, #tpu.memory_space<vmem>> -> memref<80x64xbf16, #tpu.memory_space<vmem>>
        %dma_wait3A_948 = tpu.memref_slice %arg7[%mul3A_766] : memref<10000xi32, #tpu.memory_space<vmem>> -> memref<80xi32, #tpu.memory_space<vmem>>
        %dma_wait3A_949 = arith.constant 0 : i32
        %dma_wait3A_950 = arith.constant 0 : i32
        %dma_wait3A_951 = tpu.memref_slice %arg19[%dma_wait3A_949, %dma_wait3A_950] : memref<10112x64xbf16, #tpu.memory_space<vmem_shared>> -> memref<10112x64xbf16, #tpu.memory_space<vmem_shared>>
        tpu.wait_indirect_dma semaphore(%run_scoped3A_935 : memref<!tpu.dma_semaphore, #tpu.memory_space<semaphore_mem>>) src(%dma_wait3A_947 : memref<80x64xbf16, #tpu.memory_space<vmem>>) dst(%dma_wait3A_951 : memref<10112x64xbf16, #tpu.memory_space<vmem_shared>>)
        tpu.yield
      }) : () -> ()
      %mul3A_768 = arith.constant 80 : i32
      %mul3A_769 = arith.muli %add3A_753, %mul3A_768 : i32
      %add3A_770 = arith.constant 0 : i32
      %add3A_771 = arith.addi %mul3A_769, %add3A_770 : i32
      %get3A_772 = arith.index_cast %add3A_771 : i32 to index
      %get3A_773 = tpu.vector_load %arg7[%get3A_772] {strides = array<i32>} : memref<10000xi32, #tpu.memory_space<vmem>>, vector<16xi32>,
      tpu.vector_store_idx %arg10[%get3A_773], %broadcast_in_dim3A_8 {add = true} : memref<10000xf32, #tpu.memory_space<vmem>>[vector<16xi32>], vector<16xf32>,
      %mul3A_774 = arith.constant 80 : i32
      %mul3A_775 = arith.muli %add3A_753, %mul3A_774 : i32
      %add3A_776 = arith.constant 16 : i32
      %add3A_777 = arith.addi %mul3A_775, %add3A_776 : i32
      %get3A_778 = arith.index_cast %add3A_777 : i32 to index
      %get3A_779 = tpu.vector_load %arg7[%get3A_778] {strides = array<i32>} : memref<10000xi32, #tpu.memory_space<vmem>>, vector<16xi32>,
      tpu.vector_store_idx %arg10[%get3A_779], %broadcast_in_dim3A_8 {add = true} : memref<10000xf32, #tpu.memory_space<vmem>>[vector<16xi32>], vector<16xf32>,
      %mul3A_780 = arith.constant 80 : i32
      %mul3A_781 = arith.muli %add3A_753, %mul3A_780 : i32
      %add3A_782 = arith.constant 32 : i32
      %add3A_783 = arith.addi %mul3A_781, %add3A_782 : i32
      %get3A_784 = arith.index_cast %add3A_783 : i32 to index
      %get3A_785 = tpu.vector_load %arg7[%get3A_784] {strides = array<i32>} : memref<10000xi32, #tpu.memory_space<vmem>>, vector<16xi32>,
      tpu.vector_store_idx %arg10[%get3A_785], %broadcast_in_dim3A_8 {add = true} : memref<10000xf32, #tpu.memory_space<vmem>>[vector<16xi32>], vector<16xf32>,
      %mul3A_786 = arith.constant 80 : i32
      %mul3A_787 = arith.muli %add3A_753, %mul3A_786 : i32
      %add3A_788 = arith.constant 48 : i32
      %add3A_789 = arith.addi %mul3A_787, %add3A_788 : i32
      %get3A_790 = arith.index_cast %add3A_789 : i32 to index
      %get3A_791 = tpu.vector_load %arg7[%get3A_790] {strides = array<i32>} : memref<10000xi32, #tpu.memory_space<vmem>>, vector<16xi32>,
      tpu.vector_store_idx %arg10[%get3A_791], %broadcast_in_dim3A_8 {add = true} : memref<10000xf32, #tpu.memory_space<vmem>>[vector<16xi32>], vector<16xf32>,
      %mul3A_792 = arith.constant 80 : i32
      %mul3A_793 = arith.muli %add3A_753, %mul3A_792 : i32
      %add3A_794 = arith.constant 64 : i32
      %add3A_795 = arith.addi %mul3A_793, %add3A_794 : i32
      %get3A_796 = arith.index_cast %add3A_795 : i32 to index
      %get3A_797 = tpu.vector_load %arg7[%get3A_796] {strides = array<i32>} : memref<10000xi32, #tpu.memory_space<vmem>>, vector<16xi32>,
      tpu.vector_store_idx %arg10[%get3A_797], %broadcast_in_dim3A_8 {add = true} : memref<10000xf32, #tpu.memory_space<vmem>>[vector<16xi32>], vector<16xf32>,
      %add3A_798 = arith.constant 8 : i32
      %add3A_799 = arith.addi %add3A_753, %add3A_798 : i32
      %sub3A_800 = arith.constant 1 : i32
      %sub3A_801 = arith.subi %add3A_799, %sub3A_800 : i32
      %mul3A_802 = arith.constant 80 : i32
      %mul3A_803 = arith.muli %sub3A_801, %mul3A_802 : i32
      %dma_start3A_804 = arith.constant 4 : i32
      %dma_start3A_805 = arith.constant 0 : i32
      %dma_start3A_806 = arith.constant 0 : i32
      %dma_start3A_807 = tpu.memref_slice %arg8[%dma_start3A_804, %dma_start3A_805, %dma_start3A_806] : memref<8x80x64xbf16, #tpu.memory_space<vmem>> -> memref<1x80x64xbf16, #tpu.memory_space<vmem>>
      %dma_start3A_808 = tpu.memref_squeeze %dma_start3A_807 : memref<1x80x64xbf16, #tpu.memory_space<vmem>> -> memref<80x64xbf16, #tpu.memory_space<vmem>>
      %dma_start3A_809 = tpu.memref_slice %arg6[%mul3A_803] : memref<10000xi32, #tpu.memory_space<vmem>> -> memref<80xi32, #tpu.memory_space<vmem>>
      %dma_start3A_810 = arith.constant 0 : i32
      %dma_start3A_811 = arith.constant 0 : i32
      %dma_start3A_812 = tpu.memref_slice %arg2[%dma_start3A_810, %dma_start3A_811] : memref<10000x64xbf16, #tpu.memory_space<hbm>> -> memref<10000x64xbf16, #tpu.memory_space<hbm>>
      tpu.enqueue_indirect_dma source(%dma_start3A_812 : memref<10000x64xbf16, #tpu.memory_space<hbm>>) target(%dma_start3A_808 : memref<80x64xbf16, #tpu.memory_space<vmem>>) offsets(%dma_start3A_809 : memref<80xi32, #tpu.memory_space<vmem>>) semaphore(%arg15 : memref<!tpu.dma_semaphore, #tpu.memory_space<semaphore_mem>>)
      %add3A_813 = arith.constant 6 : i32
      %add3A_814 = arith.addi %mul3A_447, %add3A_813 : i32
      %mul3A_815 = arith.constant 80 : i32
      %mul3A_816 = arith.muli %add3A_814, %mul3A_815 : i32
      %dma_wait3A_817 = arith.constant 6 : i32
      %dma_wait3A_818 = arith.constant 0 : i32
      %dma_wait3A_819 = arith.constant 0 : i32
      %dma_wait3A_820 = tpu.memref_slice %arg8[%dma_wait3A_817, %dma_wait3A_818, %dma_wait3A_819] : memref<8x80x64xbf16, #tpu.memory_space<vmem>> -> memref<1x80x64xbf16, #tpu.memory_space<vmem>>
      %dma_wait3A_821 = tpu.memref_squeeze %dma_wait3A_820 : memref<1x80x64xbf16, #tpu.memory_space<vmem>> -> memref<80x64xbf16, #tpu.memory_space<vmem>>
      %dma_wait3A_822 = tpu.memref_slice %arg6[%mul3A_816] : memref<10000xi32, #tpu.memory_space<vmem>> -> memref<80xi32, #tpu.memory_space<vmem>>
      %dma_wait3A_823 = arith.constant 0 : i32
      %dma_wait3A_824 = arith.constant 0 : i32
      %dma_wait3A_825 = tpu.memref_slice %arg2[%dma_wait3A_823, %dma_wait3A_824] : memref<10000x64xbf16, #tpu.memory_space<hbm>> -> memref<10000x64xbf16, #tpu.memory_space<hbm>>
      tpu.wait_indirect_dma semaphore(%arg17 : memref<!tpu.dma_semaphore, #tpu.memory_space<semaphore_mem>>) src(%dma_wait3A_825 : memref<10000x64xbf16, #tpu.memory_space<hbm>>) dst(%dma_wait3A_821 : memref<80x64xbf16, #tpu.memory_space<vmem>>)
      %mul3A_826 = arith.constant 80 : i32
      %mul3A_827 = arith.muli %add3A_814, %mul3A_826 : i32
      %run_scoped3A_828 = arith.constant 6 : i32
      "tpu.region"() ({
        %run_scoped3A_935 = tpu.sem_alloc : memref<!tpu.dma_semaphore, #tpu.memory_space<semaphore_mem>>
        %dma_start3A_936 = arith.constant 0 : i32
        %dma_start3A_937 = arith.constant 0 : i32
        %dma_start3A_938 = tpu.memref_slice %arg8[%run_scoped3A_828, %dma_start3A_936, %dma_start3A_937] : memref<8x80x64xbf16, #tpu.memory_space<vmem>> -> memref<1x80x64xbf16, #tpu.memory_space<vmem>>
        %dma_start3A_939 = tpu.memref_squeeze %dma_start3A_938 : memref<1x80x64xbf16, #tpu.memory_space<vmem>> -> memref<80x64xbf16, #tpu.memory_space<vmem>>
        %dma_start3A_940 = tpu.memref_slice %arg7[%mul3A_827] : memref<10000xi32, #tpu.memory_space<vmem>> -> memref<80xi32, #tpu.memory_space<vmem>>
        %dma_start3A_941 = arith.constant 0 : i32
        %dma_start3A_942 = arith.constant 0 : i32
        %dma_start3A_943 = tpu.memref_slice %arg19[%dma_start3A_941, %dma_start3A_942] : memref<10112x64xbf16, #tpu.memory_space<vmem_shared>> -> memref<10112x64xbf16, #tpu.memory_space<vmem_shared>>
        tpu.enqueue_indirect_dma source(%dma_start3A_939 : memref<80x64xbf16, #tpu.memory_space<vmem>>) target(%dma_start3A_943 : memref<10112x64xbf16, #tpu.memory_space<vmem_shared>>) offsets(%dma_start3A_940 : memref<80xi32, #tpu.memory_space<vmem>>) semaphore(%run_scoped3A_935 : memref<!tpu.dma_semaphore, #tpu.memory_space<semaphore_mem>>) {add = true}
        %dma_wait3A_944 = arith.constant 0 : i32
        %dma_wait3A_945 = arith.constant 0 : i32
        %dma_wait3A_946 = tpu.memref_slice %arg8[%run_scoped3A_828, %dma_wait3A_944, %dma_wait3A_945] : memref<8x80x64xbf16, #tpu.memory_space<vmem>> -> memref<1x80x64xbf16, #tpu.memory_space<vmem>>
        %dma_wait3A_947 = tpu.memref_squeeze %dma_wait3A_946 : memref<1x80x64xbf16, #tpu.memory_space<vmem>> -> memref<80x64xbf16, #tpu.memory_space<vmem>>
        %dma_wait3A_948 = tpu.memref_slice %arg7[%mul3A_827] : memref<10000xi32, #tpu.memory_space<vmem>> -> memref<80xi32, #tpu.memory_space<vmem>>
        %dma_wait3A_949 = arith.constant 0 : i32
        %dma_wait3A_950 = arith.constant 0 : i32
        %dma_wait3A_951 = tpu.memref_slice %arg19[%dma_wait3A_949, %dma_wait3A_950] : memref<10112x64xbf16, #tpu.memory_space<vmem_shared>> -> memref<10112x64xbf16, #tpu.memory_space<vmem_shared>>
        tpu.wait_indirect_dma semaphore(%run_scoped3A_935 : memref<!tpu.dma_semaphore, #tpu.memory_space<semaphore_mem>>) src(%dma_wait3A_947 : memref<80x64xbf16, #tpu.memory_space<vmem>>) dst(%dma_wait3A_951 : memref<10112x64xbf16, #tpu.memory_space<vmem_shared>>)
        tpu.yield
      }) : () -> ()
      %mul3A_829 = arith.constant 80 : i32
      %mul3A_830 = arith.muli %add3A_814, %mul3A_829 : i32
      %add3A_831 = arith.constant 0 : i32
      %add3A_832 = arith.addi %mul3A_830, %add3A_831 : i32
      %get3A_833 = arith.index_cast %add3A_832 : i32 to index
      %get3A_834 = tpu.vector_load %arg7[%get3A_833] {strides = array<i32>} : memref<10000xi32, #tpu.memory_space<vmem>>, vector<16xi32>,
      tpu.vector_store_idx %arg10[%get3A_834], %broadcast_in_dim3A_8 {add = true} : memref<10000xf32, #tpu.memory_space<vmem>>[vector<16xi32>], vector<16xf32>,
      %mul3A_835 = arith.constant 80 : i32
      %mul3A_836 = arith.muli %add3A_814, %mul3A_835 : i32
      %add3A_837 = arith.constant 16 : i32
      %add3A_838 = arith.addi %mul3A_836, %add3A_837 : i32
      %get3A_839 = arith.index_cast %add3A_838 : i32 to index
      %get3A_840 = tpu.vector_load %arg7[%get3A_839] {strides = array<i32>} : memref<10000xi32, #tpu.memory_space<vmem>>, vector<16xi32>,
      tpu.vector_store_idx %arg10[%get3A_840], %broadcast_in_dim3A_8 {add = true} : memref<10000xf32, #tpu.memory_space<vmem>>[vector<16xi32>], vector<16xf32>,
      %mul3A_841 = arith.constant 80 : i32
      %mul3A_842 = arith.muli %add3A_814, %mul3A_841 : i32
      %add3A_843 = arith.constant 32 : i32
      %add3A_844 = arith.addi %mul3A_842, %add3A_843 : i32
      %get3A_845 = arith.index_cast %add3A_844 : i32 to index
      %get3A_846 = tpu.vector_load %arg7[%get3A_845] {strides = array<i32>} : memref<10000xi32, #tpu.memory_space<vmem>>, vector<16xi32>,
      tpu.vector_store_idx %arg10[%get3A_846], %broadcast_in_dim3A_8 {add = true} : memref<10000xf32, #tpu.memory_space<vmem>>[vector<16xi32>], vector<16xf32>,
      %mul3A_847 = arith.constant 80 : i32
      %mul3A_848 = arith.muli %add3A_814, %mul3A_847 : i32
      %add3A_849 = arith.constant 48 : i32
      %add3A_850 = arith.addi %mul3A_848, %add3A_849 : i32
      %get3A_851 = arith.index_cast %add3A_850 : i32 to index
      %get3A_852 = tpu.vector_load %arg7[%get3A_851] {strides = array<i32>} : memref<10000xi32, #tpu.memory_space<vmem>>, vector<16xi32>,
      tpu.vector_store_idx %arg10[%get3A_852], %broadcast_in_dim3A_8 {add = true} : memref<10000xf32, #tpu.memory_space<vmem>>[vector<16xi32>], vector<16xf32>,
      %mul3A_853 = arith.constant 80 : i32
      %mul3A_854 = arith.muli %add3A_814, %mul3A_853 : i32
      %add3A_855 = arith.constant 64 : i32
      %add3A_856 = arith.addi %mul3A_854, %add3A_855 : i32
      %get3A_857 = arith.index_cast %add3A_856 : i32 to index
      %get3A_858 = tpu.vector_load %arg7[%get3A_857] {strides = array<i32>} : memref<10000xi32, #tpu.memory_space<vmem>>, vector<16xi32>,
      tpu.vector_store_idx %arg10[%get3A_858], %broadcast_in_dim3A_8 {add = true} : memref<10000xf32, #tpu.memory_space<vmem>>[vector<16xi32>], vector<16xf32>,
      %add3A_859 = arith.constant 8 : i32
      %add3A_860 = arith.addi %add3A_814, %add3A_859 : i32
      %sub3A_861 = arith.constant 1 : i32
      %sub3A_862 = arith.subi %add3A_860, %sub3A_861 : i32
      %mul3A_863 = arith.constant 80 : i32
      %mul3A_864 = arith.muli %sub3A_862, %mul3A_863 : i32
      %dma_start3A_865 = arith.constant 5 : i32
      %dma_start3A_866 = arith.constant 0 : i32
      %dma_start3A_867 = arith.constant 0 : i32
      %dma_start3A_868 = tpu.memref_slice %arg8[%dma_start3A_865, %dma_start3A_866, %dma_start3A_867] : memref<8x80x64xbf16, #tpu.memory_space<vmem>> -> memref<1x80x64xbf16, #tpu.memory_space<vmem>>
      %dma_start3A_869 = tpu.memref_squeeze %dma_start3A_868 : memref<1x80x64xbf16, #tpu.memory_space<vmem>> -> memref<80x64xbf16, #tpu.memory_space<vmem>>
      %dma_start3A_870 = tpu.memref_slice %arg6[%mul3A_864] : memref<10000xi32, #tpu.memory_space<vmem>> -> memref<80xi32, #tpu.memory_space<vmem>>
      %dma_start3A_871 = arith.constant 0 : i32
      %dma_start3A_872 = arith.constant 0 : i32
      %dma_start3A_873 = tpu.memref_slice %arg2[%dma_start3A_871, %dma_start3A_872] : memref<10000x64xbf16, #tpu.memory_space<hbm>> -> memref<10000x64xbf16, #tpu.memory_space<hbm>>
      tpu.enqueue_indirect_dma source(%dma_start3A_873 : memref<10000x64xbf16, #tpu.memory_space<hbm>>) target(%dma_start3A_869 : memref<80x64xbf16, #tpu.memory_space<vmem>>) offsets(%dma_start3A_870 : memref<80xi32, #tpu.memory_space<vmem>>) semaphore(%arg16 : memref<!tpu.dma_semaphore, #tpu.memory_space<semaphore_mem>>)
      %add3A_874 = arith.constant 7 : i32
      %add3A_875 = arith.addi %mul3A_447, %add3A_874 : i32
      %mul3A_876 = arith.constant 80 : i32
      %mul3A_877 = arith.muli %add3A_875, %mul3A_876 : i32
      %dma_wait3A_878 = arith.constant 7 : i32
      %dma_wait3A_879 = arith.constant 0 : i32
      %dma_wait3A_880 = arith.constant 0 : i32
      %dma_wait3A_881 = tpu.memref_slice %arg8[%dma_wait3A_878, %dma_wait3A_879, %dma_wait3A_880] : memref<8x80x64xbf16, #tpu.memory_space<vmem>> -> memref<1x80x64xbf16, #tpu.memory_space<vmem>>
      %dma_wait3A_882 = tpu.memref_squeeze %dma_wait3A_881 : memref<1x80x64xbf16, #tpu.memory_space<vmem>> -> memref<80x64xbf16, #tpu.memory_space<vmem>>
      %dma_wait3A_883 = tpu.memref_slice %arg6[%mul3A_877] : memref<10000xi32, #tpu.memory_space<vmem>> -> memref<80xi32, #tpu.memory_space<vmem>>
      %dma_wait3A_884 = arith.constant 0 : i32
      %dma_wait3A_885 = arith.constant 0 : i32
      %dma_wait3A_886 = tpu.memref_slice %arg2[%dma_wait3A_884, %dma_wait3A_885] : memref<10000x64xbf16, #tpu.memory_space<hbm>> -> memref<10000x64xbf16, #tpu.memory_space<hbm>>
      tpu.wait_indirect_dma semaphore(%arg18 : memref<!tpu.dma_semaphore, #tpu.memory_space<semaphore_mem>>) src(%dma_wait3A_886 : memref<10000x64xbf16, #tpu.memory_space<hbm>>) dst(%dma_wait3A_882 : memref<80x64xbf16, #tpu.memory_space<vmem>>)
      %mul3A_887 = arith.constant 80 : i32
      %mul3A_888 = arith.muli %add3A_875, %mul3A_887 : i32
      %run_scoped3A_889 = arith.constant 7 : i32
      "tpu.region"() ({
        %run_scoped3A_935 = tpu.sem_alloc : memref<!tpu.dma_semaphore, #tpu.memory_space<semaphore_mem>>
        %dma_start3A_936 = arith.constant 0 : i32
        %dma_start3A_937 = arith.constant 0 : i32
        %dma_start3A_938 = tpu.memref_slice %arg8[%run_scoped3A_889, %dma_start3A_936, %dma_start3A_937] : memref<8x80x64xbf16, #tpu.memory_space<vmem>> -> memref<1x80x64xbf16, #tpu.memory_space<vmem>>
        %dma_start3A_939 = tpu.memref_squeeze %dma_start3A_938 : memref<1x80x64xbf16, #tpu.memory_space<vmem>> -> memref<80x64xbf16, #tpu.memory_space<vmem>>
        %dma_start3A_940 = tpu.memref_slice %arg7[%mul3A_888] : memref<10000xi32, #tpu.memory_space<vmem>> -> memref<80xi32, #tpu.memory_space<vmem>>
        %dma_start3A_941 = arith.constant 0 : i32
        %dma_start3A_942 = arith.constant 0 : i32
        %dma_start3A_943 = tpu.memref_slice %arg19[%dma_start3A_941, %dma_start3A_942] : memref<10112x64xbf16, #tpu.memory_space<vmem_shared>> -> memref<10112x64xbf16, #tpu.memory_space<vmem_shared>>
        tpu.enqueue_indirect_dma source(%dma_start3A_939 : memref<80x64xbf16, #tpu.memory_space<vmem>>) target(%dma_start3A_943 : memref<10112x64xbf16, #tpu.memory_space<vmem_shared>>) offsets(%dma_start3A_940 : memref<80xi32, #tpu.memory_space<vmem>>) semaphore(%run_scoped3A_935 : memref<!tpu.dma_semaphore, #tpu.memory_space<semaphore_mem>>) {add = true}
        %dma_wait3A_944 = arith.constant 0 : i32
        %dma_wait3A_945 = arith.constant 0 : i32
        %dma_wait3A_946 = tpu.memref_slice %arg8[%run_scoped3A_889, %dma_wait3A_944, %dma_wait3A_945] : memref<8x80x64xbf16, #tpu.memory_space<vmem>> -> memref<1x80x64xbf16, #tpu.memory_space<vmem>>
        %dma_wait3A_947 = tpu.memref_squeeze %dma_wait3A_946 : memref<1x80x64xbf16, #tpu.memory_space<vmem>> -> memref<80x64xbf16, #tpu.memory_space<vmem>>
        %dma_wait3A_948 = tpu.memref_slice %arg7[%mul3A_888] : memref<10000xi32, #tpu.memory_space<vmem>> -> memref<80xi32, #tpu.memory_space<vmem>>
        %dma_wait3A_949 = arith.constant 0 : i32
        %dma_wait3A_950 = arith.constant 0 : i32
        %dma_wait3A_951 = tpu.memref_slice %arg19[%dma_wait3A_949, %dma_wait3A_950] : memref<10112x64xbf16, #tpu.memory_space<vmem_shared>> -> memref<10112x64xbf16, #tpu.memory_space<vmem_shared>>
        tpu.wait_indirect_dma semaphore(%run_scoped3A_935 : memref<!tpu.dma_semaphore, #tpu.memory_space<semaphore_mem>>) src(%dma_wait3A_947 : memref<80x64xbf16, #tpu.memory_space<vmem>>) dst(%dma_wait3A_951 : memref<10112x64xbf16, #tpu.memory_space<vmem_shared>>)
        tpu.yield
      }) : () -> ()
      %mul3A_890 = arith.constant 80 : i32
      %mul3A_891 = arith.muli %add3A_875, %mul3A_890 : i32
      %add3A_892 = arith.constant 0 : i32
      %add3A_893 = arith.addi %mul3A_891, %add3A_892 : i32
      %get3A_894 = arith.index_cast %add3A_893 : i32 to index
      %get3A_895 = tpu.vector_load %arg7[%get3A_894] {strides = array<i32>} : memref<10000xi32, #tpu.memory_space<vmem>>, vector<16xi32>,
      tpu.vector_store_idx %arg10[%get3A_895], %broadcast_in_dim3A_8 {add = true} : memref<10000xf32, #tpu.memory_space<vmem>>[vector<16xi32>], vector<16xf32>,
      %mul3A_896 = arith.constant 80 : i32
      %mul3A_897 = arith.muli %add3A_875, %mul3A_896 : i32
      %add3A_898 = arith.constant 16 : i32
      %add3A_899 = arith.addi %mul3A_897, %add3A_898 : i32
      %get3A_900 = arith.index_cast %add3A_899 : i32 to index
      %get3A_901 = tpu.vector_load %arg7[%get3A_900] {strides = array<i32>} : memref<10000xi32, #tpu.memory_space<vmem>>, vector<16xi32>,
      tpu.vector_store_idx %arg10[%get3A_901], %broadcast_in_dim3A_8 {add = true} : memref<10000xf32, #tpu.memory_space<vmem>>[vector<16xi32>], vector<16xf32>,
      %mul3A_902 = arith.constant 80 : i32
      %mul3A_903 = arith.muli %add3A_875, %mul3A_902 : i32
      %add3A_904 = arith.constant 32 : i32
      %add3A_905 = arith.addi %mul3A_903, %add3A_904 : i32
      %get3A_906 = arith.index_cast %add3A_905 : i32 to index
      %get3A_907 = tpu.vector_load %arg7[%get3A_906] {strides = array<i32>} : memref<10000xi32, #tpu.memory_space<vmem>>, vector<16xi32>,
      tpu.vector_store_idx %arg10[%get3A_907], %broadcast_in_dim3A_8 {add = true} : memref<10000xf32, #tpu.memory_space<vmem>>[vector<16xi32>], vector<16xf32>,
      %mul3A_908 = arith.constant 80 : i32
      %mul3A_909 = arith.muli %add3A_875, %mul3A_908 : i32
      %add3A_910 = arith.constant 48 : i32
      %add3A_911 = arith.addi %mul3A_909, %add3A_910 : i32
      %get3A_912 = arith.index_cast %add3A_911 : i32 to index
      %get3A_913 = tpu.vector_load %arg7[%get3A_912] {strides = array<i32>} : memref<10000xi32, #tpu.memory_space<vmem>>, vector<16xi32>,
      tpu.vector_store_idx %arg10[%get3A_913], %broadcast_in_dim3A_8 {add = true} : memref<10000xf32, #tpu.memory_space<vmem>>[vector<16xi32>], vector<16xf32>,
      %mul3A_914 = arith.constant 80 : i32
      %mul3A_915 = arith.muli %add3A_875, %mul3A_914 : i32
      %add3A_916 = arith.constant 64 : i32
      %add3A_917 = arith.addi %mul3A_915, %add3A_916 : i32
      %get3A_918 = arith.index_cast %add3A_917 : i32 to index
      %get3A_919 = tpu.vector_load %arg7[%get3A_918] {strides = array<i32>} : memref<10000xi32, #tpu.memory_space<vmem>>, vector<16xi32>,
      tpu.vector_store_idx %arg10[%get3A_919], %broadcast_in_dim3A_8 {add = true} : memref<10000xf32, #tpu.memory_space<vmem>>[vector<16xi32>], vector<16xf32>,
      %add3A_920 = arith.constant 8 : i32
      %add3A_921 = arith.addi %add3A_875, %add3A_920 : i32
      %sub3A_922 = arith.constant 1 : i32
      %sub3A_923 = arith.subi %add3A_921, %sub3A_922 : i32
      %mul3A_924 = arith.constant 80 : i32
      %mul3A_925 = arith.muli %sub3A_923, %mul3A_924 : i32
      %dma_start3A_926 = arith.constant 6 : i32
      %dma_start3A_927 = arith.constant 0 : i32
      %dma_start3A_928 = arith.constant 0 : i32
      %dma_start3A_929 = tpu.memref_slice %arg8[%dma_start3A_926, %dma_start3A_927, %dma_start3A_928] : memref<8x80x64xbf16, #tpu.memory_space<vmem>> -> memref<1x80x64xbf16, #tpu.memory_space<vmem>>
      %dma_start3A_930 = tpu.memref_squeeze %dma_start3A_929 : memref<1x80x64xbf16, #tpu.memory_space<vmem>> -> memref<80x64xbf16, #tpu.memory_space<vmem>>
      %dma_start3A_931 = tpu.memref_slice %arg6[%mul3A_925] : memref<10000xi32, #tpu.memory_space<vmem>> -> memref<80xi32, #tpu.memory_space<vmem>>
      %dma_start3A_932 = arith.constant 0 : i32
      %dma_start3A_933 = arith.constant 0 : i32
      %dma_start3A_934 = tpu.memref_slice %arg2[%dma_start3A_932, %dma_start3A_933] : memref<10000x64xbf16, #tpu.memory_space<hbm>> -> memref<10000x64xbf16, #tpu.memory_space<hbm>>
      tpu.enqueue_indirect_dma source(%dma_start3A_934 : memref<10000x64xbf16, #tpu.memory_space<hbm>>) target(%dma_start3A_930 : memref<80x64xbf16, #tpu.memory_space<vmem>>) offsets(%dma_start3A_931 : memref<80xi32, #tpu.memory_space<vmem>>) semaphore(%arg17 : memref<!tpu.dma_semaphore, #tpu.memory_space<semaphore_mem>>)
    }
    %scan3A_112 = arith.constant 14 : i32
    %dma_wait3A = arith.constant 0 : i32
    %dma_wait3A_113 = arith.constant 0 : i32
    %dma_wait3A_114 = arith.constant 0 : i32
    %dma_wait3A_115 = tpu.memref_slice %arg8[%dma_wait3A, %dma_wait3A_113, %dma_wait3A_114] : memref<8x80x64xbf16, #tpu.memory_space<vmem>> -> memref<1x80x64xbf16, #tpu.memory_space<vmem>>
    %dma_wait3A_116 = tpu.memref_squeeze %dma_wait3A_115 : memref<1x80x64xbf16, #tpu.memory_space<vmem>> -> memref<80x64xbf16, #tpu.memory_space<vmem>>
    %dma_wait3A_117 = arith.constant 8960 : i32
    %dma_wait3A_118 = tpu.memref_slice %arg6[%dma_wait3A_117] : memref<10000xi32, #tpu.memory_space<vmem>> -> memref<80xi32, #tpu.memory_space<vmem>>
    %dma_wait3A_119 = arith.constant 0 : i32
    %dma_wait3A_120 = arith.constant 0 : i32
    %dma_wait3A_121 = tpu.memref_slice %arg2[%dma_wait3A_119, %dma_wait3A_120] : memref<10000x64xbf16, #tpu.memory_space<hbm>> -> memref<10000x64xbf16, #tpu.memory_space<hbm>>
    tpu.wait_indirect_dma semaphore(%arg11 : memref<!tpu.dma_semaphore, #tpu.memory_space<semaphore_mem>>) src(%dma_wait3A_121 : memref<10000x64xbf16, #tpu.memory_space<hbm>>) dst(%dma_wait3A_116 : memref<80x64xbf16, #tpu.memory_space<vmem>>)
    %run_scoped3A_122 = arith.constant 0 : i32
    "tpu.region"() ({
      %run_scoped3A_445 = tpu.sem_alloc : memref<!tpu.dma_semaphore, #tpu.memory_space<semaphore_mem>>
      %dma_start3A_446 = arith.constant 0 : i32
      %dma_start3A_447 = arith.constant 0 : i32
      %dma_start3A_448 = tpu.memref_slice %arg8[%run_scoped3A_122, %dma_start3A_446, %dma_start3A_447] : memref<8x80x64xbf16, #tpu.memory_space<vmem>> -> memref<1x80x64xbf16, #tpu.memory_space<vmem>>
      %dma_start3A_449 = tpu.memref_squeeze %dma_start3A_448 : memref<1x80x64xbf16, #tpu.memory_space<vmem>> -> memref<80x64xbf16, #tpu.memory_space<vmem>>
      %dma_start3A_450 = arith.constant 8960 : i32
      %dma_start3A_451 = tpu.memref_slice %arg7[%dma_start3A_450] : memref<10000xi32, #tpu.memory_space<vmem>> -> memref<80xi32, #tpu.memory_space<vmem>>
      %dma_start3A_452 = arith.constant 0 : i32
      %dma_start3A_453 = arith.constant 0 : i32
      %dma_start3A_454 = tpu.memref_slice %arg19[%dma_start3A_452, %dma_start3A_453] : memref<10112x64xbf16, #tpu.memory_space<vmem_shared>> -> memref<10112x64xbf16, #tpu.memory_space<vmem_shared>>
      tpu.enqueue_indirect_dma source(%dma_start3A_449 : memref<80x64xbf16, #tpu.memory_space<vmem>>) target(%dma_start3A_454 : memref<10112x64xbf16, #tpu.memory_space<vmem_shared>>) offsets(%dma_start3A_451 : memref<80xi32, #tpu.memory_space<vmem>>) semaphore(%run_scoped3A_445 : memref<!tpu.dma_semaphore, #tpu.memory_space<semaphore_mem>>) {add = true}
      %dma_wait3A_455 = arith.constant 0 : i32
      %dma_wait3A_456 = arith.constant 0 : i32
      %dma_wait3A_457 = tpu.memref_slice %arg8[%run_scoped3A_122, %dma_wait3A_455, %dma_wait3A_456] : memref<8x80x64xbf16, #tpu.memory_space<vmem>> -> memref<1x80x64xbf16, #tpu.memory_space<vmem>>
      %dma_wait3A_458 = tpu.memref_squeeze %dma_wait3A_457 : memref<1x80x64xbf16, #tpu.memory_space<vmem>> -> memref<80x64xbf16, #tpu.memory_space<vmem>>
      %dma_wait3A_459 = arith.constant 8960 : i32
      %dma_wait3A_460 = tpu.memref_slice %arg7[%dma_wait3A_459] : memref<10000xi32, #tpu.memory_space<vmem>> -> memref<80xi32, #tpu.memory_space<vmem>>
      %dma_wait3A_461 = arith.constant 0 : i32
      %dma_wait3A_462 = arith.constant 0 : i32
      %dma_wait3A_463 = tpu.memref_slice %arg19[%dma_wait3A_461, %dma_wait3A_462] : memref<10112x64xbf16, #tpu.memory_space<vmem_shared>> -> memref<10112x64xbf16, #tpu.memory_space<vmem_shared>>
      tpu.wait_indirect_dma semaphore(%run_scoped3A_445 : memref<!tpu.dma_semaphore, #tpu.memory_space<semaphore_mem>>) src(%dma_wait3A_458 : memref<80x64xbf16, #tpu.memory_space<vmem>>) dst(%dma_wait3A_463 : memref<10112x64xbf16, #tpu.memory_space<vmem_shared>>)
      tpu.yield
    }) : () -> ()
    %get3A = arith.constant 8960 : index
    %get3A_123 = tpu.vector_load %arg7[%get3A] {strides = array<i32>} : memref<10000xi32, #tpu.memory_space<vmem>>, vector<16xi32>,
    tpu.vector_store_idx %arg10[%get3A_123], %broadcast_in_dim3A_8 {add = true} : memref<10000xf32, #tpu.memory_space<vmem>>[vector<16xi32>], vector<16xf32>,
    %get3A_124 = arith.constant 8976 : index
    %get3A_125 = tpu.vector_load %arg7[%get3A_124] {strides = array<i32>} : memref<10000xi32, #tpu.memory_space<vmem>>, vector<16xi32>,
    tpu.vector_store_idx %arg10[%get3A_125], %broadcast_in_dim3A_8 {add = true} : memref<10000xf32, #tpu.memory_space<vmem>>[vector<16xi32>], vector<16xf32>,
    %get3A_126 = arith.constant 8992 : index
    %get3A_127 = tpu.vector_load %arg7[%get3A_126] {strides = array<i32>} : memref<10000xi32, #tpu.memory_space<vmem>>, vector<16xi32>,
    tpu.vector_store_idx %arg10[%get3A_127], %broadcast_in_dim3A_8 {add = true} : memref<10000xf32, #tpu.memory_space<vmem>>[vector<16xi32>], vector<16xf32>,
    %get3A_128 = arith.constant 9008 : index
    %get3A_129 = tpu.vector_load %arg7[%get3A_128] {strides = array<i32>} : memref<10000xi32, #tpu.memory_space<vmem>>, vector<16xi32>,
    tpu.vector_store_idx %arg10[%get3A_129], %broadcast_in_dim3A_8 {add = true} : memref<10000xf32, #tpu.memory_space<vmem>>[vector<16xi32>], vector<16xf32>,
    %get3A_130 = arith.constant 9024 : index
    %get3A_131 = tpu.vector_load %arg7[%get3A_130] {strides = array<i32>} : memref<10000xi32, #tpu.memory_space<vmem>>, vector<16xi32>,
    tpu.vector_store_idx %arg10[%get3A_131], %broadcast_in_dim3A_8 {add = true} : memref<10000xf32, #tpu.memory_space<vmem>>[vector<16xi32>], vector<16xf32>,
    %dma_start3A_132 = arith.constant 7 : i32
    %dma_start3A_133 = arith.constant 0 : i32
    %dma_start3A_134 = arith.constant 0 : i32
    %dma_start3A_135 = tpu.memref_slice %arg8[%dma_start3A_132, %dma_start3A_133, %dma_start3A_134] : memref<8x80x64xbf16, #tpu.memory_space<vmem>> -> memref<1x80x64xbf16, #tpu.memory_space<vmem>>
    %dma_start3A_136 = tpu.memref_squeeze %dma_start3A_135 : memref<1x80x64xbf16, #tpu.memory_space<vmem>> -> memref<80x64xbf16, #tpu.memory_space<vmem>>
    %dma_start3A_137 = arith.constant 9520 : i32
    %dma_start3A_138 = tpu.memref_slice %arg6[%dma_start3A_137] : memref<10000xi32, #tpu.memory_space<vmem>> -> memref<80xi32, #tpu.memory_space<vmem>>
    %dma_start3A_139 = arith.constant 0 : i32
    %dma_start3A_140 = arith.constant 0 : i32
    %dma_start3A_141 = tpu.memref_slice %arg2[%dma_start3A_139, %dma_start3A_140] : memref<10000x64xbf16, #tpu.memory_space<hbm>> -> memref<10000x64xbf16, #tpu.memory_space<hbm>>
    tpu.enqueue_indirect_dma source(%dma_start3A_141 : memref<10000x64xbf16, #tpu.memory_space<hbm>>) target(%dma_start3A_136 : memref<80x64xbf16, #tpu.memory_space<vmem>>) offsets(%dma_start3A_138 : memref<80xi32, #tpu.memory_space<vmem>>) semaphore(%arg18 : memref<!tpu.dma_semaphore, #tpu.memory_space<semaphore_mem>>)
    %dma_wait3A_142 = arith.constant 1 : i32
    %dma_wait3A_143 = arith.constant 0 : i32
    %dma_wait3A_144 = arith.constant 0 : i32
    %dma_wait3A_145 = tpu.memref_slice %arg8[%dma_wait3A_142, %dma_wait3A_143, %dma_wait3A_144] : memref<8x80x64xbf16, #tpu.memory_space<vmem>> -> memref<1x80x64xbf16, #tpu.memory_space<vmem>>
    %dma_wait3A_146 = tpu.memref_squeeze %dma_wait3A_145 : memref<1x80x64xbf16, #tpu.memory_space<vmem>> -> memref<80x64xbf16, #tpu.memory_space<vmem>>
    %dma_wait3A_147 = arith.constant 9040 : i32
    %dma_wait3A_148 = tpu.memref_slice %arg6[%dma_wait3A_147] : memref<10000xi32, #tpu.memory_space<vmem>> -> memref<80xi32, #tpu.memory_space<vmem>>
    %dma_wait3A_149 = arith.constant 0 : i32
    %dma_wait3A_150 = arith.constant 0 : i32
    %dma_wait3A_151 = tpu.memref_slice %arg2[%dma_wait3A_149, %dma_wait3A_150] : memref<10000x64xbf16, #tpu.memory_space<hbm>> -> memref<10000x64xbf16, #tpu.memory_space<hbm>>
    tpu.wait_indirect_dma semaphore(%arg12 : memref<!tpu.dma_semaphore, #tpu.memory_space<semaphore_mem>>) src(%dma_wait3A_151 : memref<10000x64xbf16, #tpu.memory_space<hbm>>) dst(%dma_wait3A_146 : memref<80x64xbf16, #tpu.memory_space<vmem>>)
    %run_scoped3A_152 = arith.constant 1 : i32
    "tpu.region"() ({
      %run_scoped3A_445 = tpu.sem_alloc : memref<!tpu.dma_semaphore, #tpu.memory_space<semaphore_mem>>
      %dma_start3A_446 = arith.constant 0 : i32
      %dma_start3A_447 = arith.constant 0 : i32
      %dma_start3A_448 = tpu.memref_slice %arg8[%run_scoped3A_152, %dma_start3A_446, %dma_start3A_447] : memref<8x80x64xbf16, #tpu.memory_space<vmem>> -> memref<1x80x64xbf16, #tpu.memory_space<vmem>>
      %dma_start3A_449 = tpu.memref_squeeze %dma_start3A_448 : memref<1x80x64xbf16, #tpu.memory_space<vmem>> -> memref<80x64xbf16, #tpu.memory_space<vmem>>
      %dma_start3A_450 = arith.constant 9040 : i32
      %dma_start3A_451 = tpu.memref_slice %arg7[%dma_start3A_450] : memref<10000xi32, #tpu.memory_space<vmem>> -> memref<80xi32, #tpu.memory_space<vmem>>
      %dma_start3A_452 = arith.constant 0 : i32
      %dma_start3A_453 = arith.constant 0 : i32
      %dma_start3A_454 = tpu.memref_slice %arg19[%dma_start3A_452, %dma_start3A_453] : memref<10112x64xbf16, #tpu.memory_space<vmem_shared>> -> memref<10112x64xbf16, #tpu.memory_space<vmem_shared>>
      tpu.enqueue_indirect_dma source(%dma_start3A_449 : memref<80x64xbf16, #tpu.memory_space<vmem>>) target(%dma_start3A_454 : memref<10112x64xbf16, #tpu.memory_space<vmem_shared>>) offsets(%dma_start3A_451 : memref<80xi32, #tpu.memory_space<vmem>>) semaphore(%run_scoped3A_445 : memref<!tpu.dma_semaphore, #tpu.memory_space<semaphore_mem>>) {add = true}
      %dma_wait3A_455 = arith.constant 0 : i32
      %dma_wait3A_456 = arith.constant 0 : i32
      %dma_wait3A_457 = tpu.memref_slice %arg8[%run_scoped3A_152, %dma_wait3A_455, %dma_wait3A_456] : memref<8x80x64xbf16, #tpu.memory_space<vmem>> -> memref<1x80x64xbf16, #tpu.memory_space<vmem>>
      %dma_wait3A_458 = tpu.memref_squeeze %dma_wait3A_457 : memref<1x80x64xbf16, #tpu.memory_space<vmem>> -> memref<80x64xbf16, #tpu.memory_space<vmem>>
      %dma_wait3A_459 = arith.constant 9040 : i32
      %dma_wait3A_460 = tpu.memref_slice %arg7[%dma_wait3A_459] : memref<10000xi32, #tpu.memory_space<vmem>> -> memref<80xi32, #tpu.memory_space<vmem>>
      %dma_wait3A_461 = arith.constant 0 : i32
      %dma_wait3A_462 = arith.constant 0 : i32
      %dma_wait3A_463 = tpu.memref_slice %arg19[%dma_wait3A_461, %dma_wait3A_462] : memref<10112x64xbf16, #tpu.memory_space<vmem_shared>> -> memref<10112x64xbf16, #tpu.memory_space<vmem_shared>>
      tpu.wait_indirect_dma semaphore(%run_scoped3A_445 : memref<!tpu.dma_semaphore, #tpu.memory_space<semaphore_mem>>) src(%dma_wait3A_458 : memref<80x64xbf16, #tpu.memory_space<vmem>>) dst(%dma_wait3A_463 : memref<10112x64xbf16, #tpu.memory_space<vmem_shared>>)
      tpu.yield
    }) : () -> ()
    %get3A_153 = arith.constant 9040 : index
    %get3A_154 = tpu.vector_load %arg7[%get3A_153] {strides = array<i32>} : memref<10000xi32, #tpu.memory_space<vmem>>, vector<16xi32>,
    tpu.vector_store_idx %arg10[%get3A_154], %broadcast_in_dim3A_8 {add = true} : memref<10000xf32, #tpu.memory_space<vmem>>[vector<16xi32>], vector<16xf32>,
    %get3A_155 = arith.constant 9056 : index
    %get3A_156 = tpu.vector_load %arg7[%get3A_155] {strides = array<i32>} : memref<10000xi32, #tpu.memory_space<vmem>>, vector<16xi32>,
    tpu.vector_store_idx %arg10[%get3A_156], %broadcast_in_dim3A_8 {add = true} : memref<10000xf32, #tpu.memory_space<vmem>>[vector<16xi32>], vector<16xf32>,
    %get3A_157 = arith.constant 9072 : index
    %get3A_158 = tpu.vector_load %arg7[%get3A_157] {strides = array<i32>} : memref<10000xi32, #tpu.memory_space<vmem>>, vector<16xi32>,
    tpu.vector_store_idx %arg10[%get3A_158], %broadcast_in_dim3A_8 {add = true} : memref<10000xf32, #tpu.memory_space<vmem>>[vector<16xi32>], vector<16xf32>,
    %get3A_159 = arith.constant 9088 : index
    %get3A_160 = tpu.vector_load %arg7[%get3A_159] {strides = array<i32>} : memref<10000xi32, #tpu.memory_space<vmem>>, vector<16xi32>,
    tpu.vector_store_idx %arg10[%get3A_160], %broadcast_in_dim3A_8 {add = true} : memref<10000xf32, #tpu.memory_space<vmem>>[vector<16xi32>], vector<16xf32>,
    %get3A_161 = arith.constant 9104 : index
    %get3A_162 = tpu.vector_load %arg7[%get3A_161] {strides = array<i32>} : memref<10000xi32, #tpu.memory_space<vmem>>, vector<16xi32>,
    tpu.vector_store_idx %arg10[%get3A_162], %broadcast_in_dim3A_8 {add = true} : memref<10000xf32, #tpu.memory_space<vmem>>[vector<16xi32>], vector<16xf32>,
    %dma_start3A_163 = arith.constant 0 : i32
    %dma_start3A_164 = arith.constant 0 : i32
    %dma_start3A_165 = arith.constant 0 : i32
    %dma_start3A_166 = tpu.memref_slice %arg8[%dma_start3A_163, %dma_start3A_164, %dma_start3A_165] : memref<8x80x64xbf16, #tpu.memory_space<vmem>> -> memref<1x80x64xbf16, #tpu.memory_space<vmem>>
    %dma_start3A_167 = tpu.memref_squeeze %dma_start3A_166 : memref<1x80x64xbf16, #tpu.memory_space<vmem>> -> memref<80x64xbf16, #tpu.memory_space<vmem>>
    %dma_start3A_168 = arith.constant 9600 : i32
    %dma_start3A_169 = tpu.memref_slice %arg6[%dma_start3A_168] : memref<10000xi32, #tpu.memory_space<vmem>> -> memref<80xi32, #tpu.memory_space<vmem>>
    %dma_start3A_170 = arith.constant 0 : i32
    %dma_start3A_171 = arith.constant 0 : i32
    %dma_start3A_172 = tpu.memref_slice %arg2[%dma_start3A_170, %dma_start3A_171] : memref<10000x64xbf16, #tpu.memory_space<hbm>> -> memref<10000x64xbf16, #tpu.memory_space<hbm>>
    tpu.enqueue_indirect_dma source(%dma_start3A_172 : memref<10000x64xbf16, #tpu.memory_space<hbm>>) target(%dma_start3A_167 : memref<80x64xbf16, #tpu.memory_space<vmem>>) offsets(%dma_start3A_169 : memref<80xi32, #tpu.memory_space<vmem>>) semaphore(%arg11 : memref<!tpu.dma_semaphore, #tpu.memory_space<semaphore_mem>>)
    %dma_wait3A_173 = arith.constant 2 : i32
    %dma_wait3A_174 = arith.constant 0 : i32
    %dma_wait3A_175 = arith.constant 0 : i32
    %dma_wait3A_176 = tpu.memref_slice %arg8[%dma_wait3A_173, %dma_wait3A_174, %dma_wait3A_175] : memref<8x80x64xbf16, #tpu.memory_space<vmem>> -> memref<1x80x64xbf16, #tpu.memory_space<vmem>>
    %dma_wait3A_177 = tpu.memref_squeeze %dma_wait3A_176 : memref<1x80x64xbf16, #tpu.memory_space<vmem>> -> memref<80x64xbf16, #tpu.memory_space<vmem>>
    %dma_wait3A_178 = arith.constant 9120 : i32
    %dma_wait3A_179 = tpu.memref_slice %arg6[%dma_wait3A_178] : memref<10000xi32, #tpu.memory_space<vmem>> -> memref<80xi32, #tpu.memory_space<vmem>>
    %dma_wait3A_180 = arith.constant 0 : i32
    %dma_wait3A_181 = arith.constant 0 : i32
    %dma_wait3A_182 = tpu.memref_slice %arg2[%dma_wait3A_180, %dma_wait3A_181] : memref<10000x64xbf16, #tpu.memory_space<hbm>> -> memref<10000x64xbf16, #tpu.memory_space<hbm>>
    tpu.wait_indirect_dma semaphore(%arg13 : memref<!tpu.dma_semaphore, #tpu.memory_space<semaphore_mem>>) src(%dma_wait3A_182 : memref<10000x64xbf16, #tpu.memory_space<hbm>>) dst(%dma_wait3A_177 : memref<80x64xbf16, #tpu.memory_space<vmem>>)
    %run_scoped3A_183 = arith.constant 2 : i32
    "tpu.region"() ({
      %run_scoped3A_445 = tpu.sem_alloc : memref<!tpu.dma_semaphore, #tpu.memory_space<semaphore_mem>>
      %dma_start3A_446 = arith.constant 0 : i32
      %dma_start3A_447 = arith.constant 0 : i32
      %dma_start3A_448 = tpu.memref_slice %arg8[%run_scoped3A_183, %dma_start3A_446, %dma_start3A_447] : memref<8x80x64xbf16, #tpu.memory_space<vmem>> -> memref<1x80x64xbf16, #tpu.memory_space<vmem>>
      %dma_start3A_449 = tpu.memref_squeeze %dma_start3A_448 : memref<1x80x64xbf16, #tpu.memory_space<vmem>> -> memref<80x64xbf16, #tpu.memory_space<vmem>>
      %dma_start3A_450 = arith.constant 9120 : i32
      %dma_start3A_451 = tpu.memref_slice %arg7[%dma_start3A_450] : memref<10000xi32, #tpu.memory_space<vmem>> -> memref<80xi32, #tpu.memory_space<vmem>>
      %dma_start3A_452 = arith.constant 0 : i32
      %dma_start3A_453 = arith.constant 0 : i32
      %dma_start3A_454 = tpu.memref_slice %arg19[%dma_start3A_452, %dma_start3A_453] : memref<10112x64xbf16, #tpu.memory_space<vmem_shared>> -> memref<10112x64xbf16, #tpu.memory_space<vmem_shared>>
      tpu.enqueue_indirect_dma source(%dma_start3A_449 : memref<80x64xbf16, #tpu.memory_space<vmem>>) target(%dma_start3A_454 : memref<10112x64xbf16, #tpu.memory_space<vmem_shared>>) offsets(%dma_start3A_451 : memref<80xi32, #tpu.memory_space<vmem>>) semaphore(%run_scoped3A_445 : memref<!tpu.dma_semaphore, #tpu.memory_space<semaphore_mem>>) {add = true}
      %dma_wait3A_455 = arith.constant 0 : i32
      %dma_wait3A_456 = arith.constant 0 : i32
      %dma_wait3A_457 = tpu.memref_slice %arg8[%run_scoped3A_183, %dma_wait3A_455, %dma_wait3A_456] : memref<8x80x64xbf16, #tpu.memory_space<vmem>> -> memref<1x80x64xbf16, #tpu.memory_space<vmem>>
      %dma_wait3A_458 = tpu.memref_squeeze %dma_wait3A_457 : memref<1x80x64xbf16, #tpu.memory_space<vmem>> -> memref<80x64xbf16, #tpu.memory_space<vmem>>
      %dma_wait3A_459 = arith.constant 9120 : i32
      %dma_wait3A_460 = tpu.memref_slice %arg7[%dma_wait3A_459] : memref<10000xi32, #tpu.memory_space<vmem>> -> memref<80xi32, #tpu.memory_space<vmem>>
      %dma_wait3A_461 = arith.constant 0 : i32
      %dma_wait3A_462 = arith.constant 0 : i32
      %dma_wait3A_463 = tpu.memref_slice %arg19[%dma_wait3A_461, %dma_wait3A_462] : memref<10112x64xbf16, #tpu.memory_space<vmem_shared>> -> memref<10112x64xbf16, #tpu.memory_space<vmem_shared>>
      tpu.wait_indirect_dma semaphore(%run_scoped3A_445 : memref<!tpu.dma_semaphore, #tpu.memory_space<semaphore_mem>>) src(%dma_wait3A_458 : memref<80x64xbf16, #tpu.memory_space<vmem>>) dst(%dma_wait3A_463 : memref<10112x64xbf16, #tpu.memory_space<vmem_shared>>)
      tpu.yield
    }) : () -> ()
    %get3A_184 = arith.constant 9120 : index
    %get3A_185 = tpu.vector_load %arg7[%get3A_184] {strides = array<i32>} : memref<10000xi32, #tpu.memory_space<vmem>>, vector<16xi32>,
    tpu.vector_store_idx %arg10[%get3A_185], %broadcast_in_dim3A_8 {add = true} : memref<10000xf32, #tpu.memory_space<vmem>>[vector<16xi32>], vector<16xf32>,
    %get3A_186 = arith.constant 9136 : index
    %get3A_187 = tpu.vector_load %arg7[%get3A_186] {strides = array<i32>} : memref<10000xi32, #tpu.memory_space<vmem>>, vector<16xi32>,
    tpu.vector_store_idx %arg10[%get3A_187], %broadcast_in_dim3A_8 {add = true} : memref<10000xf32, #tpu.memory_space<vmem>>[vector<16xi32>], vector<16xf32>,
    %get3A_188 = arith.constant 9152 : index
    %get3A_189 = tpu.vector_load %arg7[%get3A_188] {strides = array<i32>} : memref<10000xi32, #tpu.memory_space<vmem>>, vector<16xi32>,
    tpu.vector_store_idx %arg10[%get3A_189], %broadcast_in_dim3A_8 {add = true} : memref<10000xf32, #tpu.memory_space<vmem>>[vector<16xi32>], vector<16xf32>,
    %get3A_190 = arith.constant 9168 : index
    %get3A_191 = tpu.vector_load %arg7[%get3A_190] {strides = array<i32>} : memref<10000xi32, #tpu.memory_space<vmem>>, vector<16xi32>,
    tpu.vector_store_idx %arg10[%get3A_191], %broadcast_in_dim3A_8 {add = true} : memref<10000xf32, #tpu.memory_space<vmem>>[vector<16xi32>], vector<16xf32>,
    %get3A_192 = arith.constant 9184 : index
    %get3A_193 = tpu.vector_load %arg7[%get3A_192] {strides = array<i32>} : memref<10000xi32, #tpu.memory_space<vmem>>, vector<16xi32>,
    tpu.vector_store_idx %arg10[%get3A_193], %broadcast_in_dim3A_8 {add = true} : memref<10000xf32, #tpu.memory_space<vmem>>[vector<16xi32>], vector<16xf32>,
    %dma_start3A_194 = arith.constant 1 : i32
    %dma_start3A_195 = arith.constant 0 : i32
    %dma_start3A_196 = arith.constant 0 : i32
    %dma_start3A_197 = tpu.memref_slice %arg8[%dma_start3A_194, %dma_start3A_195, %dma_start3A_196] : memref<8x80x64xbf16, #tpu.memory_space<vmem>> -> memref<1x80x64xbf16, #tpu.memory_space<vmem>>
    %dma_start3A_198 = tpu.memref_squeeze %dma_start3A_197 : memref<1x80x64xbf16, #tpu.memory_space<vmem>> -> memref<80x64xbf16, #tpu.memory_space<vmem>>
    %dma_start3A_199 = arith.constant 9680 : i32
    %dma_start3A_200 = tpu.memref_slice %arg6[%dma_start3A_199] : memref<10000xi32, #tpu.memory_space<vmem>> -> memref<80xi32, #tpu.memory_space<vmem>>
    %dma_start3A_201 = arith.constant 0 : i32
    %dma_start3A_202 = arith.constant 0 : i32
    %dma_start3A_203 = tpu.memref_slice %arg2[%dma_start3A_201, %dma_start3A_202] : memref<10000x64xbf16, #tpu.memory_space<hbm>> -> memref<10000x64xbf16, #tpu.memory_space<hbm>>
    tpu.enqueue_indirect_dma source(%dma_start3A_203 : memref<10000x64xbf16, #tpu.memory_space<hbm>>) target(%dma_start3A_198 : memref<80x64xbf16, #tpu.memory_space<vmem>>) offsets(%dma_start3A_200 : memref<80xi32, #tpu.memory_space<vmem>>) semaphore(%arg12 : memref<!tpu.dma_semaphore, #tpu.memory_space<semaphore_mem>>)
    %dma_wait3A_204 = arith.constant 3 : i32
    %dma_wait3A_205 = arith.constant 0 : i32
    %dma_wait3A_206 = arith.constant 0 : i32
    %dma_wait3A_207 = tpu.memref_slice %arg8[%dma_wait3A_204, %dma_wait3A_205, %dma_wait3A_206] : memref<8x80x64xbf16, #tpu.memory_space<vmem>> -> memref<1x80x64xbf16, #tpu.memory_space<vmem>>
    %dma_wait3A_208 = tpu.memref_squeeze %dma_wait3A_207 : memref<1x80x64xbf16, #tpu.memory_space<vmem>> -> memref<80x64xbf16, #tpu.memory_space<vmem>>
    %dma_wait3A_209 = arith.constant 9200 : i32
    %dma_wait3A_210 = tpu.memref_slice %arg6[%dma_wait3A_209] : memref<10000xi32, #tpu.memory_space<vmem>> -> memref<80xi32, #tpu.memory_space<vmem>>
    %dma_wait3A_211 = arith.constant 0 : i32
    %dma_wait3A_212 = arith.constant 0 : i32
    %dma_wait3A_213 = tpu.memref_slice %arg2[%dma_wait3A_211, %dma_wait3A_212] : memref<10000x64xbf16, #tpu.memory_space<hbm>> -> memref<10000x64xbf16, #tpu.memory_space<hbm>>
    tpu.wait_indirect_dma semaphore(%arg14 : memref<!tpu.dma_semaphore, #tpu.memory_space<semaphore_mem>>) src(%dma_wait3A_213 : memref<10000x64xbf16, #tpu.memory_space<hbm>>) dst(%dma_wait3A_208 : memref<80x64xbf16, #tpu.memory_space<vmem>>)
    %run_scoped3A_214 = arith.constant 3 : i32
    "tpu.region"() ({
      %run_scoped3A_445 = tpu.sem_alloc : memref<!tpu.dma_semaphore, #tpu.memory_space<semaphore_mem>>
      %dma_start3A_446 = arith.constant 0 : i32
      %dma_start3A_447 = arith.constant 0 : i32
      %dma_start3A_448 = tpu.memref_slice %arg8[%run_scoped3A_214, %dma_start3A_446, %dma_start3A_447] : memref<8x80x64xbf16, #tpu.memory_space<vmem>> -> memref<1x80x64xbf16, #tpu.memory_space<vmem>>
      %dma_start3A_449 = tpu.memref_squeeze %dma_start3A_448 : memref<1x80x64xbf16, #tpu.memory_space<vmem>> -> memref<80x64xbf16, #tpu.memory_space<vmem>>
      %dma_start3A_450 = arith.constant 9200 : i32
      %dma_start3A_451 = tpu.memref_slice %arg7[%dma_start3A_450] : memref<10000xi32, #tpu.memory_space<vmem>> -> memref<80xi32, #tpu.memory_space<vmem>>
      %dma_start3A_452 = arith.constant 0 : i32
      %dma_start3A_453 = arith.constant 0 : i32
      %dma_start3A_454 = tpu.memref_slice %arg19[%dma_start3A_452, %dma_start3A_453] : memref<10112x64xbf16, #tpu.memory_space<vmem_shared>> -> memref<10112x64xbf16, #tpu.memory_space<vmem_shared>>
      tpu.enqueue_indirect_dma source(%dma_start3A_449 : memref<80x64xbf16, #tpu.memory_space<vmem>>) target(%dma_start3A_454 : memref<10112x64xbf16, #tpu.memory_space<vmem_shared>>) offsets(%dma_start3A_451 : memref<80xi32, #tpu.memory_space<vmem>>) semaphore(%run_scoped3A_445 : memref<!tpu.dma_semaphore, #tpu.memory_space<semaphore_mem>>) {add = true}
      %dma_wait3A_455 = arith.constant 0 : i32
      %dma_wait3A_456 = arith.constant 0 : i32
      %dma_wait3A_457 = tpu.memref_slice %arg8[%run_scoped3A_214, %dma_wait3A_455, %dma_wait3A_456] : memref<8x80x64xbf16, #tpu.memory_space<vmem>> -> memref<1x80x64xbf16, #tpu.memory_space<vmem>>
      %dma_wait3A_458 = tpu.memref_squeeze %dma_wait3A_457 : memref<1x80x64xbf16, #tpu.memory_space<vmem>> -> memref<80x64xbf16, #tpu.memory_space<vmem>>
      %dma_wait3A_459 = arith.constant 9200 : i32
      %dma_wait3A_460 = tpu.memref_slice %arg7[%dma_wait3A_459] : memref<10000xi32, #tpu.memory_space<vmem>> -> memref<80xi32, #tpu.memory_space<vmem>>
      %dma_wait3A_461 = arith.constant 0 : i32
      %dma_wait3A_462 = arith.constant 0 : i32
      %dma_wait3A_463 = tpu.memref_slice %arg19[%dma_wait3A_461, %dma_wait3A_462] : memref<10112x64xbf16, #tpu.memory_space<vmem_shared>> -> memref<10112x64xbf16, #tpu.memory_space<vmem_shared>>
      tpu.wait_indirect_dma semaphore(%run_scoped3A_445 : memref<!tpu.dma_semaphore, #tpu.memory_space<semaphore_mem>>) src(%dma_wait3A_458 : memref<80x64xbf16, #tpu.memory_space<vmem>>) dst(%dma_wait3A_463 : memref<10112x64xbf16, #tpu.memory_space<vmem_shared>>)
      tpu.yield
    }) : () -> ()
    %get3A_215 = arith.constant 9200 : index
    %get3A_216 = tpu.vector_load %arg7[%get3A_215] {strides = array<i32>} : memref<10000xi32, #tpu.memory_space<vmem>>, vector<16xi32>,
    tpu.vector_store_idx %arg10[%get3A_216], %broadcast_in_dim3A_8 {add = true} : memref<10000xf32, #tpu.memory_space<vmem>>[vector<16xi32>], vector<16xf32>,
    %get3A_217 = arith.constant 9216 : index
    %get3A_218 = tpu.vector_load %arg7[%get3A_217] {strides = array<i32>} : memref<10000xi32, #tpu.memory_space<vmem>>, vector<16xi32>,
    tpu.vector_store_idx %arg10[%get3A_218], %broadcast_in_dim3A_8 {add = true} : memref<10000xf32, #tpu.memory_space<vmem>>[vector<16xi32>], vector<16xf32>,
    %get3A_219 = arith.constant 9232 : index
    %get3A_220 = tpu.vector_load %arg7[%get3A_219] {strides = array<i32>} : memref<10000xi32, #tpu.memory_space<vmem>>, vector<16xi32>,
    tpu.vector_store_idx %arg10[%get3A_220], %broadcast_in_dim3A_8 {add = true} : memref<10000xf32, #tpu.memory_space<vmem>>[vector<16xi32>], vector<16xf32>,
    %get3A_221 = arith.constant 9248 : index
    %get3A_222 = tpu.vector_load %arg7[%get3A_221] {strides = array<i32>} : memref<10000xi32, #tpu.memory_space<vmem>>, vector<16xi32>,
    tpu.vector_store_idx %arg10[%get3A_222], %broadcast_in_dim3A_8 {add = true} : memref<10000xf32, #tpu.memory_space<vmem>>[vector<16xi32>], vector<16xf32>,
    %get3A_223 = arith.constant 9264 : index
    %get3A_224 = tpu.vector_load %arg7[%get3A_223] {strides = array<i32>} : memref<10000xi32, #tpu.memory_space<vmem>>, vector<16xi32>,
    tpu.vector_store_idx %arg10[%get3A_224], %broadcast_in_dim3A_8 {add = true} : memref<10000xf32, #tpu.memory_space<vmem>>[vector<16xi32>], vector<16xf32>,
    %dma_start3A_225 = arith.constant 2 : i32
    %dma_start3A_226 = arith.constant 0 : i32
    %dma_start3A_227 = arith.constant 0 : i32
    %dma_start3A_228 = tpu.memref_slice %arg8[%dma_start3A_225, %dma_start3A_226, %dma_start3A_227] : memref<8x80x64xbf16, #tpu.memory_space<vmem>> -> memref<1x80x64xbf16, #tpu.memory_space<vmem>>
    %dma_start3A_229 = tpu.memref_squeeze %dma_start3A_228 : memref<1x80x64xbf16, #tpu.memory_space<vmem>> -> memref<80x64xbf16, #tpu.memory_space<vmem>>
    %dma_start3A_230 = arith.constant 9760 : i32
    %dma_start3A_231 = tpu.memref_slice %arg6[%dma_start3A_230] : memref<10000xi32, #tpu.memory_space<vmem>> -> memref<80xi32, #tpu.memory_space<vmem>>
    %dma_start3A_232 = arith.constant 0 : i32
    %dma_start3A_233 = arith.constant 0 : i32
    %dma_start3A_234 = tpu.memref_slice %arg2[%dma_start3A_232, %dma_start3A_233] : memref<10000x64xbf16, #tpu.memory_space<hbm>> -> memref<10000x64xbf16, #tpu.memory_space<hbm>>
    tpu.enqueue_indirect_dma source(%dma_start3A_234 : memref<10000x64xbf16, #tpu.memory_space<hbm>>) target(%dma_start3A_229 : memref<80x64xbf16, #tpu.memory_space<vmem>>) offsets(%dma_start3A_231 : memref<80xi32, #tpu.memory_space<vmem>>) semaphore(%arg13 : memref<!tpu.dma_semaphore, #tpu.memory_space<semaphore_mem>>)
    %dma_wait3A_235 = arith.constant 4 : i32
    %dma_wait3A_236 = arith.constant 0 : i32
    %dma_wait3A_237 = arith.constant 0 : i32
    %dma_wait3A_238 = tpu.memref_slice %arg8[%dma_wait3A_235, %dma_wait3A_236, %dma_wait3A_237] : memref<8x80x64xbf16, #tpu.memory_space<vmem>> -> memref<1x80x64xbf16, #tpu.memory_space<vmem>>
    %dma_wait3A_239 = tpu.memref_squeeze %dma_wait3A_238 : memref<1x80x64xbf16, #tpu.memory_space<vmem>> -> memref<80x64xbf16, #tpu.memory_space<vmem>>
    %dma_wait3A_240 = arith.constant 9280 : i32
    %dma_wait3A_241 = tpu.memref_slice %arg6[%dma_wait3A_240] : memref<10000xi32, #tpu.memory_space<vmem>> -> memref<80xi32, #tpu.memory_space<vmem>>
    %dma_wait3A_242 = arith.constant 0 : i32
    %dma_wait3A_243 = arith.constant 0 : i32
    %dma_wait3A_244 = tpu.memref_slice %arg2[%dma_wait3A_242, %dma_wait3A_243] : memref<10000x64xbf16, #tpu.memory_space<hbm>> -> memref<10000x64xbf16, #tpu.memory_space<hbm>>
    tpu.wait_indirect_dma semaphore(%arg15 : memref<!tpu.dma_semaphore, #tpu.memory_space<semaphore_mem>>) src(%dma_wait3A_244 : memref<10000x64xbf16, #tpu.memory_space<hbm>>) dst(%dma_wait3A_239 : memref<80x64xbf16, #tpu.memory_space<vmem>>)
    %run_scoped3A_245 = arith.constant 4 : i32
    "tpu.region"() ({
      %run_scoped3A_445 = tpu.sem_alloc : memref<!tpu.dma_semaphore, #tpu.memory_space<semaphore_mem>>
      %dma_start3A_446 = arith.constant 0 : i32
      %dma_start3A_447 = arith.constant 0 : i32
      %dma_start3A_448 = tpu.memref_slice %arg8[%run_scoped3A_245, %dma_start3A_446, %dma_start3A_447] : memref<8x80x64xbf16, #tpu.memory_space<vmem>> -> memref<1x80x64xbf16, #tpu.memory_space<vmem>>
      %dma_start3A_449 = tpu.memref_squeeze %dma_start3A_448 : memref<1x80x64xbf16, #tpu.memory_space<vmem>> -> memref<80x64xbf16, #tpu.memory_space<vmem>>
      %dma_start3A_450 = arith.constant 9280 : i32
      %dma_start3A_451 = tpu.memref_slice %arg7[%dma_start3A_450] : memref<10000xi32, #tpu.memory_space<vmem>> -> memref<80xi32, #tpu.memory_space<vmem>>
      %dma_start3A_452 = arith.constant 0 : i32
      %dma_start3A_453 = arith.constant 0 : i32
      %dma_start3A_454 = tpu.memref_slice %arg19[%dma_start3A_452, %dma_start3A_453] : memref<10112x64xbf16, #tpu.memory_space<vmem_shared>> -> memref<10112x64xbf16, #tpu.memory_space<vmem_shared>>
      tpu.enqueue_indirect_dma source(%dma_start3A_449 : memref<80x64xbf16, #tpu.memory_space<vmem>>) target(%dma_start3A_454 : memref<10112x64xbf16, #tpu.memory_space<vmem_shared>>) offsets(%dma_start3A_451 : memref<80xi32, #tpu.memory_space<vmem>>) semaphore(%run_scoped3A_445 : memref<!tpu.dma_semaphore, #tpu.memory_space<semaphore_mem>>) {add = true}
      %dma_wait3A_455 = arith.constant 0 : i32
      %dma_wait3A_456 = arith.constant 0 : i32
      %dma_wait3A_457 = tpu.memref_slice %arg8[%run_scoped3A_245, %dma_wait3A_455, %dma_wait3A_456] : memref<8x80x64xbf16, #tpu.memory_space<vmem>> -> memref<1x80x64xbf16, #tpu.memory_space<vmem>>
      %dma_wait3A_458 = tpu.memref_squeeze %dma_wait3A_457 : memref<1x80x64xbf16, #tpu.memory_space<vmem>> -> memref<80x64xbf16, #tpu.memory_space<vmem>>
      %dma_wait3A_459 = arith.constant 9280 : i32
      %dma_wait3A_460 = tpu.memref_slice %arg7[%dma_wait3A_459] : memref<10000xi32, #tpu.memory_space<vmem>> -> memref<80xi32, #tpu.memory_space<vmem>>
      %dma_wait3A_461 = arith.constant 0 : i32
      %dma_wait3A_462 = arith.constant 0 : i32
      %dma_wait3A_463 = tpu.memref_slice %arg19[%dma_wait3A_461, %dma_wait3A_462] : memref<10112x64xbf16, #tpu.memory_space<vmem_shared>> -> memref<10112x64xbf16, #tpu.memory_space<vmem_shared>>
      tpu.wait_indirect_dma semaphore(%run_scoped3A_445 : memref<!tpu.dma_semaphore, #tpu.memory_space<semaphore_mem>>) src(%dma_wait3A_458 : memref<80x64xbf16, #tpu.memory_space<vmem>>) dst(%dma_wait3A_463 : memref<10112x64xbf16, #tpu.memory_space<vmem_shared>>)
      tpu.yield
    }) : () -> ()
    %get3A_246 = arith.constant 9280 : index
    %get3A_247 = tpu.vector_load %arg7[%get3A_246] {strides = array<i32>} : memref<10000xi32, #tpu.memory_space<vmem>>, vector<16xi32>,
    tpu.vector_store_idx %arg10[%get3A_247], %broadcast_in_dim3A_8 {add = true} : memref<10000xf32, #tpu.memory_space<vmem>>[vector<16xi32>], vector<16xf32>,
    %get3A_248 = arith.constant 9296 : index
    %get3A_249 = tpu.vector_load %arg7[%get3A_248] {strides = array<i32>} : memref<10000xi32, #tpu.memory_space<vmem>>, vector<16xi32>,
    tpu.vector_store_idx %arg10[%get3A_249], %broadcast_in_dim3A_8 {add = true} : memref<10000xf32, #tpu.memory_space<vmem>>[vector<16xi32>], vector<16xf32>,
    %get3A_250 = arith.constant 9312 : index
    %get3A_251 = tpu.vector_load %arg7[%get3A_250] {strides = array<i32>} : memref<10000xi32, #tpu.memory_space<vmem>>, vector<16xi32>,
    tpu.vector_store_idx %arg10[%get3A_251], %broadcast_in_dim3A_8 {add = true} : memref<10000xf32, #tpu.memory_space<vmem>>[vector<16xi32>], vector<16xf32>,
    %get3A_252 = arith.constant 9328 : index
    %get3A_253 = tpu.vector_load %arg7[%get3A_252] {strides = array<i32>} : memref<10000xi32, #tpu.memory_space<vmem>>, vector<16xi32>,
    tpu.vector_store_idx %arg10[%get3A_253], %broadcast_in_dim3A_8 {add = true} : memref<10000xf32, #tpu.memory_space<vmem>>[vector<16xi32>], vector<16xf32>,
    %get3A_254 = arith.constant 9344 : index
    %get3A_255 = tpu.vector_load %arg7[%get3A_254] {strides = array<i32>} : memref<10000xi32, #tpu.memory_space<vmem>>, vector<16xi32>,
    tpu.vector_store_idx %arg10[%get3A_255], %broadcast_in_dim3A_8 {add = true} : memref<10000xf32, #tpu.memory_space<vmem>>[vector<16xi32>], vector<16xf32>,
    %dma_start3A_256 = arith.constant 3 : i32
    %dma_start3A_257 = arith.constant 0 : i32
    %dma_start3A_258 = arith.constant 0 : i32
    %dma_start3A_259 = tpu.memref_slice %arg8[%dma_start3A_256, %dma_start3A_257, %dma_start3A_258] : memref<8x80x64xbf16, #tpu.memory_space<vmem>> -> memref<1x80x64xbf16, #tpu.memory_space<vmem>>
    %dma_start3A_260 = tpu.memref_squeeze %dma_start3A_259 : memref<1x80x64xbf16, #tpu.memory_space<vmem>> -> memref<80x64xbf16, #tpu.memory_space<vmem>>
    %dma_start3A_261 = arith.constant 9840 : i32
    %dma_start3A_262 = tpu.memref_slice %arg6[%dma_start3A_261] : memref<10000xi32, #tpu.memory_space<vmem>> -> memref<80xi32, #tpu.memory_space<vmem>>
    %dma_start3A_263 = arith.constant 0 : i32
    %dma_start3A_264 = arith.constant 0 : i32
    %dma_start3A_265 = tpu.memref_slice %arg2[%dma_start3A_263, %dma_start3A_264] : memref<10000x64xbf16, #tpu.memory_space<hbm>> -> memref<10000x64xbf16, #tpu.memory_space<hbm>>
    tpu.enqueue_indirect_dma source(%dma_start3A_265 : memref<10000x64xbf16, #tpu.memory_space<hbm>>) target(%dma_start3A_260 : memref<80x64xbf16, #tpu.memory_space<vmem>>) offsets(%dma_start3A_262 : memref<80xi32, #tpu.memory_space<vmem>>) semaphore(%arg14 : memref<!tpu.dma_semaphore, #tpu.memory_space<semaphore_mem>>)
    %dma_wait3A_266 = arith.constant 5 : i32
    %dma_wait3A_267 = arith.constant 0 : i32
    %dma_wait3A_268 = arith.constant 0 : i32
    %dma_wait3A_269 = tpu.memref_slice %arg8[%dma_wait3A_266, %dma_wait3A_267, %dma_wait3A_268] : memref<8x80x64xbf16, #tpu.memory_space<vmem>> -> memref<1x80x64xbf16, #tpu.memory_space<vmem>>
    %dma_wait3A_270 = tpu.memref_squeeze %dma_wait3A_269 : memref<1x80x64xbf16, #tpu.memory_space<vmem>> -> memref<80x64xbf16, #tpu.memory_space<vmem>>
    %dma_wait3A_271 = arith.constant 9360 : i32
    %dma_wait3A_272 = tpu.memref_slice %arg6[%dma_wait3A_271] : memref<10000xi32, #tpu.memory_space<vmem>> -> memref<80xi32, #tpu.memory_space<vmem>>
    %dma_wait3A_273 = arith.constant 0 : i32
    %dma_wait3A_274 = arith.constant 0 : i32
    %dma_wait3A_275 = tpu.memref_slice %arg2[%dma_wait3A_273, %dma_wait3A_274] : memref<10000x64xbf16, #tpu.memory_space<hbm>> -> memref<10000x64xbf16, #tpu.memory_space<hbm>>
    tpu.wait_indirect_dma semaphore(%arg16 : memref<!tpu.dma_semaphore, #tpu.memory_space<semaphore_mem>>) src(%dma_wait3A_275 : memref<10000x64xbf16, #tpu.memory_space<hbm>>) dst(%dma_wait3A_270 : memref<80x64xbf16, #tpu.memory_space<vmem>>)
    %run_scoped3A_276 = arith.constant 5 : i32
    "tpu.region"() ({
      %run_scoped3A_445 = tpu.sem_alloc : memref<!tpu.dma_semaphore, #tpu.memory_space<semaphore_mem>>
      %dma_start3A_446 = arith.constant 0 : i32
      %dma_start3A_447 = arith.constant 0 : i32
      %dma_start3A_448 = tpu.memref_slice %arg8[%run_scoped3A_276, %dma_start3A_446, %dma_start3A_447] : memref<8x80x64xbf16, #tpu.memory_space<vmem>> -> memref<1x80x64xbf16, #tpu.memory_space<vmem>>
      %dma_start3A_449 = tpu.memref_squeeze %dma_start3A_448 : memref<1x80x64xbf16, #tpu.memory_space<vmem>> -> memref<80x64xbf16, #tpu.memory_space<vmem>>
      %dma_start3A_450 = arith.constant 9360 : i32
      %dma_start3A_451 = tpu.memref_slice %arg7[%dma_start3A_450] : memref<10000xi32, #tpu.memory_space<vmem>> -> memref<80xi32, #tpu.memory_space<vmem>>
      %dma_start3A_452 = arith.constant 0 : i32
      %dma_start3A_453 = arith.constant 0 : i32
      %dma_start3A_454 = tpu.memref_slice %arg19[%dma_start3A_452, %dma_start3A_453] : memref<10112x64xbf16, #tpu.memory_space<vmem_shared>> -> memref<10112x64xbf16, #tpu.memory_space<vmem_shared>>
      tpu.enqueue_indirect_dma source(%dma_start3A_449 : memref<80x64xbf16, #tpu.memory_space<vmem>>) target(%dma_start3A_454 : memref<10112x64xbf16, #tpu.memory_space<vmem_shared>>) offsets(%dma_start3A_451 : memref<80xi32, #tpu.memory_space<vmem>>) semaphore(%run_scoped3A_445 : memref<!tpu.dma_semaphore, #tpu.memory_space<semaphore_mem>>) {add = true}
      %dma_wait3A_455 = arith.constant 0 : i32
      %dma_wait3A_456 = arith.constant 0 : i32
      %dma_wait3A_457 = tpu.memref_slice %arg8[%run_scoped3A_276, %dma_wait3A_455, %dma_wait3A_456] : memref<8x80x64xbf16, #tpu.memory_space<vmem>> -> memref<1x80x64xbf16, #tpu.memory_space<vmem>>
      %dma_wait3A_458 = tpu.memref_squeeze %dma_wait3A_457 : memref<1x80x64xbf16, #tpu.memory_space<vmem>> -> memref<80x64xbf16, #tpu.memory_space<vmem>>
      %dma_wait3A_459 = arith.constant 9360 : i32
      %dma_wait3A_460 = tpu.memref_slice %arg7[%dma_wait3A_459] : memref<10000xi32, #tpu.memory_space<vmem>> -> memref<80xi32, #tpu.memory_space<vmem>>
      %dma_wait3A_461 = arith.constant 0 : i32
      %dma_wait3A_462 = arith.constant 0 : i32
      %dma_wait3A_463 = tpu.memref_slice %arg19[%dma_wait3A_461, %dma_wait3A_462] : memref<10112x64xbf16, #tpu.memory_space<vmem_shared>> -> memref<10112x64xbf16, #tpu.memory_space<vmem_shared>>
      tpu.wait_indirect_dma semaphore(%run_scoped3A_445 : memref<!tpu.dma_semaphore, #tpu.memory_space<semaphore_mem>>) src(%dma_wait3A_458 : memref<80x64xbf16, #tpu.memory_space<vmem>>) dst(%dma_wait3A_463 : memref<10112x64xbf16, #tpu.memory_space<vmem_shared>>)
      tpu.yield
    }) : () -> ()
    %get3A_277 = arith.constant 9360 : index
    %get3A_278 = tpu.vector_load %arg7[%get3A_277] {strides = array<i32>} : memref<10000xi32, #tpu.memory_space<vmem>>, vector<16xi32>,
    tpu.vector_store_idx %arg10[%get3A_278], %broadcast_in_dim3A_8 {add = true} : memref<10000xf32, #tpu.memory_space<vmem>>[vector<16xi32>], vector<16xf32>,
    %get3A_279 = arith.constant 9376 : index
    %get3A_280 = tpu.vector_load %arg7[%get3A_279] {strides = array<i32>} : memref<10000xi32, #tpu.memory_space<vmem>>, vector<16xi32>,
    tpu.vector_store_idx %arg10[%get3A_280], %broadcast_in_dim3A_8 {add = true} : memref<10000xf32, #tpu.memory_space<vmem>>[vector<16xi32>], vector<16xf32>,
    %get3A_281 = arith.constant 9392 : index
    %get3A_282 = tpu.vector_load %arg7[%get3A_281] {strides = array<i32>} : memref<10000xi32, #tpu.memory_space<vmem>>, vector<16xi32>,
    tpu.vector_store_idx %arg10[%get3A_282], %broadcast_in_dim3A_8 {add = true} : memref<10000xf32, #tpu.memory_space<vmem>>[vector<16xi32>], vector<16xf32>,
    %get3A_283 = arith.constant 9408 : index
    %get3A_284 = tpu.vector_load %arg7[%get3A_283] {strides = array<i32>} : memref<10000xi32, #tpu.memory_space<vmem>>, vector<16xi32>,
    tpu.vector_store_idx %arg10[%get3A_284], %broadcast_in_dim3A_8 {add = true} : memref<10000xf32, #tpu.memory_space<vmem>>[vector<16xi32>], vector<16xf32>,
    %get3A_285 = arith.constant 9424 : index
    %get3A_286 = tpu.vector_load %arg7[%get3A_285] {strides = array<i32>} : memref<10000xi32, #tpu.memory_space<vmem>>, vector<16xi32>,
    tpu.vector_store_idx %arg10[%get3A_286], %broadcast_in_dim3A_8 {add = true} : memref<10000xf32, #tpu.memory_space<vmem>>[vector<16xi32>], vector<16xf32>,
    %dma_start3A_287 = arith.constant 4 : i32
    %dma_start3A_288 = arith.constant 0 : i32
    %dma_start3A_289 = arith.constant 0 : i32
    %dma_start3A_290 = tpu.memref_slice %arg8[%dma_start3A_287, %dma_start3A_288, %dma_start3A_289] : memref<8x80x64xbf16, #tpu.memory_space<vmem>> -> memref<1x80x64xbf16, #tpu.memory_space<vmem>>
    %dma_start3A_291 = tpu.memref_squeeze %dma_start3A_290 : memref<1x80x64xbf16, #tpu.memory_space<vmem>> -> memref<80x64xbf16, #tpu.memory_space<vmem>>
    %dma_start3A_292 = arith.constant 9920 : i32
    %dma_start3A_293 = tpu.memref_slice %arg6[%dma_start3A_292] : memref<10000xi32, #tpu.memory_space<vmem>> -> memref<80xi32, #tpu.memory_space<vmem>>
    %dma_start3A_294 = arith.constant 0 : i32
    %dma_start3A_295 = arith.constant 0 : i32
    %dma_start3A_296 = tpu.memref_slice %arg2[%dma_start3A_294, %dma_start3A_295] : memref<10000x64xbf16, #tpu.memory_space<hbm>> -> memref<10000x64xbf16, #tpu.memory_space<hbm>>
    tpu.enqueue_indirect_dma source(%dma_start3A_296 : memref<10000x64xbf16, #tpu.memory_space<hbm>>) target(%dma_start3A_291 : memref<80x64xbf16, #tpu.memory_space<vmem>>) offsets(%dma_start3A_293 : memref<80xi32, #tpu.memory_space<vmem>>) semaphore(%arg15 : memref<!tpu.dma_semaphore, #tpu.memory_space<semaphore_mem>>)
    %dma_wait3A_297 = arith.constant 6 : i32
    %dma_wait3A_298 = arith.constant 0 : i32
    %dma_wait3A_299 = arith.constant 0 : i32
    %dma_wait3A_300 = tpu.memref_slice %arg8[%dma_wait3A_297, %dma_wait3A_298, %dma_wait3A_299] : memref<8x80x64xbf16, #tpu.memory_space<vmem>> -> memref<1x80x64xbf16, #tpu.memory_space<vmem>>
    %dma_wait3A_301 = tpu.memref_squeeze %dma_wait3A_300 : memref<1x80x64xbf16, #tpu.memory_space<vmem>> -> memref<80x64xbf16, #tpu.memory_space<vmem>>
    %dma_wait3A_302 = arith.constant 9440 : i32
    %dma_wait3A_303 = tpu.memref_slice %arg6[%dma_wait3A_302] : memref<10000xi32, #tpu.memory_space<vmem>> -> memref<80xi32, #tpu.memory_space<vmem>>
    %dma_wait3A_304 = arith.constant 0 : i32
    %dma_wait3A_305 = arith.constant 0 : i32
    %dma_wait3A_306 = tpu.memref_slice %arg2[%dma_wait3A_304, %dma_wait3A_305] : memref<10000x64xbf16, #tpu.memory_space<hbm>> -> memref<10000x64xbf16, #tpu.memory_space<hbm>>
    tpu.wait_indirect_dma semaphore(%arg17 : memref<!tpu.dma_semaphore, #tpu.memory_space<semaphore_mem>>) src(%dma_wait3A_306 : memref<10000x64xbf16, #tpu.memory_space<hbm>>) dst(%dma_wait3A_301 : memref<80x64xbf16, #tpu.memory_space<vmem>>)
    %run_scoped3A_307 = arith.constant 6 : i32
    "tpu.region"() ({
      %run_scoped3A_445 = tpu.sem_alloc : memref<!tpu.dma_semaphore, #tpu.memory_space<semaphore_mem>>
      %dma_start3A_446 = arith.constant 0 : i32
      %dma_start3A_447 = arith.constant 0 : i32
      %dma_start3A_448 = tpu.memref_slice %arg8[%run_scoped3A_307, %dma_start3A_446, %dma_start3A_447] : memref<8x80x64xbf16, #tpu.memory_space<vmem>> -> memref<1x80x64xbf16, #tpu.memory_space<vmem>>
      %dma_start3A_449 = tpu.memref_squeeze %dma_start3A_448 : memref<1x80x64xbf16, #tpu.memory_space<vmem>> -> memref<80x64xbf16, #tpu.memory_space<vmem>>
      %dma_start3A_450 = arith.constant 9440 : i32
      %dma_start3A_451 = tpu.memref_slice %arg7[%dma_start3A_450] : memref<10000xi32, #tpu.memory_space<vmem>> -> memref<80xi32, #tpu.memory_space<vmem>>
      %dma_start3A_452 = arith.constant 0 : i32
      %dma_start3A_453 = arith.constant 0 : i32
      %dma_start3A_454 = tpu.memref_slice %arg19[%dma_start3A_452, %dma_start3A_453] : memref<10112x64xbf16, #tpu.memory_space<vmem_shared>> -> memref<10112x64xbf16, #tpu.memory_space<vmem_shared>>
      tpu.enqueue_indirect_dma source(%dma_start3A_449 : memref<80x64xbf16, #tpu.memory_space<vmem>>) target(%dma_start3A_454 : memref<10112x64xbf16, #tpu.memory_space<vmem_shared>>) offsets(%dma_start3A_451 : memref<80xi32, #tpu.memory_space<vmem>>) semaphore(%run_scoped3A_445 : memref<!tpu.dma_semaphore, #tpu.memory_space<semaphore_mem>>) {add = true}
      %dma_wait3A_455 = arith.constant 0 : i32
      %dma_wait3A_456 = arith.constant 0 : i32
      %dma_wait3A_457 = tpu.memref_slice %arg8[%run_scoped3A_307, %dma_wait3A_455, %dma_wait3A_456] : memref<8x80x64xbf16, #tpu.memory_space<vmem>> -> memref<1x80x64xbf16, #tpu.memory_space<vmem>>
      %dma_wait3A_458 = tpu.memref_squeeze %dma_wait3A_457 : memref<1x80x64xbf16, #tpu.memory_space<vmem>> -> memref<80x64xbf16, #tpu.memory_space<vmem>>
      %dma_wait3A_459 = arith.constant 9440 : i32
      %dma_wait3A_460 = tpu.memref_slice %arg7[%dma_wait3A_459] : memref<10000xi32, #tpu.memory_space<vmem>> -> memref<80xi32, #tpu.memory_space<vmem>>
      %dma_wait3A_461 = arith.constant 0 : i32
      %dma_wait3A_462 = arith.constant 0 : i32
      %dma_wait3A_463 = tpu.memref_slice %arg19[%dma_wait3A_461, %dma_wait3A_462] : memref<10112x64xbf16, #tpu.memory_space<vmem_shared>> -> memref<10112x64xbf16, #tpu.memory_space<vmem_shared>>
      tpu.wait_indirect_dma semaphore(%run_scoped3A_445 : memref<!tpu.dma_semaphore, #tpu.memory_space<semaphore_mem>>) src(%dma_wait3A_458 : memref<80x64xbf16, #tpu.memory_space<vmem>>) dst(%dma_wait3A_463 : memref<10112x64xbf16, #tpu.memory_space<vmem_shared>>)
      tpu.yield
    }) : () -> ()
    %get3A_308 = arith.constant 9440 : index
    %get3A_309 = tpu.vector_load %arg7[%get3A_308] {strides = array<i32>} : memref<10000xi32, #tpu.memory_space<vmem>>, vector<16xi32>,
    tpu.vector_store_idx %arg10[%get3A_309], %broadcast_in_dim3A_8 {add = true} : memref<10000xf32, #tpu.memory_space<vmem>>[vector<16xi32>], vector<16xf32>,
    %get3A_310 = arith.constant 9456 : index
    %get3A_311 = tpu.vector_load %arg7[%get3A_310] {strides = array<i32>} : memref<10000xi32, #tpu.memory_space<vmem>>, vector<16xi32>,
    tpu.vector_store_idx %arg10[%get3A_311], %broadcast_in_dim3A_8 {add = true} : memref<10000xf32, #tpu.memory_space<vmem>>[vector<16xi32>], vector<16xf32>,
    %get3A_312 = arith.constant 9472 : index
    %get3A_313 = tpu.vector_load %arg7[%get3A_312] {strides = array<i32>} : memref<10000xi32, #tpu.memory_space<vmem>>, vector<16xi32>,
    tpu.vector_store_idx %arg10[%get3A_313], %broadcast_in_dim3A_8 {add = true} : memref<10000xf32, #tpu.memory_space<vmem>>[vector<16xi32>], vector<16xf32>,
    %get3A_314 = arith.constant 9488 : index
    %get3A_315 = tpu.vector_load %arg7[%get3A_314] {strides = array<i32>} : memref<10000xi32, #tpu.memory_space<vmem>>, vector<16xi32>,
    tpu.vector_store_idx %arg10[%get3A_315], %broadcast_in_dim3A_8 {add = true} : memref<10000xf32, #tpu.memory_space<vmem>>[vector<16xi32>], vector<16xf32>,
    %get3A_316 = arith.constant 9504 : index
    %get3A_317 = tpu.vector_load %arg7[%get3A_316] {strides = array<i32>} : memref<10000xi32, #tpu.memory_space<vmem>>, vector<16xi32>,
    tpu.vector_store_idx %arg10[%get3A_317], %broadcast_in_dim3A_8 {add = true} : memref<10000xf32, #tpu.memory_space<vmem>>[vector<16xi32>], vector<16xf32>,
    %dma_wait3A_318 = arith.constant 7 : i32
    %dma_wait3A_319 = arith.constant 0 : i32
    %dma_wait3A_320 = arith.constant 0 : i32
    %dma_wait3A_321 = tpu.memref_slice %arg8[%dma_wait3A_318, %dma_wait3A_319, %dma_wait3A_320] : memref<8x80x64xbf16, #tpu.memory_space<vmem>> -> memref<1x80x64xbf16, #tpu.memory_space<vmem>>
    %dma_wait3A_322 = tpu.memref_squeeze %dma_wait3A_321 : memref<1x80x64xbf16, #tpu.memory_space<vmem>> -> memref<80x64xbf16, #tpu.memory_space<vmem>>
    %dma_wait3A_323 = arith.constant 9520 : i32
    %dma_wait3A_324 = tpu.memref_slice %arg6[%dma_wait3A_323] : memref<10000xi32, #tpu.memory_space<vmem>> -> memref<80xi32, #tpu.memory_space<vmem>>
    %dma_wait3A_325 = arith.constant 0 : i32
    %dma_wait3A_326 = arith.constant 0 : i32
    %dma_wait3A_327 = tpu.memref_slice %arg2[%dma_wait3A_325, %dma_wait3A_326] : memref<10000x64xbf16, #tpu.memory_space<hbm>> -> memref<10000x64xbf16, #tpu.memory_space<hbm>>
    tpu.wait_indirect_dma semaphore(%arg18 : memref<!tpu.dma_semaphore, #tpu.memory_space<semaphore_mem>>) src(%dma_wait3A_327 : memref<10000x64xbf16, #tpu.memory_space<hbm>>) dst(%dma_wait3A_322 : memref<80x64xbf16, #tpu.memory_space<vmem>>)
    %run_scoped3A_328 = arith.constant 7 : i32
    "tpu.region"() ({
      %run_scoped3A_445 = tpu.sem_alloc : memref<!tpu.dma_semaphore, #tpu.memory_space<semaphore_mem>>
      %dma_start3A_446 = arith.constant 0 : i32
      %dma_start3A_447 = arith.constant 0 : i32
      %dma_start3A_448 = tpu.memref_slice %arg8[%run_scoped3A_328, %dma_start3A_446, %dma_start3A_447] : memref<8x80x64xbf16, #tpu.memory_space<vmem>> -> memref<1x80x64xbf16, #tpu.memory_space<vmem>>
      %dma_start3A_449 = tpu.memref_squeeze %dma_start3A_448 : memref<1x80x64xbf16, #tpu.memory_space<vmem>> -> memref<80x64xbf16, #tpu.memory_space<vmem>>
      %dma_start3A_450 = arith.constant 9520 : i32
      %dma_start3A_451 = tpu.memref_slice %arg7[%dma_start3A_450] : memref<10000xi32, #tpu.memory_space<vmem>> -> memref<80xi32, #tpu.memory_space<vmem>>
      %dma_start3A_452 = arith.constant 0 : i32
      %dma_start3A_453 = arith.constant 0 : i32
      %dma_start3A_454 = tpu.memref_slice %arg19[%dma_start3A_452, %dma_start3A_453] : memref<10112x64xbf16, #tpu.memory_space<vmem_shared>> -> memref<10112x64xbf16, #tpu.memory_space<vmem_shared>>
      tpu.enqueue_indirect_dma source(%dma_start3A_449 : memref<80x64xbf16, #tpu.memory_space<vmem>>) target(%dma_start3A_454 : memref<10112x64xbf16, #tpu.memory_space<vmem_shared>>) offsets(%dma_start3A_451 : memref<80xi32, #tpu.memory_space<vmem>>) semaphore(%run_scoped3A_445 : memref<!tpu.dma_semaphore, #tpu.memory_space<semaphore_mem>>) {add = true}
      %dma_wait3A_455 = arith.constant 0 : i32
      %dma_wait3A_456 = arith.constant 0 : i32
      %dma_wait3A_457 = tpu.memref_slice %arg8[%run_scoped3A_328, %dma_wait3A_455, %dma_wait3A_456] : memref<8x80x64xbf16, #tpu.memory_space<vmem>> -> memref<1x80x64xbf16, #tpu.memory_space<vmem>>
      %dma_wait3A_458 = tpu.memref_squeeze %dma_wait3A_457 : memref<1x80x64xbf16, #tpu.memory_space<vmem>> -> memref<80x64xbf16, #tpu.memory_space<vmem>>
      %dma_wait3A_459 = arith.constant 9520 : i32
      %dma_wait3A_460 = tpu.memref_slice %arg7[%dma_wait3A_459] : memref<10000xi32, #tpu.memory_space<vmem>> -> memref<80xi32, #tpu.memory_space<vmem>>
      %dma_wait3A_461 = arith.constant 0 : i32
      %dma_wait3A_462 = arith.constant 0 : i32
      %dma_wait3A_463 = tpu.memref_slice %arg19[%dma_wait3A_461, %dma_wait3A_462] : memref<10112x64xbf16, #tpu.memory_space<vmem_shared>> -> memref<10112x64xbf16, #tpu.memory_space<vmem_shared>>
      tpu.wait_indirect_dma semaphore(%run_scoped3A_445 : memref<!tpu.dma_semaphore, #tpu.memory_space<semaphore_mem>>) src(%dma_wait3A_458 : memref<80x64xbf16, #tpu.memory_space<vmem>>) dst(%dma_wait3A_463 : memref<10112x64xbf16, #tpu.memory_space<vmem_shared>>)
      tpu.yield
    }) : () -> ()
    %get3A_329 = arith.constant 9520 : index
    %get3A_330 = tpu.vector_load %arg7[%get3A_329] {strides = array<i32>} : memref<10000xi32, #tpu.memory_space<vmem>>, vector<16xi32>,
    tpu.vector_store_idx %arg10[%get3A_330], %broadcast_in_dim3A_8 {add = true} : memref<10000xf32, #tpu.memory_space<vmem>>[vector<16xi32>], vector<16xf32>,
    %get3A_331 = arith.constant 9536 : index
    %get3A_332 = tpu.vector_load %arg7[%get3A_331] {strides = array<i32>} : memref<10000xi32, #tpu.memory_space<vmem>>, vector<16xi32>,
    tpu.vector_store_idx %arg10[%get3A_332], %broadcast_in_dim3A_8 {add = true} : memref<10000xf32, #tpu.memory_space<vmem>>[vector<16xi32>], vector<16xf32>,
    %get3A_333 = arith.constant 9552 : index
    %get3A_334 = tpu.vector_load %arg7[%get3A_333] {strides = array<i32>} : memref<10000xi32, #tpu.memory_space<vmem>>, vector<16xi32>,
    tpu.vector_store_idx %arg10[%get3A_334], %broadcast_in_dim3A_8 {add = true} : memref<10000xf32, #tpu.memory_space<vmem>>[vector<16xi32>], vector<16xf32>,
    %get3A_335 = arith.constant 9568 : index
    %get3A_336 = tpu.vector_load %arg7[%get3A_335] {strides = array<i32>} : memref<10000xi32, #tpu.memory_space<vmem>>, vector<16xi32>,
    tpu.vector_store_idx %arg10[%get3A_336], %broadcast_in_dim3A_8 {add = true} : memref<10000xf32, #tpu.memory_space<vmem>>[vector<16xi32>], vector<16xf32>,
    %get3A_337 = arith.constant 9584 : index
    %get3A_338 = tpu.vector_load %arg7[%get3A_337] {strides = array<i32>} : memref<10000xi32, #tpu.memory_space<vmem>>, vector<16xi32>,
    tpu.vector_store_idx %arg10[%get3A_338], %broadcast_in_dim3A_8 {add = true} : memref<10000xf32, #tpu.memory_space<vmem>>[vector<16xi32>], vector<16xf32>,
    %dma_wait3A_339 = arith.constant 0 : i32
    %dma_wait3A_340 = arith.constant 0 : i32
    %dma_wait3A_341 = arith.constant 0 : i32
    %dma_wait3A_342 = tpu.memref_slice %arg8[%dma_wait3A_339, %dma_wait3A_340, %dma_wait3A_341] : memref<8x80x64xbf16, #tpu.memory_space<vmem>> -> memref<1x80x64xbf16, #tpu.memory_space<vmem>>
    %dma_wait3A_343 = tpu.memref_squeeze %dma_wait3A_342 : memref<1x80x64xbf16, #tpu.memory_space<vmem>> -> memref<80x64xbf16, #tpu.memory_space<vmem>>
    %dma_wait3A_344 = arith.constant 9600 : i32
    %dma_wait3A_345 = tpu.memref_slice %arg6[%dma_wait3A_344] : memref<10000xi32, #tpu.memory_space<vmem>> -> memref<80xi32, #tpu.memory_space<vmem>>
    %dma_wait3A_346 = arith.constant 0 : i32
    %dma_wait3A_347 = arith.constant 0 : i32
    %dma_wait3A_348 = tpu.memref_slice %arg2[%dma_wait3A_346, %dma_wait3A_347] : memref<10000x64xbf16, #tpu.memory_space<hbm>> -> memref<10000x64xbf16, #tpu.memory_space<hbm>>
    tpu.wait_indirect_dma semaphore(%arg11 : memref<!tpu.dma_semaphore, #tpu.memory_space<semaphore_mem>>) src(%dma_wait3A_348 : memref<10000x64xbf16, #tpu.memory_space<hbm>>) dst(%dma_wait3A_343 : memref<80x64xbf16, #tpu.memory_space<vmem>>)
    %run_scoped3A_349 = arith.constant 0 : i32
    "tpu.region"() ({
      %run_scoped3A_445 = tpu.sem_alloc : memref<!tpu.dma_semaphore, #tpu.memory_space<semaphore_mem>>
      %dma_start3A_446 = arith.constant 0 : i32
      %dma_start3A_447 = arith.constant 0 : i32
      %dma_start3A_448 = tpu.memref_slice %arg8[%run_scoped3A_349, %dma_start3A_446, %dma_start3A_447] : memref<8x80x64xbf16, #tpu.memory_space<vmem>> -> memref<1x80x64xbf16, #tpu.memory_space<vmem>>
      %dma_start3A_449 = tpu.memref_squeeze %dma_start3A_448 : memref<1x80x64xbf16, #tpu.memory_space<vmem>> -> memref<80x64xbf16, #tpu.memory_space<vmem>>
      %dma_start3A_450 = arith.constant 9600 : i32
      %dma_start3A_451 = tpu.memref_slice %arg7[%dma_start3A_450] : memref<10000xi32, #tpu.memory_space<vmem>> -> memref<80xi32, #tpu.memory_space<vmem>>
      %dma_start3A_452 = arith.constant 0 : i32
      %dma_start3A_453 = arith.constant 0 : i32
      %dma_start3A_454 = tpu.memref_slice %arg19[%dma_start3A_452, %dma_start3A_453] : memref<10112x64xbf16, #tpu.memory_space<vmem_shared>> -> memref<10112x64xbf16, #tpu.memory_space<vmem_shared>>
      tpu.enqueue_indirect_dma source(%dma_start3A_449 : memref<80x64xbf16, #tpu.memory_space<vmem>>) target(%dma_start3A_454 : memref<10112x64xbf16, #tpu.memory_space<vmem_shared>>) offsets(%dma_start3A_451 : memref<80xi32, #tpu.memory_space<vmem>>) semaphore(%run_scoped3A_445 : memref<!tpu.dma_semaphore, #tpu.memory_space<semaphore_mem>>) {add = true}
      %dma_wait3A_455 = arith.constant 0 : i32
      %dma_wait3A_456 = arith.constant 0 : i32
      %dma_wait3A_457 = tpu.memref_slice %arg8[%run_scoped3A_349, %dma_wait3A_455, %dma_wait3A_456] : memref<8x80x64xbf16, #tpu.memory_space<vmem>> -> memref<1x80x64xbf16, #tpu.memory_space<vmem>>
      %dma_wait3A_458 = tpu.memref_squeeze %dma_wait3A_457 : memref<1x80x64xbf16, #tpu.memory_space<vmem>> -> memref<80x64xbf16, #tpu.memory_space<vmem>>
      %dma_wait3A_459 = arith.constant 9600 : i32
      %dma_wait3A_460 = tpu.memref_slice %arg7[%dma_wait3A_459] : memref<10000xi32, #tpu.memory_space<vmem>> -> memref<80xi32, #tpu.memory_space<vmem>>
      %dma_wait3A_461 = arith.constant 0 : i32
      %dma_wait3A_462 = arith.constant 0 : i32
      %dma_wait3A_463 = tpu.memref_slice %arg19[%dma_wait3A_461, %dma_wait3A_462] : memref<10112x64xbf16, #tpu.memory_space<vmem_shared>> -> memref<10112x64xbf16, #tpu.memory_space<vmem_shared>>
      tpu.wait_indirect_dma semaphore(%run_scoped3A_445 : memref<!tpu.dma_semaphore, #tpu.memory_space<semaphore_mem>>) src(%dma_wait3A_458 : memref<80x64xbf16, #tpu.memory_space<vmem>>) dst(%dma_wait3A_463 : memref<10112x64xbf16, #tpu.memory_space<vmem_shared>>)
      tpu.yield
    }) : () -> ()
    %get3A_350 = arith.constant 9600 : index
    %get3A_351 = tpu.vector_load %arg7[%get3A_350] {strides = array<i32>} : memref<10000xi32, #tpu.memory_space<vmem>>, vector<16xi32>,
    tpu.vector_store_idx %arg10[%get3A_351], %broadcast_in_dim3A_8 {add = true} : memref<10000xf32, #tpu.memory_space<vmem>>[vector<16xi32>], vector<16xf32>,
    %get3A_352 = arith.constant 9616 : index
    %get3A_353 = tpu.vector_load %arg7[%get3A_352] {strides = array<i32>} : memref<10000xi32, #tpu.memory_space<vmem>>, vector<16xi32>,
    tpu.vector_store_idx %arg10[%get3A_353], %broadcast_in_dim3A_8 {add = true} : memref<10000xf32, #tpu.memory_space<vmem>>[vector<16xi32>], vector<16xf32>,
    %get3A_354 = arith.constant 9632 : index
    %get3A_355 = tpu.vector_load %arg7[%get3A_354] {strides = array<i32>} : memref<10000xi32, #tpu.memory_space<vmem>>, vector<16xi32>,
    tpu.vector_store_idx %arg10[%get3A_355], %broadcast_in_dim3A_8 {add = true} : memref<10000xf32, #tpu.memory_space<vmem>>[vector<16xi32>], vector<16xf32>,
    %get3A_356 = arith.constant 9648 : index
    %get3A_357 = tpu.vector_load %arg7[%get3A_356] {strides = array<i32>} : memref<10000xi32, #tpu.memory_space<vmem>>, vector<16xi32>,
    tpu.vector_store_idx %arg10[%get3A_357], %broadcast_in_dim3A_8 {add = true} : memref<10000xf32, #tpu.memory_space<vmem>>[vector<16xi32>], vector<16xf32>,
    %get3A_358 = arith.constant 9664 : index
    %get3A_359 = tpu.vector_load %arg7[%get3A_358] {strides = array<i32>} : memref<10000xi32, #tpu.memory_space<vmem>>, vector<16xi32>,
    tpu.vector_store_idx %arg10[%get3A_359], %broadcast_in_dim3A_8 {add = true} : memref<10000xf32, #tpu.memory_space<vmem>>[vector<16xi32>], vector<16xf32>,
    %dma_wait3A_360 = arith.constant 1 : i32
    %dma_wait3A_361 = arith.constant 0 : i32
    %dma_wait3A_362 = arith.constant 0 : i32
    %dma_wait3A_363 = tpu.memref_slice %arg8[%dma_wait3A_360, %dma_wait3A_361, %dma_wait3A_362] : memref<8x80x64xbf16, #tpu.memory_space<vmem>> -> memref<1x80x64xbf16, #tpu.memory_space<vmem>>
    %dma_wait3A_364 = tpu.memref_squeeze %dma_wait3A_363 : memref<1x80x64xbf16, #tpu.memory_space<vmem>> -> memref<80x64xbf16, #tpu.memory_space<vmem>>
    %dma_wait3A_365 = arith.constant 9680 : i32
    %dma_wait3A_366 = tpu.memref_slice %arg6[%dma_wait3A_365] : memref<10000xi32, #tpu.memory_space<vmem>> -> memref<80xi32, #tpu.memory_space<vmem>>
    %dma_wait3A_367 = arith.constant 0 : i32
    %dma_wait3A_368 = arith.constant 0 : i32
    %dma_wait3A_369 = tpu.memref_slice %arg2[%dma_wait3A_367, %dma_wait3A_368] : memref<10000x64xbf16, #tpu.memory_space<hbm>> -> memref<10000x64xbf16, #tpu.memory_space<hbm>>
    tpu.wait_indirect_dma semaphore(%arg12 : memref<!tpu.dma_semaphore, #tpu.memory_space<semaphore_mem>>) src(%dma_wait3A_369 : memref<10000x64xbf16, #tpu.memory_space<hbm>>) dst(%dma_wait3A_364 : memref<80x64xbf16, #tpu.memory_space<vmem>>)
    %run_scoped3A_370 = arith.constant 1 : i32
    "tpu.region"() ({
      %run_scoped3A_445 = tpu.sem_alloc : memref<!tpu.dma_semaphore, #tpu.memory_space<semaphore_mem>>
      %dma_start3A_446 = arith.constant 0 : i32
      %dma_start3A_447 = arith.constant 0 : i32
      %dma_start3A_448 = tpu.memref_slice %arg8[%run_scoped3A_370, %dma_start3A_446, %dma_start3A_447] : memref<8x80x64xbf16, #tpu.memory_space<vmem>> -> memref<1x80x64xbf16, #tpu.memory_space<vmem>>
      %dma_start3A_449 = tpu.memref_squeeze %dma_start3A_448 : memref<1x80x64xbf16, #tpu.memory_space<vmem>> -> memref<80x64xbf16, #tpu.memory_space<vmem>>
      %dma_start3A_450 = arith.constant 9680 : i32
      %dma_start3A_451 = tpu.memref_slice %arg7[%dma_start3A_450] : memref<10000xi32, #tpu.memory_space<vmem>> -> memref<80xi32, #tpu.memory_space<vmem>>
      %dma_start3A_452 = arith.constant 0 : i32
      %dma_start3A_453 = arith.constant 0 : i32
      %dma_start3A_454 = tpu.memref_slice %arg19[%dma_start3A_452, %dma_start3A_453] : memref<10112x64xbf16, #tpu.memory_space<vmem_shared>> -> memref<10112x64xbf16, #tpu.memory_space<vmem_shared>>
      tpu.enqueue_indirect_dma source(%dma_start3A_449 : memref<80x64xbf16, #tpu.memory_space<vmem>>) target(%dma_start3A_454 : memref<10112x64xbf16, #tpu.memory_space<vmem_shared>>) offsets(%dma_start3A_451 : memref<80xi32, #tpu.memory_space<vmem>>) semaphore(%run_scoped3A_445 : memref<!tpu.dma_semaphore, #tpu.memory_space<semaphore_mem>>) {add = true}
      %dma_wait3A_455 = arith.constant 0 : i32
      %dma_wait3A_456 = arith.constant 0 : i32
      %dma_wait3A_457 = tpu.memref_slice %arg8[%run_scoped3A_370, %dma_wait3A_455, %dma_wait3A_456] : memref<8x80x64xbf16, #tpu.memory_space<vmem>> -> memref<1x80x64xbf16, #tpu.memory_space<vmem>>
      %dma_wait3A_458 = tpu.memref_squeeze %dma_wait3A_457 : memref<1x80x64xbf16, #tpu.memory_space<vmem>> -> memref<80x64xbf16, #tpu.memory_space<vmem>>
      %dma_wait3A_459 = arith.constant 9680 : i32
      %dma_wait3A_460 = tpu.memref_slice %arg7[%dma_wait3A_459] : memref<10000xi32, #tpu.memory_space<vmem>> -> memref<80xi32, #tpu.memory_space<vmem>>
      %dma_wait3A_461 = arith.constant 0 : i32
      %dma_wait3A_462 = arith.constant 0 : i32
      %dma_wait3A_463 = tpu.memref_slice %arg19[%dma_wait3A_461, %dma_wait3A_462] : memref<10112x64xbf16, #tpu.memory_space<vmem_shared>> -> memref<10112x64xbf16, #tpu.memory_space<vmem_shared>>
      tpu.wait_indirect_dma semaphore(%run_scoped3A_445 : memref<!tpu.dma_semaphore, #tpu.memory_space<semaphore_mem>>) src(%dma_wait3A_458 : memref<80x64xbf16, #tpu.memory_space<vmem>>) dst(%dma_wait3A_463 : memref<10112x64xbf16, #tpu.memory_space<vmem_shared>>)
      tpu.yield
    }) : () -> ()
    %get3A_371 = arith.constant 9680 : index
    %get3A_372 = tpu.vector_load %arg7[%get3A_371] {strides = array<i32>} : memref<10000xi32, #tpu.memory_space<vmem>>, vector<16xi32>,
    tpu.vector_store_idx %arg10[%get3A_372], %broadcast_in_dim3A_8 {add = true} : memref<10000xf32, #tpu.memory_space<vmem>>[vector<16xi32>], vector<16xf32>,
    %get3A_373 = arith.constant 9696 : index
    %get3A_374 = tpu.vector_load %arg7[%get3A_373] {strides = array<i32>} : memref<10000xi32, #tpu.memory_space<vmem>>, vector<16xi32>,
    tpu.vector_store_idx %arg10[%get3A_374], %broadcast_in_dim3A_8 {add = true} : memref<10000xf32, #tpu.memory_space<vmem>>[vector<16xi32>], vector<16xf32>,
    %get3A_375 = arith.constant 9712 : index
    %get3A_376 = tpu.vector_load %arg7[%get3A_375] {strides = array<i32>} : memref<10000xi32, #tpu.memory_space<vmem>>, vector<16xi32>,
    tpu.vector_store_idx %arg10[%get3A_376], %broadcast_in_dim3A_8 {add = true} : memref<10000xf32, #tpu.memory_space<vmem>>[vector<16xi32>], vector<16xf32>,
    %get3A_377 = arith.constant 9728 : index
    %get3A_378 = tpu.vector_load %arg7[%get3A_377] {strides = array<i32>} : memref<10000xi32, #tpu.memory_space<vmem>>, vector<16xi32>,
    tpu.vector_store_idx %arg10[%get3A_378], %broadcast_in_dim3A_8 {add = true} : memref<10000xf32, #tpu.memory_space<vmem>>[vector<16xi32>], vector<16xf32>,
    %get3A_379 = arith.constant 9744 : index
    %get3A_380 = tpu.vector_load %arg7[%get3A_379] {strides = array<i32>} : memref<10000xi32, #tpu.memory_space<vmem>>, vector<16xi32>,
    tpu.vector_store_idx %arg10[%get3A_380], %broadcast_in_dim3A_8 {add = true} : memref<10000xf32, #tpu.memory_space<vmem>>[vector<16xi32>], vector<16xf32>,
    %dma_wait3A_381 = arith.constant 2 : i32
    %dma_wait3A_382 = arith.constant 0 : i32
    %dma_wait3A_383 = arith.constant 0 : i32
    %dma_wait3A_384 = tpu.memref_slice %arg8[%dma_wait3A_381, %dma_wait3A_382, %dma_wait3A_383] : memref<8x80x64xbf16, #tpu.memory_space<vmem>> -> memref<1x80x64xbf16, #tpu.memory_space<vmem>>
    %dma_wait3A_385 = tpu.memref_squeeze %dma_wait3A_384 : memref<1x80x64xbf16, #tpu.memory_space<vmem>> -> memref<80x64xbf16, #tpu.memory_space<vmem>>
    %dma_wait3A_386 = arith.constant 9760 : i32
    %dma_wait3A_387 = tpu.memref_slice %arg6[%dma_wait3A_386] : memref<10000xi32, #tpu.memory_space<vmem>> -> memref<80xi32, #tpu.memory_space<vmem>>
    %dma_wait3A_388 = arith.constant 0 : i32
    %dma_wait3A_389 = arith.constant 0 : i32
    %dma_wait3A_390 = tpu.memref_slice %arg2[%dma_wait3A_388, %dma_wait3A_389] : memref<10000x64xbf16, #tpu.memory_space<hbm>> -> memref<10000x64xbf16, #tpu.memory_space<hbm>>
    tpu.wait_indirect_dma semaphore(%arg13 : memref<!tpu.dma_semaphore, #tpu.memory_space<semaphore_mem>>) src(%dma_wait3A_390 : memref<10000x64xbf16, #tpu.memory_space<hbm>>) dst(%dma_wait3A_385 : memref<80x64xbf16, #tpu.memory_space<vmem>>)
    %run_scoped3A_391 = arith.constant 2 : i32
    "tpu.region"() ({
      %run_scoped3A_445 = tpu.sem_alloc : memref<!tpu.dma_semaphore, #tpu.memory_space<semaphore_mem>>
      %dma_start3A_446 = arith.constant 0 : i32
      %dma_start3A_447 = arith.constant 0 : i32
      %dma_start3A_448 = tpu.memref_slice %arg8[%run_scoped3A_391, %dma_start3A_446, %dma_start3A_447] : memref<8x80x64xbf16, #tpu.memory_space<vmem>> -> memref<1x80x64xbf16, #tpu.memory_space<vmem>>
      %dma_start3A_449 = tpu.memref_squeeze %dma_start3A_448 : memref<1x80x64xbf16, #tpu.memory_space<vmem>> -> memref<80x64xbf16, #tpu.memory_space<vmem>>
      %dma_start3A_450 = arith.constant 9760 : i32
      %dma_start3A_451 = tpu.memref_slice %arg7[%dma_start3A_450] : memref<10000xi32, #tpu.memory_space<vmem>> -> memref<80xi32, #tpu.memory_space<vmem>>
      %dma_start3A_452 = arith.constant 0 : i32
      %dma_start3A_453 = arith.constant 0 : i32
      %dma_start3A_454 = tpu.memref_slice %arg19[%dma_start3A_452, %dma_start3A_453] : memref<10112x64xbf16, #tpu.memory_space<vmem_shared>> -> memref<10112x64xbf16, #tpu.memory_space<vmem_shared>>
      tpu.enqueue_indirect_dma source(%dma_start3A_449 : memref<80x64xbf16, #tpu.memory_space<vmem>>) target(%dma_start3A_454 : memref<10112x64xbf16, #tpu.memory_space<vmem_shared>>) offsets(%dma_start3A_451 : memref<80xi32, #tpu.memory_space<vmem>>) semaphore(%run_scoped3A_445 : memref<!tpu.dma_semaphore, #tpu.memory_space<semaphore_mem>>) {add = true}
      %dma_wait3A_455 = arith.constant 0 : i32
      %dma_wait3A_456 = arith.constant 0 : i32
      %dma_wait3A_457 = tpu.memref_slice %arg8[%run_scoped3A_391, %dma_wait3A_455, %dma_wait3A_456] : memref<8x80x64xbf16, #tpu.memory_space<vmem>> -> memref<1x80x64xbf16, #tpu.memory_space<vmem>>
      %dma_wait3A_458 = tpu.memref_squeeze %dma_wait3A_457 : memref<1x80x64xbf16, #tpu.memory_space<vmem>> -> memref<80x64xbf16, #tpu.memory_space<vmem>>
      %dma_wait3A_459 = arith.constant 9760 : i32
      %dma_wait3A_460 = tpu.memref_slice %arg7[%dma_wait3A_459] : memref<10000xi32, #tpu.memory_space<vmem>> -> memref<80xi32, #tpu.memory_space<vmem>>
      %dma_wait3A_461 = arith.constant 0 : i32
      %dma_wait3A_462 = arith.constant 0 : i32
      %dma_wait3A_463 = tpu.memref_slice %arg19[%dma_wait3A_461, %dma_wait3A_462] : memref<10112x64xbf16, #tpu.memory_space<vmem_shared>> -> memref<10112x64xbf16, #tpu.memory_space<vmem_shared>>
      tpu.wait_indirect_dma semaphore(%run_scoped3A_445 : memref<!tpu.dma_semaphore, #tpu.memory_space<semaphore_mem>>) src(%dma_wait3A_458 : memref<80x64xbf16, #tpu.memory_space<vmem>>) dst(%dma_wait3A_463 : memref<10112x64xbf16, #tpu.memory_space<vmem_shared>>)
      tpu.yield
    }) : () -> ()
    %get3A_392 = arith.constant 9760 : index
    %get3A_393 = tpu.vector_load %arg7[%get3A_392] {strides = array<i32>} : memref<10000xi32, #tpu.memory_space<vmem>>, vector<16xi32>,
    tpu.vector_store_idx %arg10[%get3A_393], %broadcast_in_dim3A_8 {add = true} : memref<10000xf32, #tpu.memory_space<vmem>>[vector<16xi32>], vector<16xf32>,
    %get3A_394 = arith.constant 9776 : index
    %get3A_395 = tpu.vector_load %arg7[%get3A_394] {strides = array<i32>} : memref<10000xi32, #tpu.memory_space<vmem>>, vector<16xi32>,
    tpu.vector_store_idx %arg10[%get3A_395], %broadcast_in_dim3A_8 {add = true} : memref<10000xf32, #tpu.memory_space<vmem>>[vector<16xi32>], vector<16xf32>,
    %get3A_396 = arith.constant 9792 : index
    %get3A_397 = tpu.vector_load %arg7[%get3A_396] {strides = array<i32>} : memref<10000xi32, #tpu.memory_space<vmem>>, vector<16xi32>,
    tpu.vector_store_idx %arg10[%get3A_397], %broadcast_in_dim3A_8 {add = true} : memref<10000xf32, #tpu.memory_space<vmem>>[vector<16xi32>], vector<16xf32>,
    %get3A_398 = arith.constant 9808 : index
    %get3A_399 = tpu.vector_load %arg7[%get3A_398] {strides = array<i32>} : memref<10000xi32, #tpu.memory_space<vmem>>, vector<16xi32>,
    tpu.vector_store_idx %arg10[%get3A_399], %broadcast_in_dim3A_8 {add = true} : memref<10000xf32, #tpu.memory_space<vmem>>[vector<16xi32>], vector<16xf32>,
    %get3A_400 = arith.constant 9824 : index
    %get3A_401 = tpu.vector_load %arg7[%get3A_400] {strides = array<i32>} : memref<10000xi32, #tpu.memory_space<vmem>>, vector<16xi32>,
    tpu.vector_store_idx %arg10[%get3A_401], %broadcast_in_dim3A_8 {add = true} : memref<10000xf32, #tpu.memory_space<vmem>>[vector<16xi32>], vector<16xf32>,
    %dma_wait3A_402 = arith.constant 3 : i32
    %dma_wait3A_403 = arith.constant 0 : i32
    %dma_wait3A_404 = arith.constant 0 : i32
    %dma_wait3A_405 = tpu.memref_slice %arg8[%dma_wait3A_402, %dma_wait3A_403, %dma_wait3A_404] : memref<8x80x64xbf16, #tpu.memory_space<vmem>> -> memref<1x80x64xbf16, #tpu.memory_space<vmem>>
    %dma_wait3A_406 = tpu.memref_squeeze %dma_wait3A_405 : memref<1x80x64xbf16, #tpu.memory_space<vmem>> -> memref<80x64xbf16, #tpu.memory_space<vmem>>
    %dma_wait3A_407 = arith.constant 9840 : i32
    %dma_wait3A_408 = tpu.memref_slice %arg6[%dma_wait3A_407] : memref<10000xi32, #tpu.memory_space<vmem>> -> memref<80xi32, #tpu.memory_space<vmem>>
    %dma_wait3A_409 = arith.constant 0 : i32
    %dma_wait3A_410 = arith.constant 0 : i32
    %dma_wait3A_411 = tpu.memref_slice %arg2[%dma_wait3A_409, %dma_wait3A_410] : memref<10000x64xbf16, #tpu.memory_space<hbm>> -> memref<10000x64xbf16, #tpu.memory_space<hbm>>
    tpu.wait_indirect_dma semaphore(%arg14 : memref<!tpu.dma_semaphore, #tpu.memory_space<semaphore_mem>>) src(%dma_wait3A_411 : memref<10000x64xbf16, #tpu.memory_space<hbm>>) dst(%dma_wait3A_406 : memref<80x64xbf16, #tpu.memory_space<vmem>>)
    %run_scoped3A_412 = arith.constant 3 : i32
    "tpu.region"() ({
      %run_scoped3A_445 = tpu.sem_alloc : memref<!tpu.dma_semaphore, #tpu.memory_space<semaphore_mem>>
      %dma_start3A_446 = arith.constant 0 : i32
      %dma_start3A_447 = arith.constant 0 : i32
      %dma_start3A_448 = tpu.memref_slice %arg8[%run_scoped3A_412, %dma_start3A_446, %dma_start3A_447] : memref<8x80x64xbf16, #tpu.memory_space<vmem>> -> memref<1x80x64xbf16, #tpu.memory_space<vmem>>
      %dma_start3A_449 = tpu.memref_squeeze %dma_start3A_448 : memref<1x80x64xbf16, #tpu.memory_space<vmem>> -> memref<80x64xbf16, #tpu.memory_space<vmem>>
      %dma_start3A_450 = arith.constant 9840 : i32
      %dma_start3A_451 = tpu.memref_slice %arg7[%dma_start3A_450] : memref<10000xi32, #tpu.memory_space<vmem>> -> memref<80xi32, #tpu.memory_space<vmem>>
      %dma_start3A_452 = arith.constant 0 : i32
      %dma_start3A_453 = arith.constant 0 : i32
      %dma_start3A_454 = tpu.memref_slice %arg19[%dma_start3A_452, %dma_start3A_453] : memref<10112x64xbf16, #tpu.memory_space<vmem_shared>> -> memref<10112x64xbf16, #tpu.memory_space<vmem_shared>>
      tpu.enqueue_indirect_dma source(%dma_start3A_449 : memref<80x64xbf16, #tpu.memory_space<vmem>>) target(%dma_start3A_454 : memref<10112x64xbf16, #tpu.memory_space<vmem_shared>>) offsets(%dma_start3A_451 : memref<80xi32, #tpu.memory_space<vmem>>) semaphore(%run_scoped3A_445 : memref<!tpu.dma_semaphore, #tpu.memory_space<semaphore_mem>>) {add = true}
      %dma_wait3A_455 = arith.constant 0 : i32
      %dma_wait3A_456 = arith.constant 0 : i32
      %dma_wait3A_457 = tpu.memref_slice %arg8[%run_scoped3A_412, %dma_wait3A_455, %dma_wait3A_456] : memref<8x80x64xbf16, #tpu.memory_space<vmem>> -> memref<1x80x64xbf16, #tpu.memory_space<vmem>>
      %dma_wait3A_458 = tpu.memref_squeeze %dma_wait3A_457 : memref<1x80x64xbf16, #tpu.memory_space<vmem>> -> memref<80x64xbf16, #tpu.memory_space<vmem>>
      %dma_wait3A_459 = arith.constant 9840 : i32
      %dma_wait3A_460 = tpu.memref_slice %arg7[%dma_wait3A_459] : memref<10000xi32, #tpu.memory_space<vmem>> -> memref<80xi32, #tpu.memory_space<vmem>>
      %dma_wait3A_461 = arith.constant 0 : i32
      %dma_wait3A_462 = arith.constant 0 : i32
      %dma_wait3A_463 = tpu.memref_slice %arg19[%dma_wait3A_461, %dma_wait3A_462] : memref<10112x64xbf16, #tpu.memory_space<vmem_shared>> -> memref<10112x64xbf16, #tpu.memory_space<vmem_shared>>
      tpu.wait_indirect_dma semaphore(%run_scoped3A_445 : memref<!tpu.dma_semaphore, #tpu.memory_space<semaphore_mem>>) src(%dma_wait3A_458 : memref<80x64xbf16, #tpu.memory_space<vmem>>) dst(%dma_wait3A_463 : memref<10112x64xbf16, #tpu.memory_space<vmem_shared>>)
      tpu.yield
    }) : () -> ()
    %get3A_413 = arith.constant 9840 : index
    %get3A_414 = tpu.vector_load %arg7[%get3A_413] {strides = array<i32>} : memref<10000xi32, #tpu.memory_space<vmem>>, vector<16xi32>,
    tpu.vector_store_idx %arg10[%get3A_414], %broadcast_in_dim3A_8 {add = true} : memref<10000xf32, #tpu.memory_space<vmem>>[vector<16xi32>], vector<16xf32>,
    %get3A_415 = arith.constant 9856 : index
    %get3A_416 = tpu.vector_load %arg7[%get3A_415] {strides = array<i32>} : memref<10000xi32, #tpu.memory_space<vmem>>, vector<16xi32>,
    tpu.vector_store_idx %arg10[%get3A_416], %broadcast_in_dim3A_8 {add = true} : memref<10000xf32, #tpu.memory_space<vmem>>[vector<16xi32>], vector<16xf32>,
    %get3A_417 = arith.constant 9872 : index
    %get3A_418 = tpu.vector_load %arg7[%get3A_417] {strides = array<i32>} : memref<10000xi32, #tpu.memory_space<vmem>>, vector<16xi32>,
    tpu.vector_store_idx %arg10[%get3A_418], %broadcast_in_dim3A_8 {add = true} : memref<10000xf32, #tpu.memory_space<vmem>>[vector<16xi32>], vector<16xf32>,
    %get3A_419 = arith.constant 9888 : index
    %get3A_420 = tpu.vector_load %arg7[%get3A_419] {strides = array<i32>} : memref<10000xi32, #tpu.memory_space<vmem>>, vector<16xi32>,
    tpu.vector_store_idx %arg10[%get3A_420], %broadcast_in_dim3A_8 {add = true} : memref<10000xf32, #tpu.memory_space<vmem>>[vector<16xi32>], vector<16xf32>,
    %get3A_421 = arith.constant 9904 : index
    %get3A_422 = tpu.vector_load %arg7[%get3A_421] {strides = array<i32>} : memref<10000xi32, #tpu.memory_space<vmem>>, vector<16xi32>,
    tpu.vector_store_idx %arg10[%get3A_422], %broadcast_in_dim3A_8 {add = true} : memref<10000xf32, #tpu.memory_space<vmem>>[vector<16xi32>], vector<16xf32>,
    %dma_wait3A_423 = arith.constant 4 : i32
    %dma_wait3A_424 = arith.constant 0 : i32
    %dma_wait3A_425 = arith.constant 0 : i32
    %dma_wait3A_426 = tpu.memref_slice %arg8[%dma_wait3A_423, %dma_wait3A_424, %dma_wait3A_425] : memref<8x80x64xbf16, #tpu.memory_space<vmem>> -> memref<1x80x64xbf16, #tpu.memory_space<vmem>>
    %dma_wait3A_427 = tpu.memref_squeeze %dma_wait3A_426 : memref<1x80x64xbf16, #tpu.memory_space<vmem>> -> memref<80x64xbf16, #tpu.memory_space<vmem>>
    %dma_wait3A_428 = arith.constant 9920 : i32
    %dma_wait3A_429 = tpu.memref_slice %arg6[%dma_wait3A_428] : memref<10000xi32, #tpu.memory_space<vmem>> -> memref<80xi32, #tpu.memory_space<vmem>>
    %dma_wait3A_430 = arith.constant 0 : i32
    %dma_wait3A_431 = arith.constant 0 : i32
    %dma_wait3A_432 = tpu.memref_slice %arg2[%dma_wait3A_430, %dma_wait3A_431] : memref<10000x64xbf16, #tpu.memory_space<hbm>> -> memref<10000x64xbf16, #tpu.memory_space<hbm>>
    tpu.wait_indirect_dma semaphore(%arg15 : memref<!tpu.dma_semaphore, #tpu.memory_space<semaphore_mem>>) src(%dma_wait3A_432 : memref<10000x64xbf16, #tpu.memory_space<hbm>>) dst(%dma_wait3A_427 : memref<80x64xbf16, #tpu.memory_space<vmem>>)
    %run_scoped3A_433 = arith.constant 4 : i32
    "tpu.region"() ({
      %run_scoped3A_445 = tpu.sem_alloc : memref<!tpu.dma_semaphore, #tpu.memory_space<semaphore_mem>>
      %dma_start3A_446 = arith.constant 0 : i32
      %dma_start3A_447 = arith.constant 0 : i32
      %dma_start3A_448 = tpu.memref_slice %arg8[%run_scoped3A_433, %dma_start3A_446, %dma_start3A_447] : memref<8x80x64xbf16, #tpu.memory_space<vmem>> -> memref<1x80x64xbf16, #tpu.memory_space<vmem>>
      %dma_start3A_449 = tpu.memref_squeeze %dma_start3A_448 : memref<1x80x64xbf16, #tpu.memory_space<vmem>> -> memref<80x64xbf16, #tpu.memory_space<vmem>>
      %dma_start3A_450 = arith.constant 9920 : i32
      %dma_start3A_451 = tpu.memref_slice %arg7[%dma_start3A_450] : memref<10000xi32, #tpu.memory_space<vmem>> -> memref<80xi32, #tpu.memory_space<vmem>>
      %dma_start3A_452 = arith.constant 0 : i32
      %dma_start3A_453 = arith.constant 0 : i32
      %dma_start3A_454 = tpu.memref_slice %arg19[%dma_start3A_452, %dma_start3A_453] : memref<10112x64xbf16, #tpu.memory_space<vmem_shared>> -> memref<10112x64xbf16, #tpu.memory_space<vmem_shared>>
      tpu.enqueue_indirect_dma source(%dma_start3A_449 : memref<80x64xbf16, #tpu.memory_space<vmem>>) target(%dma_start3A_454 : memref<10112x64xbf16, #tpu.memory_space<vmem_shared>>) offsets(%dma_start3A_451 : memref<80xi32, #tpu.memory_space<vmem>>) semaphore(%run_scoped3A_445 : memref<!tpu.dma_semaphore, #tpu.memory_space<semaphore_mem>>) {add = true}
      %dma_wait3A_455 = arith.constant 0 : i32
      %dma_wait3A_456 = arith.constant 0 : i32
      %dma_wait3A_457 = tpu.memref_slice %arg8[%run_scoped3A_433, %dma_wait3A_455, %dma_wait3A_456] : memref<8x80x64xbf16, #tpu.memory_space<vmem>> -> memref<1x80x64xbf16, #tpu.memory_space<vmem>>
      %dma_wait3A_458 = tpu.memref_squeeze %dma_wait3A_457 : memref<1x80x64xbf16, #tpu.memory_space<vmem>> -> memref<80x64xbf16, #tpu.memory_space<vmem>>
      %dma_wait3A_459 = arith.constant 9920 : i32
      %dma_wait3A_460 = tpu.memref_slice %arg7[%dma_wait3A_459] : memref<10000xi32, #tpu.memory_space<vmem>> -> memref<80xi32, #tpu.memory_space<vmem>>
      %dma_wait3A_461 = arith.constant 0 : i32
      %dma_wait3A_462 = arith.constant 0 : i32
      %dma_wait3A_463 = tpu.memref_slice %arg19[%dma_wait3A_461, %dma_wait3A_462] : memref<10112x64xbf16, #tpu.memory_space<vmem_shared>> -> memref<10112x64xbf16, #tpu.memory_space<vmem_shared>>
      tpu.wait_indirect_dma semaphore(%run_scoped3A_445 : memref<!tpu.dma_semaphore, #tpu.memory_space<semaphore_mem>>) src(%dma_wait3A_458 : memref<80x64xbf16, #tpu.memory_space<vmem>>) dst(%dma_wait3A_463 : memref<10112x64xbf16, #tpu.memory_space<vmem_shared>>)
      tpu.yield
    }) : () -> ()
    %get3A_434 = arith.constant 9920 : index
    %get3A_435 = tpu.vector_load %arg7[%get3A_434] {strides = array<i32>} : memref<10000xi32, #tpu.memory_space<vmem>>, vector<16xi32>,
    tpu.vector_store_idx %arg10[%get3A_435], %broadcast_in_dim3A_8 {add = true} : memref<10000xf32, #tpu.memory_space<vmem>>[vector<16xi32>], vector<16xf32>,
    %get3A_436 = arith.constant 9936 : index
    %get3A_437 = tpu.vector_load %arg7[%get3A_436] {strides = array<i32>} : memref<10000xi32, #tpu.memory_space<vmem>>, vector<16xi32>,
    tpu.vector_store_idx %arg10[%get3A_437], %broadcast_in_dim3A_8 {add = true} : memref<10000xf32, #tpu.memory_space<vmem>>[vector<16xi32>], vector<16xf32>,
    %get3A_438 = arith.constant 9952 : index
    %get3A_439 = tpu.vector_load %arg7[%get3A_438] {strides = array<i32>} : memref<10000xi32, #tpu.memory_space<vmem>>, vector<16xi32>,
    tpu.vector_store_idx %arg10[%get3A_439], %broadcast_in_dim3A_8 {add = true} : memref<10000xf32, #tpu.memory_space<vmem>>[vector<16xi32>], vector<16xf32>,
    %get3A_440 = arith.constant 9968 : index
    %get3A_441 = tpu.vector_load %arg7[%get3A_440] {strides = array<i32>} : memref<10000xi32, #tpu.memory_space<vmem>>, vector<16xi32>,
    tpu.vector_store_idx %arg10[%get3A_441], %broadcast_in_dim3A_8 {add = true} : memref<10000xf32, #tpu.memory_space<vmem>>[vector<16xi32>], vector<16xf32>,
    %get3A_442 = arith.constant 9984 : index
    %get3A_443 = tpu.vector_load %arg7[%get3A_442] {strides = array<i32>} : memref<10000xi32, #tpu.memory_space<vmem>>, vector<16xi32>,
    tpu.vector_store_idx %arg10[%get3A_443], %broadcast_in_dim3A_8 {add = true} : memref<10000xf32, #tpu.memory_space<vmem>>[vector<16xi32>], vector<16xf32>,
    %barrier3A_444 = arith.constant 0 : index
    tpu.barrier barrier_id(%barrier3A_444)
    "tpu.region"() ({
      %run_scoped3A_445 = tpu.sem_alloc : memref<!tpu.dma_semaphore, #tpu.memory_space<semaphore_mem>>
      %dma_start3A_446 = arith.constant 0 : i32
      %dma_start3A_447 = tpu.memref_slice %arg4[%arg0, %mul3A_21, %dma_start3A_446] : memref<2x10112x64xbf16, #tpu.memory_space<hbm>> -> memref<1x632x64xbf16, #tpu.memory_space<hbm>>
      %dma_start3A_448 = tpu.memref_squeeze %dma_start3A_447 : memref<1x632x64xbf16, #tpu.memory_space<hbm>> -> memref<632x64xbf16, #tpu.memory_space<hbm>>
      %dma_start3A_449 = arith.constant 0 : i32
      %dma_start3A_450 = tpu.memref_slice %arg19[%mul3A_21, %dma_start3A_449] : memref<10112x64xbf16, #tpu.memory_space<vmem_shared>> -> memref<632x64xbf16, #tpu.memory_space<vmem_shared>>
      tpu.enqueue_dma source(%dma_start3A_450 : memref<632x64xbf16, #tpu.memory_space<vmem_shared>>) target(%dma_start3A_448 : memref<632x64xbf16, #tpu.memory_space<hbm>>) target_semaphore(%run_scoped3A_445 : memref<!tpu.dma_semaphore, #tpu.memory_space<semaphore_mem>>)
      %dma_wait3A_451 = arith.constant 0 : i32
      %dma_wait3A_452 = tpu.memref_slice %arg4[%arg0, %mul3A_21, %dma_wait3A_451] : memref<2x10112x64xbf16, #tpu.memory_space<hbm>> -> memref<1x632x64xbf16, #tpu.memory_space<hbm>>
      %dma_wait3A_453 = tpu.memref_squeeze %dma_wait3A_452 : memref<1x632x64xbf16, #tpu.memory_space<hbm>> -> memref<632x64xbf16, #tpu.memory_space<hbm>>
      %dma_wait3A_454 = arith.constant 0 : i32
      %dma_wait3A_455 = tpu.memref_slice %arg19[%mul3A_21, %dma_wait3A_454] : memref<10112x64xbf16, #tpu.memory_space<vmem_shared>> -> memref<632x64xbf16, #tpu.memory_space<vmem_shared>>
      tpu.wait_dma2 semaphore(%run_scoped3A_445 : memref<!tpu.dma_semaphore, #tpu.memory_space<semaphore_mem>>) src(%dma_wait3A_455 : memref<632x64xbf16, #tpu.memory_space<vmem_shared>>) dst(%dma_wait3A_453 : memref<632x64xbf16, #tpu.memory_space<hbm>>)
      tpu.yield
    }) : () -> ()
    "tpu.region"() ({
      %run_scoped3A_445 = tpu.sem_alloc : memref<!tpu.dma_semaphore, #tpu.memory_space<semaphore_mem>>
      %dma_start3A_446 = arith.constant 0 : i32
      %dma_start3A_447 = tpu.memref_slice %arg5[%arg0, %arg1, %dma_start3A_446] : memref<2x16x10000xf32, #tpu.memory_space<hbm>> -> memref<1x1x10000xf32, #tpu.memory_space<hbm>>
      %dma_start3A_448 = tpu.memref_squeeze %dma_start3A_447 : memref<1x1x10000xf32, #tpu.memory_space<hbm>> -> memref<10000xf32, #tpu.memory_space<hbm>>
      %dma_start3A_449 = arith.constant 0 : i32
      %dma_start3A_450 = tpu.memref_slice %arg5[%arg0, %arg1, %dma_start3A_449] : memref<2x16x10000xf32, #tpu.memory_space<hbm>> -> memref<1x1x10000xf32, #tpu.memory_space<hbm>>
      %dma_start3A_451 = tpu.memref_squeeze %dma_start3A_450 : memref<1x1x10000xf32, #tpu.memory_space<hbm>> -> memref<10000xf32, #tpu.memory_space<hbm>>
      tpu.enqueue_dma source(%arg10 : memref<10000xf32, #tpu.memory_space<vmem>>) target(%dma_start3A_451 : memref<10000xf32, #tpu.memory_space<hbm>>) target_semaphore(%run_scoped3A_445 : memref<!tpu.dma_semaphore, #tpu.memory_space<semaphore_mem>>)
      %dma_wait3A_452 = arith.constant 0 : i32
      %dma_wait3A_453 = tpu.memref_slice %arg5[%arg0, %arg1, %dma_wait3A_452] : memref<2x16x10000xf32, #tpu.memory_space<hbm>> -> memref<1x1x10000xf32, #tpu.memory_space<hbm>>
      %dma_wait3A_454 = tpu.memref_squeeze %dma_wait3A_453 : memref<1x1x10000xf32, #tpu.memory_space<hbm>> -> memref<10000xf32, #tpu.memory_space<hbm>>
      %dma_wait3A_455 = arith.constant 0 : i32
      %dma_wait3A_456 = tpu.memref_slice %arg5[%arg0, %arg1, %dma_wait3A_455] : memref<2x16x10000xf32, #tpu.memory_space<hbm>> -> memref<1x1x10000xf32, #tpu.memory_space<hbm>>
      %dma_wait3A_457 = tpu.memref_squeeze %dma_wait3A_456 : memref<1x1x10000xf32, #tpu.memory_space<hbm>> -> memref<10000xf32, #tpu.memory_space<hbm>>
      tpu.wait_dma2 semaphore(%run_scoped3A_445 : memref<!tpu.dma_semaphore, #tpu.memory_space<semaphore_mem>>) src(%arg10 : memref<10000xf32, #tpu.memory_space<vmem>>) dst(%dma_wait3A_457 : memref<10000xf32, #tpu.memory_space<hbm>>)
      tpu.yield
    }) : () -> ()
    return
  }
}

#map = affine_map<(d0, d1) -> (0, 0)>
#map1 = affine_map<(d0, d1) -> (0, 0, 0)>
module attributes {stable_mosaic.version = 14 : i64} {
  func.func @body(%arg0: i32, %arg1: i32, %arg2: memref<10000x128xbf16, #tpu.memory_space<hbm>>, %arg3: memref<2x320000xi32, #tpu.memory_space<hbm>>, %arg4: memref<2x10112x128xbf16, #tpu.memory_space<hbm>>, %arg5: memref<2x16x10000xf32, #tpu.memory_space<hbm>>, %arg6: memref<10000xi32, #tpu.memory_space<vmem>>, %arg7: memref<10000xi32, #tpu.memory_space<vmem>>, %arg8: memref<8x80x128xbf16, #tpu.memory_space<vmem>>, %arg9: memref<79x128xbf16, #tpu.memory_space<vmem>>, %arg10: memref<10000xf32, #tpu.memory_space<vmem>>, %arg11: memref<!tpu.dma_semaphore, #tpu.memory_space<semaphore_mem>>, %arg12: memref<!tpu.dma_semaphore, #tpu.memory_space<semaphore_mem>>, %arg13: memref<!tpu.dma_semaphore, #tpu.memory_space<semaphore_mem>>, %arg14: memref<!tpu.dma_semaphore, #tpu.memory_space<semaphore_mem>>, %arg15: memref<!tpu.dma_semaphore, #tpu.memory_space<semaphore_mem>>, %arg16: memref<!tpu.dma_semaphore, #tpu.memory_space<semaphore_mem>>, %arg17: memref<!tpu.dma_semaphore, #tpu.memory_space<semaphore_mem>>, %arg18: memref<!tpu.dma_semaphore, #tpu.memory_space<semaphore_mem>>, %arg19: memref<10112x128xbf16, #tpu.memory_space<vmem_shared>>) attributes {dimension_semantics = [#tpu.dimension_semantics<core_parallel>, #tpu.dimension_semantics<subcore_parallel>], iteration_bounds = array<i64: 2, 16>, scalar_prefetch = 0 : i64, scratch_operands = 14 : i64, tpu.core_type = #tpu.core_type<sc_vector_subcore>, window_params = [{transform_indices = #map}, {transform_indices = #map}, {transform_indices = #map1}, {transform_indices = #map1}]} {
    %mul3A = arith.constant 16 : i32
    %mul3A_0 = arith.muli %arg0, %mul3A : i32
    %add3A = arith.addi %mul3A_0, %arg1 : i32
    %mul3A_1 = arith.constant 10000 : i32
    %mul3A_2 = arith.muli %add3A, %mul3A_1 : i32
    %run_scoped3A = arith.constant 0 : i32
    "tpu.region"() ({
      %run_scoped3A_445 = tpu.sem_alloc : memref<!tpu.dma_semaphore, #tpu.memory_space<semaphore_mem>>
      %dma_start3A_446 = tpu.memref_slice %arg3[%run_scoped3A, %mul3A_2] : memref<2x320000xi32, #tpu.memory_space<hbm>> -> memref<1x10000xi32, #tpu.memory_space<hbm>>
      %dma_start3A_447 = tpu.memref_squeeze %dma_start3A_446 : memref<1x10000xi32, #tpu.memory_space<hbm>> -> memref<10000xi32, #tpu.memory_space<hbm>>
      %dma_start3A_448 = tpu.memref_slice %arg3[%run_scoped3A, %mul3A_2] : memref<2x320000xi32, #tpu.memory_space<hbm>> -> memref<1x10000xi32, #tpu.memory_space<hbm>>
      %dma_start3A_449 = tpu.memref_squeeze %dma_start3A_448 : memref<1x10000xi32, #tpu.memory_space<hbm>> -> memref<10000xi32, #tpu.memory_space<hbm>>
      tpu.enqueue_dma source(%dma_start3A_449 : memref<10000xi32, #tpu.memory_space<hbm>>) target(%arg6 : memref<10000xi32, #tpu.memory_space<vmem>>) target_semaphore(%run_scoped3A_445 : memref<!tpu.dma_semaphore, #tpu.memory_space<semaphore_mem>>)
      %dma_wait3A_450 = tpu.memref_slice %arg3[%run_scoped3A, %mul3A_2] : memref<2x320000xi32, #tpu.memory_space<hbm>> -> memref<1x10000xi32, #tpu.memory_space<hbm>>
      %dma_wait3A_451 = tpu.memref_squeeze %dma_wait3A_450 : memref<1x10000xi32, #tpu.memory_space<hbm>> -> memref<10000xi32, #tpu.memory_space<hbm>>
      %dma_wait3A_452 = tpu.memref_slice %arg3[%run_scoped3A, %mul3A_2] : memref<2x320000xi32, #tpu.memory_space<hbm>> -> memref<1x10000xi32, #tpu.memory_space<hbm>>
      %dma_wait3A_453 = tpu.memref_squeeze %dma_wait3A_452 : memref<1x10000xi32, #tpu.memory_space<hbm>> -> memref<10000xi32, #tpu.memory_space<hbm>>
      tpu.wait_dma2 semaphore(%run_scoped3A_445 : memref<!tpu.dma_semaphore, #tpu.memory_space<semaphore_mem>>) src(%dma_wait3A_453 : memref<10000xi32, #tpu.memory_space<hbm>>) dst(%arg6 : memref<10000xi32, #tpu.memory_space<vmem>>)
      tpu.yield
    }) : () -> ()
    %run_scoped3A_3 = arith.constant 1 : i32
    "tpu.region"() ({
      %run_scoped3A_445 = tpu.sem_alloc : memref<!tpu.dma_semaphore, #tpu.memory_space<semaphore_mem>>
      %dma_start3A_446 = tpu.memref_slice %arg3[%run_scoped3A_3, %mul3A_2] : memref<2x320000xi32, #tpu.memory_space<hbm>> -> memref<1x10000xi32, #tpu.memory_space<hbm>>
      %dma_start3A_447 = tpu.memref_squeeze %dma_start3A_446 : memref<1x10000xi32, #tpu.memory_space<hbm>> -> memref<10000xi32, #tpu.memory_space<hbm>>
      %dma_start3A_448 = tpu.memref_slice %arg3[%run_scoped3A_3, %mul3A_2] : memref<2x320000xi32, #tpu.memory_space<hbm>> -> memref<1x10000xi32, #tpu.memory_space<hbm>>
      %dma_start3A_449 = tpu.memref_squeeze %dma_start3A_448 : memref<1x10000xi32, #tpu.memory_space<hbm>> -> memref<10000xi32, #tpu.memory_space<hbm>>
      tpu.enqueue_dma source(%dma_start3A_449 : memref<10000xi32, #tpu.memory_space<hbm>>) target(%arg7 : memref<10000xi32, #tpu.memory_space<vmem>>) target_semaphore(%run_scoped3A_445 : memref<!tpu.dma_semaphore, #tpu.memory_space<semaphore_mem>>)
      %dma_wait3A_450 = tpu.memref_slice %arg3[%run_scoped3A_3, %mul3A_2] : memref<2x320000xi32, #tpu.memory_space<hbm>> -> memref<1x10000xi32, #tpu.memory_space<hbm>>
      %dma_wait3A_451 = tpu.memref_squeeze %dma_wait3A_450 : memref<1x10000xi32, #tpu.memory_space<hbm>> -> memref<10000xi32, #tpu.memory_space<hbm>>
      %dma_wait3A_452 = tpu.memref_slice %arg3[%run_scoped3A_3, %mul3A_2] : memref<2x320000xi32, #tpu.memory_space<hbm>> -> memref<1x10000xi32, #tpu.memory_space<hbm>>
      %dma_wait3A_453 = tpu.memref_squeeze %dma_wait3A_452 : memref<1x10000xi32, #tpu.memory_space<hbm>> -> memref<10000xi32, #tpu.memory_space<hbm>>
      tpu.wait_dma2 semaphore(%run_scoped3A_445 : memref<!tpu.dma_semaphore, #tpu.memory_space<semaphore_mem>>) src(%dma_wait3A_453 : memref<10000xi32, #tpu.memory_space<hbm>>) dst(%arg7 : memref<10000xi32, #tpu.memory_space<vmem>>)
      tpu.yield
    }) : () -> ()
    %broadcast_in_dim3A = arith.constant 0.000000e+00 : f32
    %broadcast_in_dim3A_4 = vector.broadcast %broadcast_in_dim3A : f32 to vector<16xf32>
    %broadcast_in_dim3A_5 = arith.constant 0.000000e+00 : bf16
    %broadcast_in_dim3A_6 = vector.broadcast %broadcast_in_dim3A_5 : bf16 to vector<32xbf16>
    %broadcast_in_dim3A_7 = arith.constant 1.000000e+00 : f32
    %broadcast_in_dim3A_8 = vector.broadcast %broadcast_in_dim3A_7 : f32 to vector<16xf32>
    %scan3A = arith.constant 0 : i32
    %scan3A_9 = arith.constant 0 : i32
    %scan3A_10 = arith.constant 79 : i32
    %scan3A_11 = arith.addi %scan3A_9, %scan3A_10 : i32
    %scan3A_12 = arith.constant 1 : i32
    scf.for %scan3A_445 = %scan3A_9 to %scan3A_11 step %scan3A_12  : i32 {
      %scan3A_446 = arith.constant 0 : i32
      %scan3A_447 = arith.constant 4 : i32
      %scan3A_448 = arith.addi %scan3A_446, %scan3A_447 : i32
      %scan3A_449 = arith.constant 1 : i32
      scf.for %scan3A_451 = %scan3A_446 to %scan3A_448 step %scan3A_449  : i32 {
        %mul3A_452 = arith.constant 32 : i32
        %mul3A_453 = arith.muli %scan3A_451, %mul3A_452 : i32
        %swap3A = arith.index_cast %scan3A_445 : i32 to index
        %swap3A_454 = arith.index_cast %mul3A_453 : i32 to index
        %swap3A_455 = tpu.vector_load %arg9[%swap3A, %swap3A_454] {strides = array<i32>} : memref<79x128xbf16, #tpu.memory_space<vmem>>, vector<32xbf16>,
        tpu.vector_store %arg9[%swap3A, %swap3A_454], %broadcast_in_dim3A_6 {strides = array<i32>} : memref<79x128xbf16, #tpu.memory_space<vmem>>, vector<32xbf16>,
      }
      %scan3A_450 = arith.constant 4 : i32
    }
    %scan3A_13 = arith.constant 79 : i32
    %scan3A_14 = arith.constant 0 : i32
    %scan3A_15 = arith.constant 0 : i32
    %scan3A_16 = arith.constant 625 : i32
    %scan3A_17 = arith.addi %scan3A_15, %scan3A_16 : i32
    %scan3A_18 = arith.constant 1 : i32
    scf.for %scan3A_445 = %scan3A_15 to %scan3A_17 step %scan3A_18  : i32 {
      %mul3A_446 = arith.constant 16 : i32
      %mul3A_447 = arith.muli %scan3A_445, %mul3A_446 : i32
      %swap3A = arith.index_cast %mul3A_447 : i32 to index
      %swap3A_448 = tpu.vector_load %arg10[%swap3A] {strides = array<i32>} : memref<10000xf32, #tpu.memory_space<vmem>>, vector<16xf32>,
      tpu.vector_store %arg10[%swap3A], %broadcast_in_dim3A_4 {strides = array<i32>} : memref<10000xf32, #tpu.memory_space<vmem>>, vector<16xf32>,
    }
    %scan3A_19 = arith.constant 625 : i32
    %mul3A_20 = arith.constant 632 : i32
    %mul3A_21 = arith.muli %arg1, %mul3A_20 : i32
    %add3A_22 = arith.constant 0 : i32
    %add3A_23 = arith.addi %mul3A_21, %add3A_22 : i32
    "tpu.region"() ({
      %run_scoped3A_445 = tpu.sem_alloc : memref<!tpu.dma_semaphore, #tpu.memory_space<semaphore_mem>>
      %dma_start3A_446 = arith.constant 0 : i32
      %dma_start3A_447 = tpu.memref_slice %arg19[%add3A_23, %dma_start3A_446] : memref<10112x128xbf16, #tpu.memory_space<vmem_shared>> -> memref<79x128xbf16, #tpu.memory_space<vmem_shared>>
      %dma_start3A_448 = arith.constant 0 : i32
      %dma_start3A_449 = tpu.memref_slice %arg19[%add3A_23, %dma_start3A_448] : memref<10112x128xbf16, #tpu.memory_space<vmem_shared>> -> memref<79x128xbf16, #tpu.memory_space<vmem_shared>>
      tpu.enqueue_dma source(%arg9 : memref<79x128xbf16, #tpu.memory_space<vmem>>) target(%dma_start3A_449 : memref<79x128xbf16, #tpu.memory_space<vmem_shared>>) target_semaphore(%run_scoped3A_445 : memref<!tpu.dma_semaphore, #tpu.memory_space<semaphore_mem>>)
      %dma_wait3A_450 = arith.constant 0 : i32
      %dma_wait3A_451 = tpu.memref_slice %arg19[%add3A_23, %dma_wait3A_450] : memref<10112x128xbf16, #tpu.memory_space<vmem_shared>> -> memref<79x128xbf16, #tpu.memory_space<vmem_shared>>
      %dma_wait3A_452 = arith.constant 0 : i32
      %dma_wait3A_453 = tpu.memref_slice %arg19[%add3A_23, %dma_wait3A_452] : memref<10112x128xbf16, #tpu.memory_space<vmem_shared>> -> memref<79x128xbf16, #tpu.memory_space<vmem_shared>>
      tpu.wait_dma2 semaphore(%run_scoped3A_445 : memref<!tpu.dma_semaphore, #tpu.memory_space<semaphore_mem>>) src(%arg9 : memref<79x128xbf16, #tpu.memory_space<vmem>>) dst(%dma_wait3A_453 : memref<79x128xbf16, #tpu.memory_space<vmem_shared>>)
      tpu.yield
    }) : () -> ()
    %add3A_24 = arith.constant 79 : i32
    %add3A_25 = arith.addi %mul3A_21, %add3A_24 : i32
    "tpu.region"() ({
      %run_scoped3A_445 = tpu.sem_alloc : memref<!tpu.dma_semaphore, #tpu.memory_space<semaphore_mem>>
      %dma_start3A_446 = arith.constant 0 : i32
      %dma_start3A_447 = tpu.memref_slice %arg19[%add3A_25, %dma_start3A_446] : memref<10112x128xbf16, #tpu.memory_space<vmem_shared>> -> memref<79x128xbf16, #tpu.memory_space<vmem_shared>>
      %dma_start3A_448 = arith.constant 0 : i32
      %dma_start3A_449 = tpu.memref_slice %arg19[%add3A_25, %dma_start3A_448] : memref<10112x128xbf16, #tpu.memory_space<vmem_shared>> -> memref<79x128xbf16, #tpu.memory_space<vmem_shared>>
      tpu.enqueue_dma source(%arg9 : memref<79x128xbf16, #tpu.memory_space<vmem>>) target(%dma_start3A_449 : memref<79x128xbf16, #tpu.memory_space<vmem_shared>>) target_semaphore(%run_scoped3A_445 : memref<!tpu.dma_semaphore, #tpu.memory_space<semaphore_mem>>)
      %dma_wait3A_450 = arith.constant 0 : i32
      %dma_wait3A_451 = tpu.memref_slice %arg19[%add3A_25, %dma_wait3A_450] : memref<10112x128xbf16, #tpu.memory_space<vmem_shared>> -> memref<79x128xbf16, #tpu.memory_space<vmem_shared>>
      %dma_wait3A_452 = arith.constant 0 : i32
      %dma_wait3A_453 = tpu.memref_slice %arg19[%add3A_25, %dma_wait3A_452] : memref<10112x128xbf16, #tpu.memory_space<vmem_shared>> -> memref<79x128xbf16, #tpu.memory_space<vmem_shared>>
      tpu.wait_dma2 semaphore(%run_scoped3A_445 : memref<!tpu.dma_semaphore, #tpu.memory_space<semaphore_mem>>) src(%arg9 : memref<79x128xbf16, #tpu.memory_space<vmem>>) dst(%dma_wait3A_453 : memref<79x128xbf16, #tpu.memory_space<vmem_shared>>)
      tpu.yield
    }) : () -> ()
    %add3A_26 = arith.constant 158 : i32
    %add3A_27 = arith.addi %mul3A_21, %add3A_26 : i32
    "tpu.region"() ({
      %run_scoped3A_445 = tpu.sem_alloc : memref<!tpu.dma_semaphore, #tpu.memory_space<semaphore_mem>>
      %dma_start3A_446 = arith.constant 0 : i32
      %dma_start3A_447 = tpu.memref_slice %arg19[%add3A_27, %dma_start3A_446] : memref<10112x128xbf16, #tpu.memory_space<vmem_shared>> -> memref<79x128xbf16, #tpu.memory_space<vmem_shared>>
      %dma_start3A_448 = arith.constant 0 : i32
      %dma_start3A_449 = tpu.memref_slice %arg19[%add3A_27, %dma_start3A_448] : memref<10112x128xbf16, #tpu.memory_space<vmem_shared>> -> memref<79x128xbf16, #tpu.memory_space<vmem_shared>>
      tpu.enqueue_dma source(%arg9 : memref<79x128xbf16, #tpu.memory_space<vmem>>) target(%dma_start3A_449 : memref<79x128xbf16, #tpu.memory_space<vmem_shared>>) target_semaphore(%run_scoped3A_445 : memref<!tpu.dma_semaphore, #tpu.memory_space<semaphore_mem>>)
      %dma_wait3A_450 = arith.constant 0 : i32
      %dma_wait3A_451 = tpu.memref_slice %arg19[%add3A_27, %dma_wait3A_450] : memref<10112x128xbf16, #tpu.memory_space<vmem_shared>> -> memref<79x128xbf16, #tpu.memory_space<vmem_shared>>
      %dma_wait3A_452 = arith.constant 0 : i32
      %dma_wait3A_453 = tpu.memref_slice %arg19[%add3A_27, %dma_wait3A_452] : memref<10112x128xbf16, #tpu.memory_space<vmem_shared>> -> memref<79x128xbf16, #tpu.memory_space<vmem_shared>>
      tpu.wait_dma2 semaphore(%run_scoped3A_445 : memref<!tpu.dma_semaphore, #tpu.memory_space<semaphore_mem>>) src(%arg9 : memref<79x128xbf16, #tpu.memory_space<vmem>>) dst(%dma_wait3A_453 : memref<79x128xbf16, #tpu.memory_space<vmem_shared>>)
      tpu.yield
    }) : () -> ()
    %add3A_28 = arith.constant 237 : i32
    %add3A_29 = arith.addi %mul3A_21, %add3A_28 : i32
    "tpu.region"() ({
      %run_scoped3A_445 = tpu.sem_alloc : memref<!tpu.dma_semaphore, #tpu.memory_space<semaphore_mem>>
      %dma_start3A_446 = arith.constant 0 : i32
      %dma_start3A_447 = tpu.memref_slice %arg19[%add3A_29, %dma_start3A_446] : memref<10112x128xbf16, #tpu.memory_space<vmem_shared>> -> memref<79x128xbf16, #tpu.memory_space<vmem_shared>>
      %dma_start3A_448 = arith.constant 0 : i32
      %dma_start3A_449 = tpu.memref_slice %arg19[%add3A_29, %dma_start3A_448] : memref<10112x128xbf16, #tpu.memory_space<vmem_shared>> -> memref<79x128xbf16, #tpu.memory_space<vmem_shared>>
      tpu.enqueue_dma source(%arg9 : memref<79x128xbf16, #tpu.memory_space<vmem>>) target(%dma_start3A_449 : memref<79x128xbf16, #tpu.memory_space<vmem_shared>>) target_semaphore(%run_scoped3A_445 : memref<!tpu.dma_semaphore, #tpu.memory_space<semaphore_mem>>)
      %dma_wait3A_450 = arith.constant 0 : i32
      %dma_wait3A_451 = tpu.memref_slice %arg19[%add3A_29, %dma_wait3A_450] : memref<10112x128xbf16, #tpu.memory_space<vmem_shared>> -> memref<79x128xbf16, #tpu.memory_space<vmem_shared>>
      %dma_wait3A_452 = arith.constant 0 : i32
      %dma_wait3A_453 = tpu.memref_slice %arg19[%add3A_29, %dma_wait3A_452] : memref<10112x128xbf16, #tpu.memory_space<vmem_shared>> -> memref<79x128xbf16, #tpu.memory_space<vmem_shared>>
      tpu.wait_dma2 semaphore(%run_scoped3A_445 : memref<!tpu.dma_semaphore, #tpu.memory_space<semaphore_mem>>) src(%arg9 : memref<79x128xbf16, #tpu.memory_space<vmem>>) dst(%dma_wait3A_453 : memref<79x128xbf16, #tpu.memory_space<vmem_shared>>)
      tpu.yield
    }) : () -> ()
    %add3A_30 = arith.constant 316 : i32
    %add3A_31 = arith.addi %mul3A_21, %add3A_30 : i32
    "tpu.region"() ({
      %run_scoped3A_445 = tpu.sem_alloc : memref<!tpu.dma_semaphore, #tpu.memory_space<semaphore_mem>>
      %dma_start3A_446 = arith.constant 0 : i32
      %dma_start3A_447 = tpu.memref_slice %arg19[%add3A_31, %dma_start3A_446] : memref<10112x128xbf16, #tpu.memory_space<vmem_shared>> -> memref<79x128xbf16, #tpu.memory_space<vmem_shared>>
      %dma_start3A_448 = arith.constant 0 : i32
      %dma_start3A_449 = tpu.memref_slice %arg19[%add3A_31, %dma_start3A_448] : memref<10112x128xbf16, #tpu.memory_space<vmem_shared>> -> memref<79x128xbf16, #tpu.memory_space<vmem_shared>>
      tpu.enqueue_dma source(%arg9 : memref<79x128xbf16, #tpu.memory_space<vmem>>) target(%dma_start3A_449 : memref<79x128xbf16, #tpu.memory_space<vmem_shared>>) target_semaphore(%run_scoped3A_445 : memref<!tpu.dma_semaphore, #tpu.memory_space<semaphore_mem>>)
      %dma_wait3A_450 = arith.constant 0 : i32
      %dma_wait3A_451 = tpu.memref_slice %arg19[%add3A_31, %dma_wait3A_450] : memref<10112x128xbf16, #tpu.memory_space<vmem_shared>> -> memref<79x128xbf16, #tpu.memory_space<vmem_shared>>
      %dma_wait3A_452 = arith.constant 0 : i32
      %dma_wait3A_453 = tpu.memref_slice %arg19[%add3A_31, %dma_wait3A_452] : memref<10112x128xbf16, #tpu.memory_space<vmem_shared>> -> memref<79x128xbf16, #tpu.memory_space<vmem_shared>>
      tpu.wait_dma2 semaphore(%run_scoped3A_445 : memref<!tpu.dma_semaphore, #tpu.memory_space<semaphore_mem>>) src(%arg9 : memref<79x128xbf16, #tpu.memory_space<vmem>>) dst(%dma_wait3A_453 : memref<79x128xbf16, #tpu.memory_space<vmem_shared>>)
      tpu.yield
    }) : () -> ()
    %add3A_32 = arith.constant 395 : i32
    %add3A_33 = arith.addi %mul3A_21, %add3A_32 : i32
    "tpu.region"() ({
      %run_scoped3A_445 = tpu.sem_alloc : memref<!tpu.dma_semaphore, #tpu.memory_space<semaphore_mem>>
      %dma_start3A_446 = arith.constant 0 : i32
      %dma_start3A_447 = tpu.memref_slice %arg19[%add3A_33, %dma_start3A_446] : memref<10112x128xbf16, #tpu.memory_space<vmem_shared>> -> memref<79x128xbf16, #tpu.memory_space<vmem_shared>>
      %dma_start3A_448 = arith.constant 0 : i32
      %dma_start3A_449 = tpu.memref_slice %arg19[%add3A_33, %dma_start3A_448] : memref<10112x128xbf16, #tpu.memory_space<vmem_shared>> -> memref<79x128xbf16, #tpu.memory_space<vmem_shared>>
      tpu.enqueue_dma source(%arg9 : memref<79x128xbf16, #tpu.memory_space<vmem>>) target(%dma_start3A_449 : memref<79x128xbf16, #tpu.memory_space<vmem_shared>>) target_semaphore(%run_scoped3A_445 : memref<!tpu.dma_semaphore, #tpu.memory_space<semaphore_mem>>)
      %dma_wait3A_450 = arith.constant 0 : i32
      %dma_wait3A_451 = tpu.memref_slice %arg19[%add3A_33, %dma_wait3A_450] : memref<10112x128xbf16, #tpu.memory_space<vmem_shared>> -> memref<79x128xbf16, #tpu.memory_space<vmem_shared>>
      %dma_wait3A_452 = arith.constant 0 : i32
      %dma_wait3A_453 = tpu.memref_slice %arg19[%add3A_33, %dma_wait3A_452] : memref<10112x128xbf16, #tpu.memory_space<vmem_shared>> -> memref<79x128xbf16, #tpu.memory_space<vmem_shared>>
      tpu.wait_dma2 semaphore(%run_scoped3A_445 : memref<!tpu.dma_semaphore, #tpu.memory_space<semaphore_mem>>) src(%arg9 : memref<79x128xbf16, #tpu.memory_space<vmem>>) dst(%dma_wait3A_453 : memref<79x128xbf16, #tpu.memory_space<vmem_shared>>)
      tpu.yield
    }) : () -> ()
    %add3A_34 = arith.constant 474 : i32
    %add3A_35 = arith.addi %mul3A_21, %add3A_34 : i32
    "tpu.region"() ({
      %run_scoped3A_445 = tpu.sem_alloc : memref<!tpu.dma_semaphore, #tpu.memory_space<semaphore_mem>>
      %dma_start3A_446 = arith.constant 0 : i32
      %dma_start3A_447 = tpu.memref_slice %arg19[%add3A_35, %dma_start3A_446] : memref<10112x128xbf16, #tpu.memory_space<vmem_shared>> -> memref<79x128xbf16, #tpu.memory_space<vmem_shared>>
      %dma_start3A_448 = arith.constant 0 : i32
      %dma_start3A_449 = tpu.memref_slice %arg19[%add3A_35, %dma_start3A_448] : memref<10112x128xbf16, #tpu.memory_space<vmem_shared>> -> memref<79x128xbf16, #tpu.memory_space<vmem_shared>>
      tpu.enqueue_dma source(%arg9 : memref<79x128xbf16, #tpu.memory_space<vmem>>) target(%dma_start3A_449 : memref<79x128xbf16, #tpu.memory_space<vmem_shared>>) target_semaphore(%run_scoped3A_445 : memref<!tpu.dma_semaphore, #tpu.memory_space<semaphore_mem>>)
      %dma_wait3A_450 = arith.constant 0 : i32
      %dma_wait3A_451 = tpu.memref_slice %arg19[%add3A_35, %dma_wait3A_450] : memref<10112x128xbf16, #tpu.memory_space<vmem_shared>> -> memref<79x128xbf16, #tpu.memory_space<vmem_shared>>
      %dma_wait3A_452 = arith.constant 0 : i32
      %dma_wait3A_453 = tpu.memref_slice %arg19[%add3A_35, %dma_wait3A_452] : memref<10112x128xbf16, #tpu.memory_space<vmem_shared>> -> memref<79x128xbf16, #tpu.memory_space<vmem_shared>>
      tpu.wait_dma2 semaphore(%run_scoped3A_445 : memref<!tpu.dma_semaphore, #tpu.memory_space<semaphore_mem>>) src(%arg9 : memref<79x128xbf16, #tpu.memory_space<vmem>>) dst(%dma_wait3A_453 : memref<79x128xbf16, #tpu.memory_space<vmem_shared>>)
      tpu.yield
    }) : () -> ()
    %add3A_36 = arith.constant 553 : i32
    %add3A_37 = arith.addi %mul3A_21, %add3A_36 : i32
    "tpu.region"() ({
      %run_scoped3A_445 = tpu.sem_alloc : memref<!tpu.dma_semaphore, #tpu.memory_space<semaphore_mem>>
      %dma_start3A_446 = arith.constant 0 : i32
      %dma_start3A_447 = tpu.memref_slice %arg19[%add3A_37, %dma_start3A_446] : memref<10112x128xbf16, #tpu.memory_space<vmem_shared>> -> memref<79x128xbf16, #tpu.memory_space<vmem_shared>>
      %dma_start3A_448 = arith.constant 0 : i32
      %dma_start3A_449 = tpu.memref_slice %arg19[%add3A_37, %dma_start3A_448] : memref<10112x128xbf16, #tpu.memory_space<vmem_shared>> -> memref<79x128xbf16, #tpu.memory_space<vmem_shared>>
      tpu.enqueue_dma source(%arg9 : memref<79x128xbf16, #tpu.memory_space<vmem>>) target(%dma_start3A_449 : memref<79x128xbf16, #tpu.memory_space<vmem_shared>>) target_semaphore(%run_scoped3A_445 : memref<!tpu.dma_semaphore, #tpu.memory_space<semaphore_mem>>)
      %dma_wait3A_450 = arith.constant 0 : i32
      %dma_wait3A_451 = tpu.memref_slice %arg19[%add3A_37, %dma_wait3A_450] : memref<10112x128xbf16, #tpu.memory_space<vmem_shared>> -> memref<79x128xbf16, #tpu.memory_space<vmem_shared>>
      %dma_wait3A_452 = arith.constant 0 : i32
      %dma_wait3A_453 = tpu.memref_slice %arg19[%add3A_37, %dma_wait3A_452] : memref<10112x128xbf16, #tpu.memory_space<vmem_shared>> -> memref<79x128xbf16, #tpu.memory_space<vmem_shared>>
      tpu.wait_dma2 semaphore(%run_scoped3A_445 : memref<!tpu.dma_semaphore, #tpu.memory_space<semaphore_mem>>) src(%arg9 : memref<79x128xbf16, #tpu.memory_space<vmem>>) dst(%dma_wait3A_453 : memref<79x128xbf16, #tpu.memory_space<vmem_shared>>)
      tpu.yield
    }) : () -> ()
    %barrier3A = arith.constant 0 : index
    tpu.barrier barrier_id(%barrier3A)
    %dma_start3A = arith.constant 0 : i32
    %dma_start3A_38 = arith.constant 0 : i32
    %dma_start3A_39 = arith.constant 0 : i32
    %dma_start3A_40 = tpu.memref_slice %arg8[%dma_start3A, %dma_start3A_38, %dma_start3A_39] : memref<8x80x128xbf16, #tpu.memory_space<vmem>> -> memref<1x80x128xbf16, #tpu.memory_space<vmem>>
    %dma_start3A_41 = tpu.memref_squeeze %dma_start3A_40 : memref<1x80x128xbf16, #tpu.memory_space<vmem>> -> memref<80x128xbf16, #tpu.memory_space<vmem>>
    %dma_start3A_42 = arith.constant 0 : i32
    %dma_start3A_43 = tpu.memref_slice %arg6[%dma_start3A_42] : memref<10000xi32, #tpu.memory_space<vmem>> -> memref<80xi32, #tpu.memory_space<vmem>>
    %dma_start3A_44 = arith.constant 0 : i32
    %dma_start3A_45 = arith.constant 0 : i32
    %dma_start3A_46 = tpu.memref_slice %arg2[%dma_start3A_44, %dma_start3A_45] : memref<10000x128xbf16, #tpu.memory_space<hbm>> -> memref<10000x128xbf16, #tpu.memory_space<hbm>>
    tpu.enqueue_indirect_dma source(%dma_start3A_46 : memref<10000x128xbf16, #tpu.memory_space<hbm>>) target(%dma_start3A_41 : memref<80x128xbf16, #tpu.memory_space<vmem>>) offsets(%dma_start3A_43 : memref<80xi32, #tpu.memory_space<vmem>>) semaphore(%arg11 : memref<!tpu.dma_semaphore, #tpu.memory_space<semaphore_mem>>)
    %dma_start3A_47 = arith.constant 1 : i32
    %dma_start3A_48 = arith.constant 0 : i32
    %dma_start3A_49 = arith.constant 0 : i32
    %dma_start3A_50 = tpu.memref_slice %arg8[%dma_start3A_47, %dma_start3A_48, %dma_start3A_49] : memref<8x80x128xbf16, #tpu.memory_space<vmem>> -> memref<1x80x128xbf16, #tpu.memory_space<vmem>>
    %dma_start3A_51 = tpu.memref_squeeze %dma_start3A_50 : memref<1x80x128xbf16, #tpu.memory_space<vmem>> -> memref<80x128xbf16, #tpu.memory_space<vmem>>
    %dma_start3A_52 = arith.constant 80 : i32
    %dma_start3A_53 = tpu.memref_slice %arg6[%dma_start3A_52] : memref<10000xi32, #tpu.memory_space<vmem>> -> memref<80xi32, #tpu.memory_space<vmem>>
    %dma_start3A_54 = arith.constant 0 : i32
    %dma_start3A_55 = arith.constant 0 : i32
    %dma_start3A_56 = tpu.memref_slice %arg2[%dma_start3A_54, %dma_start3A_55] : memref<10000x128xbf16, #tpu.memory_space<hbm>> -> memref<10000x128xbf16, #tpu.memory_space<hbm>>
    tpu.enqueue_indirect_dma source(%dma_start3A_56 : memref<10000x128xbf16, #tpu.memory_space<hbm>>) target(%dma_start3A_51 : memref<80x128xbf16, #tpu.memory_space<vmem>>) offsets(%dma_start3A_53 : memref<80xi32, #tpu.memory_space<vmem>>) semaphore(%arg12 : memref<!tpu.dma_semaphore, #tpu.memory_space<semaphore_mem>>)
    %dma_start3A_57 = arith.constant 2 : i32
    %dma_start3A_58 = arith.constant 0 : i32
    %dma_start3A_59 = arith.constant 0 : i32
    %dma_start3A_60 = tpu.memref_slice %arg8[%dma_start3A_57, %dma_start3A_58, %dma_start3A_59] : memref<8x80x128xbf16, #tpu.memory_space<vmem>> -> memref<1x80x128xbf16, #tpu.memory_space<vmem>>
    %dma_start3A_61 = tpu.memref_squeeze %dma_start3A_60 : memref<1x80x128xbf16, #tpu.memory_space<vmem>> -> memref<80x128xbf16, #tpu.memory_space<vmem>>
    %dma_start3A_62 = arith.constant 160 : i32
    %dma_start3A_63 = tpu.memref_slice %arg6[%dma_start3A_62] : memref<10000xi32, #tpu.memory_space<vmem>> -> memref<80xi32, #tpu.memory_space<vmem>>
    %dma_start3A_64 = arith.constant 0 : i32
    %dma_start3A_65 = arith.constant 0 : i32
    %dma_start3A_66 = tpu.memref_slice %arg2[%dma_start3A_64, %dma_start3A_65] : memref<10000x128xbf16, #tpu.memory_space<hbm>> -> memref<10000x128xbf16, #tpu.memory_space<hbm>>
    tpu.enqueue_indirect_dma source(%dma_start3A_66 : memref<10000x128xbf16, #tpu.memory_space<hbm>>) target(%dma_start3A_61 : memref<80x128xbf16, #tpu.memory_space<vmem>>) offsets(%dma_start3A_63 : memref<80xi32, #tpu.memory_space<vmem>>) semaphore(%arg13 : memref<!tpu.dma_semaphore, #tpu.memory_space<semaphore_mem>>)
    %dma_start3A_67 = arith.constant 3 : i32
    %dma_start3A_68 = arith.constant 0 : i32
    %dma_start3A_69 = arith.constant 0 : i32
    %dma_start3A_70 = tpu.memref_slice %arg8[%dma_start3A_67, %dma_start3A_68, %dma_start3A_69] : memref<8x80x128xbf16, #tpu.memory_space<vmem>> -> memref<1x80x128xbf16, #tpu.memory_space<vmem>>
    %dma_start3A_71 = tpu.memref_squeeze %dma_start3A_70 : memref<1x80x128xbf16, #tpu.memory_space<vmem>> -> memref<80x128xbf16, #tpu.memory_space<vmem>>
    %dma_start3A_72 = arith.constant 240 : i32
    %dma_start3A_73 = tpu.memref_slice %arg6[%dma_start3A_72] : memref<10000xi32, #tpu.memory_space<vmem>> -> memref<80xi32, #tpu.memory_space<vmem>>
    %dma_start3A_74 = arith.constant 0 : i32
    %dma_start3A_75 = arith.constant 0 : i32
    %dma_start3A_76 = tpu.memref_slice %arg2[%dma_start3A_74, %dma_start3A_75] : memref<10000x128xbf16, #tpu.memory_space<hbm>> -> memref<10000x128xbf16, #tpu.memory_space<hbm>>
    tpu.enqueue_indirect_dma source(%dma_start3A_76 : memref<10000x128xbf16, #tpu.memory_space<hbm>>) target(%dma_start3A_71 : memref<80x128xbf16, #tpu.memory_space<vmem>>) offsets(%dma_start3A_73 : memref<80xi32, #tpu.memory_space<vmem>>) semaphore(%arg14 : memref<!tpu.dma_semaphore, #tpu.memory_space<semaphore_mem>>)
    %dma_start3A_77 = arith.constant 4 : i32
    %dma_start3A_78 = arith.constant 0 : i32
    %dma_start3A_79 = arith.constant 0 : i32
    %dma_start3A_80 = tpu.memref_slice %arg8[%dma_start3A_77, %dma_start3A_78, %dma_start3A_79] : memref<8x80x128xbf16, #tpu.memory_space<vmem>> -> memref<1x80x128xbf16, #tpu.memory_space<vmem>>
    %dma_start3A_81 = tpu.memref_squeeze %dma_start3A_80 : memref<1x80x128xbf16, #tpu.memory_space<vmem>> -> memref<80x128xbf16, #tpu.memory_space<vmem>>
    %dma_start3A_82 = arith.constant 320 : i32
    %dma_start3A_83 = tpu.memref_slice %arg6[%dma_start3A_82] : memref<10000xi32, #tpu.memory_space<vmem>> -> memref<80xi32, #tpu.memory_space<vmem>>
    %dma_start3A_84 = arith.constant 0 : i32
    %dma_start3A_85 = arith.constant 0 : i32
    %dma_start3A_86 = tpu.memref_slice %arg2[%dma_start3A_84, %dma_start3A_85] : memref<10000x128xbf16, #tpu.memory_space<hbm>> -> memref<10000x128xbf16, #tpu.memory_space<hbm>>
    tpu.enqueue_indirect_dma source(%dma_start3A_86 : memref<10000x128xbf16, #tpu.memory_space<hbm>>) target(%dma_start3A_81 : memref<80x128xbf16, #tpu.memory_space<vmem>>) offsets(%dma_start3A_83 : memref<80xi32, #tpu.memory_space<vmem>>) semaphore(%arg15 : memref<!tpu.dma_semaphore, #tpu.memory_space<semaphore_mem>>)
    %dma_start3A_87 = arith.constant 5 : i32
    %dma_start3A_88 = arith.constant 0 : i32
    %dma_start3A_89 = arith.constant 0 : i32
    %dma_start3A_90 = tpu.memref_slice %arg8[%dma_start3A_87, %dma_start3A_88, %dma_start3A_89] : memref<8x80x128xbf16, #tpu.memory_space<vmem>> -> memref<1x80x128xbf16, #tpu.memory_space<vmem>>
    %dma_start3A_91 = tpu.memref_squeeze %dma_start3A_90 : memref<1x80x128xbf16, #tpu.memory_space<vmem>> -> memref<80x128xbf16, #tpu.memory_space<vmem>>
    %dma_start3A_92 = arith.constant 400 : i32
    %dma_start3A_93 = tpu.memref_slice %arg6[%dma_start3A_92] : memref<10000xi32, #tpu.memory_space<vmem>> -> memref<80xi32, #tpu.memory_space<vmem>>
    %dma_start3A_94 = arith.constant 0 : i32
    %dma_start3A_95 = arith.constant 0 : i32
    %dma_start3A_96 = tpu.memref_slice %arg2[%dma_start3A_94, %dma_start3A_95] : memref<10000x128xbf16, #tpu.memory_space<hbm>> -> memref<10000x128xbf16, #tpu.memory_space<hbm>>
    tpu.enqueue_indirect_dma source(%dma_start3A_96 : memref<10000x128xbf16, #tpu.memory_space<hbm>>) target(%dma_start3A_91 : memref<80x128xbf16, #tpu.memory_space<vmem>>) offsets(%dma_start3A_93 : memref<80xi32, #tpu.memory_space<vmem>>) semaphore(%arg16 : memref<!tpu.dma_semaphore, #tpu.memory_space<semaphore_mem>>)
    %dma_start3A_97 = arith.constant 6 : i32
    %dma_start3A_98 = arith.constant 0 : i32
    %dma_start3A_99 = arith.constant 0 : i32
    %dma_start3A_100 = tpu.memref_slice %arg8[%dma_start3A_97, %dma_start3A_98, %dma_start3A_99] : memref<8x80x128xbf16, #tpu.memory_space<vmem>> -> memref<1x80x128xbf16, #tpu.memory_space<vmem>>
    %dma_start3A_101 = tpu.memref_squeeze %dma_start3A_100 : memref<1x80x128xbf16, #tpu.memory_space<vmem>> -> memref<80x128xbf16, #tpu.memory_space<vmem>>
    %dma_start3A_102 = arith.constant 480 : i32
    %dma_start3A_103 = tpu.memref_slice %arg6[%dma_start3A_102] : memref<10000xi32, #tpu.memory_space<vmem>> -> memref<80xi32, #tpu.memory_space<vmem>>
    %dma_start3A_104 = arith.constant 0 : i32
    %dma_start3A_105 = arith.constant 0 : i32
    %dma_start3A_106 = tpu.memref_slice %arg2[%dma_start3A_104, %dma_start3A_105] : memref<10000x128xbf16, #tpu.memory_space<hbm>> -> memref<10000x128xbf16, #tpu.memory_space<hbm>>
    tpu.enqueue_indirect_dma source(%dma_start3A_106 : memref<10000x128xbf16, #tpu.memory_space<hbm>>) target(%dma_start3A_101 : memref<80x128xbf16, #tpu.memory_space<vmem>>) offsets(%dma_start3A_103 : memref<80xi32, #tpu.memory_space<vmem>>) semaphore(%arg17 : memref<!tpu.dma_semaphore, #tpu.memory_space<semaphore_mem>>)
    %scan3A_107 = arith.constant 0 : i32
    %scan3A_108 = arith.constant 0 : i32
    %scan3A_109 = arith.constant 14 : i32
    %scan3A_110 = arith.addi %scan3A_108, %scan3A_109 : i32
    %scan3A_111 = arith.constant 1 : i32
    scf.for %scan3A_445 = %scan3A_108 to %scan3A_110 step %scan3A_111  : i32 {
      %mul3A_446 = arith.constant 8 : i32
      %mul3A_447 = arith.muli %mul3A_446, %scan3A_445 : i32
      %add3A_448 = arith.constant 0 : i32
      %add3A_449 = arith.addi %mul3A_447, %add3A_448 : i32
      %mul3A_450 = arith.constant 80 : i32
      %mul3A_451 = arith.muli %add3A_449, %mul3A_450 : i32
      %dma_wait3A_452 = arith.constant 0 : i32
      %dma_wait3A_453 = arith.constant 0 : i32
      %dma_wait3A_454 = arith.constant 0 : i32
      %dma_wait3A_455 = tpu.memref_slice %arg8[%dma_wait3A_452, %dma_wait3A_453, %dma_wait3A_454] : memref<8x80x128xbf16, #tpu.memory_space<vmem>> -> memref<1x80x128xbf16, #tpu.memory_space<vmem>>
      %dma_wait3A_456 = tpu.memref_squeeze %dma_wait3A_455 : memref<1x80x128xbf16, #tpu.memory_space<vmem>> -> memref<80x128xbf16, #tpu.memory_space<vmem>>
      %dma_wait3A_457 = tpu.memref_slice %arg6[%mul3A_451] : memref<10000xi32, #tpu.memory_space<vmem>> -> memref<80xi32, #tpu.memory_space<vmem>>
      %dma_wait3A_458 = arith.constant 0 : i32
      %dma_wait3A_459 = arith.constant 0 : i32
      %dma_wait3A_460 = tpu.memref_slice %arg2[%dma_wait3A_458, %dma_wait3A_459] : memref<10000x128xbf16, #tpu.memory_space<hbm>> -> memref<10000x128xbf16, #tpu.memory_space<hbm>>
      tpu.wait_indirect_dma semaphore(%arg11 : memref<!tpu.dma_semaphore, #tpu.memory_space<semaphore_mem>>) src(%dma_wait3A_460 : memref<10000x128xbf16, #tpu.memory_space<hbm>>) dst(%dma_wait3A_456 : memref<80x128xbf16, #tpu.memory_space<vmem>>)
      %mul3A_461 = arith.constant 80 : i32
      %mul3A_462 = arith.muli %add3A_449, %mul3A_461 : i32
      %run_scoped3A_463 = arith.constant 0 : i32
      "tpu.region"() ({
        %run_scoped3A_935 = tpu.sem_alloc : memref<!tpu.dma_semaphore, #tpu.memory_space<semaphore_mem>>
        %dma_start3A_936 = arith.constant 0 : i32
        %dma_start3A_937 = arith.constant 0 : i32
        %dma_start3A_938 = tpu.memref_slice %arg8[%run_scoped3A_463, %dma_start3A_936, %dma_start3A_937] : memref<8x80x128xbf16, #tpu.memory_space<vmem>> -> memref<1x80x128xbf16, #tpu.memory_space<vmem>>
        %dma_start3A_939 = tpu.memref_squeeze %dma_start3A_938 : memref<1x80x128xbf16, #tpu.memory_space<vmem>> -> memref<80x128xbf16, #tpu.memory_space<vmem>>
        %dma_start3A_940 = tpu.memref_slice %arg7[%mul3A_462] : memref<10000xi32, #tpu.memory_space<vmem>> -> memref<80xi32, #tpu.memory_space<vmem>>
        %dma_start3A_941 = arith.constant 0 : i32
        %dma_start3A_942 = arith.constant 0 : i32
        %dma_start3A_943 = tpu.memref_slice %arg19[%dma_start3A_941, %dma_start3A_942] : memref<10112x128xbf16, #tpu.memory_space<vmem_shared>> -> memref<10112x128xbf16, #tpu.memory_space<vmem_shared>>
        tpu.enqueue_indirect_dma source(%dma_start3A_939 : memref<80x128xbf16, #tpu.memory_space<vmem>>) target(%dma_start3A_943 : memref<10112x128xbf16, #tpu.memory_space<vmem_shared>>) offsets(%dma_start3A_940 : memref<80xi32, #tpu.memory_space<vmem>>) semaphore(%run_scoped3A_935 : memref<!tpu.dma_semaphore, #tpu.memory_space<semaphore_mem>>) {add = true}
        %dma_wait3A_944 = arith.constant 0 : i32
        %dma_wait3A_945 = arith.constant 0 : i32
        %dma_wait3A_946 = tpu.memref_slice %arg8[%run_scoped3A_463, %dma_wait3A_944, %dma_wait3A_945] : memref<8x80x128xbf16, #tpu.memory_space<vmem>> -> memref<1x80x128xbf16, #tpu.memory_space<vmem>>
        %dma_wait3A_947 = tpu.memref_squeeze %dma_wait3A_946 : memref<1x80x128xbf16, #tpu.memory_space<vmem>> -> memref<80x128xbf16, #tpu.memory_space<vmem>>
        %dma_wait3A_948 = tpu.memref_slice %arg7[%mul3A_462] : memref<10000xi32, #tpu.memory_space<vmem>> -> memref<80xi32, #tpu.memory_space<vmem>>
        %dma_wait3A_949 = arith.constant 0 : i32
        %dma_wait3A_950 = arith.constant 0 : i32
        %dma_wait3A_951 = tpu.memref_slice %arg19[%dma_wait3A_949, %dma_wait3A_950] : memref<10112x128xbf16, #tpu.memory_space<vmem_shared>> -> memref<10112x128xbf16, #tpu.memory_space<vmem_shared>>
        tpu.wait_indirect_dma semaphore(%run_scoped3A_935 : memref<!tpu.dma_semaphore, #tpu.memory_space<semaphore_mem>>) src(%dma_wait3A_947 : memref<80x128xbf16, #tpu.memory_space<vmem>>) dst(%dma_wait3A_951 : memref<10112x128xbf16, #tpu.memory_space<vmem_shared>>)
        tpu.yield
      }) : () -> ()
      %mul3A_464 = arith.constant 80 : i32
      %mul3A_465 = arith.muli %add3A_449, %mul3A_464 : i32
      %add3A_466 = arith.constant 0 : i32
      %add3A_467 = arith.addi %mul3A_465, %add3A_466 : i32
      %get3A_468 = arith.index_cast %add3A_467 : i32 to index
      %get3A_469 = tpu.vector_load %arg7[%get3A_468] {strides = array<i32>} : memref<10000xi32, #tpu.memory_space<vmem>>, vector<16xi32>,
      tpu.vector_store_idx %arg10[%get3A_469], %broadcast_in_dim3A_8 {add = true} : memref<10000xf32, #tpu.memory_space<vmem>>[vector<16xi32>], vector<16xf32>,
      %mul3A_470 = arith.constant 80 : i32
      %mul3A_471 = arith.muli %add3A_449, %mul3A_470 : i32
      %add3A_472 = arith.constant 16 : i32
      %add3A_473 = arith.addi %mul3A_471, %add3A_472 : i32
      %get3A_474 = arith.index_cast %add3A_473 : i32 to index
      %get3A_475 = tpu.vector_load %arg7[%get3A_474] {strides = array<i32>} : memref<10000xi32, #tpu.memory_space<vmem>>, vector<16xi32>,
      tpu.vector_store_idx %arg10[%get3A_475], %broadcast_in_dim3A_8 {add = true} : memref<10000xf32, #tpu.memory_space<vmem>>[vector<16xi32>], vector<16xf32>,
      %mul3A_476 = arith.constant 80 : i32
      %mul3A_477 = arith.muli %add3A_449, %mul3A_476 : i32
      %add3A_478 = arith.constant 32 : i32
      %add3A_479 = arith.addi %mul3A_477, %add3A_478 : i32
      %get3A_480 = arith.index_cast %add3A_479 : i32 to index
      %get3A_481 = tpu.vector_load %arg7[%get3A_480] {strides = array<i32>} : memref<10000xi32, #tpu.memory_space<vmem>>, vector<16xi32>,
      tpu.vector_store_idx %arg10[%get3A_481], %broadcast_in_dim3A_8 {add = true} : memref<10000xf32, #tpu.memory_space<vmem>>[vector<16xi32>], vector<16xf32>,
      %mul3A_482 = arith.constant 80 : i32
      %mul3A_483 = arith.muli %add3A_449, %mul3A_482 : i32
      %add3A_484 = arith.constant 48 : i32
      %add3A_485 = arith.addi %mul3A_483, %add3A_484 : i32
      %get3A_486 = arith.index_cast %add3A_485 : i32 to index
      %get3A_487 = tpu.vector_load %arg7[%get3A_486] {strides = array<i32>} : memref<10000xi32, #tpu.memory_space<vmem>>, vector<16xi32>,
      tpu.vector_store_idx %arg10[%get3A_487], %broadcast_in_dim3A_8 {add = true} : memref<10000xf32, #tpu.memory_space<vmem>>[vector<16xi32>], vector<16xf32>,
      %mul3A_488 = arith.constant 80 : i32
      %mul3A_489 = arith.muli %add3A_449, %mul3A_488 : i32
      %add3A_490 = arith.constant 64 : i32
      %add3A_491 = arith.addi %mul3A_489, %add3A_490 : i32
      %get3A_492 = arith.index_cast %add3A_491 : i32 to index
      %get3A_493 = tpu.vector_load %arg7[%get3A_492] {strides = array<i32>} : memref<10000xi32, #tpu.memory_space<vmem>>, vector<16xi32>,
      tpu.vector_store_idx %arg10[%get3A_493], %broadcast_in_dim3A_8 {add = true} : memref<10000xf32, #tpu.memory_space<vmem>>[vector<16xi32>], vector<16xf32>,
      %add3A_494 = arith.constant 8 : i32
      %add3A_495 = arith.addi %add3A_449, %add3A_494 : i32
      %sub3A = arith.constant 1 : i32
      %sub3A_496 = arith.subi %add3A_495, %sub3A : i32
      %mul3A_497 = arith.constant 80 : i32
      %mul3A_498 = arith.muli %sub3A_496, %mul3A_497 : i32
      %dma_start3A_499 = arith.constant 7 : i32
      %dma_start3A_500 = arith.constant 0 : i32
      %dma_start3A_501 = arith.constant 0 : i32
      %dma_start3A_502 = tpu.memref_slice %arg8[%dma_start3A_499, %dma_start3A_500, %dma_start3A_501] : memref<8x80x128xbf16, #tpu.memory_space<vmem>> -> memref<1x80x128xbf16, #tpu.memory_space<vmem>>
      %dma_start3A_503 = tpu.memref_squeeze %dma_start3A_502 : memref<1x80x128xbf16, #tpu.memory_space<vmem>> -> memref<80x128xbf16, #tpu.memory_space<vmem>>
      %dma_start3A_504 = tpu.memref_slice %arg6[%mul3A_498] : memref<10000xi32, #tpu.memory_space<vmem>> -> memref<80xi32, #tpu.memory_space<vmem>>
      %dma_start3A_505 = arith.constant 0 : i32
      %dma_start3A_506 = arith.constant 0 : i32
      %dma_start3A_507 = tpu.memref_slice %arg2[%dma_start3A_505, %dma_start3A_506] : memref<10000x128xbf16, #tpu.memory_space<hbm>> -> memref<10000x128xbf16, #tpu.memory_space<hbm>>
      tpu.enqueue_indirect_dma source(%dma_start3A_507 : memref<10000x128xbf16, #tpu.memory_space<hbm>>) target(%dma_start3A_503 : memref<80x128xbf16, #tpu.memory_space<vmem>>) offsets(%dma_start3A_504 : memref<80xi32, #tpu.memory_space<vmem>>) semaphore(%arg18 : memref<!tpu.dma_semaphore, #tpu.memory_space<semaphore_mem>>)
      %add3A_508 = arith.constant 1 : i32
      %add3A_509 = arith.addi %mul3A_447, %add3A_508 : i32
      %mul3A_510 = arith.constant 80 : i32
      %mul3A_511 = arith.muli %add3A_509, %mul3A_510 : i32
      %dma_wait3A_512 = arith.constant 1 : i32
      %dma_wait3A_513 = arith.constant 0 : i32
      %dma_wait3A_514 = arith.constant 0 : i32
      %dma_wait3A_515 = tpu.memref_slice %arg8[%dma_wait3A_512, %dma_wait3A_513, %dma_wait3A_514] : memref<8x80x128xbf16, #tpu.memory_space<vmem>> -> memref<1x80x128xbf16, #tpu.memory_space<vmem>>
      %dma_wait3A_516 = tpu.memref_squeeze %dma_wait3A_515 : memref<1x80x128xbf16, #tpu.memory_space<vmem>> -> memref<80x128xbf16, #tpu.memory_space<vmem>>
      %dma_wait3A_517 = tpu.memref_slice %arg6[%mul3A_511] : memref<10000xi32, #tpu.memory_space<vmem>> -> memref<80xi32, #tpu.memory_space<vmem>>
      %dma_wait3A_518 = arith.constant 0 : i32
      %dma_wait3A_519 = arith.constant 0 : i32
      %dma_wait3A_520 = tpu.memref_slice %arg2[%dma_wait3A_518, %dma_wait3A_519] : memref<10000x128xbf16, #tpu.memory_space<hbm>> -> memref<10000x128xbf16, #tpu.memory_space<hbm>>
      tpu.wait_indirect_dma semaphore(%arg12 : memref<!tpu.dma_semaphore, #tpu.memory_space<semaphore_mem>>) src(%dma_wait3A_520 : memref<10000x128xbf16, #tpu.memory_space<hbm>>) dst(%dma_wait3A_516 : memref<80x128xbf16, #tpu.memory_space<vmem>>)
      %mul3A_521 = arith.constant 80 : i32
      %mul3A_522 = arith.muli %add3A_509, %mul3A_521 : i32
      %run_scoped3A_523 = arith.constant 1 : i32
      "tpu.region"() ({
        %run_scoped3A_935 = tpu.sem_alloc : memref<!tpu.dma_semaphore, #tpu.memory_space<semaphore_mem>>
        %dma_start3A_936 = arith.constant 0 : i32
        %dma_start3A_937 = arith.constant 0 : i32
        %dma_start3A_938 = tpu.memref_slice %arg8[%run_scoped3A_523, %dma_start3A_936, %dma_start3A_937] : memref<8x80x128xbf16, #tpu.memory_space<vmem>> -> memref<1x80x128xbf16, #tpu.memory_space<vmem>>
        %dma_start3A_939 = tpu.memref_squeeze %dma_start3A_938 : memref<1x80x128xbf16, #tpu.memory_space<vmem>> -> memref<80x128xbf16, #tpu.memory_space<vmem>>
        %dma_start3A_940 = tpu.memref_slice %arg7[%mul3A_522] : memref<10000xi32, #tpu.memory_space<vmem>> -> memref<80xi32, #tpu.memory_space<vmem>>
        %dma_start3A_941 = arith.constant 0 : i32
        %dma_start3A_942 = arith.constant 0 : i32
        %dma_start3A_943 = tpu.memref_slice %arg19[%dma_start3A_941, %dma_start3A_942] : memref<10112x128xbf16, #tpu.memory_space<vmem_shared>> -> memref<10112x128xbf16, #tpu.memory_space<vmem_shared>>
        tpu.enqueue_indirect_dma source(%dma_start3A_939 : memref<80x128xbf16, #tpu.memory_space<vmem>>) target(%dma_start3A_943 : memref<10112x128xbf16, #tpu.memory_space<vmem_shared>>) offsets(%dma_start3A_940 : memref<80xi32, #tpu.memory_space<vmem>>) semaphore(%run_scoped3A_935 : memref<!tpu.dma_semaphore, #tpu.memory_space<semaphore_mem>>) {add = true}
        %dma_wait3A_944 = arith.constant 0 : i32
        %dma_wait3A_945 = arith.constant 0 : i32
        %dma_wait3A_946 = tpu.memref_slice %arg8[%run_scoped3A_523, %dma_wait3A_944, %dma_wait3A_945] : memref<8x80x128xbf16, #tpu.memory_space<vmem>> -> memref<1x80x128xbf16, #tpu.memory_space<vmem>>
        %dma_wait3A_947 = tpu.memref_squeeze %dma_wait3A_946 : memref<1x80x128xbf16, #tpu.memory_space<vmem>> -> memref<80x128xbf16, #tpu.memory_space<vmem>>
        %dma_wait3A_948 = tpu.memref_slice %arg7[%mul3A_522] : memref<10000xi32, #tpu.memory_space<vmem>> -> memref<80xi32, #tpu.memory_space<vmem>>
        %dma_wait3A_949 = arith.constant 0 : i32
        %dma_wait3A_950 = arith.constant 0 : i32
        %dma_wait3A_951 = tpu.memref_slice %arg19[%dma_wait3A_949, %dma_wait3A_950] : memref<10112x128xbf16, #tpu.memory_space<vmem_shared>> -> memref<10112x128xbf16, #tpu.memory_space<vmem_shared>>
        tpu.wait_indirect_dma semaphore(%run_scoped3A_935 : memref<!tpu.dma_semaphore, #tpu.memory_space<semaphore_mem>>) src(%dma_wait3A_947 : memref<80x128xbf16, #tpu.memory_space<vmem>>) dst(%dma_wait3A_951 : memref<10112x128xbf16, #tpu.memory_space<vmem_shared>>)
        tpu.yield
      }) : () -> ()
      %mul3A_524 = arith.constant 80 : i32
      %mul3A_525 = arith.muli %add3A_509, %mul3A_524 : i32
      %add3A_526 = arith.constant 0 : i32
      %add3A_527 = arith.addi %mul3A_525, %add3A_526 : i32
      %get3A_528 = arith.index_cast %add3A_527 : i32 to index
      %get3A_529 = tpu.vector_load %arg7[%get3A_528] {strides = array<i32>} : memref<10000xi32, #tpu.memory_space<vmem>>, vector<16xi32>,
      tpu.vector_store_idx %arg10[%get3A_529], %broadcast_in_dim3A_8 {add = true} : memref<10000xf32, #tpu.memory_space<vmem>>[vector<16xi32>], vector<16xf32>,
      %mul3A_530 = arith.constant 80 : i32
      %mul3A_531 = arith.muli %add3A_509, %mul3A_530 : i32
      %add3A_532 = arith.constant 16 : i32
      %add3A_533 = arith.addi %mul3A_531, %add3A_532 : i32
      %get3A_534 = arith.index_cast %add3A_533 : i32 to index
      %get3A_535 = tpu.vector_load %arg7[%get3A_534] {strides = array<i32>} : memref<10000xi32, #tpu.memory_space<vmem>>, vector<16xi32>,
      tpu.vector_store_idx %arg10[%get3A_535], %broadcast_in_dim3A_8 {add = true} : memref<10000xf32, #tpu.memory_space<vmem>>[vector<16xi32>], vector<16xf32>,
      %mul3A_536 = arith.constant 80 : i32
      %mul3A_537 = arith.muli %add3A_509, %mul3A_536 : i32
      %add3A_538 = arith.constant 32 : i32
      %add3A_539 = arith.addi %mul3A_537, %add3A_538 : i32
      %get3A_540 = arith.index_cast %add3A_539 : i32 to index
      %get3A_541 = tpu.vector_load %arg7[%get3A_540] {strides = array<i32>} : memref<10000xi32, #tpu.memory_space<vmem>>, vector<16xi32>,
      tpu.vector_store_idx %arg10[%get3A_541], %broadcast_in_dim3A_8 {add = true} : memref<10000xf32, #tpu.memory_space<vmem>>[vector<16xi32>], vector<16xf32>,
      %mul3A_542 = arith.constant 80 : i32
      %mul3A_543 = arith.muli %add3A_509, %mul3A_542 : i32
      %add3A_544 = arith.constant 48 : i32
      %add3A_545 = arith.addi %mul3A_543, %add3A_544 : i32
      %get3A_546 = arith.index_cast %add3A_545 : i32 to index
      %get3A_547 = tpu.vector_load %arg7[%get3A_546] {strides = array<i32>} : memref<10000xi32, #tpu.memory_space<vmem>>, vector<16xi32>,
      tpu.vector_store_idx %arg10[%get3A_547], %broadcast_in_dim3A_8 {add = true} : memref<10000xf32, #tpu.memory_space<vmem>>[vector<16xi32>], vector<16xf32>,
      %mul3A_548 = arith.constant 80 : i32
      %mul3A_549 = arith.muli %add3A_509, %mul3A_548 : i32
      %add3A_550 = arith.constant 64 : i32
      %add3A_551 = arith.addi %mul3A_549, %add3A_550 : i32
      %get3A_552 = arith.index_cast %add3A_551 : i32 to index
      %get3A_553 = tpu.vector_load %arg7[%get3A_552] {strides = array<i32>} : memref<10000xi32, #tpu.memory_space<vmem>>, vector<16xi32>,
      tpu.vector_store_idx %arg10[%get3A_553], %broadcast_in_dim3A_8 {add = true} : memref<10000xf32, #tpu.memory_space<vmem>>[vector<16xi32>], vector<16xf32>,
      %add3A_554 = arith.constant 8 : i32
      %add3A_555 = arith.addi %add3A_509, %add3A_554 : i32
      %sub3A_556 = arith.constant 1 : i32
      %sub3A_557 = arith.subi %add3A_555, %sub3A_556 : i32
      %mul3A_558 = arith.constant 80 : i32
      %mul3A_559 = arith.muli %sub3A_557, %mul3A_558 : i32
      %dma_start3A_560 = arith.constant 0 : i32
      %dma_start3A_561 = arith.constant 0 : i32
      %dma_start3A_562 = arith.constant 0 : i32
      %dma_start3A_563 = tpu.memref_slice %arg8[%dma_start3A_560, %dma_start3A_561, %dma_start3A_562] : memref<8x80x128xbf16, #tpu.memory_space<vmem>> -> memref<1x80x128xbf16, #tpu.memory_space<vmem>>
      %dma_start3A_564 = tpu.memref_squeeze %dma_start3A_563 : memref<1x80x128xbf16, #tpu.memory_space<vmem>> -> memref<80x128xbf16, #tpu.memory_space<vmem>>
      %dma_start3A_565 = tpu.memref_slice %arg6[%mul3A_559] : memref<10000xi32, #tpu.memory_space<vmem>> -> memref<80xi32, #tpu.memory_space<vmem>>
      %dma_start3A_566 = arith.constant 0 : i32
      %dma_start3A_567 = arith.constant 0 : i32
      %dma_start3A_568 = tpu.memref_slice %arg2[%dma_start3A_566, %dma_start3A_567] : memref<10000x128xbf16, #tpu.memory_space<hbm>> -> memref<10000x128xbf16, #tpu.memory_space<hbm>>
      tpu.enqueue_indirect_dma source(%dma_start3A_568 : memref<10000x128xbf16, #tpu.memory_space<hbm>>) target(%dma_start3A_564 : memref<80x128xbf16, #tpu.memory_space<vmem>>) offsets(%dma_start3A_565 : memref<80xi32, #tpu.memory_space<vmem>>) semaphore(%arg11 : memref<!tpu.dma_semaphore, #tpu.memory_space<semaphore_mem>>)
      %add3A_569 = arith.constant 2 : i32
      %add3A_570 = arith.addi %mul3A_447, %add3A_569 : i32
      %mul3A_571 = arith.constant 80 : i32
      %mul3A_572 = arith.muli %add3A_570, %mul3A_571 : i32
      %dma_wait3A_573 = arith.constant 2 : i32
      %dma_wait3A_574 = arith.constant 0 : i32
      %dma_wait3A_575 = arith.constant 0 : i32
      %dma_wait3A_576 = tpu.memref_slice %arg8[%dma_wait3A_573, %dma_wait3A_574, %dma_wait3A_575] : memref<8x80x128xbf16, #tpu.memory_space<vmem>> -> memref<1x80x128xbf16, #tpu.memory_space<vmem>>
      %dma_wait3A_577 = tpu.memref_squeeze %dma_wait3A_576 : memref<1x80x128xbf16, #tpu.memory_space<vmem>> -> memref<80x128xbf16, #tpu.memory_space<vmem>>
      %dma_wait3A_578 = tpu.memref_slice %arg6[%mul3A_572] : memref<10000xi32, #tpu.memory_space<vmem>> -> memref<80xi32, #tpu.memory_space<vmem>>
      %dma_wait3A_579 = arith.constant 0 : i32
      %dma_wait3A_580 = arith.constant 0 : i32
      %dma_wait3A_581 = tpu.memref_slice %arg2[%dma_wait3A_579, %dma_wait3A_580] : memref<10000x128xbf16, #tpu.memory_space<hbm>> -> memref<10000x128xbf16, #tpu.memory_space<hbm>>
      tpu.wait_indirect_dma semaphore(%arg13 : memref<!tpu.dma_semaphore, #tpu.memory_space<semaphore_mem>>) src(%dma_wait3A_581 : memref<10000x128xbf16, #tpu.memory_space<hbm>>) dst(%dma_wait3A_577 : memref<80x128xbf16, #tpu.memory_space<vmem>>)
      %mul3A_582 = arith.constant 80 : i32
      %mul3A_583 = arith.muli %add3A_570, %mul3A_582 : i32
      %run_scoped3A_584 = arith.constant 2 : i32
      "tpu.region"() ({
        %run_scoped3A_935 = tpu.sem_alloc : memref<!tpu.dma_semaphore, #tpu.memory_space<semaphore_mem>>
        %dma_start3A_936 = arith.constant 0 : i32
        %dma_start3A_937 = arith.constant 0 : i32
        %dma_start3A_938 = tpu.memref_slice %arg8[%run_scoped3A_584, %dma_start3A_936, %dma_start3A_937] : memref<8x80x128xbf16, #tpu.memory_space<vmem>> -> memref<1x80x128xbf16, #tpu.memory_space<vmem>>
        %dma_start3A_939 = tpu.memref_squeeze %dma_start3A_938 : memref<1x80x128xbf16, #tpu.memory_space<vmem>> -> memref<80x128xbf16, #tpu.memory_space<vmem>>
        %dma_start3A_940 = tpu.memref_slice %arg7[%mul3A_583] : memref<10000xi32, #tpu.memory_space<vmem>> -> memref<80xi32, #tpu.memory_space<vmem>>
        %dma_start3A_941 = arith.constant 0 : i32
        %dma_start3A_942 = arith.constant 0 : i32
        %dma_start3A_943 = tpu.memref_slice %arg19[%dma_start3A_941, %dma_start3A_942] : memref<10112x128xbf16, #tpu.memory_space<vmem_shared>> -> memref<10112x128xbf16, #tpu.memory_space<vmem_shared>>
        tpu.enqueue_indirect_dma source(%dma_start3A_939 : memref<80x128xbf16, #tpu.memory_space<vmem>>) target(%dma_start3A_943 : memref<10112x128xbf16, #tpu.memory_space<vmem_shared>>) offsets(%dma_start3A_940 : memref<80xi32, #tpu.memory_space<vmem>>) semaphore(%run_scoped3A_935 : memref<!tpu.dma_semaphore, #tpu.memory_space<semaphore_mem>>) {add = true}
        %dma_wait3A_944 = arith.constant 0 : i32
        %dma_wait3A_945 = arith.constant 0 : i32
        %dma_wait3A_946 = tpu.memref_slice %arg8[%run_scoped3A_584, %dma_wait3A_944, %dma_wait3A_945] : memref<8x80x128xbf16, #tpu.memory_space<vmem>> -> memref<1x80x128xbf16, #tpu.memory_space<vmem>>
        %dma_wait3A_947 = tpu.memref_squeeze %dma_wait3A_946 : memref<1x80x128xbf16, #tpu.memory_space<vmem>> -> memref<80x128xbf16, #tpu.memory_space<vmem>>
        %dma_wait3A_948 = tpu.memref_slice %arg7[%mul3A_583] : memref<10000xi32, #tpu.memory_space<vmem>> -> memref<80xi32, #tpu.memory_space<vmem>>
        %dma_wait3A_949 = arith.constant 0 : i32
        %dma_wait3A_950 = arith.constant 0 : i32
        %dma_wait3A_951 = tpu.memref_slice %arg19[%dma_wait3A_949, %dma_wait3A_950] : memref<10112x128xbf16, #tpu.memory_space<vmem_shared>> -> memref<10112x128xbf16, #tpu.memory_space<vmem_shared>>
        tpu.wait_indirect_dma semaphore(%run_scoped3A_935 : memref<!tpu.dma_semaphore, #tpu.memory_space<semaphore_mem>>) src(%dma_wait3A_947 : memref<80x128xbf16, #tpu.memory_space<vmem>>) dst(%dma_wait3A_951 : memref<10112x128xbf16, #tpu.memory_space<vmem_shared>>)
        tpu.yield
      }) : () -> ()
      %mul3A_585 = arith.constant 80 : i32
      %mul3A_586 = arith.muli %add3A_570, %mul3A_585 : i32
      %add3A_587 = arith.constant 0 : i32
      %add3A_588 = arith.addi %mul3A_586, %add3A_587 : i32
      %get3A_589 = arith.index_cast %add3A_588 : i32 to index
      %get3A_590 = tpu.vector_load %arg7[%get3A_589] {strides = array<i32>} : memref<10000xi32, #tpu.memory_space<vmem>>, vector<16xi32>,
      tpu.vector_store_idx %arg10[%get3A_590], %broadcast_in_dim3A_8 {add = true} : memref<10000xf32, #tpu.memory_space<vmem>>[vector<16xi32>], vector<16xf32>,
      %mul3A_591 = arith.constant 80 : i32
      %mul3A_592 = arith.muli %add3A_570, %mul3A_591 : i32
      %add3A_593 = arith.constant 16 : i32
      %add3A_594 = arith.addi %mul3A_592, %add3A_593 : i32
      %get3A_595 = arith.index_cast %add3A_594 : i32 to index
      %get3A_596 = tpu.vector_load %arg7[%get3A_595] {strides = array<i32>} : memref<10000xi32, #tpu.memory_space<vmem>>, vector<16xi32>,
      tpu.vector_store_idx %arg10[%get3A_596], %broadcast_in_dim3A_8 {add = true} : memref<10000xf32, #tpu.memory_space<vmem>>[vector<16xi32>], vector<16xf32>,
      %mul3A_597 = arith.constant 80 : i32
      %mul3A_598 = arith.muli %add3A_570, %mul3A_597 : i32
      %add3A_599 = arith.constant 32 : i32
      %add3A_600 = arith.addi %mul3A_598, %add3A_599 : i32
      %get3A_601 = arith.index_cast %add3A_600 : i32 to index
      %get3A_602 = tpu.vector_load %arg7[%get3A_601] {strides = array<i32>} : memref<10000xi32, #tpu.memory_space<vmem>>, vector<16xi32>,
      tpu.vector_store_idx %arg10[%get3A_602], %broadcast_in_dim3A_8 {add = true} : memref<10000xf32, #tpu.memory_space<vmem>>[vector<16xi32>], vector<16xf32>,
      %mul3A_603 = arith.constant 80 : i32
      %mul3A_604 = arith.muli %add3A_570, %mul3A_603 : i32
      %add3A_605 = arith.constant 48 : i32
      %add3A_606 = arith.addi %mul3A_604, %add3A_605 : i32
      %get3A_607 = arith.index_cast %add3A_606 : i32 to index
      %get3A_608 = tpu.vector_load %arg7[%get3A_607] {strides = array<i32>} : memref<10000xi32, #tpu.memory_space<vmem>>, vector<16xi32>,
      tpu.vector_store_idx %arg10[%get3A_608], %broadcast_in_dim3A_8 {add = true} : memref<10000xf32, #tpu.memory_space<vmem>>[vector<16xi32>], vector<16xf32>,
      %mul3A_609 = arith.constant 80 : i32
      %mul3A_610 = arith.muli %add3A_570, %mul3A_609 : i32
      %add3A_611 = arith.constant 64 : i32
      %add3A_612 = arith.addi %mul3A_610, %add3A_611 : i32
      %get3A_613 = arith.index_cast %add3A_612 : i32 to index
      %get3A_614 = tpu.vector_load %arg7[%get3A_613] {strides = array<i32>} : memref<10000xi32, #tpu.memory_space<vmem>>, vector<16xi32>,
      tpu.vector_store_idx %arg10[%get3A_614], %broadcast_in_dim3A_8 {add = true} : memref<10000xf32, #tpu.memory_space<vmem>>[vector<16xi32>], vector<16xf32>,
      %add3A_615 = arith.constant 8 : i32
      %add3A_616 = arith.addi %add3A_570, %add3A_615 : i32
      %sub3A_617 = arith.constant 1 : i32
      %sub3A_618 = arith.subi %add3A_616, %sub3A_617 : i32
      %mul3A_619 = arith.constant 80 : i32
      %mul3A_620 = arith.muli %sub3A_618, %mul3A_619 : i32
      %dma_start3A_621 = arith.constant 1 : i32
      %dma_start3A_622 = arith.constant 0 : i32
      %dma_start3A_623 = arith.constant 0 : i32
      %dma_start3A_624 = tpu.memref_slice %arg8[%dma_start3A_621, %dma_start3A_622, %dma_start3A_623] : memref<8x80x128xbf16, #tpu.memory_space<vmem>> -> memref<1x80x128xbf16, #tpu.memory_space<vmem>>
      %dma_start3A_625 = tpu.memref_squeeze %dma_start3A_624 : memref<1x80x128xbf16, #tpu.memory_space<vmem>> -> memref<80x128xbf16, #tpu.memory_space<vmem>>
      %dma_start3A_626 = tpu.memref_slice %arg6[%mul3A_620] : memref<10000xi32, #tpu.memory_space<vmem>> -> memref<80xi32, #tpu.memory_space<vmem>>
      %dma_start3A_627 = arith.constant 0 : i32
      %dma_start3A_628 = arith.constant 0 : i32
      %dma_start3A_629 = tpu.memref_slice %arg2[%dma_start3A_627, %dma_start3A_628] : memref<10000x128xbf16, #tpu.memory_space<hbm>> -> memref<10000x128xbf16, #tpu.memory_space<hbm>>
      tpu.enqueue_indirect_dma source(%dma_start3A_629 : memref<10000x128xbf16, #tpu.memory_space<hbm>>) target(%dma_start3A_625 : memref<80x128xbf16, #tpu.memory_space<vmem>>) offsets(%dma_start3A_626 : memref<80xi32, #tpu.memory_space<vmem>>) semaphore(%arg12 : memref<!tpu.dma_semaphore, #tpu.memory_space<semaphore_mem>>)
      %add3A_630 = arith.constant 3 : i32
      %add3A_631 = arith.addi %mul3A_447, %add3A_630 : i32
      %mul3A_632 = arith.constant 80 : i32
      %mul3A_633 = arith.muli %add3A_631, %mul3A_632 : i32
      %dma_wait3A_634 = arith.constant 3 : i32
      %dma_wait3A_635 = arith.constant 0 : i32
      %dma_wait3A_636 = arith.constant 0 : i32
      %dma_wait3A_637 = tpu.memref_slice %arg8[%dma_wait3A_634, %dma_wait3A_635, %dma_wait3A_636] : memref<8x80x128xbf16, #tpu.memory_space<vmem>> -> memref<1x80x128xbf16, #tpu.memory_space<vmem>>
      %dma_wait3A_638 = tpu.memref_squeeze %dma_wait3A_637 : memref<1x80x128xbf16, #tpu.memory_space<vmem>> -> memref<80x128xbf16, #tpu.memory_space<vmem>>
      %dma_wait3A_639 = tpu.memref_slice %arg6[%mul3A_633] : memref<10000xi32, #tpu.memory_space<vmem>> -> memref<80xi32, #tpu.memory_space<vmem>>
      %dma_wait3A_640 = arith.constant 0 : i32
      %dma_wait3A_641 = arith.constant 0 : i32
      %dma_wait3A_642 = tpu.memref_slice %arg2[%dma_wait3A_640, %dma_wait3A_641] : memref<10000x128xbf16, #tpu.memory_space<hbm>> -> memref<10000x128xbf16, #tpu.memory_space<hbm>>
      tpu.wait_indirect_dma semaphore(%arg14 : memref<!tpu.dma_semaphore, #tpu.memory_space<semaphore_mem>>) src(%dma_wait3A_642 : memref<10000x128xbf16, #tpu.memory_space<hbm>>) dst(%dma_wait3A_638 : memref<80x128xbf16, #tpu.memory_space<vmem>>)
      %mul3A_643 = arith.constant 80 : i32
      %mul3A_644 = arith.muli %add3A_631, %mul3A_643 : i32
      %run_scoped3A_645 = arith.constant 3 : i32
      "tpu.region"() ({
        %run_scoped3A_935 = tpu.sem_alloc : memref<!tpu.dma_semaphore, #tpu.memory_space<semaphore_mem>>
        %dma_start3A_936 = arith.constant 0 : i32
        %dma_start3A_937 = arith.constant 0 : i32
        %dma_start3A_938 = tpu.memref_slice %arg8[%run_scoped3A_645, %dma_start3A_936, %dma_start3A_937] : memref<8x80x128xbf16, #tpu.memory_space<vmem>> -> memref<1x80x128xbf16, #tpu.memory_space<vmem>>
        %dma_start3A_939 = tpu.memref_squeeze %dma_start3A_938 : memref<1x80x128xbf16, #tpu.memory_space<vmem>> -> memref<80x128xbf16, #tpu.memory_space<vmem>>
        %dma_start3A_940 = tpu.memref_slice %arg7[%mul3A_644] : memref<10000xi32, #tpu.memory_space<vmem>> -> memref<80xi32, #tpu.memory_space<vmem>>
        %dma_start3A_941 = arith.constant 0 : i32
        %dma_start3A_942 = arith.constant 0 : i32
        %dma_start3A_943 = tpu.memref_slice %arg19[%dma_start3A_941, %dma_start3A_942] : memref<10112x128xbf16, #tpu.memory_space<vmem_shared>> -> memref<10112x128xbf16, #tpu.memory_space<vmem_shared>>
        tpu.enqueue_indirect_dma source(%dma_start3A_939 : memref<80x128xbf16, #tpu.memory_space<vmem>>) target(%dma_start3A_943 : memref<10112x128xbf16, #tpu.memory_space<vmem_shared>>) offsets(%dma_start3A_940 : memref<80xi32, #tpu.memory_space<vmem>>) semaphore(%run_scoped3A_935 : memref<!tpu.dma_semaphore, #tpu.memory_space<semaphore_mem>>) {add = true}
        %dma_wait3A_944 = arith.constant 0 : i32
        %dma_wait3A_945 = arith.constant 0 : i32
        %dma_wait3A_946 = tpu.memref_slice %arg8[%run_scoped3A_645, %dma_wait3A_944, %dma_wait3A_945] : memref<8x80x128xbf16, #tpu.memory_space<vmem>> -> memref<1x80x128xbf16, #tpu.memory_space<vmem>>
        %dma_wait3A_947 = tpu.memref_squeeze %dma_wait3A_946 : memref<1x80x128xbf16, #tpu.memory_space<vmem>> -> memref<80x128xbf16, #tpu.memory_space<vmem>>
        %dma_wait3A_948 = tpu.memref_slice %arg7[%mul3A_644] : memref<10000xi32, #tpu.memory_space<vmem>> -> memref<80xi32, #tpu.memory_space<vmem>>
        %dma_wait3A_949 = arith.constant 0 : i32
        %dma_wait3A_950 = arith.constant 0 : i32
        %dma_wait3A_951 = tpu.memref_slice %arg19[%dma_wait3A_949, %dma_wait3A_950] : memref<10112x128xbf16, #tpu.memory_space<vmem_shared>> -> memref<10112x128xbf16, #tpu.memory_space<vmem_shared>>
        tpu.wait_indirect_dma semaphore(%run_scoped3A_935 : memref<!tpu.dma_semaphore, #tpu.memory_space<semaphore_mem>>) src(%dma_wait3A_947 : memref<80x128xbf16, #tpu.memory_space<vmem>>) dst(%dma_wait3A_951 : memref<10112x128xbf16, #tpu.memory_space<vmem_shared>>)
        tpu.yield
      }) : () -> ()
      %mul3A_646 = arith.constant 80 : i32
      %mul3A_647 = arith.muli %add3A_631, %mul3A_646 : i32
      %add3A_648 = arith.constant 0 : i32
      %add3A_649 = arith.addi %mul3A_647, %add3A_648 : i32
      %get3A_650 = arith.index_cast %add3A_649 : i32 to index
      %get3A_651 = tpu.vector_load %arg7[%get3A_650] {strides = array<i32>} : memref<10000xi32, #tpu.memory_space<vmem>>, vector<16xi32>,
      tpu.vector_store_idx %arg10[%get3A_651], %broadcast_in_dim3A_8 {add = true} : memref<10000xf32, #tpu.memory_space<vmem>>[vector<16xi32>], vector<16xf32>,
      %mul3A_652 = arith.constant 80 : i32
      %mul3A_653 = arith.muli %add3A_631, %mul3A_652 : i32
      %add3A_654 = arith.constant 16 : i32
      %add3A_655 = arith.addi %mul3A_653, %add3A_654 : i32
      %get3A_656 = arith.index_cast %add3A_655 : i32 to index
      %get3A_657 = tpu.vector_load %arg7[%get3A_656] {strides = array<i32>} : memref<10000xi32, #tpu.memory_space<vmem>>, vector<16xi32>,
      tpu.vector_store_idx %arg10[%get3A_657], %broadcast_in_dim3A_8 {add = true} : memref<10000xf32, #tpu.memory_space<vmem>>[vector<16xi32>], vector<16xf32>,
      %mul3A_658 = arith.constant 80 : i32
      %mul3A_659 = arith.muli %add3A_631, %mul3A_658 : i32
      %add3A_660 = arith.constant 32 : i32
      %add3A_661 = arith.addi %mul3A_659, %add3A_660 : i32
      %get3A_662 = arith.index_cast %add3A_661 : i32 to index
      %get3A_663 = tpu.vector_load %arg7[%get3A_662] {strides = array<i32>} : memref<10000xi32, #tpu.memory_space<vmem>>, vector<16xi32>,
      tpu.vector_store_idx %arg10[%get3A_663], %broadcast_in_dim3A_8 {add = true} : memref<10000xf32, #tpu.memory_space<vmem>>[vector<16xi32>], vector<16xf32>,
      %mul3A_664 = arith.constant 80 : i32
      %mul3A_665 = arith.muli %add3A_631, %mul3A_664 : i32
      %add3A_666 = arith.constant 48 : i32
      %add3A_667 = arith.addi %mul3A_665, %add3A_666 : i32
      %get3A_668 = arith.index_cast %add3A_667 : i32 to index
      %get3A_669 = tpu.vector_load %arg7[%get3A_668] {strides = array<i32>} : memref<10000xi32, #tpu.memory_space<vmem>>, vector<16xi32>,
      tpu.vector_store_idx %arg10[%get3A_669], %broadcast_in_dim3A_8 {add = true} : memref<10000xf32, #tpu.memory_space<vmem>>[vector<16xi32>], vector<16xf32>,
      %mul3A_670 = arith.constant 80 : i32
      %mul3A_671 = arith.muli %add3A_631, %mul3A_670 : i32
      %add3A_672 = arith.constant 64 : i32
      %add3A_673 = arith.addi %mul3A_671, %add3A_672 : i32
      %get3A_674 = arith.index_cast %add3A_673 : i32 to index
      %get3A_675 = tpu.vector_load %arg7[%get3A_674] {strides = array<i32>} : memref<10000xi32, #tpu.memory_space<vmem>>, vector<16xi32>,
      tpu.vector_store_idx %arg10[%get3A_675], %broadcast_in_dim3A_8 {add = true} : memref<10000xf32, #tpu.memory_space<vmem>>[vector<16xi32>], vector<16xf32>,
      %add3A_676 = arith.constant 8 : i32
      %add3A_677 = arith.addi %add3A_631, %add3A_676 : i32
      %sub3A_678 = arith.constant 1 : i32
      %sub3A_679 = arith.subi %add3A_677, %sub3A_678 : i32
      %mul3A_680 = arith.constant 80 : i32
      %mul3A_681 = arith.muli %sub3A_679, %mul3A_680 : i32
      %dma_start3A_682 = arith.constant 2 : i32
      %dma_start3A_683 = arith.constant 0 : i32
      %dma_start3A_684 = arith.constant 0 : i32
      %dma_start3A_685 = tpu.memref_slice %arg8[%dma_start3A_682, %dma_start3A_683, %dma_start3A_684] : memref<8x80x128xbf16, #tpu.memory_space<vmem>> -> memref<1x80x128xbf16, #tpu.memory_space<vmem>>
      %dma_start3A_686 = tpu.memref_squeeze %dma_start3A_685 : memref<1x80x128xbf16, #tpu.memory_space<vmem>> -> memref<80x128xbf16, #tpu.memory_space<vmem>>
      %dma_start3A_687 = tpu.memref_slice %arg6[%mul3A_681] : memref<10000xi32, #tpu.memory_space<vmem>> -> memref<80xi32, #tpu.memory_space<vmem>>
      %dma_start3A_688 = arith.constant 0 : i32
      %dma_start3A_689 = arith.constant 0 : i32
      %dma_start3A_690 = tpu.memref_slice %arg2[%dma_start3A_688, %dma_start3A_689] : memref<10000x128xbf16, #tpu.memory_space<hbm>> -> memref<10000x128xbf16, #tpu.memory_space<hbm>>
      tpu.enqueue_indirect_dma source(%dma_start3A_690 : memref<10000x128xbf16, #tpu.memory_space<hbm>>) target(%dma_start3A_686 : memref<80x128xbf16, #tpu.memory_space<vmem>>) offsets(%dma_start3A_687 : memref<80xi32, #tpu.memory_space<vmem>>) semaphore(%arg13 : memref<!tpu.dma_semaphore, #tpu.memory_space<semaphore_mem>>)
      %add3A_691 = arith.constant 4 : i32
      %add3A_692 = arith.addi %mul3A_447, %add3A_691 : i32
      %mul3A_693 = arith.constant 80 : i32
      %mul3A_694 = arith.muli %add3A_692, %mul3A_693 : i32
      %dma_wait3A_695 = arith.constant 4 : i32
      %dma_wait3A_696 = arith.constant 0 : i32
      %dma_wait3A_697 = arith.constant 0 : i32
      %dma_wait3A_698 = tpu.memref_slice %arg8[%dma_wait3A_695, %dma_wait3A_696, %dma_wait3A_697] : memref<8x80x128xbf16, #tpu.memory_space<vmem>> -> memref<1x80x128xbf16, #tpu.memory_space<vmem>>
      %dma_wait3A_699 = tpu.memref_squeeze %dma_wait3A_698 : memref<1x80x128xbf16, #tpu.memory_space<vmem>> -> memref<80x128xbf16, #tpu.memory_space<vmem>>
      %dma_wait3A_700 = tpu.memref_slice %arg6[%mul3A_694] : memref<10000xi32, #tpu.memory_space<vmem>> -> memref<80xi32, #tpu.memory_space<vmem>>
      %dma_wait3A_701 = arith.constant 0 : i32
      %dma_wait3A_702 = arith.constant 0 : i32
      %dma_wait3A_703 = tpu.memref_slice %arg2[%dma_wait3A_701, %dma_wait3A_702] : memref<10000x128xbf16, #tpu.memory_space<hbm>> -> memref<10000x128xbf16, #tpu.memory_space<hbm>>
      tpu.wait_indirect_dma semaphore(%arg15 : memref<!tpu.dma_semaphore, #tpu.memory_space<semaphore_mem>>) src(%dma_wait3A_703 : memref<10000x128xbf16, #tpu.memory_space<hbm>>) dst(%dma_wait3A_699 : memref<80x128xbf16, #tpu.memory_space<vmem>>)
      %mul3A_704 = arith.constant 80 : i32
      %mul3A_705 = arith.muli %add3A_692, %mul3A_704 : i32
      %run_scoped3A_706 = arith.constant 4 : i32
      "tpu.region"() ({
        %run_scoped3A_935 = tpu.sem_alloc : memref<!tpu.dma_semaphore, #tpu.memory_space<semaphore_mem>>
        %dma_start3A_936 = arith.constant 0 : i32
        %dma_start3A_937 = arith.constant 0 : i32
        %dma_start3A_938 = tpu.memref_slice %arg8[%run_scoped3A_706, %dma_start3A_936, %dma_start3A_937] : memref<8x80x128xbf16, #tpu.memory_space<vmem>> -> memref<1x80x128xbf16, #tpu.memory_space<vmem>>
        %dma_start3A_939 = tpu.memref_squeeze %dma_start3A_938 : memref<1x80x128xbf16, #tpu.memory_space<vmem>> -> memref<80x128xbf16, #tpu.memory_space<vmem>>
        %dma_start3A_940 = tpu.memref_slice %arg7[%mul3A_705] : memref<10000xi32, #tpu.memory_space<vmem>> -> memref<80xi32, #tpu.memory_space<vmem>>
        %dma_start3A_941 = arith.constant 0 : i32
        %dma_start3A_942 = arith.constant 0 : i32
        %dma_start3A_943 = tpu.memref_slice %arg19[%dma_start3A_941, %dma_start3A_942] : memref<10112x128xbf16, #tpu.memory_space<vmem_shared>> -> memref<10112x128xbf16, #tpu.memory_space<vmem_shared>>
        tpu.enqueue_indirect_dma source(%dma_start3A_939 : memref<80x128xbf16, #tpu.memory_space<vmem>>) target(%dma_start3A_943 : memref<10112x128xbf16, #tpu.memory_space<vmem_shared>>) offsets(%dma_start3A_940 : memref<80xi32, #tpu.memory_space<vmem>>) semaphore(%run_scoped3A_935 : memref<!tpu.dma_semaphore, #tpu.memory_space<semaphore_mem>>) {add = true}
        %dma_wait3A_944 = arith.constant 0 : i32
        %dma_wait3A_945 = arith.constant 0 : i32
        %dma_wait3A_946 = tpu.memref_slice %arg8[%run_scoped3A_706, %dma_wait3A_944, %dma_wait3A_945] : memref<8x80x128xbf16, #tpu.memory_space<vmem>> -> memref<1x80x128xbf16, #tpu.memory_space<vmem>>
        %dma_wait3A_947 = tpu.memref_squeeze %dma_wait3A_946 : memref<1x80x128xbf16, #tpu.memory_space<vmem>> -> memref<80x128xbf16, #tpu.memory_space<vmem>>
        %dma_wait3A_948 = tpu.memref_slice %arg7[%mul3A_705] : memref<10000xi32, #tpu.memory_space<vmem>> -> memref<80xi32, #tpu.memory_space<vmem>>
        %dma_wait3A_949 = arith.constant 0 : i32
        %dma_wait3A_950 = arith.constant 0 : i32
        %dma_wait3A_951 = tpu.memref_slice %arg19[%dma_wait3A_949, %dma_wait3A_950] : memref<10112x128xbf16, #tpu.memory_space<vmem_shared>> -> memref<10112x128xbf16, #tpu.memory_space<vmem_shared>>
        tpu.wait_indirect_dma semaphore(%run_scoped3A_935 : memref<!tpu.dma_semaphore, #tpu.memory_space<semaphore_mem>>) src(%dma_wait3A_947 : memref<80x128xbf16, #tpu.memory_space<vmem>>) dst(%dma_wait3A_951 : memref<10112x128xbf16, #tpu.memory_space<vmem_shared>>)
        tpu.yield
      }) : () -> ()
      %mul3A_707 = arith.constant 80 : i32
      %mul3A_708 = arith.muli %add3A_692, %mul3A_707 : i32
      %add3A_709 = arith.constant 0 : i32
      %add3A_710 = arith.addi %mul3A_708, %add3A_709 : i32
      %get3A_711 = arith.index_cast %add3A_710 : i32 to index
      %get3A_712 = tpu.vector_load %arg7[%get3A_711] {strides = array<i32>} : memref<10000xi32, #tpu.memory_space<vmem>>, vector<16xi32>,
      tpu.vector_store_idx %arg10[%get3A_712], %broadcast_in_dim3A_8 {add = true} : memref<10000xf32, #tpu.memory_space<vmem>>[vector<16xi32>], vector<16xf32>,
      %mul3A_713 = arith.constant 80 : i32
      %mul3A_714 = arith.muli %add3A_692, %mul3A_713 : i32
      %add3A_715 = arith.constant 16 : i32
      %add3A_716 = arith.addi %mul3A_714, %add3A_715 : i32
      %get3A_717 = arith.index_cast %add3A_716 : i32 to index
      %get3A_718 = tpu.vector_load %arg7[%get3A_717] {strides = array<i32>} : memref<10000xi32, #tpu.memory_space<vmem>>, vector<16xi32>,
      tpu.vector_store_idx %arg10[%get3A_718], %broadcast_in_dim3A_8 {add = true} : memref<10000xf32, #tpu.memory_space<vmem>>[vector<16xi32>], vector<16xf32>,
      %mul3A_719 = arith.constant 80 : i32
      %mul3A_720 = arith.muli %add3A_692, %mul3A_719 : i32
      %add3A_721 = arith.constant 32 : i32
      %add3A_722 = arith.addi %mul3A_720, %add3A_721 : i32
      %get3A_723 = arith.index_cast %add3A_722 : i32 to index
      %get3A_724 = tpu.vector_load %arg7[%get3A_723] {strides = array<i32>} : memref<10000xi32, #tpu.memory_space<vmem>>, vector<16xi32>,
      tpu.vector_store_idx %arg10[%get3A_724], %broadcast_in_dim3A_8 {add = true} : memref<10000xf32, #tpu.memory_space<vmem>>[vector<16xi32>], vector<16xf32>,
      %mul3A_725 = arith.constant 80 : i32
      %mul3A_726 = arith.muli %add3A_692, %mul3A_725 : i32
      %add3A_727 = arith.constant 48 : i32
      %add3A_728 = arith.addi %mul3A_726, %add3A_727 : i32
      %get3A_729 = arith.index_cast %add3A_728 : i32 to index
      %get3A_730 = tpu.vector_load %arg7[%get3A_729] {strides = array<i32>} : memref<10000xi32, #tpu.memory_space<vmem>>, vector<16xi32>,
      tpu.vector_store_idx %arg10[%get3A_730], %broadcast_in_dim3A_8 {add = true} : memref<10000xf32, #tpu.memory_space<vmem>>[vector<16xi32>], vector<16xf32>,
      %mul3A_731 = arith.constant 80 : i32
      %mul3A_732 = arith.muli %add3A_692, %mul3A_731 : i32
      %add3A_733 = arith.constant 64 : i32
      %add3A_734 = arith.addi %mul3A_732, %add3A_733 : i32
      %get3A_735 = arith.index_cast %add3A_734 : i32 to index
      %get3A_736 = tpu.vector_load %arg7[%get3A_735] {strides = array<i32>} : memref<10000xi32, #tpu.memory_space<vmem>>, vector<16xi32>,
      tpu.vector_store_idx %arg10[%get3A_736], %broadcast_in_dim3A_8 {add = true} : memref<10000xf32, #tpu.memory_space<vmem>>[vector<16xi32>], vector<16xf32>,
      %add3A_737 = arith.constant 8 : i32
      %add3A_738 = arith.addi %add3A_692, %add3A_737 : i32
      %sub3A_739 = arith.constant 1 : i32
      %sub3A_740 = arith.subi %add3A_738, %sub3A_739 : i32
      %mul3A_741 = arith.constant 80 : i32
      %mul3A_742 = arith.muli %sub3A_740, %mul3A_741 : i32
      %dma_start3A_743 = arith.constant 3 : i32
      %dma_start3A_744 = arith.constant 0 : i32
      %dma_start3A_745 = arith.constant 0 : i32
      %dma_start3A_746 = tpu.memref_slice %arg8[%dma_start3A_743, %dma_start3A_744, %dma_start3A_745] : memref<8x80x128xbf16, #tpu.memory_space<vmem>> -> memref<1x80x128xbf16, #tpu.memory_space<vmem>>
      %dma_start3A_747 = tpu.memref_squeeze %dma_start3A_746 : memref<1x80x128xbf16, #tpu.memory_space<vmem>> -> memref<80x128xbf16, #tpu.memory_space<vmem>>
      %dma_start3A_748 = tpu.memref_slice %arg6[%mul3A_742] : memref<10000xi32, #tpu.memory_space<vmem>> -> memref<80xi32, #tpu.memory_space<vmem>>
      %dma_start3A_749 = arith.constant 0 : i32
      %dma_start3A_750 = arith.constant 0 : i32
      %dma_start3A_751 = tpu.memref_slice %arg2[%dma_start3A_749, %dma_start3A_750] : memref<10000x128xbf16, #tpu.memory_space<hbm>> -> memref<10000x128xbf16, #tpu.memory_space<hbm>>
      tpu.enqueue_indirect_dma source(%dma_start3A_751 : memref<10000x128xbf16, #tpu.memory_space<hbm>>) target(%dma_start3A_747 : memref<80x128xbf16, #tpu.memory_space<vmem>>) offsets(%dma_start3A_748 : memref<80xi32, #tpu.memory_space<vmem>>) semaphore(%arg14 : memref<!tpu.dma_semaphore, #tpu.memory_space<semaphore_mem>>)
      %add3A_752 = arith.constant 5 : i32
      %add3A_753 = arith.addi %mul3A_447, %add3A_752 : i32
      %mul3A_754 = arith.constant 80 : i32
      %mul3A_755 = arith.muli %add3A_753, %mul3A_754 : i32
      %dma_wait3A_756 = arith.constant 5 : i32
      %dma_wait3A_757 = arith.constant 0 : i32
      %dma_wait3A_758 = arith.constant 0 : i32
      %dma_wait3A_759 = tpu.memref_slice %arg8[%dma_wait3A_756, %dma_wait3A_757, %dma_wait3A_758] : memref<8x80x128xbf16, #tpu.memory_space<vmem>> -> memref<1x80x128xbf16, #tpu.memory_space<vmem>>
      %dma_wait3A_760 = tpu.memref_squeeze %dma_wait3A_759 : memref<1x80x128xbf16, #tpu.memory_space<vmem>> -> memref<80x128xbf16, #tpu.memory_space<vmem>>
      %dma_wait3A_761 = tpu.memref_slice %arg6[%mul3A_755] : memref<10000xi32, #tpu.memory_space<vmem>> -> memref<80xi32, #tpu.memory_space<vmem>>
      %dma_wait3A_762 = arith.constant 0 : i32
      %dma_wait3A_763 = arith.constant 0 : i32
      %dma_wait3A_764 = tpu.memref_slice %arg2[%dma_wait3A_762, %dma_wait3A_763] : memref<10000x128xbf16, #tpu.memory_space<hbm>> -> memref<10000x128xbf16, #tpu.memory_space<hbm>>
      tpu.wait_indirect_dma semaphore(%arg16 : memref<!tpu.dma_semaphore, #tpu.memory_space<semaphore_mem>>) src(%dma_wait3A_764 : memref<10000x128xbf16, #tpu.memory_space<hbm>>) dst(%dma_wait3A_760 : memref<80x128xbf16, #tpu.memory_space<vmem>>)
      %mul3A_765 = arith.constant 80 : i32
      %mul3A_766 = arith.muli %add3A_753, %mul3A_765 : i32
      %run_scoped3A_767 = arith.constant 5 : i32
      "tpu.region"() ({
        %run_scoped3A_935 = tpu.sem_alloc : memref<!tpu.dma_semaphore, #tpu.memory_space<semaphore_mem>>
        %dma_start3A_936 = arith.constant 0 : i32
        %dma_start3A_937 = arith.constant 0 : i32
        %dma_start3A_938 = tpu.memref_slice %arg8[%run_scoped3A_767, %dma_start3A_936, %dma_start3A_937] : memref<8x80x128xbf16, #tpu.memory_space<vmem>> -> memref<1x80x128xbf16, #tpu.memory_space<vmem>>
        %dma_start3A_939 = tpu.memref_squeeze %dma_start3A_938 : memref<1x80x128xbf16, #tpu.memory_space<vmem>> -> memref<80x128xbf16, #tpu.memory_space<vmem>>
        %dma_start3A_940 = tpu.memref_slice %arg7[%mul3A_766] : memref<10000xi32, #tpu.memory_space<vmem>> -> memref<80xi32, #tpu.memory_space<vmem>>
        %dma_start3A_941 = arith.constant 0 : i32
        %dma_start3A_942 = arith.constant 0 : i32
        %dma_start3A_943 = tpu.memref_slice %arg19[%dma_start3A_941, %dma_start3A_942] : memref<10112x128xbf16, #tpu.memory_space<vmem_shared>> -> memref<10112x128xbf16, #tpu.memory_space<vmem_shared>>
        tpu.enqueue_indirect_dma source(%dma_start3A_939 : memref<80x128xbf16, #tpu.memory_space<vmem>>) target(%dma_start3A_943 : memref<10112x128xbf16, #tpu.memory_space<vmem_shared>>) offsets(%dma_start3A_940 : memref<80xi32, #tpu.memory_space<vmem>>) semaphore(%run_scoped3A_935 : memref<!tpu.dma_semaphore, #tpu.memory_space<semaphore_mem>>) {add = true}
        %dma_wait3A_944 = arith.constant 0 : i32
        %dma_wait3A_945 = arith.constant 0 : i32
        %dma_wait3A_946 = tpu.memref_slice %arg8[%run_scoped3A_767, %dma_wait3A_944, %dma_wait3A_945] : memref<8x80x128xbf16, #tpu.memory_space<vmem>> -> memref<1x80x128xbf16, #tpu.memory_space<vmem>>
        %dma_wait3A_947 = tpu.memref_squeeze %dma_wait3A_946 : memref<1x80x128xbf16, #tpu.memory_space<vmem>> -> memref<80x128xbf16, #tpu.memory_space<vmem>>
        %dma_wait3A_948 = tpu.memref_slice %arg7[%mul3A_766] : memref<10000xi32, #tpu.memory_space<vmem>> -> memref<80xi32, #tpu.memory_space<vmem>>
        %dma_wait3A_949 = arith.constant 0 : i32
        %dma_wait3A_950 = arith.constant 0 : i32
        %dma_wait3A_951 = tpu.memref_slice %arg19[%dma_wait3A_949, %dma_wait3A_950] : memref<10112x128xbf16, #tpu.memory_space<vmem_shared>> -> memref<10112x128xbf16, #tpu.memory_space<vmem_shared>>
        tpu.wait_indirect_dma semaphore(%run_scoped3A_935 : memref<!tpu.dma_semaphore, #tpu.memory_space<semaphore_mem>>) src(%dma_wait3A_947 : memref<80x128xbf16, #tpu.memory_space<vmem>>) dst(%dma_wait3A_951 : memref<10112x128xbf16, #tpu.memory_space<vmem_shared>>)
        tpu.yield
      }) : () -> ()
      %mul3A_768 = arith.constant 80 : i32
      %mul3A_769 = arith.muli %add3A_753, %mul3A_768 : i32
      %add3A_770 = arith.constant 0 : i32
      %add3A_771 = arith.addi %mul3A_769, %add3A_770 : i32
      %get3A_772 = arith.index_cast %add3A_771 : i32 to index
      %get3A_773 = tpu.vector_load %arg7[%get3A_772] {strides = array<i32>} : memref<10000xi32, #tpu.memory_space<vmem>>, vector<16xi32>,
      tpu.vector_store_idx %arg10[%get3A_773], %broadcast_in_dim3A_8 {add = true} : memref<10000xf32, #tpu.memory_space<vmem>>[vector<16xi32>], vector<16xf32>,
      %mul3A_774 = arith.constant 80 : i32
      %mul3A_775 = arith.muli %add3A_753, %mul3A_774 : i32
      %add3A_776 = arith.constant 16 : i32
      %add3A_777 = arith.addi %mul3A_775, %add3A_776 : i32
      %get3A_778 = arith.index_cast %add3A_777 : i32 to index
      %get3A_779 = tpu.vector_load %arg7[%get3A_778] {strides = array<i32>} : memref<10000xi32, #tpu.memory_space<vmem>>, vector<16xi32>,
      tpu.vector_store_idx %arg10[%get3A_779], %broadcast_in_dim3A_8 {add = true} : memref<10000xf32, #tpu.memory_space<vmem>>[vector<16xi32>], vector<16xf32>,
      %mul3A_780 = arith.constant 80 : i32
      %mul3A_781 = arith.muli %add3A_753, %mul3A_780 : i32
      %add3A_782 = arith.constant 32 : i32
      %add3A_783 = arith.addi %mul3A_781, %add3A_782 : i32
      %get3A_784 = arith.index_cast %add3A_783 : i32 to index
      %get3A_785 = tpu.vector_load %arg7[%get3A_784] {strides = array<i32>} : memref<10000xi32, #tpu.memory_space<vmem>>, vector<16xi32>,
      tpu.vector_store_idx %arg10[%get3A_785], %broadcast_in_dim3A_8 {add = true} : memref<10000xf32, #tpu.memory_space<vmem>>[vector<16xi32>], vector<16xf32>,
      %mul3A_786 = arith.constant 80 : i32
      %mul3A_787 = arith.muli %add3A_753, %mul3A_786 : i32
      %add3A_788 = arith.constant 48 : i32
      %add3A_789 = arith.addi %mul3A_787, %add3A_788 : i32
      %get3A_790 = arith.index_cast %add3A_789 : i32 to index
      %get3A_791 = tpu.vector_load %arg7[%get3A_790] {strides = array<i32>} : memref<10000xi32, #tpu.memory_space<vmem>>, vector<16xi32>,
      tpu.vector_store_idx %arg10[%get3A_791], %broadcast_in_dim3A_8 {add = true} : memref<10000xf32, #tpu.memory_space<vmem>>[vector<16xi32>], vector<16xf32>,
      %mul3A_792 = arith.constant 80 : i32
      %mul3A_793 = arith.muli %add3A_753, %mul3A_792 : i32
      %add3A_794 = arith.constant 64 : i32
      %add3A_795 = arith.addi %mul3A_793, %add3A_794 : i32
      %get3A_796 = arith.index_cast %add3A_795 : i32 to index
      %get3A_797 = tpu.vector_load %arg7[%get3A_796] {strides = array<i32>} : memref<10000xi32, #tpu.memory_space<vmem>>, vector<16xi32>,
      tpu.vector_store_idx %arg10[%get3A_797], %broadcast_in_dim3A_8 {add = true} : memref<10000xf32, #tpu.memory_space<vmem>>[vector<16xi32>], vector<16xf32>,
      %add3A_798 = arith.constant 8 : i32
      %add3A_799 = arith.addi %add3A_753, %add3A_798 : i32
      %sub3A_800 = arith.constant 1 : i32
      %sub3A_801 = arith.subi %add3A_799, %sub3A_800 : i32
      %mul3A_802 = arith.constant 80 : i32
      %mul3A_803 = arith.muli %sub3A_801, %mul3A_802 : i32
      %dma_start3A_804 = arith.constant 4 : i32
      %dma_start3A_805 = arith.constant 0 : i32
      %dma_start3A_806 = arith.constant 0 : i32
      %dma_start3A_807 = tpu.memref_slice %arg8[%dma_start3A_804, %dma_start3A_805, %dma_start3A_806] : memref<8x80x128xbf16, #tpu.memory_space<vmem>> -> memref<1x80x128xbf16, #tpu.memory_space<vmem>>
      %dma_start3A_808 = tpu.memref_squeeze %dma_start3A_807 : memref<1x80x128xbf16, #tpu.memory_space<vmem>> -> memref<80x128xbf16, #tpu.memory_space<vmem>>
      %dma_start3A_809 = tpu.memref_slice %arg6[%mul3A_803] : memref<10000xi32, #tpu.memory_space<vmem>> -> memref<80xi32, #tpu.memory_space<vmem>>
      %dma_start3A_810 = arith.constant 0 : i32
      %dma_start3A_811 = arith.constant 0 : i32
      %dma_start3A_812 = tpu.memref_slice %arg2[%dma_start3A_810, %dma_start3A_811] : memref<10000x128xbf16, #tpu.memory_space<hbm>> -> memref<10000x128xbf16, #tpu.memory_space<hbm>>
      tpu.enqueue_indirect_dma source(%dma_start3A_812 : memref<10000x128xbf16, #tpu.memory_space<hbm>>) target(%dma_start3A_808 : memref<80x128xbf16, #tpu.memory_space<vmem>>) offsets(%dma_start3A_809 : memref<80xi32, #tpu.memory_space<vmem>>) semaphore(%arg15 : memref<!tpu.dma_semaphore, #tpu.memory_space<semaphore_mem>>)
      %add3A_813 = arith.constant 6 : i32
      %add3A_814 = arith.addi %mul3A_447, %add3A_813 : i32
      %mul3A_815 = arith.constant 80 : i32
      %mul3A_816 = arith.muli %add3A_814, %mul3A_815 : i32
      %dma_wait3A_817 = arith.constant 6 : i32
      %dma_wait3A_818 = arith.constant 0 : i32
      %dma_wait3A_819 = arith.constant 0 : i32
      %dma_wait3A_820 = tpu.memref_slice %arg8[%dma_wait3A_817, %dma_wait3A_818, %dma_wait3A_819] : memref<8x80x128xbf16, #tpu.memory_space<vmem>> -> memref<1x80x128xbf16, #tpu.memory_space<vmem>>
      %dma_wait3A_821 = tpu.memref_squeeze %dma_wait3A_820 : memref<1x80x128xbf16, #tpu.memory_space<vmem>> -> memref<80x128xbf16, #tpu.memory_space<vmem>>
      %dma_wait3A_822 = tpu.memref_slice %arg6[%mul3A_816] : memref<10000xi32, #tpu.memory_space<vmem>> -> memref<80xi32, #tpu.memory_space<vmem>>
      %dma_wait3A_823 = arith.constant 0 : i32
      %dma_wait3A_824 = arith.constant 0 : i32
      %dma_wait3A_825 = tpu.memref_slice %arg2[%dma_wait3A_823, %dma_wait3A_824] : memref<10000x128xbf16, #tpu.memory_space<hbm>> -> memref<10000x128xbf16, #tpu.memory_space<hbm>>
      tpu.wait_indirect_dma semaphore(%arg17 : memref<!tpu.dma_semaphore, #tpu.memory_space<semaphore_mem>>) src(%dma_wait3A_825 : memref<10000x128xbf16, #tpu.memory_space<hbm>>) dst(%dma_wait3A_821 : memref<80x128xbf16, #tpu.memory_space<vmem>>)
      %mul3A_826 = arith.constant 80 : i32
      %mul3A_827 = arith.muli %add3A_814, %mul3A_826 : i32
      %run_scoped3A_828 = arith.constant 6 : i32
      "tpu.region"() ({
        %run_scoped3A_935 = tpu.sem_alloc : memref<!tpu.dma_semaphore, #tpu.memory_space<semaphore_mem>>
        %dma_start3A_936 = arith.constant 0 : i32
        %dma_start3A_937 = arith.constant 0 : i32
        %dma_start3A_938 = tpu.memref_slice %arg8[%run_scoped3A_828, %dma_start3A_936, %dma_start3A_937] : memref<8x80x128xbf16, #tpu.memory_space<vmem>> -> memref<1x80x128xbf16, #tpu.memory_space<vmem>>
        %dma_start3A_939 = tpu.memref_squeeze %dma_start3A_938 : memref<1x80x128xbf16, #tpu.memory_space<vmem>> -> memref<80x128xbf16, #tpu.memory_space<vmem>>
        %dma_start3A_940 = tpu.memref_slice %arg7[%mul3A_827] : memref<10000xi32, #tpu.memory_space<vmem>> -> memref<80xi32, #tpu.memory_space<vmem>>
        %dma_start3A_941 = arith.constant 0 : i32
        %dma_start3A_942 = arith.constant 0 : i32
        %dma_start3A_943 = tpu.memref_slice %arg19[%dma_start3A_941, %dma_start3A_942] : memref<10112x128xbf16, #tpu.memory_space<vmem_shared>> -> memref<10112x128xbf16, #tpu.memory_space<vmem_shared>>
        tpu.enqueue_indirect_dma source(%dma_start3A_939 : memref<80x128xbf16, #tpu.memory_space<vmem>>) target(%dma_start3A_943 : memref<10112x128xbf16, #tpu.memory_space<vmem_shared>>) offsets(%dma_start3A_940 : memref<80xi32, #tpu.memory_space<vmem>>) semaphore(%run_scoped3A_935 : memref<!tpu.dma_semaphore, #tpu.memory_space<semaphore_mem>>) {add = true}
        %dma_wait3A_944 = arith.constant 0 : i32
        %dma_wait3A_945 = arith.constant 0 : i32
        %dma_wait3A_946 = tpu.memref_slice %arg8[%run_scoped3A_828, %dma_wait3A_944, %dma_wait3A_945] : memref<8x80x128xbf16, #tpu.memory_space<vmem>> -> memref<1x80x128xbf16, #tpu.memory_space<vmem>>
        %dma_wait3A_947 = tpu.memref_squeeze %dma_wait3A_946 : memref<1x80x128xbf16, #tpu.memory_space<vmem>> -> memref<80x128xbf16, #tpu.memory_space<vmem>>
        %dma_wait3A_948 = tpu.memref_slice %arg7[%mul3A_827] : memref<10000xi32, #tpu.memory_space<vmem>> -> memref<80xi32, #tpu.memory_space<vmem>>
        %dma_wait3A_949 = arith.constant 0 : i32
        %dma_wait3A_950 = arith.constant 0 : i32
        %dma_wait3A_951 = tpu.memref_slice %arg19[%dma_wait3A_949, %dma_wait3A_950] : memref<10112x128xbf16, #tpu.memory_space<vmem_shared>> -> memref<10112x128xbf16, #tpu.memory_space<vmem_shared>>
        tpu.wait_indirect_dma semaphore(%run_scoped3A_935 : memref<!tpu.dma_semaphore, #tpu.memory_space<semaphore_mem>>) src(%dma_wait3A_947 : memref<80x128xbf16, #tpu.memory_space<vmem>>) dst(%dma_wait3A_951 : memref<10112x128xbf16, #tpu.memory_space<vmem_shared>>)
        tpu.yield
      }) : () -> ()
      %mul3A_829 = arith.constant 80 : i32
      %mul3A_830 = arith.muli %add3A_814, %mul3A_829 : i32
      %add3A_831 = arith.constant 0 : i32
      %add3A_832 = arith.addi %mul3A_830, %add3A_831 : i32
      %get3A_833 = arith.index_cast %add3A_832 : i32 to index
      %get3A_834 = tpu.vector_load %arg7[%get3A_833] {strides = array<i32>} : memref<10000xi32, #tpu.memory_space<vmem>>, vector<16xi32>,
      tpu.vector_store_idx %arg10[%get3A_834], %broadcast_in_dim3A_8 {add = true} : memref<10000xf32, #tpu.memory_space<vmem>>[vector<16xi32>], vector<16xf32>,
      %mul3A_835 = arith.constant 80 : i32
      %mul3A_836 = arith.muli %add3A_814, %mul3A_835 : i32
      %add3A_837 = arith.constant 16 : i32
      %add3A_838 = arith.addi %mul3A_836, %add3A_837 : i32
      %get3A_839 = arith.index_cast %add3A_838 : i32 to index
      %get3A_840 = tpu.vector_load %arg7[%get3A_839] {strides = array<i32>} : memref<10000xi32, #tpu.memory_space<vmem>>, vector<16xi32>,
      tpu.vector_store_idx %arg10[%get3A_840], %broadcast_in_dim3A_8 {add = true} : memref<10000xf32, #tpu.memory_space<vmem>>[vector<16xi32>], vector<16xf32>,
      %mul3A_841 = arith.constant 80 : i32
      %mul3A_842 = arith.muli %add3A_814, %mul3A_841 : i32
      %add3A_843 = arith.constant 32 : i32
      %add3A_844 = arith.addi %mul3A_842, %add3A_843 : i32
      %get3A_845 = arith.index_cast %add3A_844 : i32 to index
      %get3A_846 = tpu.vector_load %arg7[%get3A_845] {strides = array<i32>} : memref<10000xi32, #tpu.memory_space<vmem>>, vector<16xi32>,
      tpu.vector_store_idx %arg10[%get3A_846], %broadcast_in_dim3A_8 {add = true} : memref<10000xf32, #tpu.memory_space<vmem>>[vector<16xi32>], vector<16xf32>,
      %mul3A_847 = arith.constant 80 : i32
      %mul3A_848 = arith.muli %add3A_814, %mul3A_847 : i32
      %add3A_849 = arith.constant 48 : i32
      %add3A_850 = arith.addi %mul3A_848, %add3A_849 : i32
      %get3A_851 = arith.index_cast %add3A_850 : i32 to index
      %get3A_852 = tpu.vector_load %arg7[%get3A_851] {strides = array<i32>} : memref<10000xi32, #tpu.memory_space<vmem>>, vector<16xi32>,
      tpu.vector_store_idx %arg10[%get3A_852], %broadcast_in_dim3A_8 {add = true} : memref<10000xf32, #tpu.memory_space<vmem>>[vector<16xi32>], vector<16xf32>,
      %mul3A_853 = arith.constant 80 : i32
      %mul3A_854 = arith.muli %add3A_814, %mul3A_853 : i32
      %add3A_855 = arith.constant 64 : i32
      %add3A_856 = arith.addi %mul3A_854, %add3A_855 : i32
      %get3A_857 = arith.index_cast %add3A_856 : i32 to index
      %get3A_858 = tpu.vector_load %arg7[%get3A_857] {strides = array<i32>} : memref<10000xi32, #tpu.memory_space<vmem>>, vector<16xi32>,
      tpu.vector_store_idx %arg10[%get3A_858], %broadcast_in_dim3A_8 {add = true} : memref<10000xf32, #tpu.memory_space<vmem>>[vector<16xi32>], vector<16xf32>,
      %add3A_859 = arith.constant 8 : i32
      %add3A_860 = arith.addi %add3A_814, %add3A_859 : i32
      %sub3A_861 = arith.constant 1 : i32
      %sub3A_862 = arith.subi %add3A_860, %sub3A_861 : i32
      %mul3A_863 = arith.constant 80 : i32
      %mul3A_864 = arith.muli %sub3A_862, %mul3A_863 : i32
      %dma_start3A_865 = arith.constant 5 : i32
      %dma_start3A_866 = arith.constant 0 : i32
      %dma_start3A_867 = arith.constant 0 : i32
      %dma_start3A_868 = tpu.memref_slice %arg8[%dma_start3A_865, %dma_start3A_866, %dma_start3A_867] : memref<8x80x128xbf16, #tpu.memory_space<vmem>> -> memref<1x80x128xbf16, #tpu.memory_space<vmem>>
      %dma_start3A_869 = tpu.memref_squeeze %dma_start3A_868 : memref<1x80x128xbf16, #tpu.memory_space<vmem>> -> memref<80x128xbf16, #tpu.memory_space<vmem>>
      %dma_start3A_870 = tpu.memref_slice %arg6[%mul3A_864] : memref<10000xi32, #tpu.memory_space<vmem>> -> memref<80xi32, #tpu.memory_space<vmem>>
      %dma_start3A_871 = arith.constant 0 : i32
      %dma_start3A_872 = arith.constant 0 : i32
      %dma_start3A_873 = tpu.memref_slice %arg2[%dma_start3A_871, %dma_start3A_872] : memref<10000x128xbf16, #tpu.memory_space<hbm>> -> memref<10000x128xbf16, #tpu.memory_space<hbm>>
      tpu.enqueue_indirect_dma source(%dma_start3A_873 : memref<10000x128xbf16, #tpu.memory_space<hbm>>) target(%dma_start3A_869 : memref<80x128xbf16, #tpu.memory_space<vmem>>) offsets(%dma_start3A_870 : memref<80xi32, #tpu.memory_space<vmem>>) semaphore(%arg16 : memref<!tpu.dma_semaphore, #tpu.memory_space<semaphore_mem>>)
      %add3A_874 = arith.constant 7 : i32
      %add3A_875 = arith.addi %mul3A_447, %add3A_874 : i32
      %mul3A_876 = arith.constant 80 : i32
      %mul3A_877 = arith.muli %add3A_875, %mul3A_876 : i32
      %dma_wait3A_878 = arith.constant 7 : i32
      %dma_wait3A_879 = arith.constant 0 : i32
      %dma_wait3A_880 = arith.constant 0 : i32
      %dma_wait3A_881 = tpu.memref_slice %arg8[%dma_wait3A_878, %dma_wait3A_879, %dma_wait3A_880] : memref<8x80x128xbf16, #tpu.memory_space<vmem>> -> memref<1x80x128xbf16, #tpu.memory_space<vmem>>
      %dma_wait3A_882 = tpu.memref_squeeze %dma_wait3A_881 : memref<1x80x128xbf16, #tpu.memory_space<vmem>> -> memref<80x128xbf16, #tpu.memory_space<vmem>>
      %dma_wait3A_883 = tpu.memref_slice %arg6[%mul3A_877] : memref<10000xi32, #tpu.memory_space<vmem>> -> memref<80xi32, #tpu.memory_space<vmem>>
      %dma_wait3A_884 = arith.constant 0 : i32
      %dma_wait3A_885 = arith.constant 0 : i32
      %dma_wait3A_886 = tpu.memref_slice %arg2[%dma_wait3A_884, %dma_wait3A_885] : memref<10000x128xbf16, #tpu.memory_space<hbm>> -> memref<10000x128xbf16, #tpu.memory_space<hbm>>
      tpu.wait_indirect_dma semaphore(%arg18 : memref<!tpu.dma_semaphore, #tpu.memory_space<semaphore_mem>>) src(%dma_wait3A_886 : memref<10000x128xbf16, #tpu.memory_space<hbm>>) dst(%dma_wait3A_882 : memref<80x128xbf16, #tpu.memory_space<vmem>>)
      %mul3A_887 = arith.constant 80 : i32
      %mul3A_888 = arith.muli %add3A_875, %mul3A_887 : i32
      %run_scoped3A_889 = arith.constant 7 : i32
      "tpu.region"() ({
        %run_scoped3A_935 = tpu.sem_alloc : memref<!tpu.dma_semaphore, #tpu.memory_space<semaphore_mem>>
        %dma_start3A_936 = arith.constant 0 : i32
        %dma_start3A_937 = arith.constant 0 : i32
        %dma_start3A_938 = tpu.memref_slice %arg8[%run_scoped3A_889, %dma_start3A_936, %dma_start3A_937] : memref<8x80x128xbf16, #tpu.memory_space<vmem>> -> memref<1x80x128xbf16, #tpu.memory_space<vmem>>
        %dma_start3A_939 = tpu.memref_squeeze %dma_start3A_938 : memref<1x80x128xbf16, #tpu.memory_space<vmem>> -> memref<80x128xbf16, #tpu.memory_space<vmem>>
        %dma_start3A_940 = tpu.memref_slice %arg7[%mul3A_888] : memref<10000xi32, #tpu.memory_space<vmem>> -> memref<80xi32, #tpu.memory_space<vmem>>
        %dma_start3A_941 = arith.constant 0 : i32
        %dma_start3A_942 = arith.constant 0 : i32
        %dma_start3A_943 = tpu.memref_slice %arg19[%dma_start3A_941, %dma_start3A_942] : memref<10112x128xbf16, #tpu.memory_space<vmem_shared>> -> memref<10112x128xbf16, #tpu.memory_space<vmem_shared>>
        tpu.enqueue_indirect_dma source(%dma_start3A_939 : memref<80x128xbf16, #tpu.memory_space<vmem>>) target(%dma_start3A_943 : memref<10112x128xbf16, #tpu.memory_space<vmem_shared>>) offsets(%dma_start3A_940 : memref<80xi32, #tpu.memory_space<vmem>>) semaphore(%run_scoped3A_935 : memref<!tpu.dma_semaphore, #tpu.memory_space<semaphore_mem>>) {add = true}
        %dma_wait3A_944 = arith.constant 0 : i32
        %dma_wait3A_945 = arith.constant 0 : i32
        %dma_wait3A_946 = tpu.memref_slice %arg8[%run_scoped3A_889, %dma_wait3A_944, %dma_wait3A_945] : memref<8x80x128xbf16, #tpu.memory_space<vmem>> -> memref<1x80x128xbf16, #tpu.memory_space<vmem>>
        %dma_wait3A_947 = tpu.memref_squeeze %dma_wait3A_946 : memref<1x80x128xbf16, #tpu.memory_space<vmem>> -> memref<80x128xbf16, #tpu.memory_space<vmem>>
        %dma_wait3A_948 = tpu.memref_slice %arg7[%mul3A_888] : memref<10000xi32, #tpu.memory_space<vmem>> -> memref<80xi32, #tpu.memory_space<vmem>>
        %dma_wait3A_949 = arith.constant 0 : i32
        %dma_wait3A_950 = arith.constant 0 : i32
        %dma_wait3A_951 = tpu.memref_slice %arg19[%dma_wait3A_949, %dma_wait3A_950] : memref<10112x128xbf16, #tpu.memory_space<vmem_shared>> -> memref<10112x128xbf16, #tpu.memory_space<vmem_shared>>
        tpu.wait_indirect_dma semaphore(%run_scoped3A_935 : memref<!tpu.dma_semaphore, #tpu.memory_space<semaphore_mem>>) src(%dma_wait3A_947 : memref<80x128xbf16, #tpu.memory_space<vmem>>) dst(%dma_wait3A_951 : memref<10112x128xbf16, #tpu.memory_space<vmem_shared>>)
        tpu.yield
      }) : () -> ()
      %mul3A_890 = arith.constant 80 : i32
      %mul3A_891 = arith.muli %add3A_875, %mul3A_890 : i32
      %add3A_892 = arith.constant 0 : i32
      %add3A_893 = arith.addi %mul3A_891, %add3A_892 : i32
      %get3A_894 = arith.index_cast %add3A_893 : i32 to index
      %get3A_895 = tpu.vector_load %arg7[%get3A_894] {strides = array<i32>} : memref<10000xi32, #tpu.memory_space<vmem>>, vector<16xi32>,
      tpu.vector_store_idx %arg10[%get3A_895], %broadcast_in_dim3A_8 {add = true} : memref<10000xf32, #tpu.memory_space<vmem>>[vector<16xi32>], vector<16xf32>,
      %mul3A_896 = arith.constant 80 : i32
      %mul3A_897 = arith.muli %add3A_875, %mul3A_896 : i32
      %add3A_898 = arith.constant 16 : i32
      %add3A_899 = arith.addi %mul3A_897, %add3A_898 : i32
      %get3A_900 = arith.index_cast %add3A_899 : i32 to index
      %get3A_901 = tpu.vector_load %arg7[%get3A_900] {strides = array<i32>} : memref<10000xi32, #tpu.memory_space<vmem>>, vector<16xi32>,
      tpu.vector_store_idx %arg10[%get3A_901], %broadcast_in_dim3A_8 {add = true} : memref<10000xf32, #tpu.memory_space<vmem>>[vector<16xi32>], vector<16xf32>,
      %mul3A_902 = arith.constant 80 : i32
      %mul3A_903 = arith.muli %add3A_875, %mul3A_902 : i32
      %add3A_904 = arith.constant 32 : i32
      %add3A_905 = arith.addi %mul3A_903, %add3A_904 : i32
      %get3A_906 = arith.index_cast %add3A_905 : i32 to index
      %get3A_907 = tpu.vector_load %arg7[%get3A_906] {strides = array<i32>} : memref<10000xi32, #tpu.memory_space<vmem>>, vector<16xi32>,
      tpu.vector_store_idx %arg10[%get3A_907], %broadcast_in_dim3A_8 {add = true} : memref<10000xf32, #tpu.memory_space<vmem>>[vector<16xi32>], vector<16xf32>,
      %mul3A_908 = arith.constant 80 : i32
      %mul3A_909 = arith.muli %add3A_875, %mul3A_908 : i32
      %add3A_910 = arith.constant 48 : i32
      %add3A_911 = arith.addi %mul3A_909, %add3A_910 : i32
      %get3A_912 = arith.index_cast %add3A_911 : i32 to index
      %get3A_913 = tpu.vector_load %arg7[%get3A_912] {strides = array<i32>} : memref<10000xi32, #tpu.memory_space<vmem>>, vector<16xi32>,
      tpu.vector_store_idx %arg10[%get3A_913], %broadcast_in_dim3A_8 {add = true} : memref<10000xf32, #tpu.memory_space<vmem>>[vector<16xi32>], vector<16xf32>,
      %mul3A_914 = arith.constant 80 : i32
      %mul3A_915 = arith.muli %add3A_875, %mul3A_914 : i32
      %add3A_916 = arith.constant 64 : i32
      %add3A_917 = arith.addi %mul3A_915, %add3A_916 : i32
      %get3A_918 = arith.index_cast %add3A_917 : i32 to index
      %get3A_919 = tpu.vector_load %arg7[%get3A_918] {strides = array<i32>} : memref<10000xi32, #tpu.memory_space<vmem>>, vector<16xi32>,
      tpu.vector_store_idx %arg10[%get3A_919], %broadcast_in_dim3A_8 {add = true} : memref<10000xf32, #tpu.memory_space<vmem>>[vector<16xi32>], vector<16xf32>,
      %add3A_920 = arith.constant 8 : i32
      %add3A_921 = arith.addi %add3A_875, %add3A_920 : i32
      %sub3A_922 = arith.constant 1 : i32
      %sub3A_923 = arith.subi %add3A_921, %sub3A_922 : i32
      %mul3A_924 = arith.constant 80 : i32
      %mul3A_925 = arith.muli %sub3A_923, %mul3A_924 : i32
      %dma_start3A_926 = arith.constant 6 : i32
      %dma_start3A_927 = arith.constant 0 : i32
      %dma_start3A_928 = arith.constant 0 : i32
      %dma_start3A_929 = tpu.memref_slice %arg8[%dma_start3A_926, %dma_start3A_927, %dma_start3A_928] : memref<8x80x128xbf16, #tpu.memory_space<vmem>> -> memref<1x80x128xbf16, #tpu.memory_space<vmem>>
      %dma_start3A_930 = tpu.memref_squeeze %dma_start3A_929 : memref<1x80x128xbf16, #tpu.memory_space<vmem>> -> memref<80x128xbf16, #tpu.memory_space<vmem>>
      %dma_start3A_931 = tpu.memref_slice %arg6[%mul3A_925] : memref<10000xi32, #tpu.memory_space<vmem>> -> memref<80xi32, #tpu.memory_space<vmem>>
      %dma_start3A_932 = arith.constant 0 : i32
      %dma_start3A_933 = arith.constant 0 : i32
      %dma_start3A_934 = tpu.memref_slice %arg2[%dma_start3A_932, %dma_start3A_933] : memref<10000x128xbf16, #tpu.memory_space<hbm>> -> memref<10000x128xbf16, #tpu.memory_space<hbm>>
      tpu.enqueue_indirect_dma source(%dma_start3A_934 : memref<10000x128xbf16, #tpu.memory_space<hbm>>) target(%dma_start3A_930 : memref<80x128xbf16, #tpu.memory_space<vmem>>) offsets(%dma_start3A_931 : memref<80xi32, #tpu.memory_space<vmem>>) semaphore(%arg17 : memref<!tpu.dma_semaphore, #tpu.memory_space<semaphore_mem>>)
    }
    %scan3A_112 = arith.constant 14 : i32
    %dma_wait3A = arith.constant 0 : i32
    %dma_wait3A_113 = arith.constant 0 : i32
    %dma_wait3A_114 = arith.constant 0 : i32
    %dma_wait3A_115 = tpu.memref_slice %arg8[%dma_wait3A, %dma_wait3A_113, %dma_wait3A_114] : memref<8x80x128xbf16, #tpu.memory_space<vmem>> -> memref<1x80x128xbf16, #tpu.memory_space<vmem>>
    %dma_wait3A_116 = tpu.memref_squeeze %dma_wait3A_115 : memref<1x80x128xbf16, #tpu.memory_space<vmem>> -> memref<80x128xbf16, #tpu.memory_space<vmem>>
    %dma_wait3A_117 = arith.constant 8960 : i32
    %dma_wait3A_118 = tpu.memref_slice %arg6[%dma_wait3A_117] : memref<10000xi32, #tpu.memory_space<vmem>> -> memref<80xi32, #tpu.memory_space<vmem>>
    %dma_wait3A_119 = arith.constant 0 : i32
    %dma_wait3A_120 = arith.constant 0 : i32
    %dma_wait3A_121 = tpu.memref_slice %arg2[%dma_wait3A_119, %dma_wait3A_120] : memref<10000x128xbf16, #tpu.memory_space<hbm>> -> memref<10000x128xbf16, #tpu.memory_space<hbm>>
    tpu.wait_indirect_dma semaphore(%arg11 : memref<!tpu.dma_semaphore, #tpu.memory_space<semaphore_mem>>) src(%dma_wait3A_121 : memref<10000x128xbf16, #tpu.memory_space<hbm>>) dst(%dma_wait3A_116 : memref<80x128xbf16, #tpu.memory_space<vmem>>)
    %run_scoped3A_122 = arith.constant 0 : i32
    "tpu.region"() ({
      %run_scoped3A_445 = tpu.sem_alloc : memref<!tpu.dma_semaphore, #tpu.memory_space<semaphore_mem>>
      %dma_start3A_446 = arith.constant 0 : i32
      %dma_start3A_447 = arith.constant 0 : i32
      %dma_start3A_448 = tpu.memref_slice %arg8[%run_scoped3A_122, %dma_start3A_446, %dma_start3A_447] : memref<8x80x128xbf16, #tpu.memory_space<vmem>> -> memref<1x80x128xbf16, #tpu.memory_space<vmem>>
      %dma_start3A_449 = tpu.memref_squeeze %dma_start3A_448 : memref<1x80x128xbf16, #tpu.memory_space<vmem>> -> memref<80x128xbf16, #tpu.memory_space<vmem>>
      %dma_start3A_450 = arith.constant 8960 : i32
      %dma_start3A_451 = tpu.memref_slice %arg7[%dma_start3A_450] : memref<10000xi32, #tpu.memory_space<vmem>> -> memref<80xi32, #tpu.memory_space<vmem>>
      %dma_start3A_452 = arith.constant 0 : i32
      %dma_start3A_453 = arith.constant 0 : i32
      %dma_start3A_454 = tpu.memref_slice %arg19[%dma_start3A_452, %dma_start3A_453] : memref<10112x128xbf16, #tpu.memory_space<vmem_shared>> -> memref<10112x128xbf16, #tpu.memory_space<vmem_shared>>
      tpu.enqueue_indirect_dma source(%dma_start3A_449 : memref<80x128xbf16, #tpu.memory_space<vmem>>) target(%dma_start3A_454 : memref<10112x128xbf16, #tpu.memory_space<vmem_shared>>) offsets(%dma_start3A_451 : memref<80xi32, #tpu.memory_space<vmem>>) semaphore(%run_scoped3A_445 : memref<!tpu.dma_semaphore, #tpu.memory_space<semaphore_mem>>) {add = true}
      %dma_wait3A_455 = arith.constant 0 : i32
      %dma_wait3A_456 = arith.constant 0 : i32
      %dma_wait3A_457 = tpu.memref_slice %arg8[%run_scoped3A_122, %dma_wait3A_455, %dma_wait3A_456] : memref<8x80x128xbf16, #tpu.memory_space<vmem>> -> memref<1x80x128xbf16, #tpu.memory_space<vmem>>
      %dma_wait3A_458 = tpu.memref_squeeze %dma_wait3A_457 : memref<1x80x128xbf16, #tpu.memory_space<vmem>> -> memref<80x128xbf16, #tpu.memory_space<vmem>>
      %dma_wait3A_459 = arith.constant 8960 : i32
      %dma_wait3A_460 = tpu.memref_slice %arg7[%dma_wait3A_459] : memref<10000xi32, #tpu.memory_space<vmem>> -> memref<80xi32, #tpu.memory_space<vmem>>
      %dma_wait3A_461 = arith.constant 0 : i32
      %dma_wait3A_462 = arith.constant 0 : i32
      %dma_wait3A_463 = tpu.memref_slice %arg19[%dma_wait3A_461, %dma_wait3A_462] : memref<10112x128xbf16, #tpu.memory_space<vmem_shared>> -> memref<10112x128xbf16, #tpu.memory_space<vmem_shared>>
      tpu.wait_indirect_dma semaphore(%run_scoped3A_445 : memref<!tpu.dma_semaphore, #tpu.memory_space<semaphore_mem>>) src(%dma_wait3A_458 : memref<80x128xbf16, #tpu.memory_space<vmem>>) dst(%dma_wait3A_463 : memref<10112x128xbf16, #tpu.memory_space<vmem_shared>>)
      tpu.yield
    }) : () -> ()
    %get3A = arith.constant 8960 : index
    %get3A_123 = tpu.vector_load %arg7[%get3A] {strides = array<i32>} : memref<10000xi32, #tpu.memory_space<vmem>>, vector<16xi32>,
    tpu.vector_store_idx %arg10[%get3A_123], %broadcast_in_dim3A_8 {add = true} : memref<10000xf32, #tpu.memory_space<vmem>>[vector<16xi32>], vector<16xf32>,
    %get3A_124 = arith.constant 8976 : index
    %get3A_125 = tpu.vector_load %arg7[%get3A_124] {strides = array<i32>} : memref<10000xi32, #tpu.memory_space<vmem>>, vector<16xi32>,
    tpu.vector_store_idx %arg10[%get3A_125], %broadcast_in_dim3A_8 {add = true} : memref<10000xf32, #tpu.memory_space<vmem>>[vector<16xi32>], vector<16xf32>,
    %get3A_126 = arith.constant 8992 : index
    %get3A_127 = tpu.vector_load %arg7[%get3A_126] {strides = array<i32>} : memref<10000xi32, #tpu.memory_space<vmem>>, vector<16xi32>,
    tpu.vector_store_idx %arg10[%get3A_127], %broadcast_in_dim3A_8 {add = true} : memref<10000xf32, #tpu.memory_space<vmem>>[vector<16xi32>], vector<16xf32>,
    %get3A_128 = arith.constant 9008 : index
    %get3A_129 = tpu.vector_load %arg7[%get3A_128] {strides = array<i32>} : memref<10000xi32, #tpu.memory_space<vmem>>, vector<16xi32>,
    tpu.vector_store_idx %arg10[%get3A_129], %broadcast_in_dim3A_8 {add = true} : memref<10000xf32, #tpu.memory_space<vmem>>[vector<16xi32>], vector<16xf32>,
    %get3A_130 = arith.constant 9024 : index
    %get3A_131 = tpu.vector_load %arg7[%get3A_130] {strides = array<i32>} : memref<10000xi32, #tpu.memory_space<vmem>>, vector<16xi32>,
    tpu.vector_store_idx %arg10[%get3A_131], %broadcast_in_dim3A_8 {add = true} : memref<10000xf32, #tpu.memory_space<vmem>>[vector<16xi32>], vector<16xf32>,
    %dma_start3A_132 = arith.constant 7 : i32
    %dma_start3A_133 = arith.constant 0 : i32
    %dma_start3A_134 = arith.constant 0 : i32
    %dma_start3A_135 = tpu.memref_slice %arg8[%dma_start3A_132, %dma_start3A_133, %dma_start3A_134] : memref<8x80x128xbf16, #tpu.memory_space<vmem>> -> memref<1x80x128xbf16, #tpu.memory_space<vmem>>
    %dma_start3A_136 = tpu.memref_squeeze %dma_start3A_135 : memref<1x80x128xbf16, #tpu.memory_space<vmem>> -> memref<80x128xbf16, #tpu.memory_space<vmem>>
    %dma_start3A_137 = arith.constant 9520 : i32
    %dma_start3A_138 = tpu.memref_slice %arg6[%dma_start3A_137] : memref<10000xi32, #tpu.memory_space<vmem>> -> memref<80xi32, #tpu.memory_space<vmem>>
    %dma_start3A_139 = arith.constant 0 : i32
    %dma_start3A_140 = arith.constant 0 : i32
    %dma_start3A_141 = tpu.memref_slice %arg2[%dma_start3A_139, %dma_start3A_140] : memref<10000x128xbf16, #tpu.memory_space<hbm>> -> memref<10000x128xbf16, #tpu.memory_space<hbm>>
    tpu.enqueue_indirect_dma source(%dma_start3A_141 : memref<10000x128xbf16, #tpu.memory_space<hbm>>) target(%dma_start3A_136 : memref<80x128xbf16, #tpu.memory_space<vmem>>) offsets(%dma_start3A_138 : memref<80xi32, #tpu.memory_space<vmem>>) semaphore(%arg18 : memref<!tpu.dma_semaphore, #tpu.memory_space<semaphore_mem>>)
    %dma_wait3A_142 = arith.constant 1 : i32
    %dma_wait3A_143 = arith.constant 0 : i32
    %dma_wait3A_144 = arith.constant 0 : i32
    %dma_wait3A_145 = tpu.memref_slice %arg8[%dma_wait3A_142, %dma_wait3A_143, %dma_wait3A_144] : memref<8x80x128xbf16, #tpu.memory_space<vmem>> -> memref<1x80x128xbf16, #tpu.memory_space<vmem>>
    %dma_wait3A_146 = tpu.memref_squeeze %dma_wait3A_145 : memref<1x80x128xbf16, #tpu.memory_space<vmem>> -> memref<80x128xbf16, #tpu.memory_space<vmem>>
    %dma_wait3A_147 = arith.constant 9040 : i32
    %dma_wait3A_148 = tpu.memref_slice %arg6[%dma_wait3A_147] : memref<10000xi32, #tpu.memory_space<vmem>> -> memref<80xi32, #tpu.memory_space<vmem>>
    %dma_wait3A_149 = arith.constant 0 : i32
    %dma_wait3A_150 = arith.constant 0 : i32
    %dma_wait3A_151 = tpu.memref_slice %arg2[%dma_wait3A_149, %dma_wait3A_150] : memref<10000x128xbf16, #tpu.memory_space<hbm>> -> memref<10000x128xbf16, #tpu.memory_space<hbm>>
    tpu.wait_indirect_dma semaphore(%arg12 : memref<!tpu.dma_semaphore, #tpu.memory_space<semaphore_mem>>) src(%dma_wait3A_151 : memref<10000x128xbf16, #tpu.memory_space<hbm>>) dst(%dma_wait3A_146 : memref<80x128xbf16, #tpu.memory_space<vmem>>)
    %run_scoped3A_152 = arith.constant 1 : i32
    "tpu.region"() ({
      %run_scoped3A_445 = tpu.sem_alloc : memref<!tpu.dma_semaphore, #tpu.memory_space<semaphore_mem>>
      %dma_start3A_446 = arith.constant 0 : i32
      %dma_start3A_447 = arith.constant 0 : i32
      %dma_start3A_448 = tpu.memref_slice %arg8[%run_scoped3A_152, %dma_start3A_446, %dma_start3A_447] : memref<8x80x128xbf16, #tpu.memory_space<vmem>> -> memref<1x80x128xbf16, #tpu.memory_space<vmem>>
      %dma_start3A_449 = tpu.memref_squeeze %dma_start3A_448 : memref<1x80x128xbf16, #tpu.memory_space<vmem>> -> memref<80x128xbf16, #tpu.memory_space<vmem>>
      %dma_start3A_450 = arith.constant 9040 : i32
      %dma_start3A_451 = tpu.memref_slice %arg7[%dma_start3A_450] : memref<10000xi32, #tpu.memory_space<vmem>> -> memref<80xi32, #tpu.memory_space<vmem>>
      %dma_start3A_452 = arith.constant 0 : i32
      %dma_start3A_453 = arith.constant 0 : i32
      %dma_start3A_454 = tpu.memref_slice %arg19[%dma_start3A_452, %dma_start3A_453] : memref<10112x128xbf16, #tpu.memory_space<vmem_shared>> -> memref<10112x128xbf16, #tpu.memory_space<vmem_shared>>
      tpu.enqueue_indirect_dma source(%dma_start3A_449 : memref<80x128xbf16, #tpu.memory_space<vmem>>) target(%dma_start3A_454 : memref<10112x128xbf16, #tpu.memory_space<vmem_shared>>) offsets(%dma_start3A_451 : memref<80xi32, #tpu.memory_space<vmem>>) semaphore(%run_scoped3A_445 : memref<!tpu.dma_semaphore, #tpu.memory_space<semaphore_mem>>) {add = true}
      %dma_wait3A_455 = arith.constant 0 : i32
      %dma_wait3A_456 = arith.constant 0 : i32
      %dma_wait3A_457 = tpu.memref_slice %arg8[%run_scoped3A_152, %dma_wait3A_455, %dma_wait3A_456] : memref<8x80x128xbf16, #tpu.memory_space<vmem>> -> memref<1x80x128xbf16, #tpu.memory_space<vmem>>
      %dma_wait3A_458 = tpu.memref_squeeze %dma_wait3A_457 : memref<1x80x128xbf16, #tpu.memory_space<vmem>> -> memref<80x128xbf16, #tpu.memory_space<vmem>>
      %dma_wait3A_459 = arith.constant 9040 : i32
      %dma_wait3A_460 = tpu.memref_slice %arg7[%dma_wait3A_459] : memref<10000xi32, #tpu.memory_space<vmem>> -> memref<80xi32, #tpu.memory_space<vmem>>
      %dma_wait3A_461 = arith.constant 0 : i32
      %dma_wait3A_462 = arith.constant 0 : i32
      %dma_wait3A_463 = tpu.memref_slice %arg19[%dma_wait3A_461, %dma_wait3A_462] : memref<10112x128xbf16, #tpu.memory_space<vmem_shared>> -> memref<10112x128xbf16, #tpu.memory_space<vmem_shared>>
      tpu.wait_indirect_dma semaphore(%run_scoped3A_445 : memref<!tpu.dma_semaphore, #tpu.memory_space<semaphore_mem>>) src(%dma_wait3A_458 : memref<80x128xbf16, #tpu.memory_space<vmem>>) dst(%dma_wait3A_463 : memref<10112x128xbf16, #tpu.memory_space<vmem_shared>>)
      tpu.yield
    }) : () -> ()
    %get3A_153 = arith.constant 9040 : index
    %get3A_154 = tpu.vector_load %arg7[%get3A_153] {strides = array<i32>} : memref<10000xi32, #tpu.memory_space<vmem>>, vector<16xi32>,
    tpu.vector_store_idx %arg10[%get3A_154], %broadcast_in_dim3A_8 {add = true} : memref<10000xf32, #tpu.memory_space<vmem>>[vector<16xi32>], vector<16xf32>,
    %get3A_155 = arith.constant 9056 : index
    %get3A_156 = tpu.vector_load %arg7[%get3A_155] {strides = array<i32>} : memref<10000xi32, #tpu.memory_space<vmem>>, vector<16xi32>,
    tpu.vector_store_idx %arg10[%get3A_156], %broadcast_in_dim3A_8 {add = true} : memref<10000xf32, #tpu.memory_space<vmem>>[vector<16xi32>], vector<16xf32>,
    %get3A_157 = arith.constant 9072 : index
    %get3A_158 = tpu.vector_load %arg7[%get3A_157] {strides = array<i32>} : memref<10000xi32, #tpu.memory_space<vmem>>, vector<16xi32>,
    tpu.vector_store_idx %arg10[%get3A_158], %broadcast_in_dim3A_8 {add = true} : memref<10000xf32, #tpu.memory_space<vmem>>[vector<16xi32>], vector<16xf32>,
    %get3A_159 = arith.constant 9088 : index
    %get3A_160 = tpu.vector_load %arg7[%get3A_159] {strides = array<i32>} : memref<10000xi32, #tpu.memory_space<vmem>>, vector<16xi32>,
    tpu.vector_store_idx %arg10[%get3A_160], %broadcast_in_dim3A_8 {add = true} : memref<10000xf32, #tpu.memory_space<vmem>>[vector<16xi32>], vector<16xf32>,
    %get3A_161 = arith.constant 9104 : index
    %get3A_162 = tpu.vector_load %arg7[%get3A_161] {strides = array<i32>} : memref<10000xi32, #tpu.memory_space<vmem>>, vector<16xi32>,
    tpu.vector_store_idx %arg10[%get3A_162], %broadcast_in_dim3A_8 {add = true} : memref<10000xf32, #tpu.memory_space<vmem>>[vector<16xi32>], vector<16xf32>,
    %dma_start3A_163 = arith.constant 0 : i32
    %dma_start3A_164 = arith.constant 0 : i32
    %dma_start3A_165 = arith.constant 0 : i32
    %dma_start3A_166 = tpu.memref_slice %arg8[%dma_start3A_163, %dma_start3A_164, %dma_start3A_165] : memref<8x80x128xbf16, #tpu.memory_space<vmem>> -> memref<1x80x128xbf16, #tpu.memory_space<vmem>>
    %dma_start3A_167 = tpu.memref_squeeze %dma_start3A_166 : memref<1x80x128xbf16, #tpu.memory_space<vmem>> -> memref<80x128xbf16, #tpu.memory_space<vmem>>
    %dma_start3A_168 = arith.constant 9600 : i32
    %dma_start3A_169 = tpu.memref_slice %arg6[%dma_start3A_168] : memref<10000xi32, #tpu.memory_space<vmem>> -> memref<80xi32, #tpu.memory_space<vmem>>
    %dma_start3A_170 = arith.constant 0 : i32
    %dma_start3A_171 = arith.constant 0 : i32
    %dma_start3A_172 = tpu.memref_slice %arg2[%dma_start3A_170, %dma_start3A_171] : memref<10000x128xbf16, #tpu.memory_space<hbm>> -> memref<10000x128xbf16, #tpu.memory_space<hbm>>
    tpu.enqueue_indirect_dma source(%dma_start3A_172 : memref<10000x128xbf16, #tpu.memory_space<hbm>>) target(%dma_start3A_167 : memref<80x128xbf16, #tpu.memory_space<vmem>>) offsets(%dma_start3A_169 : memref<80xi32, #tpu.memory_space<vmem>>) semaphore(%arg11 : memref<!tpu.dma_semaphore, #tpu.memory_space<semaphore_mem>>)
    %dma_wait3A_173 = arith.constant 2 : i32
    %dma_wait3A_174 = arith.constant 0 : i32
    %dma_wait3A_175 = arith.constant 0 : i32
    %dma_wait3A_176 = tpu.memref_slice %arg8[%dma_wait3A_173, %dma_wait3A_174, %dma_wait3A_175] : memref<8x80x128xbf16, #tpu.memory_space<vmem>> -> memref<1x80x128xbf16, #tpu.memory_space<vmem>>
    %dma_wait3A_177 = tpu.memref_squeeze %dma_wait3A_176 : memref<1x80x128xbf16, #tpu.memory_space<vmem>> -> memref<80x128xbf16, #tpu.memory_space<vmem>>
    %dma_wait3A_178 = arith.constant 9120 : i32
    %dma_wait3A_179 = tpu.memref_slice %arg6[%dma_wait3A_178] : memref<10000xi32, #tpu.memory_space<vmem>> -> memref<80xi32, #tpu.memory_space<vmem>>
    %dma_wait3A_180 = arith.constant 0 : i32
    %dma_wait3A_181 = arith.constant 0 : i32
    %dma_wait3A_182 = tpu.memref_slice %arg2[%dma_wait3A_180, %dma_wait3A_181] : memref<10000x128xbf16, #tpu.memory_space<hbm>> -> memref<10000x128xbf16, #tpu.memory_space<hbm>>
    tpu.wait_indirect_dma semaphore(%arg13 : memref<!tpu.dma_semaphore, #tpu.memory_space<semaphore_mem>>) src(%dma_wait3A_182 : memref<10000x128xbf16, #tpu.memory_space<hbm>>) dst(%dma_wait3A_177 : memref<80x128xbf16, #tpu.memory_space<vmem>>)
    %run_scoped3A_183 = arith.constant 2 : i32
    "tpu.region"() ({
      %run_scoped3A_445 = tpu.sem_alloc : memref<!tpu.dma_semaphore, #tpu.memory_space<semaphore_mem>>
      %dma_start3A_446 = arith.constant 0 : i32
      %dma_start3A_447 = arith.constant 0 : i32
      %dma_start3A_448 = tpu.memref_slice %arg8[%run_scoped3A_183, %dma_start3A_446, %dma_start3A_447] : memref<8x80x128xbf16, #tpu.memory_space<vmem>> -> memref<1x80x128xbf16, #tpu.memory_space<vmem>>
      %dma_start3A_449 = tpu.memref_squeeze %dma_start3A_448 : memref<1x80x128xbf16, #tpu.memory_space<vmem>> -> memref<80x128xbf16, #tpu.memory_space<vmem>>
      %dma_start3A_450 = arith.constant 9120 : i32
      %dma_start3A_451 = tpu.memref_slice %arg7[%dma_start3A_450] : memref<10000xi32, #tpu.memory_space<vmem>> -> memref<80xi32, #tpu.memory_space<vmem>>
      %dma_start3A_452 = arith.constant 0 : i32
      %dma_start3A_453 = arith.constant 0 : i32
      %dma_start3A_454 = tpu.memref_slice %arg19[%dma_start3A_452, %dma_start3A_453] : memref<10112x128xbf16, #tpu.memory_space<vmem_shared>> -> memref<10112x128xbf16, #tpu.memory_space<vmem_shared>>
      tpu.enqueue_indirect_dma source(%dma_start3A_449 : memref<80x128xbf16, #tpu.memory_space<vmem>>) target(%dma_start3A_454 : memref<10112x128xbf16, #tpu.memory_space<vmem_shared>>) offsets(%dma_start3A_451 : memref<80xi32, #tpu.memory_space<vmem>>) semaphore(%run_scoped3A_445 : memref<!tpu.dma_semaphore, #tpu.memory_space<semaphore_mem>>) {add = true}
      %dma_wait3A_455 = arith.constant 0 : i32
      %dma_wait3A_456 = arith.constant 0 : i32
      %dma_wait3A_457 = tpu.memref_slice %arg8[%run_scoped3A_183, %dma_wait3A_455, %dma_wait3A_456] : memref<8x80x128xbf16, #tpu.memory_space<vmem>> -> memref<1x80x128xbf16, #tpu.memory_space<vmem>>
      %dma_wait3A_458 = tpu.memref_squeeze %dma_wait3A_457 : memref<1x80x128xbf16, #tpu.memory_space<vmem>> -> memref<80x128xbf16, #tpu.memory_space<vmem>>
      %dma_wait3A_459 = arith.constant 9120 : i32
      %dma_wait3A_460 = tpu.memref_slice %arg7[%dma_wait3A_459] : memref<10000xi32, #tpu.memory_space<vmem>> -> memref<80xi32, #tpu.memory_space<vmem>>
      %dma_wait3A_461 = arith.constant 0 : i32
      %dma_wait3A_462 = arith.constant 0 : i32
      %dma_wait3A_463 = tpu.memref_slice %arg19[%dma_wait3A_461, %dma_wait3A_462] : memref<10112x128xbf16, #tpu.memory_space<vmem_shared>> -> memref<10112x128xbf16, #tpu.memory_space<vmem_shared>>
      tpu.wait_indirect_dma semaphore(%run_scoped3A_445 : memref<!tpu.dma_semaphore, #tpu.memory_space<semaphore_mem>>) src(%dma_wait3A_458 : memref<80x128xbf16, #tpu.memory_space<vmem>>) dst(%dma_wait3A_463 : memref<10112x128xbf16, #tpu.memory_space<vmem_shared>>)
      tpu.yield
    }) : () -> ()
    %get3A_184 = arith.constant 9120 : index
    %get3A_185 = tpu.vector_load %arg7[%get3A_184] {strides = array<i32>} : memref<10000xi32, #tpu.memory_space<vmem>>, vector<16xi32>,
    tpu.vector_store_idx %arg10[%get3A_185], %broadcast_in_dim3A_8 {add = true} : memref<10000xf32, #tpu.memory_space<vmem>>[vector<16xi32>], vector<16xf32>,
    %get3A_186 = arith.constant 9136 : index
    %get3A_187 = tpu.vector_load %arg7[%get3A_186] {strides = array<i32>} : memref<10000xi32, #tpu.memory_space<vmem>>, vector<16xi32>,
    tpu.vector_store_idx %arg10[%get3A_187], %broadcast_in_dim3A_8 {add = true} : memref<10000xf32, #tpu.memory_space<vmem>>[vector<16xi32>], vector<16xf32>,
    %get3A_188 = arith.constant 9152 : index
    %get3A_189 = tpu.vector_load %arg7[%get3A_188] {strides = array<i32>} : memref<10000xi32, #tpu.memory_space<vmem>>, vector<16xi32>,
    tpu.vector_store_idx %arg10[%get3A_189], %broadcast_in_dim3A_8 {add = true} : memref<10000xf32, #tpu.memory_space<vmem>>[vector<16xi32>], vector<16xf32>,
    %get3A_190 = arith.constant 9168 : index
    %get3A_191 = tpu.vector_load %arg7[%get3A_190] {strides = array<i32>} : memref<10000xi32, #tpu.memory_space<vmem>>, vector<16xi32>,
    tpu.vector_store_idx %arg10[%get3A_191], %broadcast_in_dim3A_8 {add = true} : memref<10000xf32, #tpu.memory_space<vmem>>[vector<16xi32>], vector<16xf32>,
    %get3A_192 = arith.constant 9184 : index
    %get3A_193 = tpu.vector_load %arg7[%get3A_192] {strides = array<i32>} : memref<10000xi32, #tpu.memory_space<vmem>>, vector<16xi32>,
    tpu.vector_store_idx %arg10[%get3A_193], %broadcast_in_dim3A_8 {add = true} : memref<10000xf32, #tpu.memory_space<vmem>>[vector<16xi32>], vector<16xf32>,
    %dma_start3A_194 = arith.constant 1 : i32
    %dma_start3A_195 = arith.constant 0 : i32
    %dma_start3A_196 = arith.constant 0 : i32
    %dma_start3A_197 = tpu.memref_slice %arg8[%dma_start3A_194, %dma_start3A_195, %dma_start3A_196] : memref<8x80x128xbf16, #tpu.memory_space<vmem>> -> memref<1x80x128xbf16, #tpu.memory_space<vmem>>
    %dma_start3A_198 = tpu.memref_squeeze %dma_start3A_197 : memref<1x80x128xbf16, #tpu.memory_space<vmem>> -> memref<80x128xbf16, #tpu.memory_space<vmem>>
    %dma_start3A_199 = arith.constant 9680 : i32
    %dma_start3A_200 = tpu.memref_slice %arg6[%dma_start3A_199] : memref<10000xi32, #tpu.memory_space<vmem>> -> memref<80xi32, #tpu.memory_space<vmem>>
    %dma_start3A_201 = arith.constant 0 : i32
    %dma_start3A_202 = arith.constant 0 : i32
    %dma_start3A_203 = tpu.memref_slice %arg2[%dma_start3A_201, %dma_start3A_202] : memref<10000x128xbf16, #tpu.memory_space<hbm>> -> memref<10000x128xbf16, #tpu.memory_space<hbm>>
    tpu.enqueue_indirect_dma source(%dma_start3A_203 : memref<10000x128xbf16, #tpu.memory_space<hbm>>) target(%dma_start3A_198 : memref<80x128xbf16, #tpu.memory_space<vmem>>) offsets(%dma_start3A_200 : memref<80xi32, #tpu.memory_space<vmem>>) semaphore(%arg12 : memref<!tpu.dma_semaphore, #tpu.memory_space<semaphore_mem>>)
    %dma_wait3A_204 = arith.constant 3 : i32
    %dma_wait3A_205 = arith.constant 0 : i32
    %dma_wait3A_206 = arith.constant 0 : i32
    %dma_wait3A_207 = tpu.memref_slice %arg8[%dma_wait3A_204, %dma_wait3A_205, %dma_wait3A_206] : memref<8x80x128xbf16, #tpu.memory_space<vmem>> -> memref<1x80x128xbf16, #tpu.memory_space<vmem>>
    %dma_wait3A_208 = tpu.memref_squeeze %dma_wait3A_207 : memref<1x80x128xbf16, #tpu.memory_space<vmem>> -> memref<80x128xbf16, #tpu.memory_space<vmem>>
    %dma_wait3A_209 = arith.constant 9200 : i32
    %dma_wait3A_210 = tpu.memref_slice %arg6[%dma_wait3A_209] : memref<10000xi32, #tpu.memory_space<vmem>> -> memref<80xi32, #tpu.memory_space<vmem>>
    %dma_wait3A_211 = arith.constant 0 : i32
    %dma_wait3A_212 = arith.constant 0 : i32
    %dma_wait3A_213 = tpu.memref_slice %arg2[%dma_wait3A_211, %dma_wait3A_212] : memref<10000x128xbf16, #tpu.memory_space<hbm>> -> memref<10000x128xbf16, #tpu.memory_space<hbm>>
    tpu.wait_indirect_dma semaphore(%arg14 : memref<!tpu.dma_semaphore, #tpu.memory_space<semaphore_mem>>) src(%dma_wait3A_213 : memref<10000x128xbf16, #tpu.memory_space<hbm>>) dst(%dma_wait3A_208 : memref<80x128xbf16, #tpu.memory_space<vmem>>)
    %run_scoped3A_214 = arith.constant 3 : i32
    "tpu.region"() ({
      %run_scoped3A_445 = tpu.sem_alloc : memref<!tpu.dma_semaphore, #tpu.memory_space<semaphore_mem>>
      %dma_start3A_446 = arith.constant 0 : i32
      %dma_start3A_447 = arith.constant 0 : i32
      %dma_start3A_448 = tpu.memref_slice %arg8[%run_scoped3A_214, %dma_start3A_446, %dma_start3A_447] : memref<8x80x128xbf16, #tpu.memory_space<vmem>> -> memref<1x80x128xbf16, #tpu.memory_space<vmem>>
      %dma_start3A_449 = tpu.memref_squeeze %dma_start3A_448 : memref<1x80x128xbf16, #tpu.memory_space<vmem>> -> memref<80x128xbf16, #tpu.memory_space<vmem>>
      %dma_start3A_450 = arith.constant 9200 : i32
      %dma_start3A_451 = tpu.memref_slice %arg7[%dma_start3A_450] : memref<10000xi32, #tpu.memory_space<vmem>> -> memref<80xi32, #tpu.memory_space<vmem>>
      %dma_start3A_452 = arith.constant 0 : i32
      %dma_start3A_453 = arith.constant 0 : i32
      %dma_start3A_454 = tpu.memref_slice %arg19[%dma_start3A_452, %dma_start3A_453] : memref<10112x128xbf16, #tpu.memory_space<vmem_shared>> -> memref<10112x128xbf16, #tpu.memory_space<vmem_shared>>
      tpu.enqueue_indirect_dma source(%dma_start3A_449 : memref<80x128xbf16, #tpu.memory_space<vmem>>) target(%dma_start3A_454 : memref<10112x128xbf16, #tpu.memory_space<vmem_shared>>) offsets(%dma_start3A_451 : memref<80xi32, #tpu.memory_space<vmem>>) semaphore(%run_scoped3A_445 : memref<!tpu.dma_semaphore, #tpu.memory_space<semaphore_mem>>) {add = true}
      %dma_wait3A_455 = arith.constant 0 : i32
      %dma_wait3A_456 = arith.constant 0 : i32
      %dma_wait3A_457 = tpu.memref_slice %arg8[%run_scoped3A_214, %dma_wait3A_455, %dma_wait3A_456] : memref<8x80x128xbf16, #tpu.memory_space<vmem>> -> memref<1x80x128xbf16, #tpu.memory_space<vmem>>
      %dma_wait3A_458 = tpu.memref_squeeze %dma_wait3A_457 : memref<1x80x128xbf16, #tpu.memory_space<vmem>> -> memref<80x128xbf16, #tpu.memory_space<vmem>>
      %dma_wait3A_459 = arith.constant 9200 : i32
      %dma_wait3A_460 = tpu.memref_slice %arg7[%dma_wait3A_459] : memref<10000xi32, #tpu.memory_space<vmem>> -> memref<80xi32, #tpu.memory_space<vmem>>
      %dma_wait3A_461 = arith.constant 0 : i32
      %dma_wait3A_462 = arith.constant 0 : i32
      %dma_wait3A_463 = tpu.memref_slice %arg19[%dma_wait3A_461, %dma_wait3A_462] : memref<10112x128xbf16, #tpu.memory_space<vmem_shared>> -> memref<10112x128xbf16, #tpu.memory_space<vmem_shared>>
      tpu.wait_indirect_dma semaphore(%run_scoped3A_445 : memref<!tpu.dma_semaphore, #tpu.memory_space<semaphore_mem>>) src(%dma_wait3A_458 : memref<80x128xbf16, #tpu.memory_space<vmem>>) dst(%dma_wait3A_463 : memref<10112x128xbf16, #tpu.memory_space<vmem_shared>>)
      tpu.yield
    }) : () -> ()
    %get3A_215 = arith.constant 9200 : index
    %get3A_216 = tpu.vector_load %arg7[%get3A_215] {strides = array<i32>} : memref<10000xi32, #tpu.memory_space<vmem>>, vector<16xi32>,
    tpu.vector_store_idx %arg10[%get3A_216], %broadcast_in_dim3A_8 {add = true} : memref<10000xf32, #tpu.memory_space<vmem>>[vector<16xi32>], vector<16xf32>,
    %get3A_217 = arith.constant 9216 : index
    %get3A_218 = tpu.vector_load %arg7[%get3A_217] {strides = array<i32>} : memref<10000xi32, #tpu.memory_space<vmem>>, vector<16xi32>,
    tpu.vector_store_idx %arg10[%get3A_218], %broadcast_in_dim3A_8 {add = true} : memref<10000xf32, #tpu.memory_space<vmem>>[vector<16xi32>], vector<16xf32>,
    %get3A_219 = arith.constant 9232 : index
    %get3A_220 = tpu.vector_load %arg7[%get3A_219] {strides = array<i32>} : memref<10000xi32, #tpu.memory_space<vmem>>, vector<16xi32>,
    tpu.vector_store_idx %arg10[%get3A_220], %broadcast_in_dim3A_8 {add = true} : memref<10000xf32, #tpu.memory_space<vmem>>[vector<16xi32>], vector<16xf32>,
    %get3A_221 = arith.constant 9248 : index
    %get3A_222 = tpu.vector_load %arg7[%get3A_221] {strides = array<i32>} : memref<10000xi32, #tpu.memory_space<vmem>>, vector<16xi32>,
    tpu.vector_store_idx %arg10[%get3A_222], %broadcast_in_dim3A_8 {add = true} : memref<10000xf32, #tpu.memory_space<vmem>>[vector<16xi32>], vector<16xf32>,
    %get3A_223 = arith.constant 9264 : index
    %get3A_224 = tpu.vector_load %arg7[%get3A_223] {strides = array<i32>} : memref<10000xi32, #tpu.memory_space<vmem>>, vector<16xi32>,
    tpu.vector_store_idx %arg10[%get3A_224], %broadcast_in_dim3A_8 {add = true} : memref<10000xf32, #tpu.memory_space<vmem>>[vector<16xi32>], vector<16xf32>,
    %dma_start3A_225 = arith.constant 2 : i32
    %dma_start3A_226 = arith.constant 0 : i32
    %dma_start3A_227 = arith.constant 0 : i32
    %dma_start3A_228 = tpu.memref_slice %arg8[%dma_start3A_225, %dma_start3A_226, %dma_start3A_227] : memref<8x80x128xbf16, #tpu.memory_space<vmem>> -> memref<1x80x128xbf16, #tpu.memory_space<vmem>>
    %dma_start3A_229 = tpu.memref_squeeze %dma_start3A_228 : memref<1x80x128xbf16, #tpu.memory_space<vmem>> -> memref<80x128xbf16, #tpu.memory_space<vmem>>
    %dma_start3A_230 = arith.constant 9760 : i32
    %dma_start3A_231 = tpu.memref_slice %arg6[%dma_start3A_230] : memref<10000xi32, #tpu.memory_space<vmem>> -> memref<80xi32, #tpu.memory_space<vmem>>
    %dma_start3A_232 = arith.constant 0 : i32
    %dma_start3A_233 = arith.constant 0 : i32
    %dma_start3A_234 = tpu.memref_slice %arg2[%dma_start3A_232, %dma_start3A_233] : memref<10000x128xbf16, #tpu.memory_space<hbm>> -> memref<10000x128xbf16, #tpu.memory_space<hbm>>
    tpu.enqueue_indirect_dma source(%dma_start3A_234 : memref<10000x128xbf16, #tpu.memory_space<hbm>>) target(%dma_start3A_229 : memref<80x128xbf16, #tpu.memory_space<vmem>>) offsets(%dma_start3A_231 : memref<80xi32, #tpu.memory_space<vmem>>) semaphore(%arg13 : memref<!tpu.dma_semaphore, #tpu.memory_space<semaphore_mem>>)
    %dma_wait3A_235 = arith.constant 4 : i32
    %dma_wait3A_236 = arith.constant 0 : i32
    %dma_wait3A_237 = arith.constant 0 : i32
    %dma_wait3A_238 = tpu.memref_slice %arg8[%dma_wait3A_235, %dma_wait3A_236, %dma_wait3A_237] : memref<8x80x128xbf16, #tpu.memory_space<vmem>> -> memref<1x80x128xbf16, #tpu.memory_space<vmem>>
    %dma_wait3A_239 = tpu.memref_squeeze %dma_wait3A_238 : memref<1x80x128xbf16, #tpu.memory_space<vmem>> -> memref<80x128xbf16, #tpu.memory_space<vmem>>
    %dma_wait3A_240 = arith.constant 9280 : i32
    %dma_wait3A_241 = tpu.memref_slice %arg6[%dma_wait3A_240] : memref<10000xi32, #tpu.memory_space<vmem>> -> memref<80xi32, #tpu.memory_space<vmem>>
    %dma_wait3A_242 = arith.constant 0 : i32
    %dma_wait3A_243 = arith.constant 0 : i32
    %dma_wait3A_244 = tpu.memref_slice %arg2[%dma_wait3A_242, %dma_wait3A_243] : memref<10000x128xbf16, #tpu.memory_space<hbm>> -> memref<10000x128xbf16, #tpu.memory_space<hbm>>
    tpu.wait_indirect_dma semaphore(%arg15 : memref<!tpu.dma_semaphore, #tpu.memory_space<semaphore_mem>>) src(%dma_wait3A_244 : memref<10000x128xbf16, #tpu.memory_space<hbm>>) dst(%dma_wait3A_239 : memref<80x128xbf16, #tpu.memory_space<vmem>>)
    %run_scoped3A_245 = arith.constant 4 : i32
    "tpu.region"() ({
      %run_scoped3A_445 = tpu.sem_alloc : memref<!tpu.dma_semaphore, #tpu.memory_space<semaphore_mem>>
      %dma_start3A_446 = arith.constant 0 : i32
      %dma_start3A_447 = arith.constant 0 : i32
      %dma_start3A_448 = tpu.memref_slice %arg8[%run_scoped3A_245, %dma_start3A_446, %dma_start3A_447] : memref<8x80x128xbf16, #tpu.memory_space<vmem>> -> memref<1x80x128xbf16, #tpu.memory_space<vmem>>
      %dma_start3A_449 = tpu.memref_squeeze %dma_start3A_448 : memref<1x80x128xbf16, #tpu.memory_space<vmem>> -> memref<80x128xbf16, #tpu.memory_space<vmem>>
      %dma_start3A_450 = arith.constant 9280 : i32
      %dma_start3A_451 = tpu.memref_slice %arg7[%dma_start3A_450] : memref<10000xi32, #tpu.memory_space<vmem>> -> memref<80xi32, #tpu.memory_space<vmem>>
      %dma_start3A_452 = arith.constant 0 : i32
      %dma_start3A_453 = arith.constant 0 : i32
      %dma_start3A_454 = tpu.memref_slice %arg19[%dma_start3A_452, %dma_start3A_453] : memref<10112x128xbf16, #tpu.memory_space<vmem_shared>> -> memref<10112x128xbf16, #tpu.memory_space<vmem_shared>>
      tpu.enqueue_indirect_dma source(%dma_start3A_449 : memref<80x128xbf16, #tpu.memory_space<vmem>>) target(%dma_start3A_454 : memref<10112x128xbf16, #tpu.memory_space<vmem_shared>>) offsets(%dma_start3A_451 : memref<80xi32, #tpu.memory_space<vmem>>) semaphore(%run_scoped3A_445 : memref<!tpu.dma_semaphore, #tpu.memory_space<semaphore_mem>>) {add = true}
      %dma_wait3A_455 = arith.constant 0 : i32
      %dma_wait3A_456 = arith.constant 0 : i32
      %dma_wait3A_457 = tpu.memref_slice %arg8[%run_scoped3A_245, %dma_wait3A_455, %dma_wait3A_456] : memref<8x80x128xbf16, #tpu.memory_space<vmem>> -> memref<1x80x128xbf16, #tpu.memory_space<vmem>>
      %dma_wait3A_458 = tpu.memref_squeeze %dma_wait3A_457 : memref<1x80x128xbf16, #tpu.memory_space<vmem>> -> memref<80x128xbf16, #tpu.memory_space<vmem>>
      %dma_wait3A_459 = arith.constant 9280 : i32
      %dma_wait3A_460 = tpu.memref_slice %arg7[%dma_wait3A_459] : memref<10000xi32, #tpu.memory_space<vmem>> -> memref<80xi32, #tpu.memory_space<vmem>>
      %dma_wait3A_461 = arith.constant 0 : i32
      %dma_wait3A_462 = arith.constant 0 : i32
      %dma_wait3A_463 = tpu.memref_slice %arg19[%dma_wait3A_461, %dma_wait3A_462] : memref<10112x128xbf16, #tpu.memory_space<vmem_shared>> -> memref<10112x128xbf16, #tpu.memory_space<vmem_shared>>
      tpu.wait_indirect_dma semaphore(%run_scoped3A_445 : memref<!tpu.dma_semaphore, #tpu.memory_space<semaphore_mem>>) src(%dma_wait3A_458 : memref<80x128xbf16, #tpu.memory_space<vmem>>) dst(%dma_wait3A_463 : memref<10112x128xbf16, #tpu.memory_space<vmem_shared>>)
      tpu.yield
    }) : () -> ()
    %get3A_246 = arith.constant 9280 : index
    %get3A_247 = tpu.vector_load %arg7[%get3A_246] {strides = array<i32>} : memref<10000xi32, #tpu.memory_space<vmem>>, vector<16xi32>,
    tpu.vector_store_idx %arg10[%get3A_247], %broadcast_in_dim3A_8 {add = true} : memref<10000xf32, #tpu.memory_space<vmem>>[vector<16xi32>], vector<16xf32>,
    %get3A_248 = arith.constant 9296 : index
    %get3A_249 = tpu.vector_load %arg7[%get3A_248] {strides = array<i32>} : memref<10000xi32, #tpu.memory_space<vmem>>, vector<16xi32>,
    tpu.vector_store_idx %arg10[%get3A_249], %broadcast_in_dim3A_8 {add = true} : memref<10000xf32, #tpu.memory_space<vmem>>[vector<16xi32>], vector<16xf32>,
    %get3A_250 = arith.constant 9312 : index
    %get3A_251 = tpu.vector_load %arg7[%get3A_250] {strides = array<i32>} : memref<10000xi32, #tpu.memory_space<vmem>>, vector<16xi32>,
    tpu.vector_store_idx %arg10[%get3A_251], %broadcast_in_dim3A_8 {add = true} : memref<10000xf32, #tpu.memory_space<vmem>>[vector<16xi32>], vector<16xf32>,
    %get3A_252 = arith.constant 9328 : index
    %get3A_253 = tpu.vector_load %arg7[%get3A_252] {strides = array<i32>} : memref<10000xi32, #tpu.memory_space<vmem>>, vector<16xi32>,
    tpu.vector_store_idx %arg10[%get3A_253], %broadcast_in_dim3A_8 {add = true} : memref<10000xf32, #tpu.memory_space<vmem>>[vector<16xi32>], vector<16xf32>,
    %get3A_254 = arith.constant 9344 : index
    %get3A_255 = tpu.vector_load %arg7[%get3A_254] {strides = array<i32>} : memref<10000xi32, #tpu.memory_space<vmem>>, vector<16xi32>,
    tpu.vector_store_idx %arg10[%get3A_255], %broadcast_in_dim3A_8 {add = true} : memref<10000xf32, #tpu.memory_space<vmem>>[vector<16xi32>], vector<16xf32>,
    %dma_start3A_256 = arith.constant 3 : i32
    %dma_start3A_257 = arith.constant 0 : i32
    %dma_start3A_258 = arith.constant 0 : i32
    %dma_start3A_259 = tpu.memref_slice %arg8[%dma_start3A_256, %dma_start3A_257, %dma_start3A_258] : memref<8x80x128xbf16, #tpu.memory_space<vmem>> -> memref<1x80x128xbf16, #tpu.memory_space<vmem>>
    %dma_start3A_260 = tpu.memref_squeeze %dma_start3A_259 : memref<1x80x128xbf16, #tpu.memory_space<vmem>> -> memref<80x128xbf16, #tpu.memory_space<vmem>>
    %dma_start3A_261 = arith.constant 9840 : i32
    %dma_start3A_262 = tpu.memref_slice %arg6[%dma_start3A_261] : memref<10000xi32, #tpu.memory_space<vmem>> -> memref<80xi32, #tpu.memory_space<vmem>>
    %dma_start3A_263 = arith.constant 0 : i32
    %dma_start3A_264 = arith.constant 0 : i32
    %dma_start3A_265 = tpu.memref_slice %arg2[%dma_start3A_263, %dma_start3A_264] : memref<10000x128xbf16, #tpu.memory_space<hbm>> -> memref<10000x128xbf16, #tpu.memory_space<hbm>>
    tpu.enqueue_indirect_dma source(%dma_start3A_265 : memref<10000x128xbf16, #tpu.memory_space<hbm>>) target(%dma_start3A_260 : memref<80x128xbf16, #tpu.memory_space<vmem>>) offsets(%dma_start3A_262 : memref<80xi32, #tpu.memory_space<vmem>>) semaphore(%arg14 : memref<!tpu.dma_semaphore, #tpu.memory_space<semaphore_mem>>)
    %dma_wait3A_266 = arith.constant 5 : i32
    %dma_wait3A_267 = arith.constant 0 : i32
    %dma_wait3A_268 = arith.constant 0 : i32
    %dma_wait3A_269 = tpu.memref_slice %arg8[%dma_wait3A_266, %dma_wait3A_267, %dma_wait3A_268] : memref<8x80x128xbf16, #tpu.memory_space<vmem>> -> memref<1x80x128xbf16, #tpu.memory_space<vmem>>
    %dma_wait3A_270 = tpu.memref_squeeze %dma_wait3A_269 : memref<1x80x128xbf16, #tpu.memory_space<vmem>> -> memref<80x128xbf16, #tpu.memory_space<vmem>>
    %dma_wait3A_271 = arith.constant 9360 : i32
    %dma_wait3A_272 = tpu.memref_slice %arg6[%dma_wait3A_271] : memref<10000xi32, #tpu.memory_space<vmem>> -> memref<80xi32, #tpu.memory_space<vmem>>
    %dma_wait3A_273 = arith.constant 0 : i32
    %dma_wait3A_274 = arith.constant 0 : i32
    %dma_wait3A_275 = tpu.memref_slice %arg2[%dma_wait3A_273, %dma_wait3A_274] : memref<10000x128xbf16, #tpu.memory_space<hbm>> -> memref<10000x128xbf16, #tpu.memory_space<hbm>>
    tpu.wait_indirect_dma semaphore(%arg16 : memref<!tpu.dma_semaphore, #tpu.memory_space<semaphore_mem>>) src(%dma_wait3A_275 : memref<10000x128xbf16, #tpu.memory_space<hbm>>) dst(%dma_wait3A_270 : memref<80x128xbf16, #tpu.memory_space<vmem>>)
    %run_scoped3A_276 = arith.constant 5 : i32
    "tpu.region"() ({
      %run_scoped3A_445 = tpu.sem_alloc : memref<!tpu.dma_semaphore, #tpu.memory_space<semaphore_mem>>
      %dma_start3A_446 = arith.constant 0 : i32
      %dma_start3A_447 = arith.constant 0 : i32
      %dma_start3A_448 = tpu.memref_slice %arg8[%run_scoped3A_276, %dma_start3A_446, %dma_start3A_447] : memref<8x80x128xbf16, #tpu.memory_space<vmem>> -> memref<1x80x128xbf16, #tpu.memory_space<vmem>>
      %dma_start3A_449 = tpu.memref_squeeze %dma_start3A_448 : memref<1x80x128xbf16, #tpu.memory_space<vmem>> -> memref<80x128xbf16, #tpu.memory_space<vmem>>
      %dma_start3A_450 = arith.constant 9360 : i32
      %dma_start3A_451 = tpu.memref_slice %arg7[%dma_start3A_450] : memref<10000xi32, #tpu.memory_space<vmem>> -> memref<80xi32, #tpu.memory_space<vmem>>
      %dma_start3A_452 = arith.constant 0 : i32
      %dma_start3A_453 = arith.constant 0 : i32
      %dma_start3A_454 = tpu.memref_slice %arg19[%dma_start3A_452, %dma_start3A_453] : memref<10112x128xbf16, #tpu.memory_space<vmem_shared>> -> memref<10112x128xbf16, #tpu.memory_space<vmem_shared>>
      tpu.enqueue_indirect_dma source(%dma_start3A_449 : memref<80x128xbf16, #tpu.memory_space<vmem>>) target(%dma_start3A_454 : memref<10112x128xbf16, #tpu.memory_space<vmem_shared>>) offsets(%dma_start3A_451 : memref<80xi32, #tpu.memory_space<vmem>>) semaphore(%run_scoped3A_445 : memref<!tpu.dma_semaphore, #tpu.memory_space<semaphore_mem>>) {add = true}
      %dma_wait3A_455 = arith.constant 0 : i32
      %dma_wait3A_456 = arith.constant 0 : i32
      %dma_wait3A_457 = tpu.memref_slice %arg8[%run_scoped3A_276, %dma_wait3A_455, %dma_wait3A_456] : memref<8x80x128xbf16, #tpu.memory_space<vmem>> -> memref<1x80x128xbf16, #tpu.memory_space<vmem>>
      %dma_wait3A_458 = tpu.memref_squeeze %dma_wait3A_457 : memref<1x80x128xbf16, #tpu.memory_space<vmem>> -> memref<80x128xbf16, #tpu.memory_space<vmem>>
      %dma_wait3A_459 = arith.constant 9360 : i32
      %dma_wait3A_460 = tpu.memref_slice %arg7[%dma_wait3A_459] : memref<10000xi32, #tpu.memory_space<vmem>> -> memref<80xi32, #tpu.memory_space<vmem>>
      %dma_wait3A_461 = arith.constant 0 : i32
      %dma_wait3A_462 = arith.constant 0 : i32
      %dma_wait3A_463 = tpu.memref_slice %arg19[%dma_wait3A_461, %dma_wait3A_462] : memref<10112x128xbf16, #tpu.memory_space<vmem_shared>> -> memref<10112x128xbf16, #tpu.memory_space<vmem_shared>>
      tpu.wait_indirect_dma semaphore(%run_scoped3A_445 : memref<!tpu.dma_semaphore, #tpu.memory_space<semaphore_mem>>) src(%dma_wait3A_458 : memref<80x128xbf16, #tpu.memory_space<vmem>>) dst(%dma_wait3A_463 : memref<10112x128xbf16, #tpu.memory_space<vmem_shared>>)
      tpu.yield
    }) : () -> ()
    %get3A_277 = arith.constant 9360 : index
    %get3A_278 = tpu.vector_load %arg7[%get3A_277] {strides = array<i32>} : memref<10000xi32, #tpu.memory_space<vmem>>, vector<16xi32>,
    tpu.vector_store_idx %arg10[%get3A_278], %broadcast_in_dim3A_8 {add = true} : memref<10000xf32, #tpu.memory_space<vmem>>[vector<16xi32>], vector<16xf32>,
    %get3A_279 = arith.constant 9376 : index
    %get3A_280 = tpu.vector_load %arg7[%get3A_279] {strides = array<i32>} : memref<10000xi32, #tpu.memory_space<vmem>>, vector<16xi32>,
    tpu.vector_store_idx %arg10[%get3A_280], %broadcast_in_dim3A_8 {add = true} : memref<10000xf32, #tpu.memory_space<vmem>>[vector<16xi32>], vector<16xf32>,
    %get3A_281 = arith.constant 9392 : index
    %get3A_282 = tpu.vector_load %arg7[%get3A_281] {strides = array<i32>} : memref<10000xi32, #tpu.memory_space<vmem>>, vector<16xi32>,
    tpu.vector_store_idx %arg10[%get3A_282], %broadcast_in_dim3A_8 {add = true} : memref<10000xf32, #tpu.memory_space<vmem>>[vector<16xi32>], vector<16xf32>,
    %get3A_283 = arith.constant 9408 : index
    %get3A_284 = tpu.vector_load %arg7[%get3A_283] {strides = array<i32>} : memref<10000xi32, #tpu.memory_space<vmem>>, vector<16xi32>,
    tpu.vector_store_idx %arg10[%get3A_284], %broadcast_in_dim3A_8 {add = true} : memref<10000xf32, #tpu.memory_space<vmem>>[vector<16xi32>], vector<16xf32>,
    %get3A_285 = arith.constant 9424 : index
    %get3A_286 = tpu.vector_load %arg7[%get3A_285] {strides = array<i32>} : memref<10000xi32, #tpu.memory_space<vmem>>, vector<16xi32>,
    tpu.vector_store_idx %arg10[%get3A_286], %broadcast_in_dim3A_8 {add = true} : memref<10000xf32, #tpu.memory_space<vmem>>[vector<16xi32>], vector<16xf32>,
    %dma_start3A_287 = arith.constant 4 : i32
    %dma_start3A_288 = arith.constant 0 : i32
    %dma_start3A_289 = arith.constant 0 : i32
    %dma_start3A_290 = tpu.memref_slice %arg8[%dma_start3A_287, %dma_start3A_288, %dma_start3A_289] : memref<8x80x128xbf16, #tpu.memory_space<vmem>> -> memref<1x80x128xbf16, #tpu.memory_space<vmem>>
    %dma_start3A_291 = tpu.memref_squeeze %dma_start3A_290 : memref<1x80x128xbf16, #tpu.memory_space<vmem>> -> memref<80x128xbf16, #tpu.memory_space<vmem>>
    %dma_start3A_292 = arith.constant 9920 : i32
    %dma_start3A_293 = tpu.memref_slice %arg6[%dma_start3A_292] : memref<10000xi32, #tpu.memory_space<vmem>> -> memref<80xi32, #tpu.memory_space<vmem>>
    %dma_start3A_294 = arith.constant 0 : i32
    %dma_start3A_295 = arith.constant 0 : i32
    %dma_start3A_296 = tpu.memref_slice %arg2[%dma_start3A_294, %dma_start3A_295] : memref<10000x128xbf16, #tpu.memory_space<hbm>> -> memref<10000x128xbf16, #tpu.memory_space<hbm>>
    tpu.enqueue_indirect_dma source(%dma_start3A_296 : memref<10000x128xbf16, #tpu.memory_space<hbm>>) target(%dma_start3A_291 : memref<80x128xbf16, #tpu.memory_space<vmem>>) offsets(%dma_start3A_293 : memref<80xi32, #tpu.memory_space<vmem>>) semaphore(%arg15 : memref<!tpu.dma_semaphore, #tpu.memory_space<semaphore_mem>>)
    %dma_wait3A_297 = arith.constant 6 : i32
    %dma_wait3A_298 = arith.constant 0 : i32
    %dma_wait3A_299 = arith.constant 0 : i32
    %dma_wait3A_300 = tpu.memref_slice %arg8[%dma_wait3A_297, %dma_wait3A_298, %dma_wait3A_299] : memref<8x80x128xbf16, #tpu.memory_space<vmem>> -> memref<1x80x128xbf16, #tpu.memory_space<vmem>>
    %dma_wait3A_301 = tpu.memref_squeeze %dma_wait3A_300 : memref<1x80x128xbf16, #tpu.memory_space<vmem>> -> memref<80x128xbf16, #tpu.memory_space<vmem>>
    %dma_wait3A_302 = arith.constant 9440 : i32
    %dma_wait3A_303 = tpu.memref_slice %arg6[%dma_wait3A_302] : memref<10000xi32, #tpu.memory_space<vmem>> -> memref<80xi32, #tpu.memory_space<vmem>>
    %dma_wait3A_304 = arith.constant 0 : i32
    %dma_wait3A_305 = arith.constant 0 : i32
    %dma_wait3A_306 = tpu.memref_slice %arg2[%dma_wait3A_304, %dma_wait3A_305] : memref<10000x128xbf16, #tpu.memory_space<hbm>> -> memref<10000x128xbf16, #tpu.memory_space<hbm>>
    tpu.wait_indirect_dma semaphore(%arg17 : memref<!tpu.dma_semaphore, #tpu.memory_space<semaphore_mem>>) src(%dma_wait3A_306 : memref<10000x128xbf16, #tpu.memory_space<hbm>>) dst(%dma_wait3A_301 : memref<80x128xbf16, #tpu.memory_space<vmem>>)
    %run_scoped3A_307 = arith.constant 6 : i32
    "tpu.region"() ({
      %run_scoped3A_445 = tpu.sem_alloc : memref<!tpu.dma_semaphore, #tpu.memory_space<semaphore_mem>>
      %dma_start3A_446 = arith.constant 0 : i32
      %dma_start3A_447 = arith.constant 0 : i32
      %dma_start3A_448 = tpu.memref_slice %arg8[%run_scoped3A_307, %dma_start3A_446, %dma_start3A_447] : memref<8x80x128xbf16, #tpu.memory_space<vmem>> -> memref<1x80x128xbf16, #tpu.memory_space<vmem>>
      %dma_start3A_449 = tpu.memref_squeeze %dma_start3A_448 : memref<1x80x128xbf16, #tpu.memory_space<vmem>> -> memref<80x128xbf16, #tpu.memory_space<vmem>>
      %dma_start3A_450 = arith.constant 9440 : i32
      %dma_start3A_451 = tpu.memref_slice %arg7[%dma_start3A_450] : memref<10000xi32, #tpu.memory_space<vmem>> -> memref<80xi32, #tpu.memory_space<vmem>>
      %dma_start3A_452 = arith.constant 0 : i32
      %dma_start3A_453 = arith.constant 0 : i32
      %dma_start3A_454 = tpu.memref_slice %arg19[%dma_start3A_452, %dma_start3A_453] : memref<10112x128xbf16, #tpu.memory_space<vmem_shared>> -> memref<10112x128xbf16, #tpu.memory_space<vmem_shared>>
      tpu.enqueue_indirect_dma source(%dma_start3A_449 : memref<80x128xbf16, #tpu.memory_space<vmem>>) target(%dma_start3A_454 : memref<10112x128xbf16, #tpu.memory_space<vmem_shared>>) offsets(%dma_start3A_451 : memref<80xi32, #tpu.memory_space<vmem>>) semaphore(%run_scoped3A_445 : memref<!tpu.dma_semaphore, #tpu.memory_space<semaphore_mem>>) {add = true}
      %dma_wait3A_455 = arith.constant 0 : i32
      %dma_wait3A_456 = arith.constant 0 : i32
      %dma_wait3A_457 = tpu.memref_slice %arg8[%run_scoped3A_307, %dma_wait3A_455, %dma_wait3A_456] : memref<8x80x128xbf16, #tpu.memory_space<vmem>> -> memref<1x80x128xbf16, #tpu.memory_space<vmem>>
      %dma_wait3A_458 = tpu.memref_squeeze %dma_wait3A_457 : memref<1x80x128xbf16, #tpu.memory_space<vmem>> -> memref<80x128xbf16, #tpu.memory_space<vmem>>
      %dma_wait3A_459 = arith.constant 9440 : i32
      %dma_wait3A_460 = tpu.memref_slice %arg7[%dma_wait3A_459] : memref<10000xi32, #tpu.memory_space<vmem>> -> memref<80xi32, #tpu.memory_space<vmem>>
      %dma_wait3A_461 = arith.constant 0 : i32
      %dma_wait3A_462 = arith.constant 0 : i32
      %dma_wait3A_463 = tpu.memref_slice %arg19[%dma_wait3A_461, %dma_wait3A_462] : memref<10112x128xbf16, #tpu.memory_space<vmem_shared>> -> memref<10112x128xbf16, #tpu.memory_space<vmem_shared>>
      tpu.wait_indirect_dma semaphore(%run_scoped3A_445 : memref<!tpu.dma_semaphore, #tpu.memory_space<semaphore_mem>>) src(%dma_wait3A_458 : memref<80x128xbf16, #tpu.memory_space<vmem>>) dst(%dma_wait3A_463 : memref<10112x128xbf16, #tpu.memory_space<vmem_shared>>)
      tpu.yield
    }) : () -> ()
    %get3A_308 = arith.constant 9440 : index
    %get3A_309 = tpu.vector_load %arg7[%get3A_308] {strides = array<i32>} : memref<10000xi32, #tpu.memory_space<vmem>>, vector<16xi32>,
    tpu.vector_store_idx %arg10[%get3A_309], %broadcast_in_dim3A_8 {add = true} : memref<10000xf32, #tpu.memory_space<vmem>>[vector<16xi32>], vector<16xf32>,
    %get3A_310 = arith.constant 9456 : index
    %get3A_311 = tpu.vector_load %arg7[%get3A_310] {strides = array<i32>} : memref<10000xi32, #tpu.memory_space<vmem>>, vector<16xi32>,
    tpu.vector_store_idx %arg10[%get3A_311], %broadcast_in_dim3A_8 {add = true} : memref<10000xf32, #tpu.memory_space<vmem>>[vector<16xi32>], vector<16xf32>,
    %get3A_312 = arith.constant 9472 : index
    %get3A_313 = tpu.vector_load %arg7[%get3A_312] {strides = array<i32>} : memref<10000xi32, #tpu.memory_space<vmem>>, vector<16xi32>,
    tpu.vector_store_idx %arg10[%get3A_313], %broadcast_in_dim3A_8 {add = true} : memref<10000xf32, #tpu.memory_space<vmem>>[vector<16xi32>], vector<16xf32>,
    %get3A_314 = arith.constant 9488 : index
    %get3A_315 = tpu.vector_load %arg7[%get3A_314] {strides = array<i32>} : memref<10000xi32, #tpu.memory_space<vmem>>, vector<16xi32>,
    tpu.vector_store_idx %arg10[%get3A_315], %broadcast_in_dim3A_8 {add = true} : memref<10000xf32, #tpu.memory_space<vmem>>[vector<16xi32>], vector<16xf32>,
    %get3A_316 = arith.constant 9504 : index
    %get3A_317 = tpu.vector_load %arg7[%get3A_316] {strides = array<i32>} : memref<10000xi32, #tpu.memory_space<vmem>>, vector<16xi32>,
    tpu.vector_store_idx %arg10[%get3A_317], %broadcast_in_dim3A_8 {add = true} : memref<10000xf32, #tpu.memory_space<vmem>>[vector<16xi32>], vector<16xf32>,
    %dma_wait3A_318 = arith.constant 7 : i32
    %dma_wait3A_319 = arith.constant 0 : i32
    %dma_wait3A_320 = arith.constant 0 : i32
    %dma_wait3A_321 = tpu.memref_slice %arg8[%dma_wait3A_318, %dma_wait3A_319, %dma_wait3A_320] : memref<8x80x128xbf16, #tpu.memory_space<vmem>> -> memref<1x80x128xbf16, #tpu.memory_space<vmem>>
    %dma_wait3A_322 = tpu.memref_squeeze %dma_wait3A_321 : memref<1x80x128xbf16, #tpu.memory_space<vmem>> -> memref<80x128xbf16, #tpu.memory_space<vmem>>
    %dma_wait3A_323 = arith.constant 9520 : i32
    %dma_wait3A_324 = tpu.memref_slice %arg6[%dma_wait3A_323] : memref<10000xi32, #tpu.memory_space<vmem>> -> memref<80xi32, #tpu.memory_space<vmem>>
    %dma_wait3A_325 = arith.constant 0 : i32
    %dma_wait3A_326 = arith.constant 0 : i32
    %dma_wait3A_327 = tpu.memref_slice %arg2[%dma_wait3A_325, %dma_wait3A_326] : memref<10000x128xbf16, #tpu.memory_space<hbm>> -> memref<10000x128xbf16, #tpu.memory_space<hbm>>
    tpu.wait_indirect_dma semaphore(%arg18 : memref<!tpu.dma_semaphore, #tpu.memory_space<semaphore_mem>>) src(%dma_wait3A_327 : memref<10000x128xbf16, #tpu.memory_space<hbm>>) dst(%dma_wait3A_322 : memref<80x128xbf16, #tpu.memory_space<vmem>>)
    %run_scoped3A_328 = arith.constant 7 : i32
    "tpu.region"() ({
      %run_scoped3A_445 = tpu.sem_alloc : memref<!tpu.dma_semaphore, #tpu.memory_space<semaphore_mem>>
      %dma_start3A_446 = arith.constant 0 : i32
      %dma_start3A_447 = arith.constant 0 : i32
      %dma_start3A_448 = tpu.memref_slice %arg8[%run_scoped3A_328, %dma_start3A_446, %dma_start3A_447] : memref<8x80x128xbf16, #tpu.memory_space<vmem>> -> memref<1x80x128xbf16, #tpu.memory_space<vmem>>
      %dma_start3A_449 = tpu.memref_squeeze %dma_start3A_448 : memref<1x80x128xbf16, #tpu.memory_space<vmem>> -> memref<80x128xbf16, #tpu.memory_space<vmem>>
      %dma_start3A_450 = arith.constant 9520 : i32
      %dma_start3A_451 = tpu.memref_slice %arg7[%dma_start3A_450] : memref<10000xi32, #tpu.memory_space<vmem>> -> memref<80xi32, #tpu.memory_space<vmem>>
      %dma_start3A_452 = arith.constant 0 : i32
      %dma_start3A_453 = arith.constant 0 : i32
      %dma_start3A_454 = tpu.memref_slice %arg19[%dma_start3A_452, %dma_start3A_453] : memref<10112x128xbf16, #tpu.memory_space<vmem_shared>> -> memref<10112x128xbf16, #tpu.memory_space<vmem_shared>>
      tpu.enqueue_indirect_dma source(%dma_start3A_449 : memref<80x128xbf16, #tpu.memory_space<vmem>>) target(%dma_start3A_454 : memref<10112x128xbf16, #tpu.memory_space<vmem_shared>>) offsets(%dma_start3A_451 : memref<80xi32, #tpu.memory_space<vmem>>) semaphore(%run_scoped3A_445 : memref<!tpu.dma_semaphore, #tpu.memory_space<semaphore_mem>>) {add = true}
      %dma_wait3A_455 = arith.constant 0 : i32
      %dma_wait3A_456 = arith.constant 0 : i32
      %dma_wait3A_457 = tpu.memref_slice %arg8[%run_scoped3A_328, %dma_wait3A_455, %dma_wait3A_456] : memref<8x80x128xbf16, #tpu.memory_space<vmem>> -> memref<1x80x128xbf16, #tpu.memory_space<vmem>>
      %dma_wait3A_458 = tpu.memref_squeeze %dma_wait3A_457 : memref<1x80x128xbf16, #tpu.memory_space<vmem>> -> memref<80x128xbf16, #tpu.memory_space<vmem>>
      %dma_wait3A_459 = arith.constant 9520 : i32
      %dma_wait3A_460 = tpu.memref_slice %arg7[%dma_wait3A_459] : memref<10000xi32, #tpu.memory_space<vmem>> -> memref<80xi32, #tpu.memory_space<vmem>>
      %dma_wait3A_461 = arith.constant 0 : i32
      %dma_wait3A_462 = arith.constant 0 : i32
      %dma_wait3A_463 = tpu.memref_slice %arg19[%dma_wait3A_461, %dma_wait3A_462] : memref<10112x128xbf16, #tpu.memory_space<vmem_shared>> -> memref<10112x128xbf16, #tpu.memory_space<vmem_shared>>
      tpu.wait_indirect_dma semaphore(%run_scoped3A_445 : memref<!tpu.dma_semaphore, #tpu.memory_space<semaphore_mem>>) src(%dma_wait3A_458 : memref<80x128xbf16, #tpu.memory_space<vmem>>) dst(%dma_wait3A_463 : memref<10112x128xbf16, #tpu.memory_space<vmem_shared>>)
      tpu.yield
    }) : () -> ()
    %get3A_329 = arith.constant 9520 : index
    %get3A_330 = tpu.vector_load %arg7[%get3A_329] {strides = array<i32>} : memref<10000xi32, #tpu.memory_space<vmem>>, vector<16xi32>,
    tpu.vector_store_idx %arg10[%get3A_330], %broadcast_in_dim3A_8 {add = true} : memref<10000xf32, #tpu.memory_space<vmem>>[vector<16xi32>], vector<16xf32>,
    %get3A_331 = arith.constant 9536 : index
    %get3A_332 = tpu.vector_load %arg7[%get3A_331] {strides = array<i32>} : memref<10000xi32, #tpu.memory_space<vmem>>, vector<16xi32>,
    tpu.vector_store_idx %arg10[%get3A_332], %broadcast_in_dim3A_8 {add = true} : memref<10000xf32, #tpu.memory_space<vmem>>[vector<16xi32>], vector<16xf32>,
    %get3A_333 = arith.constant 9552 : index
    %get3A_334 = tpu.vector_load %arg7[%get3A_333] {strides = array<i32>} : memref<10000xi32, #tpu.memory_space<vmem>>, vector<16xi32>,
    tpu.vector_store_idx %arg10[%get3A_334], %broadcast_in_dim3A_8 {add = true} : memref<10000xf32, #tpu.memory_space<vmem>>[vector<16xi32>], vector<16xf32>,
    %get3A_335 = arith.constant 9568 : index
    %get3A_336 = tpu.vector_load %arg7[%get3A_335] {strides = array<i32>} : memref<10000xi32, #tpu.memory_space<vmem>>, vector<16xi32>,
    tpu.vector_store_idx %arg10[%get3A_336], %broadcast_in_dim3A_8 {add = true} : memref<10000xf32, #tpu.memory_space<vmem>>[vector<16xi32>], vector<16xf32>,
    %get3A_337 = arith.constant 9584 : index
    %get3A_338 = tpu.vector_load %arg7[%get3A_337] {strides = array<i32>} : memref<10000xi32, #tpu.memory_space<vmem>>, vector<16xi32>,
    tpu.vector_store_idx %arg10[%get3A_338], %broadcast_in_dim3A_8 {add = true} : memref<10000xf32, #tpu.memory_space<vmem>>[vector<16xi32>], vector<16xf32>,
    %dma_wait3A_339 = arith.constant 0 : i32
    %dma_wait3A_340 = arith.constant 0 : i32
    %dma_wait3A_341 = arith.constant 0 : i32
    %dma_wait3A_342 = tpu.memref_slice %arg8[%dma_wait3A_339, %dma_wait3A_340, %dma_wait3A_341] : memref<8x80x128xbf16, #tpu.memory_space<vmem>> -> memref<1x80x128xbf16, #tpu.memory_space<vmem>>
    %dma_wait3A_343 = tpu.memref_squeeze %dma_wait3A_342 : memref<1x80x128xbf16, #tpu.memory_space<vmem>> -> memref<80x128xbf16, #tpu.memory_space<vmem>>
    %dma_wait3A_344 = arith.constant 9600 : i32
    %dma_wait3A_345 = tpu.memref_slice %arg6[%dma_wait3A_344] : memref<10000xi32, #tpu.memory_space<vmem>> -> memref<80xi32, #tpu.memory_space<vmem>>
    %dma_wait3A_346 = arith.constant 0 : i32
    %dma_wait3A_347 = arith.constant 0 : i32
    %dma_wait3A_348 = tpu.memref_slice %arg2[%dma_wait3A_346, %dma_wait3A_347] : memref<10000x128xbf16, #tpu.memory_space<hbm>> -> memref<10000x128xbf16, #tpu.memory_space<hbm>>
    tpu.wait_indirect_dma semaphore(%arg11 : memref<!tpu.dma_semaphore, #tpu.memory_space<semaphore_mem>>) src(%dma_wait3A_348 : memref<10000x128xbf16, #tpu.memory_space<hbm>>) dst(%dma_wait3A_343 : memref<80x128xbf16, #tpu.memory_space<vmem>>)
    %run_scoped3A_349 = arith.constant 0 : i32
    "tpu.region"() ({
      %run_scoped3A_445 = tpu.sem_alloc : memref<!tpu.dma_semaphore, #tpu.memory_space<semaphore_mem>>
      %dma_start3A_446 = arith.constant 0 : i32
      %dma_start3A_447 = arith.constant 0 : i32
      %dma_start3A_448 = tpu.memref_slice %arg8[%run_scoped3A_349, %dma_start3A_446, %dma_start3A_447] : memref<8x80x128xbf16, #tpu.memory_space<vmem>> -> memref<1x80x128xbf16, #tpu.memory_space<vmem>>
      %dma_start3A_449 = tpu.memref_squeeze %dma_start3A_448 : memref<1x80x128xbf16, #tpu.memory_space<vmem>> -> memref<80x128xbf16, #tpu.memory_space<vmem>>
      %dma_start3A_450 = arith.constant 9600 : i32
      %dma_start3A_451 = tpu.memref_slice %arg7[%dma_start3A_450] : memref<10000xi32, #tpu.memory_space<vmem>> -> memref<80xi32, #tpu.memory_space<vmem>>
      %dma_start3A_452 = arith.constant 0 : i32
      %dma_start3A_453 = arith.constant 0 : i32
      %dma_start3A_454 = tpu.memref_slice %arg19[%dma_start3A_452, %dma_start3A_453] : memref<10112x128xbf16, #tpu.memory_space<vmem_shared>> -> memref<10112x128xbf16, #tpu.memory_space<vmem_shared>>
      tpu.enqueue_indirect_dma source(%dma_start3A_449 : memref<80x128xbf16, #tpu.memory_space<vmem>>) target(%dma_start3A_454 : memref<10112x128xbf16, #tpu.memory_space<vmem_shared>>) offsets(%dma_start3A_451 : memref<80xi32, #tpu.memory_space<vmem>>) semaphore(%run_scoped3A_445 : memref<!tpu.dma_semaphore, #tpu.memory_space<semaphore_mem>>) {add = true}
      %dma_wait3A_455 = arith.constant 0 : i32
      %dma_wait3A_456 = arith.constant 0 : i32
      %dma_wait3A_457 = tpu.memref_slice %arg8[%run_scoped3A_349, %dma_wait3A_455, %dma_wait3A_456] : memref<8x80x128xbf16, #tpu.memory_space<vmem>> -> memref<1x80x128xbf16, #tpu.memory_space<vmem>>
      %dma_wait3A_458 = tpu.memref_squeeze %dma_wait3A_457 : memref<1x80x128xbf16, #tpu.memory_space<vmem>> -> memref<80x128xbf16, #tpu.memory_space<vmem>>
      %dma_wait3A_459 = arith.constant 9600 : i32
      %dma_wait3A_460 = tpu.memref_slice %arg7[%dma_wait3A_459] : memref<10000xi32, #tpu.memory_space<vmem>> -> memref<80xi32, #tpu.memory_space<vmem>>
      %dma_wait3A_461 = arith.constant 0 : i32
      %dma_wait3A_462 = arith.constant 0 : i32
      %dma_wait3A_463 = tpu.memref_slice %arg19[%dma_wait3A_461, %dma_wait3A_462] : memref<10112x128xbf16, #tpu.memory_space<vmem_shared>> -> memref<10112x128xbf16, #tpu.memory_space<vmem_shared>>
      tpu.wait_indirect_dma semaphore(%run_scoped3A_445 : memref<!tpu.dma_semaphore, #tpu.memory_space<semaphore_mem>>) src(%dma_wait3A_458 : memref<80x128xbf16, #tpu.memory_space<vmem>>) dst(%dma_wait3A_463 : memref<10112x128xbf16, #tpu.memory_space<vmem_shared>>)
      tpu.yield
    }) : () -> ()
    %get3A_350 = arith.constant 9600 : index
    %get3A_351 = tpu.vector_load %arg7[%get3A_350] {strides = array<i32>} : memref<10000xi32, #tpu.memory_space<vmem>>, vector<16xi32>,
    tpu.vector_store_idx %arg10[%get3A_351], %broadcast_in_dim3A_8 {add = true} : memref<10000xf32, #tpu.memory_space<vmem>>[vector<16xi32>], vector<16xf32>,
    %get3A_352 = arith.constant 9616 : index
    %get3A_353 = tpu.vector_load %arg7[%get3A_352] {strides = array<i32>} : memref<10000xi32, #tpu.memory_space<vmem>>, vector<16xi32>,
    tpu.vector_store_idx %arg10[%get3A_353], %broadcast_in_dim3A_8 {add = true} : memref<10000xf32, #tpu.memory_space<vmem>>[vector<16xi32>], vector<16xf32>,
    %get3A_354 = arith.constant 9632 : index
    %get3A_355 = tpu.vector_load %arg7[%get3A_354] {strides = array<i32>} : memref<10000xi32, #tpu.memory_space<vmem>>, vector<16xi32>,
    tpu.vector_store_idx %arg10[%get3A_355], %broadcast_in_dim3A_8 {add = true} : memref<10000xf32, #tpu.memory_space<vmem>>[vector<16xi32>], vector<16xf32>,
    %get3A_356 = arith.constant 9648 : index
    %get3A_357 = tpu.vector_load %arg7[%get3A_356] {strides = array<i32>} : memref<10000xi32, #tpu.memory_space<vmem>>, vector<16xi32>,
    tpu.vector_store_idx %arg10[%get3A_357], %broadcast_in_dim3A_8 {add = true} : memref<10000xf32, #tpu.memory_space<vmem>>[vector<16xi32>], vector<16xf32>,
    %get3A_358 = arith.constant 9664 : index
    %get3A_359 = tpu.vector_load %arg7[%get3A_358] {strides = array<i32>} : memref<10000xi32, #tpu.memory_space<vmem>>, vector<16xi32>,
    tpu.vector_store_idx %arg10[%get3A_359], %broadcast_in_dim3A_8 {add = true} : memref<10000xf32, #tpu.memory_space<vmem>>[vector<16xi32>], vector<16xf32>,
    %dma_wait3A_360 = arith.constant 1 : i32
    %dma_wait3A_361 = arith.constant 0 : i32
    %dma_wait3A_362 = arith.constant 0 : i32
    %dma_wait3A_363 = tpu.memref_slice %arg8[%dma_wait3A_360, %dma_wait3A_361, %dma_wait3A_362] : memref<8x80x128xbf16, #tpu.memory_space<vmem>> -> memref<1x80x128xbf16, #tpu.memory_space<vmem>>
    %dma_wait3A_364 = tpu.memref_squeeze %dma_wait3A_363 : memref<1x80x128xbf16, #tpu.memory_space<vmem>> -> memref<80x128xbf16, #tpu.memory_space<vmem>>
    %dma_wait3A_365 = arith.constant 9680 : i32
    %dma_wait3A_366 = tpu.memref_slice %arg6[%dma_wait3A_365] : memref<10000xi32, #tpu.memory_space<vmem>> -> memref<80xi32, #tpu.memory_space<vmem>>
    %dma_wait3A_367 = arith.constant 0 : i32
    %dma_wait3A_368 = arith.constant 0 : i32
    %dma_wait3A_369 = tpu.memref_slice %arg2[%dma_wait3A_367, %dma_wait3A_368] : memref<10000x128xbf16, #tpu.memory_space<hbm>> -> memref<10000x128xbf16, #tpu.memory_space<hbm>>
    tpu.wait_indirect_dma semaphore(%arg12 : memref<!tpu.dma_semaphore, #tpu.memory_space<semaphore_mem>>) src(%dma_wait3A_369 : memref<10000x128xbf16, #tpu.memory_space<hbm>>) dst(%dma_wait3A_364 : memref<80x128xbf16, #tpu.memory_space<vmem>>)
    %run_scoped3A_370 = arith.constant 1 : i32
    "tpu.region"() ({
      %run_scoped3A_445 = tpu.sem_alloc : memref<!tpu.dma_semaphore, #tpu.memory_space<semaphore_mem>>
      %dma_start3A_446 = arith.constant 0 : i32
      %dma_start3A_447 = arith.constant 0 : i32
      %dma_start3A_448 = tpu.memref_slice %arg8[%run_scoped3A_370, %dma_start3A_446, %dma_start3A_447] : memref<8x80x128xbf16, #tpu.memory_space<vmem>> -> memref<1x80x128xbf16, #tpu.memory_space<vmem>>
      %dma_start3A_449 = tpu.memref_squeeze %dma_start3A_448 : memref<1x80x128xbf16, #tpu.memory_space<vmem>> -> memref<80x128xbf16, #tpu.memory_space<vmem>>
      %dma_start3A_450 = arith.constant 9680 : i32
      %dma_start3A_451 = tpu.memref_slice %arg7[%dma_start3A_450] : memref<10000xi32, #tpu.memory_space<vmem>> -> memref<80xi32, #tpu.memory_space<vmem>>
      %dma_start3A_452 = arith.constant 0 : i32
      %dma_start3A_453 = arith.constant 0 : i32
      %dma_start3A_454 = tpu.memref_slice %arg19[%dma_start3A_452, %dma_start3A_453] : memref<10112x128xbf16, #tpu.memory_space<vmem_shared>> -> memref<10112x128xbf16, #tpu.memory_space<vmem_shared>>
      tpu.enqueue_indirect_dma source(%dma_start3A_449 : memref<80x128xbf16, #tpu.memory_space<vmem>>) target(%dma_start3A_454 : memref<10112x128xbf16, #tpu.memory_space<vmem_shared>>) offsets(%dma_start3A_451 : memref<80xi32, #tpu.memory_space<vmem>>) semaphore(%run_scoped3A_445 : memref<!tpu.dma_semaphore, #tpu.memory_space<semaphore_mem>>) {add = true}
      %dma_wait3A_455 = arith.constant 0 : i32
      %dma_wait3A_456 = arith.constant 0 : i32
      %dma_wait3A_457 = tpu.memref_slice %arg8[%run_scoped3A_370, %dma_wait3A_455, %dma_wait3A_456] : memref<8x80x128xbf16, #tpu.memory_space<vmem>> -> memref<1x80x128xbf16, #tpu.memory_space<vmem>>
      %dma_wait3A_458 = tpu.memref_squeeze %dma_wait3A_457 : memref<1x80x128xbf16, #tpu.memory_space<vmem>> -> memref<80x128xbf16, #tpu.memory_space<vmem>>
      %dma_wait3A_459 = arith.constant 9680 : i32
      %dma_wait3A_460 = tpu.memref_slice %arg7[%dma_wait3A_459] : memref<10000xi32, #tpu.memory_space<vmem>> -> memref<80xi32, #tpu.memory_space<vmem>>
      %dma_wait3A_461 = arith.constant 0 : i32
      %dma_wait3A_462 = arith.constant 0 : i32
      %dma_wait3A_463 = tpu.memref_slice %arg19[%dma_wait3A_461, %dma_wait3A_462] : memref<10112x128xbf16, #tpu.memory_space<vmem_shared>> -> memref<10112x128xbf16, #tpu.memory_space<vmem_shared>>
      tpu.wait_indirect_dma semaphore(%run_scoped3A_445 : memref<!tpu.dma_semaphore, #tpu.memory_space<semaphore_mem>>) src(%dma_wait3A_458 : memref<80x128xbf16, #tpu.memory_space<vmem>>) dst(%dma_wait3A_463 : memref<10112x128xbf16, #tpu.memory_space<vmem_shared>>)
      tpu.yield
    }) : () -> ()
    %get3A_371 = arith.constant 9680 : index
    %get3A_372 = tpu.vector_load %arg7[%get3A_371] {strides = array<i32>} : memref<10000xi32, #tpu.memory_space<vmem>>, vector<16xi32>,
    tpu.vector_store_idx %arg10[%get3A_372], %broadcast_in_dim3A_8 {add = true} : memref<10000xf32, #tpu.memory_space<vmem>>[vector<16xi32>], vector<16xf32>,
    %get3A_373 = arith.constant 9696 : index
    %get3A_374 = tpu.vector_load %arg7[%get3A_373] {strides = array<i32>} : memref<10000xi32, #tpu.memory_space<vmem>>, vector<16xi32>,
    tpu.vector_store_idx %arg10[%get3A_374], %broadcast_in_dim3A_8 {add = true} : memref<10000xf32, #tpu.memory_space<vmem>>[vector<16xi32>], vector<16xf32>,
    %get3A_375 = arith.constant 9712 : index
    %get3A_376 = tpu.vector_load %arg7[%get3A_375] {strides = array<i32>} : memref<10000xi32, #tpu.memory_space<vmem>>, vector<16xi32>,
    tpu.vector_store_idx %arg10[%get3A_376], %broadcast_in_dim3A_8 {add = true} : memref<10000xf32, #tpu.memory_space<vmem>>[vector<16xi32>], vector<16xf32>,
    %get3A_377 = arith.constant 9728 : index
    %get3A_378 = tpu.vector_load %arg7[%get3A_377] {strides = array<i32>} : memref<10000xi32, #tpu.memory_space<vmem>>, vector<16xi32>,
    tpu.vector_store_idx %arg10[%get3A_378], %broadcast_in_dim3A_8 {add = true} : memref<10000xf32, #tpu.memory_space<vmem>>[vector<16xi32>], vector<16xf32>,
    %get3A_379 = arith.constant 9744 : index
    %get3A_380 = tpu.vector_load %arg7[%get3A_379] {strides = array<i32>} : memref<10000xi32, #tpu.memory_space<vmem>>, vector<16xi32>,
    tpu.vector_store_idx %arg10[%get3A_380], %broadcast_in_dim3A_8 {add = true} : memref<10000xf32, #tpu.memory_space<vmem>>[vector<16xi32>], vector<16xf32>,
    %dma_wait3A_381 = arith.constant 2 : i32
    %dma_wait3A_382 = arith.constant 0 : i32
    %dma_wait3A_383 = arith.constant 0 : i32
    %dma_wait3A_384 = tpu.memref_slice %arg8[%dma_wait3A_381, %dma_wait3A_382, %dma_wait3A_383] : memref<8x80x128xbf16, #tpu.memory_space<vmem>> -> memref<1x80x128xbf16, #tpu.memory_space<vmem>>
    %dma_wait3A_385 = tpu.memref_squeeze %dma_wait3A_384 : memref<1x80x128xbf16, #tpu.memory_space<vmem>> -> memref<80x128xbf16, #tpu.memory_space<vmem>>
    %dma_wait3A_386 = arith.constant 9760 : i32
    %dma_wait3A_387 = tpu.memref_slice %arg6[%dma_wait3A_386] : memref<10000xi32, #tpu.memory_space<vmem>> -> memref<80xi32, #tpu.memory_space<vmem>>
    %dma_wait3A_388 = arith.constant 0 : i32
    %dma_wait3A_389 = arith.constant 0 : i32
    %dma_wait3A_390 = tpu.memref_slice %arg2[%dma_wait3A_388, %dma_wait3A_389] : memref<10000x128xbf16, #tpu.memory_space<hbm>> -> memref<10000x128xbf16, #tpu.memory_space<hbm>>
    tpu.wait_indirect_dma semaphore(%arg13 : memref<!tpu.dma_semaphore, #tpu.memory_space<semaphore_mem>>) src(%dma_wait3A_390 : memref<10000x128xbf16, #tpu.memory_space<hbm>>) dst(%dma_wait3A_385 : memref<80x128xbf16, #tpu.memory_space<vmem>>)
    %run_scoped3A_391 = arith.constant 2 : i32
    "tpu.region"() ({
      %run_scoped3A_445 = tpu.sem_alloc : memref<!tpu.dma_semaphore, #tpu.memory_space<semaphore_mem>>
      %dma_start3A_446 = arith.constant 0 : i32
      %dma_start3A_447 = arith.constant 0 : i32
      %dma_start3A_448 = tpu.memref_slice %arg8[%run_scoped3A_391, %dma_start3A_446, %dma_start3A_447] : memref<8x80x128xbf16, #tpu.memory_space<vmem>> -> memref<1x80x128xbf16, #tpu.memory_space<vmem>>
      %dma_start3A_449 = tpu.memref_squeeze %dma_start3A_448 : memref<1x80x128xbf16, #tpu.memory_space<vmem>> -> memref<80x128xbf16, #tpu.memory_space<vmem>>
      %dma_start3A_450 = arith.constant 9760 : i32
      %dma_start3A_451 = tpu.memref_slice %arg7[%dma_start3A_450] : memref<10000xi32, #tpu.memory_space<vmem>> -> memref<80xi32, #tpu.memory_space<vmem>>
      %dma_start3A_452 = arith.constant 0 : i32
      %dma_start3A_453 = arith.constant 0 : i32
      %dma_start3A_454 = tpu.memref_slice %arg19[%dma_start3A_452, %dma_start3A_453] : memref<10112x128xbf16, #tpu.memory_space<vmem_shared>> -> memref<10112x128xbf16, #tpu.memory_space<vmem_shared>>
      tpu.enqueue_indirect_dma source(%dma_start3A_449 : memref<80x128xbf16, #tpu.memory_space<vmem>>) target(%dma_start3A_454 : memref<10112x128xbf16, #tpu.memory_space<vmem_shared>>) offsets(%dma_start3A_451 : memref<80xi32, #tpu.memory_space<vmem>>) semaphore(%run_scoped3A_445 : memref<!tpu.dma_semaphore, #tpu.memory_space<semaphore_mem>>) {add = true}
      %dma_wait3A_455 = arith.constant 0 : i32
      %dma_wait3A_456 = arith.constant 0 : i32
      %dma_wait3A_457 = tpu.memref_slice %arg8[%run_scoped3A_391, %dma_wait3A_455, %dma_wait3A_456] : memref<8x80x128xbf16, #tpu.memory_space<vmem>> -> memref<1x80x128xbf16, #tpu.memory_space<vmem>>
      %dma_wait3A_458 = tpu.memref_squeeze %dma_wait3A_457 : memref<1x80x128xbf16, #tpu.memory_space<vmem>> -> memref<80x128xbf16, #tpu.memory_space<vmem>>
      %dma_wait3A_459 = arith.constant 9760 : i32
      %dma_wait3A_460 = tpu.memref_slice %arg7[%dma_wait3A_459] : memref<10000xi32, #tpu.memory_space<vmem>> -> memref<80xi32, #tpu.memory_space<vmem>>
      %dma_wait3A_461 = arith.constant 0 : i32
      %dma_wait3A_462 = arith.constant 0 : i32
      %dma_wait3A_463 = tpu.memref_slice %arg19[%dma_wait3A_461, %dma_wait3A_462] : memref<10112x128xbf16, #tpu.memory_space<vmem_shared>> -> memref<10112x128xbf16, #tpu.memory_space<vmem_shared>>
      tpu.wait_indirect_dma semaphore(%run_scoped3A_445 : memref<!tpu.dma_semaphore, #tpu.memory_space<semaphore_mem>>) src(%dma_wait3A_458 : memref<80x128xbf16, #tpu.memory_space<vmem>>) dst(%dma_wait3A_463 : memref<10112x128xbf16, #tpu.memory_space<vmem_shared>>)
      tpu.yield
    }) : () -> ()
    %get3A_392 = arith.constant 9760 : index
    %get3A_393 = tpu.vector_load %arg7[%get3A_392] {strides = array<i32>} : memref<10000xi32, #tpu.memory_space<vmem>>, vector<16xi32>,
    tpu.vector_store_idx %arg10[%get3A_393], %broadcast_in_dim3A_8 {add = true} : memref<10000xf32, #tpu.memory_space<vmem>>[vector<16xi32>], vector<16xf32>,
    %get3A_394 = arith.constant 9776 : index
    %get3A_395 = tpu.vector_load %arg7[%get3A_394] {strides = array<i32>} : memref<10000xi32, #tpu.memory_space<vmem>>, vector<16xi32>,
    tpu.vector_store_idx %arg10[%get3A_395], %broadcast_in_dim3A_8 {add = true} : memref<10000xf32, #tpu.memory_space<vmem>>[vector<16xi32>], vector<16xf32>,
    %get3A_396 = arith.constant 9792 : index
    %get3A_397 = tpu.vector_load %arg7[%get3A_396] {strides = array<i32>} : memref<10000xi32, #tpu.memory_space<vmem>>, vector<16xi32>,
    tpu.vector_store_idx %arg10[%get3A_397], %broadcast_in_dim3A_8 {add = true} : memref<10000xf32, #tpu.memory_space<vmem>>[vector<16xi32>], vector<16xf32>,
    %get3A_398 = arith.constant 9808 : index
    %get3A_399 = tpu.vector_load %arg7[%get3A_398] {strides = array<i32>} : memref<10000xi32, #tpu.memory_space<vmem>>, vector<16xi32>,
    tpu.vector_store_idx %arg10[%get3A_399], %broadcast_in_dim3A_8 {add = true} : memref<10000xf32, #tpu.memory_space<vmem>>[vector<16xi32>], vector<16xf32>,
    %get3A_400 = arith.constant 9824 : index
    %get3A_401 = tpu.vector_load %arg7[%get3A_400] {strides = array<i32>} : memref<10000xi32, #tpu.memory_space<vmem>>, vector<16xi32>,
    tpu.vector_store_idx %arg10[%get3A_401], %broadcast_in_dim3A_8 {add = true} : memref<10000xf32, #tpu.memory_space<vmem>>[vector<16xi32>], vector<16xf32>,
    %dma_wait3A_402 = arith.constant 3 : i32
    %dma_wait3A_403 = arith.constant 0 : i32
    %dma_wait3A_404 = arith.constant 0 : i32
    %dma_wait3A_405 = tpu.memref_slice %arg8[%dma_wait3A_402, %dma_wait3A_403, %dma_wait3A_404] : memref<8x80x128xbf16, #tpu.memory_space<vmem>> -> memref<1x80x128xbf16, #tpu.memory_space<vmem>>
    %dma_wait3A_406 = tpu.memref_squeeze %dma_wait3A_405 : memref<1x80x128xbf16, #tpu.memory_space<vmem>> -> memref<80x128xbf16, #tpu.memory_space<vmem>>
    %dma_wait3A_407 = arith.constant 9840 : i32
    %dma_wait3A_408 = tpu.memref_slice %arg6[%dma_wait3A_407] : memref<10000xi32, #tpu.memory_space<vmem>> -> memref<80xi32, #tpu.memory_space<vmem>>
    %dma_wait3A_409 = arith.constant 0 : i32
    %dma_wait3A_410 = arith.constant 0 : i32
    %dma_wait3A_411 = tpu.memref_slice %arg2[%dma_wait3A_409, %dma_wait3A_410] : memref<10000x128xbf16, #tpu.memory_space<hbm>> -> memref<10000x128xbf16, #tpu.memory_space<hbm>>
    tpu.wait_indirect_dma semaphore(%arg14 : memref<!tpu.dma_semaphore, #tpu.memory_space<semaphore_mem>>) src(%dma_wait3A_411 : memref<10000x128xbf16, #tpu.memory_space<hbm>>) dst(%dma_wait3A_406 : memref<80x128xbf16, #tpu.memory_space<vmem>>)
    %run_scoped3A_412 = arith.constant 3 : i32
    "tpu.region"() ({
      %run_scoped3A_445 = tpu.sem_alloc : memref<!tpu.dma_semaphore, #tpu.memory_space<semaphore_mem>>
      %dma_start3A_446 = arith.constant 0 : i32
      %dma_start3A_447 = arith.constant 0 : i32
      %dma_start3A_448 = tpu.memref_slice %arg8[%run_scoped3A_412, %dma_start3A_446, %dma_start3A_447] : memref<8x80x128xbf16, #tpu.memory_space<vmem>> -> memref<1x80x128xbf16, #tpu.memory_space<vmem>>
      %dma_start3A_449 = tpu.memref_squeeze %dma_start3A_448 : memref<1x80x128xbf16, #tpu.memory_space<vmem>> -> memref<80x128xbf16, #tpu.memory_space<vmem>>
      %dma_start3A_450 = arith.constant 9840 : i32
      %dma_start3A_451 = tpu.memref_slice %arg7[%dma_start3A_450] : memref<10000xi32, #tpu.memory_space<vmem>> -> memref<80xi32, #tpu.memory_space<vmem>>
      %dma_start3A_452 = arith.constant 0 : i32
      %dma_start3A_453 = arith.constant 0 : i32
      %dma_start3A_454 = tpu.memref_slice %arg19[%dma_start3A_452, %dma_start3A_453] : memref<10112x128xbf16, #tpu.memory_space<vmem_shared>> -> memref<10112x128xbf16, #tpu.memory_space<vmem_shared>>
      tpu.enqueue_indirect_dma source(%dma_start3A_449 : memref<80x128xbf16, #tpu.memory_space<vmem>>) target(%dma_start3A_454 : memref<10112x128xbf16, #tpu.memory_space<vmem_shared>>) offsets(%dma_start3A_451 : memref<80xi32, #tpu.memory_space<vmem>>) semaphore(%run_scoped3A_445 : memref<!tpu.dma_semaphore, #tpu.memory_space<semaphore_mem>>) {add = true}
      %dma_wait3A_455 = arith.constant 0 : i32
      %dma_wait3A_456 = arith.constant 0 : i32
      %dma_wait3A_457 = tpu.memref_slice %arg8[%run_scoped3A_412, %dma_wait3A_455, %dma_wait3A_456] : memref<8x80x128xbf16, #tpu.memory_space<vmem>> -> memref<1x80x128xbf16, #tpu.memory_space<vmem>>
      %dma_wait3A_458 = tpu.memref_squeeze %dma_wait3A_457 : memref<1x80x128xbf16, #tpu.memory_space<vmem>> -> memref<80x128xbf16, #tpu.memory_space<vmem>>
      %dma_wait3A_459 = arith.constant 9840 : i32
      %dma_wait3A_460 = tpu.memref_slice %arg7[%dma_wait3A_459] : memref<10000xi32, #tpu.memory_space<vmem>> -> memref<80xi32, #tpu.memory_space<vmem>>
      %dma_wait3A_461 = arith.constant 0 : i32
      %dma_wait3A_462 = arith.constant 0 : i32
      %dma_wait3A_463 = tpu.memref_slice %arg19[%dma_wait3A_461, %dma_wait3A_462] : memref<10112x128xbf16, #tpu.memory_space<vmem_shared>> -> memref<10112x128xbf16, #tpu.memory_space<vmem_shared>>
      tpu.wait_indirect_dma semaphore(%run_scoped3A_445 : memref<!tpu.dma_semaphore, #tpu.memory_space<semaphore_mem>>) src(%dma_wait3A_458 : memref<80x128xbf16, #tpu.memory_space<vmem>>) dst(%dma_wait3A_463 : memref<10112x128xbf16, #tpu.memory_space<vmem_shared>>)
      tpu.yield
    }) : () -> ()
    %get3A_413 = arith.constant 9840 : index
    %get3A_414 = tpu.vector_load %arg7[%get3A_413] {strides = array<i32>} : memref<10000xi32, #tpu.memory_space<vmem>>, vector<16xi32>,
    tpu.vector_store_idx %arg10[%get3A_414], %broadcast_in_dim3A_8 {add = true} : memref<10000xf32, #tpu.memory_space<vmem>>[vector<16xi32>], vector<16xf32>,
    %get3A_415 = arith.constant 9856 : index
    %get3A_416 = tpu.vector_load %arg7[%get3A_415] {strides = array<i32>} : memref<10000xi32, #tpu.memory_space<vmem>>, vector<16xi32>,
    tpu.vector_store_idx %arg10[%get3A_416], %broadcast_in_dim3A_8 {add = true} : memref<10000xf32, #tpu.memory_space<vmem>>[vector<16xi32>], vector<16xf32>,
    %get3A_417 = arith.constant 9872 : index
    %get3A_418 = tpu.vector_load %arg7[%get3A_417] {strides = array<i32>} : memref<10000xi32, #tpu.memory_space<vmem>>, vector<16xi32>,
    tpu.vector_store_idx %arg10[%get3A_418], %broadcast_in_dim3A_8 {add = true} : memref<10000xf32, #tpu.memory_space<vmem>>[vector<16xi32>], vector<16xf32>,
    %get3A_419 = arith.constant 9888 : index
    %get3A_420 = tpu.vector_load %arg7[%get3A_419] {strides = array<i32>} : memref<10000xi32, #tpu.memory_space<vmem>>, vector<16xi32>,
    tpu.vector_store_idx %arg10[%get3A_420], %broadcast_in_dim3A_8 {add = true} : memref<10000xf32, #tpu.memory_space<vmem>>[vector<16xi32>], vector<16xf32>,
    %get3A_421 = arith.constant 9904 : index
    %get3A_422 = tpu.vector_load %arg7[%get3A_421] {strides = array<i32>} : memref<10000xi32, #tpu.memory_space<vmem>>, vector<16xi32>,
    tpu.vector_store_idx %arg10[%get3A_422], %broadcast_in_dim3A_8 {add = true} : memref<10000xf32, #tpu.memory_space<vmem>>[vector<16xi32>], vector<16xf32>,
    %dma_wait3A_423 = arith.constant 4 : i32
    %dma_wait3A_424 = arith.constant 0 : i32
    %dma_wait3A_425 = arith.constant 0 : i32
    %dma_wait3A_426 = tpu.memref_slice %arg8[%dma_wait3A_423, %dma_wait3A_424, %dma_wait3A_425] : memref<8x80x128xbf16, #tpu.memory_space<vmem>> -> memref<1x80x128xbf16, #tpu.memory_space<vmem>>
    %dma_wait3A_427 = tpu.memref_squeeze %dma_wait3A_426 : memref<1x80x128xbf16, #tpu.memory_space<vmem>> -> memref<80x128xbf16, #tpu.memory_space<vmem>>
    %dma_wait3A_428 = arith.constant 9920 : i32
    %dma_wait3A_429 = tpu.memref_slice %arg6[%dma_wait3A_428] : memref<10000xi32, #tpu.memory_space<vmem>> -> memref<80xi32, #tpu.memory_space<vmem>>
    %dma_wait3A_430 = arith.constant 0 : i32
    %dma_wait3A_431 = arith.constant 0 : i32
    %dma_wait3A_432 = tpu.memref_slice %arg2[%dma_wait3A_430, %dma_wait3A_431] : memref<10000x128xbf16, #tpu.memory_space<hbm>> -> memref<10000x128xbf16, #tpu.memory_space<hbm>>
    tpu.wait_indirect_dma semaphore(%arg15 : memref<!tpu.dma_semaphore, #tpu.memory_space<semaphore_mem>>) src(%dma_wait3A_432 : memref<10000x128xbf16, #tpu.memory_space<hbm>>) dst(%dma_wait3A_427 : memref<80x128xbf16, #tpu.memory_space<vmem>>)
    %run_scoped3A_433 = arith.constant 4 : i32
    "tpu.region"() ({
      %run_scoped3A_445 = tpu.sem_alloc : memref<!tpu.dma_semaphore, #tpu.memory_space<semaphore_mem>>
      %dma_start3A_446 = arith.constant 0 : i32
      %dma_start3A_447 = arith.constant 0 : i32
      %dma_start3A_448 = tpu.memref_slice %arg8[%run_scoped3A_433, %dma_start3A_446, %dma_start3A_447] : memref<8x80x128xbf16, #tpu.memory_space<vmem>> -> memref<1x80x128xbf16, #tpu.memory_space<vmem>>
      %dma_start3A_449 = tpu.memref_squeeze %dma_start3A_448 : memref<1x80x128xbf16, #tpu.memory_space<vmem>> -> memref<80x128xbf16, #tpu.memory_space<vmem>>
      %dma_start3A_450 = arith.constant 9920 : i32
      %dma_start3A_451 = tpu.memref_slice %arg7[%dma_start3A_450] : memref<10000xi32, #tpu.memory_space<vmem>> -> memref<80xi32, #tpu.memory_space<vmem>>
      %dma_start3A_452 = arith.constant 0 : i32
      %dma_start3A_453 = arith.constant 0 : i32
      %dma_start3A_454 = tpu.memref_slice %arg19[%dma_start3A_452, %dma_start3A_453] : memref<10112x128xbf16, #tpu.memory_space<vmem_shared>> -> memref<10112x128xbf16, #tpu.memory_space<vmem_shared>>
      tpu.enqueue_indirect_dma source(%dma_start3A_449 : memref<80x128xbf16, #tpu.memory_space<vmem>>) target(%dma_start3A_454 : memref<10112x128xbf16, #tpu.memory_space<vmem_shared>>) offsets(%dma_start3A_451 : memref<80xi32, #tpu.memory_space<vmem>>) semaphore(%run_scoped3A_445 : memref<!tpu.dma_semaphore, #tpu.memory_space<semaphore_mem>>) {add = true}
      %dma_wait3A_455 = arith.constant 0 : i32
      %dma_wait3A_456 = arith.constant 0 : i32
      %dma_wait3A_457 = tpu.memref_slice %arg8[%run_scoped3A_433, %dma_wait3A_455, %dma_wait3A_456] : memref<8x80x128xbf16, #tpu.memory_space<vmem>> -> memref<1x80x128xbf16, #tpu.memory_space<vmem>>
      %dma_wait3A_458 = tpu.memref_squeeze %dma_wait3A_457 : memref<1x80x128xbf16, #tpu.memory_space<vmem>> -> memref<80x128xbf16, #tpu.memory_space<vmem>>
      %dma_wait3A_459 = arith.constant 9920 : i32
      %dma_wait3A_460 = tpu.memref_slice %arg7[%dma_wait3A_459] : memref<10000xi32, #tpu.memory_space<vmem>> -> memref<80xi32, #tpu.memory_space<vmem>>
      %dma_wait3A_461 = arith.constant 0 : i32
      %dma_wait3A_462 = arith.constant 0 : i32
      %dma_wait3A_463 = tpu.memref_slice %arg19[%dma_wait3A_461, %dma_wait3A_462] : memref<10112x128xbf16, #tpu.memory_space<vmem_shared>> -> memref<10112x128xbf16, #tpu.memory_space<vmem_shared>>
      tpu.wait_indirect_dma semaphore(%run_scoped3A_445 : memref<!tpu.dma_semaphore, #tpu.memory_space<semaphore_mem>>) src(%dma_wait3A_458 : memref<80x128xbf16, #tpu.memory_space<vmem>>) dst(%dma_wait3A_463 : memref<10112x128xbf16, #tpu.memory_space<vmem_shared>>)
      tpu.yield
    }) : () -> ()
    %get3A_434 = arith.constant 9920 : index
    %get3A_435 = tpu.vector_load %arg7[%get3A_434] {strides = array<i32>} : memref<10000xi32, #tpu.memory_space<vmem>>, vector<16xi32>,
    tpu.vector_store_idx %arg10[%get3A_435], %broadcast_in_dim3A_8 {add = true} : memref<10000xf32, #tpu.memory_space<vmem>>[vector<16xi32>], vector<16xf32>,
    %get3A_436 = arith.constant 9936 : index
    %get3A_437 = tpu.vector_load %arg7[%get3A_436] {strides = array<i32>} : memref<10000xi32, #tpu.memory_space<vmem>>, vector<16xi32>,
    tpu.vector_store_idx %arg10[%get3A_437], %broadcast_in_dim3A_8 {add = true} : memref<10000xf32, #tpu.memory_space<vmem>>[vector<16xi32>], vector<16xf32>,
    %get3A_438 = arith.constant 9952 : index
    %get3A_439 = tpu.vector_load %arg7[%get3A_438] {strides = array<i32>} : memref<10000xi32, #tpu.memory_space<vmem>>, vector<16xi32>,
    tpu.vector_store_idx %arg10[%get3A_439], %broadcast_in_dim3A_8 {add = true} : memref<10000xf32, #tpu.memory_space<vmem>>[vector<16xi32>], vector<16xf32>,
    %get3A_440 = arith.constant 9968 : index
    %get3A_441 = tpu.vector_load %arg7[%get3A_440] {strides = array<i32>} : memref<10000xi32, #tpu.memory_space<vmem>>, vector<16xi32>,
    tpu.vector_store_idx %arg10[%get3A_441], %broadcast_in_dim3A_8 {add = true} : memref<10000xf32, #tpu.memory_space<vmem>>[vector<16xi32>], vector<16xf32>,
    %get3A_442 = arith.constant 9984 : index
    %get3A_443 = tpu.vector_load %arg7[%get3A_442] {strides = array<i32>} : memref<10000xi32, #tpu.memory_space<vmem>>, vector<16xi32>,
    tpu.vector_store_idx %arg10[%get3A_443], %broadcast_in_dim3A_8 {add = true} : memref<10000xf32, #tpu.memory_space<vmem>>[vector<16xi32>], vector<16xf32>,
    %barrier3A_444 = arith.constant 0 : index
    tpu.barrier barrier_id(%barrier3A_444)
    "tpu.region"() ({
      %run_scoped3A_445 = tpu.sem_alloc : memref<!tpu.dma_semaphore, #tpu.memory_space<semaphore_mem>>
      %dma_start3A_446 = arith.constant 0 : i32
      %dma_start3A_447 = tpu.memref_slice %arg4[%arg0, %mul3A_21, %dma_start3A_446] : memref<2x10112x128xbf16, #tpu.memory_space<hbm>> -> memref<1x632x128xbf16, #tpu.memory_space<hbm>>
      %dma_start3A_448 = tpu.memref_squeeze %dma_start3A_447 : memref<1x632x128xbf16, #tpu.memory_space<hbm>> -> memref<632x128xbf16, #tpu.memory_space<hbm>>
      %dma_start3A_449 = arith.constant 0 : i32
      %dma_start3A_450 = tpu.memref_slice %arg19[%mul3A_21, %dma_start3A_449] : memref<10112x128xbf16, #tpu.memory_space<vmem_shared>> -> memref<632x128xbf16, #tpu.memory_space<vmem_shared>>
      tpu.enqueue_dma source(%dma_start3A_450 : memref<632x128xbf16, #tpu.memory_space<vmem_shared>>) target(%dma_start3A_448 : memref<632x128xbf16, #tpu.memory_space<hbm>>) target_semaphore(%run_scoped3A_445 : memref<!tpu.dma_semaphore, #tpu.memory_space<semaphore_mem>>)
      %dma_wait3A_451 = arith.constant 0 : i32
      %dma_wait3A_452 = tpu.memref_slice %arg4[%arg0, %mul3A_21, %dma_wait3A_451] : memref<2x10112x128xbf16, #tpu.memory_space<hbm>> -> memref<1x632x128xbf16, #tpu.memory_space<hbm>>
      %dma_wait3A_453 = tpu.memref_squeeze %dma_wait3A_452 : memref<1x632x128xbf16, #tpu.memory_space<hbm>> -> memref<632x128xbf16, #tpu.memory_space<hbm>>
      %dma_wait3A_454 = arith.constant 0 : i32
      %dma_wait3A_455 = tpu.memref_slice %arg19[%mul3A_21, %dma_wait3A_454] : memref<10112x128xbf16, #tpu.memory_space<vmem_shared>> -> memref<632x128xbf16, #tpu.memory_space<vmem_shared>>
      tpu.wait_dma2 semaphore(%run_scoped3A_445 : memref<!tpu.dma_semaphore, #tpu.memory_space<semaphore_mem>>) src(%dma_wait3A_455 : memref<632x128xbf16, #tpu.memory_space<vmem_shared>>) dst(%dma_wait3A_453 : memref<632x128xbf16, #tpu.memory_space<hbm>>)
      tpu.yield
    }) : () -> ()
    "tpu.region"() ({
      %run_scoped3A_445 = tpu.sem_alloc : memref<!tpu.dma_semaphore, #tpu.memory_space<semaphore_mem>>
      %dma_start3A_446 = arith.constant 0 : i32
      %dma_start3A_447 = tpu.memref_slice %arg5[%arg0, %arg1, %dma_start3A_446] : memref<2x16x10000xf32, #tpu.memory_space<hbm>> -> memref<1x1x10000xf32, #tpu.memory_space<hbm>>
      %dma_start3A_448 = tpu.memref_squeeze %dma_start3A_447 : memref<1x1x10000xf32, #tpu.memory_space<hbm>> -> memref<10000xf32, #tpu.memory_space<hbm>>
      %dma_start3A_449 = arith.constant 0 : i32
      %dma_start3A_450 = tpu.memref_slice %arg5[%arg0, %arg1, %dma_start3A_449] : memref<2x16x10000xf32, #tpu.memory_space<hbm>> -> memref<1x1x10000xf32, #tpu.memory_space<hbm>>
      %dma_start3A_451 = tpu.memref_squeeze %dma_start3A_450 : memref<1x1x10000xf32, #tpu.memory_space<hbm>> -> memref<10000xf32, #tpu.memory_space<hbm>>
      tpu.enqueue_dma source(%arg10 : memref<10000xf32, #tpu.memory_space<vmem>>) target(%dma_start3A_451 : memref<10000xf32, #tpu.memory_space<hbm>>) target_semaphore(%run_scoped3A_445 : memref<!tpu.dma_semaphore, #tpu.memory_space<semaphore_mem>>)
      %dma_wait3A_452 = arith.constant 0 : i32
      %dma_wait3A_453 = tpu.memref_slice %arg5[%arg0, %arg1, %dma_wait3A_452] : memref<2x16x10000xf32, #tpu.memory_space<hbm>> -> memref<1x1x10000xf32, #tpu.memory_space<hbm>>
      %dma_wait3A_454 = tpu.memref_squeeze %dma_wait3A_453 : memref<1x1x10000xf32, #tpu.memory_space<hbm>> -> memref<10000xf32, #tpu.memory_space<hbm>>
      %dma_wait3A_455 = arith.constant 0 : i32
      %dma_wait3A_456 = tpu.memref_slice %arg5[%arg0, %arg1, %dma_wait3A_455] : memref<2x16x10000xf32, #tpu.memory_space<hbm>> -> memref<1x1x10000xf32, #tpu.memory_space<hbm>>
      %dma_wait3A_457 = tpu.memref_squeeze %dma_wait3A_456 : memref<1x1x10000xf32, #tpu.memory_space<hbm>> -> memref<10000xf32, #tpu.memory_space<hbm>>
      tpu.wait_dma2 semaphore(%run_scoped3A_445 : memref<!tpu.dma_semaphore, #tpu.memory_space<semaphore_mem>>) src(%arg10 : memref<10000xf32, #tpu.memory_space<vmem>>) dst(%dma_wait3A_457 : memref<10000xf32, #tpu.memory_space<hbm>>)
      tpu.yield
    }) : () -> ()
    return
  }
}

module attributes {stable_mosaic.version = 14 : i64} {
  func.func @_t1_body(%arg0: i32, %arg1: memref<2x5000x128xbf16, #tpu.memory_space<vmem>>, %arg2: memref<5000x32xf32, #tpu.memory_space<vmem>>, %arg3: memref<5000x128xf32, #tpu.memory_space<vmem>>, %arg4: memref<128x128xf32, #tpu.memory_space<vmem>>, %arg5: memref<1x128xf32, #tpu.memory_space<vmem>>, %arg6: memref<128x128xf32, #tpu.memory_space<vmem>>, %arg7: memref<128x64xf32, #tpu.memory_space<vmem>>, %arg8: memref<128x64xf32, #tpu.memory_space<vmem>>, %arg9: memref<1x64xf32, #tpu.memory_space<vmem>>, %arg10: memref<5000x128xf32, #tpu.memory_space<vmem>>, %arg11: memref<5000x64xbf16, #tpu.memory_space<vmem>>, %arg12: memref<5000x64xf32, #tpu.memory_space<vmem>>) attributes {dimension_semantics = [#tpu.dimension_semantics<arbitrary>], iteration_bounds = array<i64: 2>, scalar_prefetch = 0 : i64, scratch_operands = 0 : i64, tpu.core_type = #tpu.core_type<tc>, window_params = [{transform_indices = @transform_0, window_bounds = array<i64: 2, 5000, 128>}, {transform_indices = @transform_1, window_bounds = array<i64: 5000, 32>}, {transform_indices = @transform_2, window_bounds = array<i64: 5000, 128>}, {pipeline_mode = #tpu.pipeline_mode<synchronous>, transform_indices = @transform_3, window_bounds = array<i64: 128, 128>}, {pipeline_mode = #tpu.pipeline_mode<synchronous>, transform_indices = @transform_4, window_bounds = array<i64: 1, 128>}, {pipeline_mode = #tpu.pipeline_mode<synchronous>, transform_indices = @transform_5, window_bounds = array<i64: 128, 128>}, {pipeline_mode = #tpu.pipeline_mode<synchronous>, transform_indices = @transform_6, window_bounds = array<i64: 128, 64>}, {pipeline_mode = #tpu.pipeline_mode<synchronous>, transform_indices = @transform_7, window_bounds = array<i64: 128, 64>}, {pipeline_mode = #tpu.pipeline_mode<synchronous>, transform_indices = @transform_8, window_bounds = array<i64: 1, 64>}, {transform_indices = @transform_9, window_bounds = array<i64: 5000, 128>}, {transform_indices = @transform_10, window_bounds = array<i64: 5000, 64>}, {transform_indices = @transform_11, window_bounds = array<i64: 5000, 64>}]} {
    %get3A = arith.constant 0 : index
    %get3A_0 = arith.constant 0 : index
    %get3A_1 = arith.constant 0 : index
    %get3A_2 = vector.load %arg1[%get3A, %get3A_0, %get3A_1] : memref<2x5000x128xbf16, #tpu.memory_space<vmem>>, vector<1x5000x128xbf16>
    %get3A_3 = vector.shape_cast %get3A_2 : vector<1x5000x128xbf16> to vector<5000x128xbf16>
    %convert_element_type3A = arith.extf %get3A_3 : vector<5000x128xbf16> to vector<5000x128xf32>
    %get3A_4 = arith.constant 1 : index
    %get3A_5 = arith.constant 0 : index
    %get3A_6 = arith.constant 0 : index
    %get3A_7 = vector.load %arg1[%get3A_4, %get3A_5, %get3A_6] : memref<2x5000x128xbf16, #tpu.memory_space<vmem>>, vector<1x5000x128xbf16>
    %get3A_8 = vector.shape_cast %get3A_7 : vector<1x5000x128xbf16> to vector<5000x128xbf16>
    %convert_element_type3A_9 = arith.extf %get3A_8 : vector<5000x128xbf16> to vector<5000x128xf32>
    %add3A = arith.addf %convert_element_type3A, %convert_element_type3A_9 : vector<5000x128xf32>
    %get3A_10 = arith.constant 0 : index
    %get3A_11 = arith.constant 0 : index
    %get3A_12 = vector.load %arg2[%get3A_10, %get3A_11] : memref<5000x32xf32, #tpu.memory_space<vmem>>, vector<5000x32xf32>
    %reduce_sum3A = arith.constant dense<0.000000e+00> : vector<5000xf32>
    %reduce_sum3A_13 = vector.multi_reduction <add>, %get3A_12, %reduce_sum3A [1] : vector<5000x32xf32> to vector<5000xf32>
    %broadcast_in_dim3A = vector.shape_cast %reduce_sum3A_13 : vector<5000xf32> to vector<5000x1xf32>
    %max3A = arith.constant 1.000000e+00 : f32
    %max3A_14 = vector.broadcast %max3A : f32 to vector<5000x1xf32>
    %max3A_15 = arith.maximumf %broadcast_in_dim3A, %max3A_14 : vector<5000x1xf32>
    %div3A = vector.broadcast %max3A_15 : vector<5000x1xf32> to vector<5000x128xf32>
    %div3A_16 = arith.divf %add3A, %div3A : vector<5000x128xf32>
    %get3A_17 = arith.constant 0 : index
    %get3A_18 = arith.constant 0 : index
    %get3A_19 = vector.load %arg4[%get3A_17, %get3A_18] : memref<128x128xf32, #tpu.memory_space<vmem>>, vector<128x128xf32>
    %dot_general3A = arith.constant dense<0.000000e+00> : vector<5000x128xf32>
    %dot_general3A_20 = tpu.matmul %div3A_16, %get3A_19, %dot_general3A {dimension_numbers = #tpu.dot_dimension_numbers<[1], [0], [0], [1], [0, 0, 1, 1], [], []>, transpose_lhs_hint = false} : vector<5000x128xf32>, vector<128x128xf32>, vector<5000x128xf32> -> vector<5000x128xf32>
    %get3A_21 = arith.constant 0 : index
    %get3A_22 = arith.constant 0 : index
    %get3A_23 = vector.load %arg5[%get3A_21, %get3A_22] : memref<1x128xf32, #tpu.memory_space<vmem>>, vector<1x128xf32>
    %add3A_24 = vector.broadcast %get3A_23 : vector<1x128xf32> to vector<5000x128xf32>
    %add3A_25 = arith.addf %dot_general3A_20, %add3A_24 : vector<5000x128xf32>
    %get3A_26 = arith.constant 0 : index
    %get3A_27 = arith.constant 0 : index
    %get3A_28 = vector.load %arg3[%get3A_26, %get3A_27] : memref<5000x128xf32, #tpu.memory_space<vmem>>, vector<5000x128xf32>
    %get3A_29 = arith.constant 0 : index
    %get3A_30 = arith.constant 0 : index
    %get3A_31 = vector.load %arg6[%get3A_29, %get3A_30] : memref<128x128xf32, #tpu.memory_space<vmem>>, vector<128x128xf32>
    %dot_general3A_32 = arith.constant dense<0.000000e+00> : vector<5000x128xf32>
    %dot_general3A_33 = tpu.matmul %get3A_28, %get3A_31, %dot_general3A_32 {dimension_numbers = #tpu.dot_dimension_numbers<[1], [0], [0], [1], [0, 0, 1, 1], [], []>, transpose_lhs_hint = false} : vector<5000x128xf32>, vector<128x128xf32>, vector<5000x128xf32> -> vector<5000x128xf32>
    %add3A_34 = arith.addf %add3A_25, %dot_general3A_33 : vector<5000x128xf32>
    %max3A_35 = arith.constant 0.000000e+00 : f32
    %max3A_36 = vector.broadcast %max3A_35 : f32 to vector<5000x128xf32>
    %max3A_37 = arith.maximumf %add3A_34, %max3A_36 : vector<5000x128xf32>
    %swap3A = arith.constant 0 : index
    %swap3A_38 = arith.constant 0 : index
    %swap3A_39 = vector.load %arg10[%swap3A, %swap3A_38] : memref<5000x128xf32, #tpu.memory_space<vmem>>, vector<5000x128xf32>
    tpu.vector_store %arg10[%swap3A, %swap3A_38], %max3A_37 {strides = array<i32>} : memref<5000x128xf32, #tpu.memory_space<vmem>>, vector<5000x128xf32>,
    %get3A_40 = arith.constant 0 : index
    %get3A_41 = arith.constant 0 : index
    %get3A_42 = vector.load %arg7[%get3A_40, %get3A_41] : memref<128x64xf32, #tpu.memory_space<vmem>>, vector<128x64xf32>
    %dot_general3A_43 = arith.constant dense<0.000000e+00> : vector<5000x64xf32>
    %dot_general3A_44 = tpu.matmul %max3A_37, %get3A_42, %dot_general3A_43 {dimension_numbers = #tpu.dot_dimension_numbers<[1], [0], [0], [1], [0, 0, 1, 1], [], []>, transpose_lhs_hint = false} : vector<5000x128xf32>, vector<128x64xf32>, vector<5000x64xf32> -> vector<5000x64xf32>
    %convert_element_type3A_45 = arith.truncf %dot_general3A_44 : vector<5000x64xf32> to vector<5000x64xbf16>
    %swap3A_46 = arith.constant 0 : index
    %swap3A_47 = arith.constant 0 : index
    %swap3A_48 = vector.load %arg11[%swap3A_46, %swap3A_47] : memref<5000x64xbf16, #tpu.memory_space<vmem>>, vector<5000x64xbf16>
    tpu.vector_store %arg11[%swap3A_46, %swap3A_47], %convert_element_type3A_45 {strides = array<i32>} : memref<5000x64xbf16, #tpu.memory_space<vmem>>, vector<5000x64xbf16>,
    %get3A_49 = arith.constant 0 : index
    %get3A_50 = arith.constant 0 : index
    %get3A_51 = vector.load %arg8[%get3A_49, %get3A_50] : memref<128x64xf32, #tpu.memory_space<vmem>>, vector<128x64xf32>
    %dot_general3A_52 = arith.constant dense<0.000000e+00> : vector<5000x64xf32>
    %dot_general3A_53 = tpu.matmul %max3A_37, %get3A_51, %dot_general3A_52 {dimension_numbers = #tpu.dot_dimension_numbers<[1], [0], [0], [1], [0, 0, 1, 1], [], []>, transpose_lhs_hint = false} : vector<5000x128xf32>, vector<128x64xf32>, vector<5000x64xf32> -> vector<5000x64xf32>
    %get3A_54 = arith.constant 0 : index
    %get3A_55 = arith.constant 0 : index
    %get3A_56 = vector.load %arg9[%get3A_54, %get3A_55] : memref<1x64xf32, #tpu.memory_space<vmem>>, vector<1x64xf32>
    %add3A_57 = vector.broadcast %get3A_56 : vector<1x64xf32> to vector<5000x64xf32>
    %add3A_58 = arith.addf %dot_general3A_53, %add3A_57 : vector<5000x64xf32>
    %swap3A_59 = arith.constant 0 : index
    %swap3A_60 = arith.constant 0 : index
    %swap3A_61 = vector.load %arg12[%swap3A_59, %swap3A_60] : memref<5000x64xf32, #tpu.memory_space<vmem>>, vector<5000x64xf32>
    tpu.vector_store %arg12[%swap3A_59, %swap3A_60], %add3A_58 {strides = array<i32>} : memref<5000x64xf32, #tpu.memory_space<vmem>>, vector<5000x64xf32>,
    return
  }
  func.func @transform_0(%arg0: i32) -> (i32, i32, i32) {
    %c0_i32 = arith.constant 0 : i32
    %c0_i32_0 = arith.constant 0 : i32
    %c0_i32_1 = arith.constant 0 : i32
    return %c0_i32, %arg0, %c0_i32_0 : i32, i32, i32
  }
  func.func @transform_1(%arg0: i32) -> (i32, i32) {
    %c0_i32 = arith.constant 0 : i32
    %c0_i32_0 = arith.constant 0 : i32
    return %arg0, %c0_i32 : i32, i32
  }
  func.func @transform_2(%arg0: i32) -> (i32, i32) {
    %c0_i32 = arith.constant 0 : i32
    %c0_i32_0 = arith.constant 0 : i32
    return %arg0, %c0_i32 : i32, i32
  }
  func.func @transform_3(%arg0: i32) -> (i32, i32) {
    %c0_i32 = arith.constant 0 : i32
    %c0_i32_0 = arith.constant 0 : i32
    %c0_i32_1 = arith.constant 0 : i32
    return %c0_i32, %c0_i32_0 : i32, i32
  }
  func.func @transform_4(%arg0: i32) -> (i32, i32) {
    %c0_i32 = arith.constant 0 : i32
    %c0_i32_0 = arith.constant 0 : i32
    %c0_i32_1 = arith.constant 0 : i32
    return %c0_i32, %c0_i32_0 : i32, i32
  }
  func.func @transform_5(%arg0: i32) -> (i32, i32) {
    %c0_i32 = arith.constant 0 : i32
    %c0_i32_0 = arith.constant 0 : i32
    %c0_i32_1 = arith.constant 0 : i32
    return %c0_i32, %c0_i32_0 : i32, i32
  }
  func.func @transform_6(%arg0: i32) -> (i32, i32) {
    %c0_i32 = arith.constant 0 : i32
    %c0_i32_0 = arith.constant 0 : i32
    %c0_i32_1 = arith.constant 0 : i32
    return %c0_i32, %c0_i32_0 : i32, i32
  }
  func.func @transform_7(%arg0: i32) -> (i32, i32) {
    %c0_i32 = arith.constant 0 : i32
    %c0_i32_0 = arith.constant 0 : i32
    %c0_i32_1 = arith.constant 0 : i32
    return %c0_i32, %c0_i32_0 : i32, i32
  }
  func.func @transform_8(%arg0: i32) -> (i32, i32) {
    %c0_i32 = arith.constant 0 : i32
    %c0_i32_0 = arith.constant 0 : i32
    %c0_i32_1 = arith.constant 0 : i32
    return %c0_i32, %c0_i32_0 : i32, i32
  }
  func.func @transform_9(%arg0: i32) -> (i32, i32) {
    %c0_i32 = arith.constant 0 : i32
    %c0_i32_0 = arith.constant 0 : i32
    return %arg0, %c0_i32 : i32, i32
  }
  func.func @transform_10(%arg0: i32) -> (i32, i32) {
    %c0_i32 = arith.constant 0 : i32
    %c0_i32_0 = arith.constant 0 : i32
    return %arg0, %c0_i32 : i32, i32
  }
  func.func @transform_11(%arg0: i32) -> (i32, i32) {
    %c0_i32 = arith.constant 0 : i32
    %c0_i32_0 = arith.constant 0 : i32
    return %arg0, %c0_i32 : i32, i32
  }
}

module attributes {stable_mosaic.version = 14 : i64} {
  func.func @_t2_body(%arg0: i32, %arg1: memref<2x5000x64xbf16, #tpu.memory_space<vmem>>, %arg2: memref<5000x32xf32, #tpu.memory_space<vmem>>, %arg3: memref<5000x64xf32, #tpu.memory_space<vmem>>, %arg4: memref<5000x64xf32, #tpu.memory_space<vmem>>) attributes {dimension_semantics = [#tpu.dimension_semantics<arbitrary>], iteration_bounds = array<i64: 2>, scalar_prefetch = 0 : i64, scratch_operands = 0 : i64, tpu.core_type = #tpu.core_type<tc>, window_params = [{transform_indices = @transform_0, window_bounds = array<i64: 2, 5000, 64>}, {transform_indices = @transform_1, window_bounds = array<i64: 5000, 32>}, {transform_indices = @transform_2, window_bounds = array<i64: 5000, 64>}, {transform_indices = @transform_3, window_bounds = array<i64: 5000, 64>}]} {
    %get3A = arith.constant 0 : index
    %get3A_0 = arith.constant 0 : index
    %get3A_1 = arith.constant 0 : index
    %get3A_2 = vector.load %arg1[%get3A, %get3A_0, %get3A_1] : memref<2x5000x64xbf16, #tpu.memory_space<vmem>>, vector<1x5000x64xbf16>
    %get3A_3 = vector.shape_cast %get3A_2 : vector<1x5000x64xbf16> to vector<5000x64xbf16>
    %convert_element_type3A = arith.extf %get3A_3 : vector<5000x64xbf16> to vector<5000x64xf32>
    %get3A_4 = arith.constant 1 : index
    %get3A_5 = arith.constant 0 : index
    %get3A_6 = arith.constant 0 : index
    %get3A_7 = vector.load %arg1[%get3A_4, %get3A_5, %get3A_6] : memref<2x5000x64xbf16, #tpu.memory_space<vmem>>, vector<1x5000x64xbf16>
    %get3A_8 = vector.shape_cast %get3A_7 : vector<1x5000x64xbf16> to vector<5000x64xbf16>
    %convert_element_type3A_9 = arith.extf %get3A_8 : vector<5000x64xbf16> to vector<5000x64xf32>
    %add3A = arith.addf %convert_element_type3A, %convert_element_type3A_9 : vector<5000x64xf32>
    %get3A_10 = arith.constant 0 : index
    %get3A_11 = arith.constant 0 : index
    %get3A_12 = vector.load %arg2[%get3A_10, %get3A_11] : memref<5000x32xf32, #tpu.memory_space<vmem>>, vector<5000x32xf32>
    %reduce_sum3A = arith.constant dense<0.000000e+00> : vector<5000xf32>
    %reduce_sum3A_13 = vector.multi_reduction <add>, %get3A_12, %reduce_sum3A [1] : vector<5000x32xf32> to vector<5000xf32>
    %broadcast_in_dim3A = vector.shape_cast %reduce_sum3A_13 : vector<5000xf32> to vector<5000x1xf32>
    %max3A = arith.constant 1.000000e+00 : f32
    %max3A_14 = vector.broadcast %max3A : f32 to vector<5000x1xf32>
    %max3A_15 = arith.maximumf %broadcast_in_dim3A, %max3A_14 : vector<5000x1xf32>
    %div3A = vector.broadcast %max3A_15 : vector<5000x1xf32> to vector<5000x64xf32>
    %div3A_16 = arith.divf %add3A, %div3A : vector<5000x64xf32>
    %get3A_17 = arith.constant 0 : index
    %get3A_18 = arith.constant 0 : index
    %get3A_19 = vector.load %arg3[%get3A_17, %get3A_18] : memref<5000x64xf32, #tpu.memory_space<vmem>>, vector<5000x64xf32>
    %add3A_20 = arith.addf %div3A_16, %get3A_19 : vector<5000x64xf32>
    %swap3A = arith.constant 0 : index
    %swap3A_21 = arith.constant 0 : index
    %swap3A_22 = vector.load %arg4[%swap3A, %swap3A_21] : memref<5000x64xf32, #tpu.memory_space<vmem>>, vector<5000x64xf32>
    tpu.vector_store %arg4[%swap3A, %swap3A_21], %add3A_20 {strides = array<i32>} : memref<5000x64xf32, #tpu.memory_space<vmem>>, vector<5000x64xf32>,
    return
  }
  func.func @transform_0(%arg0: i32) -> (i32, i32, i32) {
    %c0_i32 = arith.constant 0 : i32
    %c0_i32_0 = arith.constant 0 : i32
    %c0_i32_1 = arith.constant 0 : i32
    return %c0_i32, %arg0, %c0_i32_0 : i32, i32, i32
  }
  func.func @transform_1(%arg0: i32) -> (i32, i32) {
    %c0_i32 = arith.constant 0 : i32
    %c0_i32_0 = arith.constant 0 : i32
    return %arg0, %c0_i32 : i32, i32
  }
  func.func @transform_2(%arg0: i32) -> (i32, i32) {
    %c0_i32 = arith.constant 0 : i32
    %c0_i32_0 = arith.constant 0 : i32
    return %arg0, %c0_i32 : i32, i32
  }
  func.func @transform_3(%arg0: i32) -> (i32, i32) {
    %c0_i32 = arith.constant 0 : i32
    %c0_i32_0 = arith.constant 0 : i32
    return %arg0, %c0_i32 : i32, i32
  }
}

</mosaic_0001>

<sc_bundles>
// kernel: kernel.6.cloned.1.call-start
scs
__scs_entry_jumppad:
0x0: {  	(pc) =	sbr.rel $0x88, $3  }
0x1: {  	(tag) =	ssettag $0x0;
	lr =	simm.s32 $0x1  }
0x2: {  	[smem:$0x3F98] =	sst lr;
	_ =	strace $0xD0000000  }
0x3: {  	_ = 	snop  }
0x4: {  	_ = 	snop  }
0x5: {  	_ = 	snop  }
0x6: {  	_ = 	snop  }
0x7: {  	_ = 	snop  }
__scs_overlays_trampoline_lowered:
0x8: {  	[smem:$0x3FA7] =	sst s0  }
0x9: {  	[smem:$0x3FA8] =	sst s1  }
0xa: {  	[smem:$0x3FA9] =	sst s2  }
0xb: {  	[smem:$0x3FAA] =	sst s3  }
0xc: {  	[smem:$0x3FAB] =	sst s4  }
0xd: {  	[smem:$0x3FAC] =	sst s5  }
0xe: {  	[smem:$0x3FAD] =	sst s6  }
0xf: {  	[smem:$0x3FAE] =	sst s7  }
0x10: {  	[smem:$0x3FAF] =	sst s8  }
0x11: {  	[smem:$0x3FB0] =	sst s9;
	s0 =	simm.s32 @!p0 $0x0  }
0x12: {  	s1 =	sld [smem:$0x3F96];
	s0 =	simm.s32 @p0 $0x1  }
0x13: {  	[smem:$0x3FB1] =	sst s0;
	s0 =	simm.s32 @!p1 $0x0  }
0x14: {  	s2 =	sld [smem:$0x3F95];
	s0 =	simm.s32 @p1 $0x1  }
0x15: {  	[smem:$0x3FB2] =	sst s0;
	s0 =	simm.s32 @!p2 $0x0  }
0x16: {  	s3 =	sld [smem:$0x3FDB];
	s0 =	simm.s32 @p2 $0x1  }
0x17: {  	s4 =	simm.s32 $0x1BF5;
	[smem:$0x3FB4] =	sst s0  }
0x18: {  	s0 =	sld [smem:$0x3F97];
	_ =	swait.ge [sflag:s4], $0x0  }
0x19: {  	s7 =	sld [smem:$0x3F98]  }
0x1a: {  	s8 =	sadd.s32 $0xFFFFE003, lr  }
0x1b: {  	s9 =	sadd.s32 $0xFFFFFEF7, lr;
	s5 =	simm.s32 $0xFFFFFFFF;
	p2 =	slt.u32 s8, $0xFFFFF086  }
0x1c: {  	p1 =	slt.u32 s9, $0xF7A;
	s5 =	simm.s32 @!p2 $0x0  }
0x1d: {  	s5 =	simm.s32 @p1 $0x1;
	p0 =	seq.s32 s7, s2  }
0x1e: {  	s7 =	smul.u32 @!p0 $0xF7A, s2;
	p2 =	seq.s32 @!p0 s5, $0x0  }
0x1f: {  	s9 =	smul.u32 $0xF7A, s1;
	s8 =	simm.s32 @!p0 $0x1BF5;
	p2 =	por !p2, p0  }
0x20: {  	[sflag:s8] =	ssyncset.s32 @!p0 $0xFFFFF086;
	s6 =	sadd.s32 @!p0 s3, s7;
	s7 =	simm.s32 @!p0 $0x108  }
0x21: {  	s3 =	sadd.s32 s3, s9;
	s6 =	sadd.s32 @!p0 $0x88, s6;
	s7 =	simm.s32 @p2 $0x1082  }
0x22: {  	[simem:s7], [sflag:s8] =	dma.local @!p0 [hbm:s6], $0xF7A  }
0x23: {  	s9 =	sor.u32 $0xD0000000, s2;
	s6 =	simm.s32 $0x108;
	_ =	swait.ge @!p0 [sflag:s8], $0x0  }
0x24: {  	s3 =	sadd.s32 $0x88, s3;
	s6 =	simm.s32 @!p1 $0x1082;
	[sflag:s4] =	ssyncset.s32 $0xFFFFF086  }
0x25: {  	[simem:s6], [sflag:s4] =	dma.local [hbm:s3], $0xF7A  }
0x26: {  	[smem:$0x3F98] =	sst s1;
	(tag) =	ssettag s2;
	_ =	strace s9  }
0x27: {  	s1 =	sld [smem:$0x3FA8]  }
0x28: {  	s2 =	sld [smem:$0x3FA9]  }
0x29: {  	s4 =	sld [smem:$0x3FAB]  }
0x2a: {  	p0 =	seq.s32 s5, $0x0;
	s5 =	sld [smem:$0x3FAC]  }
0x2b: {  	s6 =	sld [smem:$0x3FAD]  }
0x2c: {  	s7 =	sld [smem:$0x3FAE]  }
0x2d: {  	s3 =	simm.s32 $0x108;
	s8 =	sld [smem:$0x3FAF]  }
0x2e: {  	s3 =	simm.s32 @!p0 $0x1082;
	s9 =	sld [smem:$0x3FB0]  }
0x2f: {  	lr =	sadd.s32 s0, s3;
	s0 =	sld [smem:$0x3FA7]  }
0x30: {  	s3 =	sld [smem:$0x3FAA]  }
0x31: {  	[smem:$0x3FB3] =	sst s10  }
0x32: {  	s10 =	sld [smem:$0x3FB1];
	_ =	sdelay $0x3  }
0x33: {  	p0 =	seq.s32 s10, $0x1;
	s10 =	sld [smem:$0x3FB3];
	_ =	sdelay $0x3  }
0x34: {  	[smem:$0x3FB3] =	sst s10  }
0x35: {  	s10 =	sld [smem:$0x3FB2];
	_ =	sdelay $0x3  }
0x36: {  	p1 =	seq.s32 s10, $0x1;
	s10 =	sld [smem:$0x3FB3];
	_ =	sdelay $0x3  }
0x37: {  	[smem:$0x3FB3] =	sst s10  }
0x38: {  	s10 =	sld [smem:$0x3FB4]  }
0x39: {  	_ = 	snop;
	(pc) =	sbr.ind lr, $3  }
0x3a: {  	_ = 	snop  }
0x3b: {  	_ = 	snop  }
0x3c: {  	p2 =	seq.s32 s10, $0x1;
	s10 =	sld [smem:$0x3FB3]  }
0x3d: {  	_ =	shalt  }
0x3e: {  	_ =	shalt  }
0x3f: {  	_ =	shalt  }
0x40: {  	_ =	shalt  }
0x41: {  	_ =	shalt  }
0x42: {  	_ =	shalt  }
0x43: {  	_ =	shalt  }
0x44: {  	_ =	shalt  }
0x45: {  	_ =	shalt  }
0x46: {  	_ =	shalt  }
0x47: {  	_ =	shalt  }
0x48: {  	_ =	shalt  }
0x49: {  	_ =	shalt  }
0x4a: {  	_ =	shalt  }
0x4b: {  	_ =	shalt  }
0x4c: {  	_ =	shalt  }
0x4d: {  	_ =	shalt  }
0x4e: {  	_ =	shalt  }
0x4f: {  	_ =	shalt  }
0x50: {  	_ =	shalt  }
0x51: {  	_ =	shalt  }
0x52: {  	_ =	shalt  }
0x53: {  	_ =	shalt  }
0x54: {  	_ =	shalt  }
0x55: {  	_ =	shalt  }
0x56: {  	_ =	shalt  }
0x57: {  	_ =	shalt  }
0x58: {  	_ =	shalt  }
0x59: {  	_ =	shalt  }
0x5a: {  	_ =	shalt  }
0x5b: {  	_ =	shalt  }
0x5c: {  	_ =	shalt  }
0x5d: {  	_ =	shalt  }
0x5e: {  	_ =	shalt  }
0x5f: {  	_ =	shalt  }
0x60: {  	_ =	shalt  }
0x61: {  	_ =	shalt  }
0x62: {  	_ =	shalt  }
0x63: {  	_ =	shalt  }
0x64: {  	_ =	shalt  }
0x65: {  	_ =	shalt  }
0x66: {  	_ =	shalt  }
0x67: {  	_ =	shalt  }
0x68: {  	_ =	shalt  }
0x69: {  	_ =	shalt  }
0x6a: {  	_ =	shalt  }
0x6b: {  	_ =	shalt  }
0x6c: {  	_ =	shalt  }
0x6d: {  	_ =	shalt  }
0x6e: {  	_ =	shalt  }
0x6f: {  	_ =	shalt  }
0x70: {  	_ =	shalt  }
0x71: {  	_ =	shalt  }
0x72: {  	_ =	shalt  }
0x73: {  	_ =	shalt  }
0x74: {  	_ =	shalt  }
0x75: {  	_ =	shalt  }
0x76: {  	_ =	shalt  }
0x77: {  	_ =	shalt  }
0x78: {  	_ =	shalt  }
0x79: {  	_ =	shalt  }
0x7a: {  	_ =	shalt  }
0x7b: {  	_ =	shalt  }
0x7c: {  	_ =	shalt  }
0x7d: {  	_ =	shalt  }
0x7e: {  	_ =	shalt  }
0x7f: {  	_ =	shalt  }
0x80: {  	_ =	shalt  }
0x81: {  	_ =	shalt  }
0x82: {  	_ =	shalt  }
0x83: {  	_ =	shalt  }
0x84: {  	_ =	shalt  }
0x85: {  	_ =	shalt  }
0x86: {  	_ =	shalt  }
0x87: {  	_ =	shalt  }
.Lfunc_end0:
.L_simem_size_0:
called_computation_lowered:
.L_overlay_start_0:
0x88: {  	s2 =	sld [smem:$0x3FD9]  }
0x89: {  	s3 =	sld [smem:$0x3FFE];
	_ =	sdelay $0x1  }
0x8a: {  	s1 =	srdreg.scid  }
0x8b: {  	s0 =	sand.u32 $0x1, s1  }
0x8c: {  	s17 =	sshll.u32 s0, $0xA;
	s2 =	sadd.s32 s3, s2  }
0x8d: {  	s2 =	sadd.s32 s2, s17  }
0x8e: {  	[smem:$0x3FBF] =	sst s2  }
0x8f: {  	_ = 	snop  }
0x90: {  	s2 =	sld [smem:$0x3FD0];
	(tm) =	ssettm $0x1  }
0x91: {  	s18 =	sld [smem:$0x3FFB];
	_ =	sdelay $0x3  }
0x92: {  	_ =	strace s18  }
0x93: {  	s3 =	sld [smem:$0x3FFC];
	_ =	sdelay $0x3  }
0x94: {  	_ =	strace s3  }
0x95: {  	s3 =	sld [smem:$0x3FFD];
	_ =	sdelay $0x3  }
0x96: {  	_ =	strace s3  }
0x97: {  	_ =	strace $0x8FFFFFFF  }
0x98: {  	s19 =	sld [smem:$0x3FDB];
	_ =	sdelay $0x1  }
0x99: {  	s4 =	simm.s32 $_scs_section_size  }
0x9a: {  	s5 =	simm.s32 $_size__tile_overlayer_lowered;
	s6 =	simm.s32 $_tile_overlayer_lowered  }
0x9b: {  	s22 =	simm.s32 $0x1BFF;
	s21 =	sshll.u32 s6, $0x1;
	s3 =	sadd.s32 s4, s19  }
0x9c: {  	s7 =	simm.s32 $0x0;
	s20 =	sshll.u32 s5, $0x1;
	s5 =	sadd.s32 s21, s3  }
0x9d: {  	[timem:s7], [sflag:s22] =	dma.local [hbm:s5], s20  }
0x9e: {  	_ =	swait.ge [sflag:s22], s20  }
0x9f: {  	s4 =	ssub.s32 $0x0, s20;
	[sflag:s22] =	ssyncset.done $0x0  }
0xa0: {  	[sflag:s22] =	ssyncadd.s32 s4;
	_ =	sdelay $0x1  }
0xa1: {  	s23 =	simm.s32 $0x1B8B  }
0xa2: {  	_ =	swait.ge [sflag:s23], $0x1  }
0xa3: {  	[sflag:s23] =	ssyncset.done $0x0  }
0xa4: {  	s25 =	simm.s32 $0x1B8E;
	s24 =	sld [smem:$0x3FFE];
	[sflag:s23] =	ssyncadd.s32 $0xFFFFFFFF  }
0xa5: {  	s26 =	simm.s32 $execute0_lowered;
	[smem:$0x3FD2] =	sst s25  }
0xa6: {  	s5 =	sshll.u32 s26, $0x1;
	_ =	strace $0x80000046;
	[dreg:$0x1] =	wrdreg $0xFFFFFFFF  }
0xa7: {  	s28 =	simm.s32 $_size_execute0_lowered;
	s3 =	sadd.s32 s3, s5;
	[dreg:$0x0] =	wrdreg $0x0  }
0xa8: {  	s5 =	sshll.u32 s28, $0x1;
	[dreg:$0x2] =	wrdreg s3  }
0xa9: {  	[dreg:$0x3] =	wrdreg s5  }
0xaa: {  	[dreg:$0x4] =	wrdreg $0xC0  }
0xab: {  	_ =	task [dreg:s7], $0x5FFFF  }
0xac: {  	[dreg:$0x1] =	wrdreg $0xFFFFFFFF  }
0xad: {  	[dreg:$0x0] =	wrdreg $0x60  }
0xae: {  	[dreg:$0x2] =	wrdreg s2  }
0xaf: {  	[dreg:$0x3] =	wrdreg s24  }
0xb0: {  	[dreg:$0x4] =	wrdreg $0x128F00  }
0xb1: {  	[dreg:$0x5] =	wrdreg $0x9  }
0xb2: {  	_ =	task.clear_ibuf [dreg:s7], $0x6FFFF;
	_ =	strace $0x90000046  }
0xb3: {  	s29 =	simm.s32 $0x9;
	_ =	strace $0x80000048  }
0xb4: {  	_ =	swait.ge [sflag:s29], $0x1  }
0xb5: {  	[sflag:s29] =	ssyncadd.s32 $0xFFFFFFFF  }
0xb6: {  	_ =	strace $0x90000048  }
0xb7: {  	_ =	sfence  }
0xb8: {  	s30 =	sld [smem:$0x0];
	_ =	sdelay $0x2  }
0xb9: {  	s31 =	sshll.u32 s1, $0xD;
	s1 =	sshrl.u32 s1, $0x2  }
0xba: {  	s3 =	sand.u32 $0x4000, s31;
	s1 =	sadd.s32 s1, s30  }
0xbb: {  	s0 =	sor.u32 s3, s0;
	s1 =	sshll.u32 s1, $0x11  }
0xbc: {  	s0 =	sor.u32 s1, s0  }
0xbd: {  	s0 =	sadd.s32 $0x8F2B, s0  }
0xbe: {  	[sflag:s0] =	ssyncadd.remote.s32 $0x1  }
0xbf: {  	_ =	sfence.sel $0xFFFF  }
0xc0: {  	[dreg:$0x0] =	wrdreg $0xFFFFFFFF;
	(pc) =	sbr.abs _section_cstart, $3  }
0xc1: {  	[dreg:$0x1] =	wrdreg $0xFFFFFFFF  }
0xc2: {  	_ =	task.clear_ibuf [dreg:s7], $0x2FFFF;
	_ =	strace $0x9FFFFFFF  }
0xc3: {  	(tm) =	ssettm $0x7FFFFFFF  }
tec
execute0_lowered:
.L_overlay_start_1:
0x0: {  	(tag) =	ssettag $0x1  }
0x1: {  	s2 =	rddreg [dreg:$0x0]  }
0x2: {  	s0 =	srdreg.scid;
	s5 =	rddreg [dreg:$0x1]  }
0x3: {  	s10 =	stileid.u32;
	s3 =	rddreg [dreg:$0x2]  }
0x4: {  	s4 =	simm.s32 $0x0;
	s28 =	simm.s32 $0x8A20;
	s6 =	smul.u32 $0x13C00, s10  }
0x5: {  	s30 =	simm.s32 $0x9E20;
	s29 =	simm.s32 $0x101E0;
	s9 =	smul.u32 $0x2710, s10  }
0x6: {  	s31 =	simm.s32 $0xDA20;
	s0 =	sand.u32 $0x1, s0;
	s13 =	smul.u32 $0x27800, s10  }
0x7: {  	s11 =	simm.s32 $0x0;
	[smem:$0x7FF] =	sst s4;
	s7 =	smul.u32 $0x13C000, s0  }
0x8: {  	s1 =	sshll.u32 s0, $0x4;
	s8 =	smul.u32 $0x27100, s0;
	s0 =	ssub.s32 $0x2, s0  }
0x9: {  	_ =	strace $0x80000047;
	s1 =	sor.u32 s10, s1;
	s15 =	sshrl.u32 s0, $0x1  }
0xa: {  	s17 =	sshrl.u32 s13, $0x2;
	s18 =	sshrl.u32 s6, $0x1;
	s10 =	simm.s32 $0x8  }
0xb: {  	s1 =	smul.u32 $0x2710, s1;
	s7 =	sadd.s32 s6, s7;
	s8 =	sadd.s32 s9, s8  }
0xc: {  	s0 =	ssub.s32 s0, s15;
	s19 =	sadd.s32 s17, s3;
	s6 =	simm.s32 $0x5  }
0xd: {  	s9 =	simm.s32 $0x7;
	s7 =	sshrl.u32 s7, $0x4;
	s20 =	sadd.s32 $0x13C0, s19  }
0xe: {  	s8 =	sshrl.u32 s8, $0x3;
	s21 =	sadd.s32 $0x2780, s19;
	[dreg:$0x6] =	wrdreg s20  }
0xf: {  	s22 =	sadd.s32 $0x3B40, s19;
	s23 =	sadd.s32 $0x4F00, s19;
	[dreg:$0x7] =	wrdreg s21  }
0x10: {  	s24 =	sadd.s32 $0x62C0, s19;
	s25 =	sadd.s32 $0x7680, s19;
	[dreg:$0x8] =	wrdreg s22  }
0x11: {  	s26 =	sadd.s32 $0x8A40, s19;
	s17 =	smax.u32 s0, $0x1;
	[dreg:$0x9] =	wrdreg s23  }
0x12: {  	s19 =	simm.s32 $0x2;
	s0 =	simm.s32 $0x3;
	[dreg:$0xa] =	wrdreg s24  }
0x13: {  	s1 =	sshrl.u32 s1, $0x3;
	s14 =	sadd.s32 s7, s5;
	[dreg:$0xb] =	wrdreg s25  }
0x14: {  	s7 =	sadd.s32 s18, s3;
	[dreg:$0xc] =	wrdreg s26;
	s18 =	simm.s32 $0x9  }
0x15: {  	s20 =	simm.s32 $0xEE20;
	s21 =	simm.s32 $0x50;
	s22 =	simm.s32 $0x4E20  }
0x16: {  	s23 =	simm.s32 $0x6220;
	s25 =	simm.s32 $0x7620;
	s1 =	sadd.s32 s1, s5  }
0x17: {  	s24 =	simm.s32 $0xC620;
	s26 =	simm.s32 $0x1;
	s16 =	sadd.s32 $0x2600, s1  }
0x18: {  	s5 =	sadd.s32 s8, s5;
	s1 =	sadd.s32 $0xC240, s1;
	[dreg:$0x4] =	wrdreg s16  }
0x19: {  	s15 =	sadd.s32 $0x16000, s14;
	s8 =	simm.s32 $0x6;
	[dreg:$0x5] =	wrdreg s1  }
0x1a: {  	v0 =	vimm.bf16 $0.0e+00;
	v1 =	vimm.f32 $0.0e+00;
	v2 =	vimm.f32 $1.000000000e+00;
	s16 =	sadd.s32 $0x3D800, s5;
	s1 =	simm.s32 $0xB220;
	s5 =	simm.s32 $0x4  }
.LBB2_1:
0x1b: {  	s12 =	rddreg [dreg:$0x4]  }
0x1c: {  	[tilespmem:s4], [sflag:$0x9] =	stream.linear.gather [hbm4b:s12+s4], $0x2710, $0x38;
	[tilespmem:$0x1C6F0] =	vst v63  }
0x1d: {  	_ =	swait.ge [sflag:s18], $0x2710  }
0x1e: {  	[sflag:s18] =	ssyncset.done $0x0  }
0x1f: {  	s13 =	simm.s32 $0x2710;
	s14 =	rddreg [dreg:$0x5];
	[sflag:s18] =	ssyncadd.s32 $0xFFFFD8F0  }
0x20: {  	[tilespmem:s13], [sflag:$0x9] =	stream.linear.gather [hbm4b:s14+s4], $0x2710, $0x38;
	[tilespmem:$0x1C6F0] =	vst v63  }
0x21: {  	_ =	swait.ge [sflag:s18], $0x2710  }
0x22: {  	[sflag:s18] =	ssyncset.done $0x0  }
0x23: {  	s12 =	simm.s32 $0x0;
	[sflag:s18] =	ssyncadd.s32 $0xFFFFD8F0  }
.LBB2_2:
0x24: {  	p0 =	sne.s32 s12, $0x4E00  }
.Ltmp0:
0x25: {  	s13 =	sshra.s32 s12, $0x2;
	(pc) =	sbr.rel @p0 .LBB2_2-.Ltmp0, $4  }
0x26: {  	[tilespmem:s13+$0xEE20] =	vst v0  }
0x27: {  	[tilespmem:s13+$0xEE30] =	vst v0  }
0x28: {  	[tilespmem:s13+$0xEE40] =	vst v0  }
0x29: {  	s12 =	sadd.s32 $0x100, s12;
	[tilespmem:s13+$0xEE50] =	vst v0  }
0x2a: {  	s12 =	simm.s32 $0x40;
	s13 =	simm.s32 $0x0  }
.LBB2_4:
0x2b: {  	p0 =	sne.s32 s12, $0x9C00;
	[tilespmem:s13+$0x101E0] =	vst v1;
	s13 =	smov.u32 s12;
	s12 =	sadd.s32 $0x40, s12  }
.Ltmp1:
0x2c: {  	(pc) =	sbr.rel @p0 .LBB2_4-.Ltmp1, $2  }
0x2d: {  	_ =	sdelay $0x2  }
0x2e: {  	s13 =	sshra.s32 s13, $0x2  }
0x2f: {  	[tilespmem:s13+$0x101E0] =	vst v1  }
0x30: {  	[spmem:s7] =	stream.linear.scatter [tilespmem:s20], [sflag:$0x9], $0x13C0, $0x38;
	[tilespmem:$0x1C6F0] =	vst v63  }
0x31: {  	_ =	swait.ge [sflag:s18], $0x13C0  }
0x32: {  	[sflag:s18] =	ssyncset.done $0x0  }
0x33: {  	s12 =	rddreg [dreg:$0x6];
	[sflag:s18] =	ssyncadd.s32 $0xFFFFEC40  }
0x34: {  	[spmem:s12] =	stream.linear.scatter [tilespmem:s20], [sflag:$0x9], $0x13C0, $0x38;
	[tilespmem:$0x1C6F0] =	vst v63  }
0x35: {  	_ =	swait.ge [sflag:s18], $0x13C0  }
0x36: {  	[sflag:s18] =	ssyncset.done $0x0  }
0x37: {  	s14 =	rddreg [dreg:$0x7];
	[sflag:s18] =	ssyncadd.s32 $0xFFFFEC40  }
0x38: {  	[spmem:s14] =	stream.linear.scatter [tilespmem:s20], [sflag:$0x9], $0x13C0, $0x38;
	[tilespmem:$0x1C6F0] =	vst v63  }
0x39: {  	_ =	swait.ge [sflag:s18], $0x13C0  }
0x3a: {  	[sflag:s18] =	ssyncset.done $0x0  }
0x3b: {  	s13 =	rddreg [dreg:$0x8];
	[sflag:s18] =	ssyncadd.s32 $0xFFFFEC40  }
0x3c: {  	[spmem:s13] =	stream.linear.scatter [tilespmem:s20], [sflag:$0x9], $0x13C0, $0x38;
	[tilespmem:$0x1C6F0] =	vst v63  }
0x3d: {  	_ =	swait.ge [sflag:s18], $0x13C0  }
0x3e: {  	[sflag:s18] =	ssyncset.done $0x0  }
0x3f: {  	s14 =	rddreg [dreg:$0x9];
	[sflag:s18] =	ssyncadd.s32 $0xFFFFEC40  }
0x40: {  	[spmem:s14] =	stream.linear.scatter [tilespmem:s20], [sflag:$0x9], $0x13C0, $0x38;
	[tilespmem:$0x1C6F0] =	vst v63  }
0x41: {  	_ =	swait.ge [sflag:s18], $0x13C0  }
0x42: {  	[sflag:s18] =	ssyncset.done $0x0  }
0x43: {  	s13 =	rddreg [dreg:$0xa];
	[sflag:s18] =	ssyncadd.s32 $0xFFFFEC40  }
0x44: {  	[spmem:s13] =	stream.linear.scatter [tilespmem:s20], [sflag:$0x9], $0x13C0, $0x38;
	[tilespmem:$0x1C6F0] =	vst v63  }
0x45: {  	_ =	swait.ge [sflag:s18], $0x13C0  }
0x46: {  	[sflag:s18] =	ssyncset.done $0x0  }
0x47: {  	s14 =	rddreg [dreg:$0xb];
	[sflag:s18] =	ssyncadd.s32 $0xFFFFEC40  }
0x48: {  	[spmem:s14] =	stream.linear.scatter [tilespmem:s20], [sflag:$0x9], $0x13C0, $0x38;
	[tilespmem:$0x1C6F0] =	vst v63  }
0x49: {  	_ =	swait.ge [sflag:s18], $0x13C0  }
0x4a: {  	[sflag:s18] =	ssyncset.done $0x0  }
0x4b: {  	s13 =	rddreg [dreg:$0xc];
	[sflag:s18] =	ssyncadd.s32 $0xFFFFEC40  }
0x4c: {  	[spmem:s13] =	stream.linear.scatter [tilespmem:s20], [sflag:$0x9], $0x13C0, $0x38;
	[tilespmem:$0x1C6F0] =	vst v63  }
0x4d: {  	_ =	swait.ge [sflag:s18], $0x13C0  }
0x4e: {  	[sflag:s18] =	ssyncset.done $0x0  }
0x4f: {  	[sflag:s18] =	ssyncadd.s32 $0xFFFFEC40  }
0x50: {  	s12 =	simm.s32 $0x0;
	[bflag:$0x0] =	sbarrier.arrive $0xFFFF  }
0x51: {  	[tilespmem:s22], [sflag:$0x1] =	stream.indirect.gather [hbm4b:s2+s21], $0x40, s12, s21, $0xb8;
	[tilespmem:$0x1C6F0] =	vst v63  }
0x52: {  	_ = 	snop  }
0x53: {  	[tilespmem:s23], [sflag:$0x2] =	stream.indirect.gather [hbm4b:s2+s21], $0x40, s21, s21, $0xb8;
	[tilespmem:$0x1C6F0] =	vst v63  }
0x54: {  	s14 =	simm.s32 $0xA0  }
0x55: {  	[tilespmem:s25], [sflag:$0x3] =	stream.indirect.gather [hbm4b:s2+s21], $0x40, s14, s21, $0xb8;
	[tilespmem:$0x1C6F0] =	vst v63  }
0x56: {  	s14 =	simm.s32 $0xF0  }
0x57: {  	[tilespmem:s28], [sflag:$0x4] =	stream.indirect.gather [hbm4b:s2+s21], $0x40, s14, s21, $0xb8;
	[tilespmem:$0x1C6F0] =	vst v63  }
0x58: {  	s14 =	simm.s32 $0x140  }
0x59: {  	[tilespmem:s30], [sflag:$0x5] =	stream.indirect.gather [hbm4b:s2+s21], $0x40, s14, s21, $0xb8;
	[tilespmem:$0x1C6F0] =	vst v63  }
0x5a: {  	s14 =	simm.s32 $0x190  }
0x5b: {  	[tilespmem:s1], [sflag:$0x6] =	stream.indirect.gather [hbm4b:s2+s21], $0x40, s14, s21, $0xb8;
	[tilespmem:$0x1C6F0] =	vst v63  }
0x5c: {  	s14 =	simm.s32 $0x1E0  }
0x5d: {  	[tilespmem:s24], [sflag:$0x7] =	stream.indirect.gather [hbm4b:s2+s21], $0x40, s14, s21, $0xb8;
	[tilespmem:$0x1C6F0] =	vst v63  }
.LBB2_6:
0x5e: {  	_ =	swait.ge [sflag:s26], $0x1400  }
0x5f: {  	s13 =	sshra.s32 s12, $0x2;
	[sflag:s26] =	ssyncset.done $0x0  }
0x60: {  	s14 =	sadd.s32 $0x2710, s13;
	[sflag:s26] =	ssyncadd.s32 $0xFFFFEC00  }
0x61: {  	[spmem:s3] =	stream.indirect.scatter.add.bf16 [tilespmem:s22], [sflag:$0x9], $0x40, s14, s21, $0xb8;
	[tilespmem:$0x1C6F0] =	vst v63  }
0x62: {  	_ =	swait.ge [sflag:s18], $0x1400  }
0x63: {  	[sflag:s18] =	ssyncset.done $0x0  }
0x64: {  	[sflag:s18] =	ssyncadd.s32 $0xFFFFEC00  }
0x65: {  	v3 =	vld [tilespmem:s13+$0x2710];
	_ =	sdelay $0x7  }
0x66: {  	[tilespmem:v3+s29+$0x0] =	vst.idx.add.f32.msk $0xffff, v2  }
0x67: {  	v3 =	vld [tilespmem:s13+$0x2720];
	_ =	sdelay $0x7  }
0x68: {  	[tilespmem:v3+s29+$0x0] =	vst.idx.add.f32.msk $0xffff, v2  }
0x69: {  	v3 =	vld [tilespmem:s13+$0x2730];
	_ =	sdelay $0x7  }
0x6a: {  	[tilespmem:v3+s29+$0x0] =	vst.idx.add.f32.msk $0xffff, v2  }
0x6b: {  	v3 =	vld [tilespmem:s13+$0x2740];
	_ =	sdelay $0x7  }
0x6c: {  	[tilespmem:v3+s29+$0x0] =	vst.idx.add.f32.msk $0xffff, v2  }
0x6d: {  	v3 =	vld [tilespmem:s13+$0x2750];
	_ =	sdelay $0x7  }
0x6e: {  	s14 =	sadd.s32 $0x230, s13;
	[tilespmem:v3+s29+$0x0] =	vst.idx.add.f32.msk $0xffff, v2  }
0x6f: {  	[tilespmem:s31], [sflag:$0x8] =	stream.indirect.gather [hbm4b:s2+s21], $0x40, s14, s21, $0xb8;
	[tilespmem:$0x1C6F0] =	vst v63  }
0x70: {  	_ =	swait.ge [sflag:s19], $0x1400  }
0x71: {  	[sflag:s19] =	ssyncset.done $0x0  }
0x72: {  	s14 =	sadd.s32 $0x2760, s13;
	[sflag:s19] =	ssyncadd.s32 $0xFFFFEC00  }
0x73: {  	[spmem:s3] =	stream.indirect.scatter.add.bf16 [tilespmem:s23], [sflag:$0x9], $0x40, s14, s21, $0xb8;
	[tilespmem:$0x1C6F0] =	vst v63  }
0x74: {  	_ =	swait.ge [sflag:s18], $0x1400  }
0x75: {  	[sflag:s18] =	ssyncset.done $0x0  }
0x76: {  	[sflag:s18] =	ssyncadd.s32 $0xFFFFEC00  }
0x77: {  	v3 =	vld [tilespmem:s13+$0x2760];
	_ =	sdelay $0x7  }
0x78: {  	[tilespmem:v3+s29+$0x0] =	vst.idx.add.f32.msk $0xffff, v2  }
0x79: {  	v3 =	vld [tilespmem:s13+$0x2770];
	_ =	sdelay $0x7  }
0x7a: {  	[tilespmem:v3+s29+$0x0] =	vst.idx.add.f32.msk $0xffff, v2  }
0x7b: {  	v3 =	vld [tilespmem:s13+$0x2780];
	_ =	sdelay $0x7  }
0x7c: {  	[tilespmem:v3+s29+$0x0] =	vst.idx.add.f32.msk $0xffff, v2  }
0x7d: {  	v3 =	vld [tilespmem:s13+$0x2790];
	_ =	sdelay $0x7  }
0x7e: {  	[tilespmem:v3+s29+$0x0] =	vst.idx.add.f32.msk $0xffff, v2  }
0x7f: {  	v3 =	vld [tilespmem:s13+$0x27A0];
	_ =	sdelay $0x7  }
0x80: {  	s14 =	sadd.s32 $0x280, s13;
	[tilespmem:v3+s29+$0x0] =	vst.idx.add.f32.msk $0xffff, v2  }
0x81: {  	[tilespmem:s22], [sflag:$0x1] =	stream.indirect.gather [hbm4b:s2+s21], $0x40, s14, s21, $0xb8;
	[tilespmem:$0x1C6F0] =	vst v63  }
0x82: {  	_ =	swait.ge [sflag:s0], $0x1400  }
0x83: {  	[sflag:s0] =	ssyncset.done $0x0  }
0x84: {  	s14 =	sadd.s32 $0x27B0, s13;
	[sflag:s0] =	ssyncadd.s32 $0xFFFFEC00  }
0x85: {  	[spmem:s3] =	stream.indirect.scatter.add.bf16 [tilespmem:s25], [sflag:$0x9], $0x40, s14, s21, $0xb8;
	[tilespmem:$0x1C6F0] =	vst v63  }
0x86: {  	_ =	swait.ge [sflag:s18], $0x1400  }
0x87: {  	[sflag:s18] =	ssyncset.done $0x0  }
0x88: {  	[sflag:s18] =	ssyncadd.s32 $0xFFFFEC00  }
0x89: {  	v3 =	vld [tilespmem:s13+$0x27B0];
	_ =	sdelay $0x7  }
0x8a: {  	[tilespmem:v3+s29+$0x0] =	vst.idx.add.f32.msk $0xffff, v2  }
0x8b: {  	v3 =	vld [tilespmem:s13+$0x27C0];
	_ =	sdelay $0x7  }
0x8c: {  	[tilespmem:v3+s29+$0x0] =	vst.idx.add.f32.msk $0xffff, v2  }
0x8d: {  	v3 =	vld [tilespmem:s13+$0x27D0];
	_ =	sdelay $0x7  }
0x8e: {  	[tilespmem:v3+s29+$0x0] =	vst.idx.add.f32.msk $0xffff, v2  }
0x8f: {  	v3 =	vld [tilespmem:s13+$0x27E0];
	_ =	sdelay $0x7  }
0x90: {  	[tilespmem:v3+s29+$0x0] =	vst.idx.add.f32.msk $0xffff, v2  }
0x91: {  	v3 =	vld [tilespmem:s13+$0x27F0];
	_ =	sdelay $0x7  }
0x92: {  	s14 =	sadd.s32 $0x2D0, s13;
	[tilespmem:v3+s29+$0x0] =	vst.idx.add.f32.msk $0xffff, v2  }
0x93: {  	[tilespmem:s23], [sflag:$0x2] =	stream.indirect.gather [hbm4b:s2+s21], $0x40, s14, s21, $0xb8;
	[tilespmem:$0x1C6F0] =	vst v63  }
0x94: {  	_ =	swait.ge [sflag:s5], $0x1400  }
0x95: {  	[sflag:s5] =	ssyncset.done $0x0  }
0x96: {  	s14 =	sadd.s32 $0x2800, s13;
	[sflag:s5] =	ssyncadd.s32 $0xFFFFEC00  }
0x97: {  	[spmem:s3] =	stream.indirect.scatter.add.bf16 [tilespmem:s28], [sflag:$0x9], $0x40, s14, s21, $0xb8;
	[tilespmem:$0x1C6F0] =	vst v63  }
0x98: {  	_ =	swait.ge [sflag:s18], $0x1400  }
0x99: {  	[sflag:s18] =	ssyncset.done $0x0  }
0x9a: {  	[sflag:s18] =	ssyncadd.s32 $0xFFFFEC00  }
0x9b: {  	v3 =	vld [tilespmem:s13+$0x2800];
	_ =	sdelay $0x7  }
0x9c: {  	[tilespmem:v3+s29+$0x0] =	vst.idx.add.f32.msk $0xffff, v2  }
0x9d: {  	v3 =	vld [tilespmem:s13+$0x2810];
	_ =	sdelay $0x7  }
0x9e: {  	[tilespmem:v3+s29+$0x0] =	vst.idx.add.f32.msk $0xffff, v2  }
0x9f: {  	v3 =	vld [tilespmem:s13+$0x2820];
	_ =	sdelay $0x7  }
0xa0: {  	[tilespmem:v3+s29+$0x0] =	vst.idx.add.f32.msk $0xffff, v2  }
0xa1: {  	v3 =	vld [tilespmem:s13+$0x2830];
	_ =	sdelay $0x7  }
0xa2: {  	[tilespmem:v3+s29+$0x0] =	vst.idx.add.f32.msk $0xffff, v2  }
0xa3: {  	v3 =	vld [tilespmem:s13+$0x2840];
	_ =	sdelay $0x7  }
0xa4: {  	s14 =	sadd.s32 $0x320, s13;
	[tilespmem:v3+s29+$0x0] =	vst.idx.add.f32.msk $0xffff, v2  }
0xa5: {  	[tilespmem:s25], [sflag:$0x3] =	stream.indirect.gather [hbm4b:s2+s21], $0x40, s14, s21, $0xb8;
	[tilespmem:$0x1C6F0] =	vst v63  }
0xa6: {  	_ =	swait.ge [sflag:s6], $0x1400  }
0xa7: {  	[sflag:s6] =	ssyncset.done $0x0  }
0xa8: {  	s14 =	sadd.s32 $0x2850, s13;
	[sflag:s6] =	ssyncadd.s32 $0xFFFFEC00  }
0xa9: {  	[spmem:s3] =	stream.indirect.scatter.add.bf16 [tilespmem:s30], [sflag:$0x9], $0x40, s14, s21, $0xb8;
	[tilespmem:$0x1C6F0] =	vst v63  }
0xaa: {  	_ =	swait.ge [sflag:s18], $0x1400  }
0xab: {  	[sflag:s18] =	ssyncset.done $0x0  }
0xac: {  	[sflag:s18] =	ssyncadd.s32 $0xFFFFEC00  }
0xad: {  	v3 =	vld [tilespmem:s13+$0x2850];
	_ =	sdelay $0x7  }
0xae: {  	[tilespmem:v3+s29+$0x0] =	vst.idx.add.f32.msk $0xffff, v2  }
0xaf: {  	v3 =	vld [tilespmem:s13+$0x2860];
	_ =	sdelay $0x7  }
0xb0: {  	[tilespmem:v3+s29+$0x0] =	vst.idx.add.f32.msk $0xffff, v2  }
0xb1: {  	v3 =	vld [tilespmem:s13+$0x2870];
	_ =	sdelay $0x7  }
0xb2: {  	[tilespmem:v3+s29+$0x0] =	vst.idx.add.f32.msk $0xffff, v2  }
0xb3: {  	v3 =	vld [tilespmem:s13+$0x2880];
	_ =	sdelay $0x7  }
0xb4: {  	[tilespmem:v3+s29+$0x0] =	vst.idx.add.f32.msk $0xffff, v2  }
0xb5: {  	v3 =	vld [tilespmem:s13+$0x2890];
	_ =	sdelay $0x7  }
0xb6: {  	s14 =	sadd.s32 $0x370, s13;
	[tilespmem:v3+s29+$0x0] =	vst.idx.add.f32.msk $0xffff, v2  }
0xb7: {  	[tilespmem:s28], [sflag:$0x4] =	stream.indirect.gather [hbm4b:s2+s21], $0x40, s14, s21, $0xb8;
	[tilespmem:$0x1C6F0] =	vst v63  }
0xb8: {  	_ =	swait.ge [sflag:s8], $0x1400  }
0xb9: {  	[sflag:s8] =	ssyncset.done $0x0  }
0xba: {  	s14 =	sadd.s32 $0x28A0, s13;
	[sflag:s8] =	ssyncadd.s32 $0xFFFFEC00  }
0xbb: {  	[spmem:s3] =	stream.indirect.scatter.add.bf16 [tilespmem:s1], [sflag:$0x9], $0x40, s14, s21, $0xb8;
	[tilespmem:$0x1C6F0] =	vst v63  }
0xbc: {  	_ =	swait.ge [sflag:s18], $0x1400  }
0xbd: {  	[sflag:s18] =	ssyncset.done $0x0  }
0xbe: {  	[sflag:s18] =	ssyncadd.s32 $0xFFFFEC00  }
0xbf: {  	v3 =	vld [tilespmem:s13+$0x28A0];
	_ =	sdelay $0x7  }
0xc0: {  	[tilespmem:v3+s29+$0x0] =	vst.idx.add.f32.msk $0xffff, v2  }
0xc1: {  	v3 =	vld [tilespmem:s13+$0x28B0];
	_ =	sdelay $0x7  }
0xc2: {  	[tilespmem:v3+s29+$0x0] =	vst.idx.add.f32.msk $0xffff, v2  }
0xc3: {  	v3 =	vld [tilespmem:s13+$0x28C0];
	_ =	sdelay $0x7  }
0xc4: {  	[tilespmem:v3+s29+$0x0] =	vst.idx.add.f32.msk $0xffff, v2  }
0xc5: {  	v3 =	vld [tilespmem:s13+$0x28D0];
	_ =	sdelay $0x7  }
0xc6: {  	[tilespmem:v3+s29+$0x0] =	vst.idx.add.f32.msk $0xffff, v2  }
0xc7: {  	v3 =	vld [tilespmem:s13+$0x28E0];
	_ =	sdelay $0x7  }
0xc8: {  	s14 =	sadd.s32 $0x3C0, s13;
	[tilespmem:v3+s29+$0x0] =	vst.idx.add.f32.msk $0xffff, v2  }
0xc9: {  	[tilespmem:s30], [sflag:$0x5] =	stream.indirect.gather [hbm4b:s2+s21], $0x40, s14, s21, $0xb8;
	[tilespmem:$0x1C6F0] =	vst v63  }
0xca: {  	_ =	swait.ge [sflag:s9], $0x1400  }
0xcb: {  	[sflag:s9] =	ssyncset.done $0x0  }
0xcc: {  	s14 =	sadd.s32 $0x28F0, s13;
	[sflag:s9] =	ssyncadd.s32 $0xFFFFEC00  }
0xcd: {  	[spmem:s3] =	stream.indirect.scatter.add.bf16 [tilespmem:s24], [sflag:$0x9], $0x40, s14, s21, $0xb8;
	[tilespmem:$0x1C6F0] =	vst v63  }
0xce: {  	_ =	swait.ge [sflag:s18], $0x1400  }
0xcf: {  	[sflag:s18] =	ssyncset.done $0x0  }
0xd0: {  	[sflag:s18] =	ssyncadd.s32 $0xFFFFEC00  }
0xd1: {  	v3 =	vld [tilespmem:s13+$0x28F0];
	_ =	sdelay $0x7  }
0xd2: {  	[tilespmem:v3+s29+$0x0] =	vst.idx.add.f32.msk $0xffff, v2  }
0xd3: {  	v3 =	vld [tilespmem:s13+$0x2900];
	_ =	sdelay $0x7  }
0xd4: {  	[tilespmem:v3+s29+$0x0] =	vst.idx.add.f32.msk $0xffff, v2  }
0xd5: {  	v3 =	vld [tilespmem:s13+$0x2910];
	_ =	sdelay $0x7  }
0xd6: {  	[tilespmem:v3+s29+$0x0] =	vst.idx.add.f32.msk $0xffff, v2  }
0xd7: {  	v3 =	vld [tilespmem:s13+$0x2920];
	_ =	sdelay $0x7  }
0xd8: {  	[tilespmem:v3+s29+$0x0] =	vst.idx.add.f32.msk $0xffff, v2  }
0xd9: {  	v3 =	vld [tilespmem:s13+$0x2930];
	_ =	sdelay $0x7  }
0xda: {  	s14 =	sadd.s32 $0x410, s13;
	[tilespmem:v3+s29+$0x0] =	vst.idx.add.f32.msk $0xffff, v2  }
0xdb: {  	[tilespmem:s1], [sflag:$0x6] =	stream.indirect.gather [hbm4b:s2+s21], $0x40, s14, s21, $0xb8;
	[tilespmem:$0x1C6F0] =	vst v63  }
0xdc: {  	_ =	swait.ge [sflag:s10], $0x1400  }
0xdd: {  	[sflag:s10] =	ssyncset.done $0x0  }
0xde: {  	s14 =	sadd.s32 $0x2940, s13;
	[sflag:s10] =	ssyncadd.s32 $0xFFFFEC00  }
0xdf: {  	[spmem:s3] =	stream.indirect.scatter.add.bf16 [tilespmem:s31], [sflag:$0x9], $0x40, s14, s21, $0xb8;
	[tilespmem:$0x1C6F0] =	vst v63  }
0xe0: {  	_ =	swait.ge [sflag:s18], $0x1400  }
0xe1: {  	[sflag:s18] =	ssyncset.done $0x0  }
0xe2: {  	[sflag:s18] =	ssyncadd.s32 $0xFFFFEC00  }
0xe3: {  	v3 =	vld [tilespmem:s13+$0x2940];
	_ =	sdelay $0x7  }
0xe4: {  	[tilespmem:v3+s29+$0x0] =	vst.idx.add.f32.msk $0xffff, v2  }
0xe5: {  	v3 =	vld [tilespmem:s13+$0x2950];
	_ =	sdelay $0x7  }
0xe6: {  	[tilespmem:v3+s29+$0x0] =	vst.idx.add.f32.msk $0xffff, v2  }
0xe7: {  	v3 =	vld [tilespmem:s13+$0x2960];
	_ =	sdelay $0x7  }
0xe8: {  	[tilespmem:v3+s29+$0x0] =	vst.idx.add.f32.msk $0xffff, v2  }
0xe9: {  	v3 =	vld [tilespmem:s13+$0x2970];
	_ =	sdelay $0x7  }
0xea: {  	[tilespmem:v3+s29+$0x0] =	vst.idx.add.f32.msk $0xffff, v2  }
0xeb: {  	v3 =	vld [tilespmem:s13+$0x2980];
	_ =	sdelay $0x3  }
0xec: {  	p0 =	sne.s32 s12, $0x8200  }
.Ltmp2:
0xed: {  	_ = 	snop;
	(pc) =	sbr.rel @p0 .LBB2_6-.Ltmp2, $3  }
0xee: {  	_ =	sdelay $0x1  }
0xef: {  	s12 =	sadd.s32 $0xA00, s12;
	s13 =	sadd.s32 $0x460, s13;
	[tilespmem:v3+s29+$0x0] =	vst.idx.add.f32.msk $0xffff, v2  }
0xf0: {  	[tilespmem:s24], [sflag:$0x7] =	stream.indirect.gather [hbm4b:s2+s21], $0x40, s13, s21, $0xb8;
	[tilespmem:$0x1C6F0] =	vst v63  }
0xf1: {  	_ =	swait.ge [sflag:s26], $0x1400  }
0xf2: {  	[sflag:s26] =	ssyncset.done $0x0  }
0xf3: {  	s12 =	simm.s32 $0x4A10;
	[sflag:s26] =	ssyncadd.s32 $0xFFFFEC00  }
0xf4: {  	[spmem:s3] =	stream.indirect.scatter.add.bf16 [tilespmem:s22], [sflag:$0x9], $0x40, s12, s21, $0xb8;
	[tilespmem:$0x1C6F0] =	vst v63  }
0xf5: {  	_ =	swait.ge [sflag:s18], $0x1400  }
0xf6: {  	[sflag:s18] =	ssyncset.done $0x0  }
0xf7: {  	[sflag:s18] =	ssyncadd.s32 $0xFFFFEC00  }
0xf8: {  	v3 =	vld [tilespmem:$0x4A10];
	_ =	sdelay $0x7  }
0xf9: {  	[tilespmem:v3+s29+$0x0] =	vst.idx.add.f32.msk $0xffff, v2  }
0xfa: {  	v3 =	vld [tilespmem:$0x4A20];
	_ =	sdelay $0x7  }
0xfb: {  	[tilespmem:v3+s29+$0x0] =	vst.idx.add.f32.msk $0xffff, v2  }
0xfc: {  	v3 =	vld [tilespmem:$0x4A30];
	_ =	sdelay $0x7  }
0xfd: {  	[tilespmem:v3+s29+$0x0] =	vst.idx.add.f32.msk $0xffff, v2  }
0xfe: {  	v3 =	vld [tilespmem:$0x4A40];
	_ =	sdelay $0x7  }
0xff: {  	[tilespmem:v3+s29+$0x0] =	vst.idx.add.f32.msk $0xffff, v2  }
0x100: {  	v3 =	vld [tilespmem:$0x4A50];
	_ =	sdelay $0x7  }
0x101: {  	s14 =	simm.s32 $0x2530;
	[tilespmem:v3+s29+$0x0] =	vst.idx.add.f32.msk $0xffff, v2  }
0x102: {  	[tilespmem:s31], [sflag:$0x8] =	stream.indirect.gather [hbm4b:s2+s21], $0x40, s14, s21, $0xb8;
	[tilespmem:$0x1C6F0] =	vst v63  }
0x103: {  	_ =	swait.ge [sflag:s19], $0x1400  }
0x104: {  	[sflag:s19] =	ssyncset.done $0x0  }
0x105: {  	s13 =	simm.s32 $0x4A60;
	[sflag:s19] =	ssyncadd.s32 $0xFFFFEC00  }
0x106: {  	[spmem:s3] =	stream.indirect.scatter.add.bf16 [tilespmem:s23], [sflag:$0x9], $0x40, s13, s21, $0xb8;
	[tilespmem:$0x1C6F0] =	vst v63  }
0x107: {  	_ =	swait.ge [sflag:s18], $0x1400  }
0x108: {  	[sflag:s18] =	ssyncset.done $0x0  }
0x109: {  	[sflag:s18] =	ssyncadd.s32 $0xFFFFEC00  }
0x10a: {  	v3 =	vld [tilespmem:$0x4A60];
	_ =	sdelay $0x7  }
0x10b: {  	[tilespmem:v3+s29+$0x0] =	vst.idx.add.f32.msk $0xffff, v2  }
0x10c: {  	v3 =	vld [tilespmem:$0x4A70];
	_ =	sdelay $0x7  }
0x10d: {  	[tilespmem:v3+s29+$0x0] =	vst.idx.add.f32.msk $0xffff, v2  }
0x10e: {  	v3 =	vld [tilespmem:$0x4A80];
	_ =	sdelay $0x7  }
0x10f: {  	[tilespmem:v3+s29+$0x0] =	vst.idx.add.f32.msk $0xffff, v2  }
0x110: {  	v3 =	vld [tilespmem:$0x4A90];
	_ =	sdelay $0x7  }
0x111: {  	[tilespmem:v3+s29+$0x0] =	vst.idx.add.f32.msk $0xffff, v2  }
0x112: {  	v3 =	vld [tilespmem:$0x4AA0];
	_ =	sdelay $0x7  }
0x113: {  	s14 =	simm.s32 $0x2580;
	[tilespmem:v3+s29+$0x0] =	vst.idx.add.f32.msk $0xffff, v2  }
0x114: {  	[tilespmem:s22], [sflag:$0x1] =	stream.indirect.gather [hbm4b:s2+s21], $0x40, s14, s21, $0xb8;
	[tilespmem:$0x1C6F0] =	vst v63  }
0x115: {  	_ =	swait.ge [sflag:s0], $0x1400  }
0x116: {  	[sflag:s0] =	ssyncset.done $0x0  }
0x117: {  	s13 =	simm.s32 $0x4AB0;
	[sflag:s0] =	ssyncadd.s32 $0xFFFFEC00  }
0x118: {  	[spmem:s3] =	stream.indirect.scatter.add.bf16 [tilespmem:s25], [sflag:$0x9], $0x40, s13, s21, $0xb8;
	[tilespmem:$0x1C6F0] =	vst v63  }
0x119: {  	_ =	swait.ge [sflag:s18], $0x1400  }
0x11a: {  	[sflag:s18] =	ssyncset.done $0x0  }
0x11b: {  	[sflag:s18] =	ssyncadd.s32 $0xFFFFEC00  }
0x11c: {  	v3 =	vld [tilespmem:$0x4AB0];
	_ =	sdelay $0x7  }
0x11d: {  	[tilespmem:v3+s29+$0x0] =	vst.idx.add.f32.msk $0xffff, v2  }
0x11e: {  	v3 =	vld [tilespmem:$0x4AC0];
	_ =	sdelay $0x7  }
0x11f: {  	[tilespmem:v3+s29+$0x0] =	vst.idx.add.f32.msk $0xffff, v2  }
0x120: {  	v3 =	vld [tilespmem:$0x4AD0];
	_ =	sdelay $0x7  }
0x121: {  	[tilespmem:v3+s29+$0x0] =	vst.idx.add.f32.msk $0xffff, v2  }
0x122: {  	v3 =	vld [tilespmem:$0x4AE0];
	_ =	sdelay $0x7  }
0x123: {  	[tilespmem:v3+s29+$0x0] =	vst.idx.add.f32.msk $0xffff, v2  }
0x124: {  	v3 =	vld [tilespmem:$0x4AF0];
	_ =	sdelay $0x7  }
0x125: {  	s14 =	simm.s32 $0x25D0;
	[tilespmem:v3+s29+$0x0] =	vst.idx.add.f32.msk $0xffff, v2  }
0x126: {  	[tilespmem:s23], [sflag:$0x2] =	stream.indirect.gather [hbm4b:s2+s21], $0x40, s14, s21, $0xb8;
	[tilespmem:$0x1C6F0] =	vst v63  }
0x127: {  	_ =	swait.ge [sflag:s5], $0x1400  }
0x128: {  	[sflag:s5] =	ssyncset.done $0x0  }
0x129: {  	s13 =	simm.s32 $0x4B00;
	[sflag:s5] =	ssyncadd.s32 $0xFFFFEC00  }
0x12a: {  	[spmem:s3] =	stream.indirect.scatter.add.bf16 [tilespmem:s28], [sflag:$0x9], $0x40, s13, s21, $0xb8;
	[tilespmem:$0x1C6F0] =	vst v63  }
0x12b: {  	_ =	swait.ge [sflag:s18], $0x1400  }
0x12c: {  	[sflag:s18] =	ssyncset.done $0x0  }
0x12d: {  	[sflag:s18] =	ssyncadd.s32 $0xFFFFEC00  }
0x12e: {  	v3 =	vld [tilespmem:$0x4B00];
	_ =	sdelay $0x7  }
0x12f: {  	[tilespmem:v3+s29+$0x0] =	vst.idx.add.f32.msk $0xffff, v2  }
0x130: {  	v3 =	vld [tilespmem:$0x4B10];
	_ =	sdelay $0x7  }
0x131: {  	[tilespmem:v3+s29+$0x0] =	vst.idx.add.f32.msk $0xffff, v2  }
0x132: {  	v3 =	vld [tilespmem:$0x4B20];
	_ =	sdelay $0x7  }
0x133: {  	[tilespmem:v3+s29+$0x0] =	vst.idx.add.f32.msk $0xffff, v2  }
0x134: {  	v3 =	vld [tilespmem:$0x4B30];
	_ =	sdelay $0x7  }
0x135: {  	[tilespmem:v3+s29+$0x0] =	vst.idx.add.f32.msk $0xffff, v2  }
0x136: {  	v3 =	vld [tilespmem:$0x4B40];
	_ =	sdelay $0x7  }
0x137: {  	s14 =	simm.s32 $0x2620;
	[tilespmem:v3+s29+$0x0] =	vst.idx.add.f32.msk $0xffff, v2  }
0x138: {  	[tilespmem:s25], [sflag:$0x3] =	stream.indirect.gather [hbm4b:s2+s21], $0x40, s14, s21, $0xb8;
	[tilespmem:$0x1C6F0] =	vst v63  }
0x139: {  	_ =	swait.ge [sflag:s6], $0x1400  }
0x13a: {  	[sflag:s6] =	ssyncset.done $0x0  }
0x13b: {  	s13 =	simm.s32 $0x4B50;
	[sflag:s6] =	ssyncadd.s32 $0xFFFFEC00  }
0x13c: {  	[spmem:s3] =	stream.indirect.scatter.add.bf16 [tilespmem:s30], [sflag:$0x9], $0x40, s13, s21, $0xb8;
	[tilespmem:$0x1C6F0] =	vst v63  }
0x13d: {  	_ =	swait.ge [sflag:s18], $0x1400  }
0x13e: {  	[sflag:s18] =	ssyncset.done $0x0  }
0x13f: {  	[sflag:s18] =	ssyncadd.s32 $0xFFFFEC00  }
0x140: {  	v3 =	vld [tilespmem:$0x4B50];
	_ =	sdelay $0x7  }
0x141: {  	[tilespmem:v3+s29+$0x0] =	vst.idx.add.f32.msk $0xffff, v2  }
0x142: {  	v3 =	vld [tilespmem:$0x4B60];
	_ =	sdelay $0x7  }
0x143: {  	[tilespmem:v3+s29+$0x0] =	vst.idx.add.f32.msk $0xffff, v2  }
0x144: {  	v3 =	vld [tilespmem:$0x4B70];
	_ =	sdelay $0x7  }
0x145: {  	[tilespmem:v3+s29+$0x0] =	vst.idx.add.f32.msk $0xffff, v2  }
0x146: {  	v3 =	vld [tilespmem:$0x4B80];
	_ =	sdelay $0x7  }
0x147: {  	[tilespmem:v3+s29+$0x0] =	vst.idx.add.f32.msk $0xffff, v2  }
0x148: {  	v3 =	vld [tilespmem:$0x4B90];
	_ =	sdelay $0x7  }
0x149: {  	s14 =	simm.s32 $0x2670;
	[tilespmem:v3+s29+$0x0] =	vst.idx.add.f32.msk $0xffff, v2  }
0x14a: {  	[tilespmem:s28], [sflag:$0x4] =	stream.indirect.gather [hbm4b:s2+s21], $0x40, s14, s21, $0xb8;
	[tilespmem:$0x1C6F0] =	vst v63  }
0x14b: {  	_ =	swait.ge [sflag:s8], $0x1400  }
0x14c: {  	[sflag:s8] =	ssyncset.done $0x0  }
0x14d: {  	s13 =	simm.s32 $0x4BA0;
	[sflag:s8] =	ssyncadd.s32 $0xFFFFEC00  }
0x14e: {  	[spmem:s3] =	stream.indirect.scatter.add.bf16 [tilespmem:s1], [sflag:$0x9], $0x40, s13, s21, $0xb8;
	[tilespmem:$0x1C6F0] =	vst v63  }
0x14f: {  	_ =	swait.ge [sflag:s18], $0x1400  }
0x150: {  	[sflag:s18] =	ssyncset.done $0x0  }
0x151: {  	[sflag:s18] =	ssyncadd.s32 $0xFFFFEC00  }
0x152: {  	v3 =	vld [tilespmem:$0x4BA0];
	_ =	sdelay $0x7  }
0x153: {  	[tilespmem:v3+s29+$0x0] =	vst.idx.add.f32.msk $0xffff, v2  }
0x154: {  	v3 =	vld [tilespmem:$0x4BB0];
	_ =	sdelay $0x7  }
0x155: {  	[tilespmem:v3+s29+$0x0] =	vst.idx.add.f32.msk $0xffff, v2  }
0x156: {  	v3 =	vld [tilespmem:$0x4BC0];
	_ =	sdelay $0x7  }
0x157: {  	[tilespmem:v3+s29+$0x0] =	vst.idx.add.f32.msk $0xffff, v2  }
0x158: {  	v3 =	vld [tilespmem:$0x4BD0];
	_ =	sdelay $0x7  }
0x159: {  	[tilespmem:v3+s29+$0x0] =	vst.idx.add.f32.msk $0xffff, v2  }
0x15a: {  	v3 =	vld [tilespmem:$0x4BE0];
	_ =	sdelay $0x7  }
0x15b: {  	s14 =	simm.s32 $0x26C0;
	[tilespmem:v3+s29+$0x0] =	vst.idx.add.f32.msk $0xffff, v2  }
0x15c: {  	[tilespmem:s30], [sflag:$0x5] =	stream.indirect.gather [hbm4b:s2+s21], $0x40, s14, s21, $0xb8;
	[tilespmem:$0x1C6F0] =	vst v63  }
0x15d: {  	_ =	swait.ge [sflag:s9], $0x1400  }
0x15e: {  	[sflag:s9] =	ssyncset.done $0x0  }
0x15f: {  	s13 =	simm.s32 $0x4BF0;
	[sflag:s9] =	ssyncadd.s32 $0xFFFFEC00  }
0x160: {  	[spmem:s3] =	stream.indirect.scatter.add.bf16 [tilespmem:s24], [sflag:$0x9], $0x40, s13, s21, $0xb8;
	[tilespmem:$0x1C6F0] =	vst v63  }
0x161: {  	_ =	swait.ge [sflag:s18], $0x1400  }
0x162: {  	[sflag:s18] =	ssyncset.done $0x0  }
0x163: {  	[sflag:s18] =	ssyncadd.s32 $0xFFFFEC00  }
0x164: {  	v3 =	vld [tilespmem:$0x4BF0];
	_ =	sdelay $0x7  }
0x165: {  	[tilespmem:v3+s29+$0x0] =	vst.idx.add.f32.msk $0xffff, v2  }
0x166: {  	v3 =	vld [tilespmem:$0x4C00];
	_ =	sdelay $0x7  }
0x167: {  	[tilespmem:v3+s29+$0x0] =	vst.idx.add.f32.msk $0xffff, v2  }
0x168: {  	v3 =	vld [tilespmem:$0x4C10];
	_ =	sdelay $0x7  }
0x169: {  	[tilespmem:v3+s29+$0x0] =	vst.idx.add.f32.msk $0xffff, v2  }
0x16a: {  	v3 =	vld [tilespmem:$0x4C20];
	_ =	sdelay $0x7  }
0x16b: {  	[tilespmem:v3+s29+$0x0] =	vst.idx.add.f32.msk $0xffff, v2  }
0x16c: {  	v3 =	vld [tilespmem:$0x4C30];
	_ =	sdelay $0x7  }
0x16d: {  	[tilespmem:v3+s29+$0x0] =	vst.idx.add.f32.msk $0xffff, v2  }
0x16e: {  	_ =	swait.ge [sflag:s10], $0x1400  }
0x16f: {  	[sflag:s10] =	ssyncset.done $0x0  }
0x170: {  	s14 =	simm.s32 $0x4C40;
	[sflag:s10] =	ssyncadd.s32 $0xFFFFEC00  }
0x171: {  	[spmem:s3] =	stream.indirect.scatter.add.bf16 [tilespmem:s31], [sflag:$0x9], $0x40, s14, s21, $0xb8;
	[tilespmem:$0x1C6F0] =	vst v63  }
0x172: {  	_ =	swait.ge [sflag:s18], $0x1400  }
0x173: {  	[sflag:s18] =	ssyncset.done $0x0  }
0x174: {  	[sflag:s18] =	ssyncadd.s32 $0xFFFFEC00  }
0x175: {  	v3 =	vld [tilespmem:$0x4C40];
	_ =	sdelay $0x7  }
0x176: {  	[tilespmem:v3+s29+$0x0] =	vst.idx.add.f32.msk $0xffff, v2  }
0x177: {  	v3 =	vld [tilespmem:$0x4C50];
	_ =	sdelay $0x7  }
0x178: {  	[tilespmem:v3+s29+$0x0] =	vst.idx.add.f32.msk $0xffff, v2  }
0x179: {  	v3 =	vld [tilespmem:$0x4C60];
	_ =	sdelay $0x7  }
0x17a: {  	[tilespmem:v3+s29+$0x0] =	vst.idx.add.f32.msk $0xffff, v2  }
0x17b: {  	v3 =	vld [tilespmem:$0x4C70];
	_ =	sdelay $0x7  }
0x17c: {  	[tilespmem:v3+s29+$0x0] =	vst.idx.add.f32.msk $0xffff, v2  }
0x17d: {  	v3 =	vld [tilespmem:$0x4C80];
	_ =	sdelay $0x7  }
0x17e: {  	[tilespmem:v3+s29+$0x0] =	vst.idx.add.f32.msk $0xffff, v2  }
0x17f: {  	_ =	swait.ge [sflag:s26], $0x1400  }
0x180: {  	[sflag:s26] =	ssyncset.done $0x0  }
0x181: {  	s13 =	simm.s32 $0x4C90;
	[sflag:s26] =	ssyncadd.s32 $0xFFFFEC00  }
0x182: {  	[spmem:s3] =	stream.indirect.scatter.add.bf16 [tilespmem:s22], [sflag:$0x9], $0x40, s13, s21, $0xb8;
	[tilespmem:$0x1C6F0] =	vst v63  }
0x183: {  	_ =	swait.ge [sflag:s18], $0x1400  }
0x184: {  	[sflag:s18] =	ssyncset.done $0x0  }
0x185: {  	[sflag:s18] =	ssyncadd.s32 $0xFFFFEC00  }
0x186: {  	v3 =	vld [tilespmem:$0x4C90];
	_ =	sdelay $0x7  }
0x187: {  	[tilespmem:v3+s29+$0x0] =	vst.idx.add.f32.msk $0xffff, v2  }
0x188: {  	v3 =	vld [tilespmem:$0x4CA0];
	_ =	sdelay $0x7  }
0x189: {  	[tilespmem:v3+s29+$0x0] =	vst.idx.add.f32.msk $0xffff, v2  }
0x18a: {  	v3 =	vld [tilespmem:$0x4CB0];
	_ =	sdelay $0x7  }
0x18b: {  	[tilespmem:v3+s29+$0x0] =	vst.idx.add.f32.msk $0xffff, v2  }
0x18c: {  	v3 =	vld [tilespmem:$0x4CC0];
	_ =	sdelay $0x7  }
0x18d: {  	[tilespmem:v3+s29+$0x0] =	vst.idx.add.f32.msk $0xffff, v2  }
0x18e: {  	v3 =	vld [tilespmem:$0x4CD0];
	_ =	sdelay $0x7  }
0x18f: {  	[tilespmem:v3+s29+$0x0] =	vst.idx.add.f32.msk $0xffff, v2  }
0x190: {  	_ =	swait.ge [sflag:s19], $0x1400  }
0x191: {  	[sflag:s19] =	ssyncset.done $0x0  }
0x192: {  	s14 =	simm.s32 $0x4CE0;
	[sflag:s19] =	ssyncadd.s32 $0xFFFFEC00  }
0x193: {  	[spmem:s3] =	stream.indirect.scatter.add.bf16 [tilespmem:s23], [sflag:$0x9], $0x40, s14, s21, $0xb8;
	[tilespmem:$0x1C6F0] =	vst v63  }
0x194: {  	_ =	swait.ge [sflag:s18], $0x1400  }
0x195: {  	[sflag:s18] =	ssyncset.done $0x0  }
0x196: {  	[sflag:s18] =	ssyncadd.s32 $0xFFFFEC00  }
0x197: {  	v3 =	vld [tilespmem:$0x4CE0];
	_ =	sdelay $0x7  }
0x198: {  	[tilespmem:v3+s29+$0x0] =	vst.idx.add.f32.msk $0xffff, v2  }
0x199: {  	v3 =	vld [tilespmem:$0x4CF0];
	_ =	sdelay $0x7  }
0x19a: {  	[tilespmem:v3+s29+$0x0] =	vst.idx.add.f32.msk $0xffff, v2  }
0x19b: {  	v3 =	vld [tilespmem:$0x4D00];
	_ =	sdelay $0x7  }
0x19c: {  	[tilespmem:v3+s29+$0x0] =	vst.idx.add.f32.msk $0xffff, v2  }
0x19d: {  	v3 =	vld [tilespmem:$0x4D10];
	_ =	sdelay $0x7  }
0x19e: {  	[tilespmem:v3+s29+$0x0] =	vst.idx.add.f32.msk $0xffff, v2  }
0x19f: {  	v3 =	vld [tilespmem:$0x4D20];
	_ =	sdelay $0x7  }
0x1a0: {  	[tilespmem:v3+s29+$0x0] =	vst.idx.add.f32.msk $0xffff, v2  }
0x1a1: {  	_ =	swait.ge [sflag:s0], $0x1400  }
0x1a2: {  	[sflag:s0] =	ssyncset.done $0x0  }
0x1a3: {  	s13 =	simm.s32 $0x4D30;
	[sflag:s0] =	ssyncadd.s32 $0xFFFFEC00  }
0x1a4: {  	[spmem:s3] =	stream.indirect.scatter.add.bf16 [tilespmem:s25], [sflag:$0x9], $0x40, s13, s21, $0xb8;
	[tilespmem:$0x1C6F0] =	vst v63  }
0x1a5: {  	_ =	swait.ge [sflag:s18], $0x1400  }
0x1a6: {  	[sflag:s18] =	ssyncset.done $0x0  }
0x1a7: {  	[sflag:s18] =	ssyncadd.s32 $0xFFFFEC00  }
0x1a8: {  	v3 =	vld [tilespmem:$0x4D30];
	_ =	sdelay $0x7  }
0x1a9: {  	[tilespmem:v3+s29+$0x0] =	vst.idx.add.f32.msk $0xffff, v2  }
0x1aa: {  	v3 =	vld [tilespmem:$0x4D40];
	_ =	sdelay $0x7  }
0x1ab: {  	[tilespmem:v3+s29+$0x0] =	vst.idx.add.f32.msk $0xffff, v2  }
0x1ac: {  	v3 =	vld [tilespmem:$0x4D50];
	_ =	sdelay $0x7  }
0x1ad: {  	[tilespmem:v3+s29+$0x0] =	vst.idx.add.f32.msk $0xffff, v2  }
0x1ae: {  	v3 =	vld [tilespmem:$0x4D60];
	_ =	sdelay $0x7  }
0x1af: {  	[tilespmem:v3+s29+$0x0] =	vst.idx.add.f32.msk $0xffff, v2  }
0x1b0: {  	v3 =	vld [tilespmem:$0x4D70];
	_ =	sdelay $0x7  }
0x1b1: {  	[tilespmem:v3+s29+$0x0] =	vst.idx.add.f32.msk $0xffff, v2  }
0x1b2: {  	_ =	swait.ge [sflag:s5], $0x1400  }
0x1b3: {  	[sflag:s5] =	ssyncset.done $0x0  }
0x1b4: {  	s14 =	simm.s32 $0x4D80;
	[sflag:s5] =	ssyncadd.s32 $0xFFFFEC00  }
0x1b5: {  	[spmem:s3] =	stream.indirect.scatter.add.bf16 [tilespmem:s28], [sflag:$0x9], $0x40, s14, s21, $0xb8;
	[tilespmem:$0x1C6F0] =	vst v63  }
0x1b6: {  	_ =	swait.ge [sflag:s18], $0x1400  }
0x1b7: {  	[sflag:s18] =	ssyncset.done $0x0  }
0x1b8: {  	[sflag:s18] =	ssyncadd.s32 $0xFFFFEC00  }
0x1b9: {  	v3 =	vld [tilespmem:$0x4D80];
	_ =	sdelay $0x7  }
0x1ba: {  	[tilespmem:v3+s29+$0x0] =	vst.idx.add.f32.msk $0xffff, v2  }
0x1bb: {  	v3 =	vld [tilespmem:$0x4D90];
	_ =	sdelay $0x7  }
0x1bc: {  	[tilespmem:v3+s29+$0x0] =	vst.idx.add.f32.msk $0xffff, v2  }
0x1bd: {  	v3 =	vld [tilespmem:$0x4DA0];
	_ =	sdelay $0x7  }
0x1be: {  	[tilespmem:v3+s29+$0x0] =	vst.idx.add.f32.msk $0xffff, v2  }
0x1bf: {  	v3 =	vld [tilespmem:$0x4DB0];
	_ =	sdelay $0x7  }
0x1c0: {  	[tilespmem:v3+s29+$0x0] =	vst.idx.add.f32.msk $0xffff, v2  }
0x1c1: {  	v3 =	vld [tilespmem:$0x4DC0];
	_ =	sdelay $0x7  }
0x1c2: {  	[tilespmem:v3+s29+$0x0] =	vst.idx.add.f32.msk $0xffff, v2  }
0x1c3: {  	_ =	swait.ge [sflag:s6], $0x1400  }
0x1c4: {  	[sflag:s6] =	ssyncset.done $0x0  }
0x1c5: {  	s13 =	simm.s32 $0x4DD0;
	[sflag:s6] =	ssyncadd.s32 $0xFFFFEC00  }
0x1c6: {  	[spmem:s3] =	stream.indirect.scatter.add.bf16 [tilespmem:s30], [sflag:$0x9], $0x40, s13, s21, $0xb8;
	[tilespmem:$0x1C6F0] =	vst v63  }
0x1c7: {  	_ =	swait.ge [sflag:s18], $0x1400  }
0x1c8: {  	[sflag:s18] =	ssyncset.done $0x0  }
0x1c9: {  	[sflag:s18] =	ssyncadd.s32 $0xFFFFEC00  }
0x1ca: {  	v3 =	vld [tilespmem:$0x4DD0];
	_ =	sdelay $0x7  }
0x1cb: {  	[tilespmem:v3+s29+$0x0] =	vst.idx.add.f32.msk $0xffff, v2  }
0x1cc: {  	v3 =	vld [tilespmem:$0x4DE0];
	_ =	sdelay $0x7  }
0x1cd: {  	[tilespmem:v3+s29+$0x0] =	vst.idx.add.f32.msk $0xffff, v2  }
0x1ce: {  	v3 =	vld [tilespmem:$0x4DF0];
	_ =	sdelay $0x7  }
0x1cf: {  	[tilespmem:v3+s29+$0x0] =	vst.idx.add.f32.msk $0xffff, v2  }
0x1d0: {  	v3 =	vld [tilespmem:$0x4E00];
	_ =	sdelay $0x7  }
0x1d1: {  	[tilespmem:v3+s29+$0x0] =	vst.idx.add.f32.msk $0xffff, v2  }
0x1d2: {  	v3 =	vld [tilespmem:$0x4E10];
	_ =	sdelay $0x6  }
0x1d3: {  	s14 =	stileid.u32  }
0x1d4: {  	s12 =	sshll.u32 s14, $0x6;
	[tilespmem:v3+s29+$0x0] =	vst.idx.add.f32.msk $0xffff, v2  }
0x1d5: {  	s12 =	sor.u32 $0x1C09, s12;
	s13 =	sshrl.u32 s7, $0x3;
	[bflag:$0x0] =	sbarrier.arrive $0xFFFF  }
0x1d6: {  	[hbm:s15], [sflag:s12] =	dma.local [spmem:s13], $0x13C0  }
0x1d7: {  	s11 =	sadd.s32 $0x1, s11;
	_ =	swait.ge [sflag:s18], $0x13C0  }
0x1d8: {  	p0 =	sne.s32 s11, s17;
	[sflag:s18] =	ssyncset.done $0x0  }
.Ltmp3:
0x1d9: {  	[sflag:s18] =	ssyncadd.s32 $0xFFFFEC40;
	(pc) =	sbr.rel @p0 .LBB2_1-.Ltmp3, $4  }
0x1da: {  	[hbm4b:s16+s4] =	stream.linear.scatter [tilespmem:s29], [sflag:$0x9], $0x2710, $0x38;
	[tilespmem:$0x1C6F0] =	vst v63  }
0x1db: {  	_ =	swait.ge [sflag:s18], $0x2710  }
0x1dc: {  	[sflag:s18] =	ssyncset.done $0x0  }
0x1dd: {  	[sflag:s18] =	ssyncadd.s32 $0xFFFFD8F0  }
0x1de: {  	_ =	sfence.sel $0x180000  }
0x1df: {  	[bflag:$0x0] =	sbarrier.arrive $0xFFFF  }
0x1e0: {  	_ =	strace $0x90000047  }
0x1e1: {  	s0 =	stileid.u32;
	[bflag:$0x2] =	sbarrier.arrive $0xFFFF  }
0x1e2: {  	p0 =	sne.s32 s0, $0x0;
	s0 =	rddreg [dreg:$0x3]  }
0x1e3: {  	s0 =	sadd.s32 @!p0 $0x100000, s0  }
0x1e4: {  	[sflag:s0] =	ssyncadd.tile.s32 @!p0 $0x1;
	_ =	shalt  }
.Lfunc_end2:
_tile_overlayer_lowered:
.L_overlay_start_2:
0x1e5: {  	(tag) =	ssettag $0x2  }
0x1e6: {  	s0 =	rddreg [dreg:$0x0];
	s2 =	stileid.u32  }
0x1e7: {  	s1 =	rddreg [dreg:$0x1];
	p0 =	sne.s32 s2, $0x0  }
0x1e8: {  	s3 =	rddreg [dreg:$0x2];
	[bflag:$0x3] =	sbarrier.arrive $0xFFFF;
	s2 =	simm.s32 @!p0 $0x1C09  }
0x1e9: {  	[timem:s3], [sflag:s2] =	dma.local @!p0 [hbm:s0], s1  }
0x1ea: {  	s0 =	simm.s32 @!p0 $0x9  }
0x1eb: {  	_ =	swait.ge @!p0 [sflag:s0], s1  }
0x1ec: {  	s1 =	ssub.s32 @!p0 $0x0, s1;
	[sflag:s0] =	ssyncset.done @!p0 $0x0  }
0x1ed: {  	[sflag:s0] =	ssyncadd.s32 @!p0 s1  }
0x1ee: {  	[bflag:$0x3] =	sbarrier.arrive $0xFFFF  }
0x1ef: {  	_ =	shalt  }

// kernel: kernel.9.cloned.1.call-start
scs
__scs_entry_jumppad:
0x0: {  	(pc) =	sbr.rel $0x88, $3  }
0x1: {  	(tag) =	ssettag $0x0;
	lr =	simm.s32 $0x1  }
0x2: {  	[smem:$0x3F98] =	sst lr;
	_ =	strace $0xD0000000  }
0x3: {  	_ = 	snop  }
0x4: {  	_ = 	snop  }
0x5: {  	_ = 	snop  }
0x6: {  	_ = 	snop  }
0x7: {  	_ = 	snop  }
__scs_overlays_trampoline_lowered:
0x8: {  	[smem:$0x3FA7] =	sst s0  }
0x9: {  	[smem:$0x3FA8] =	sst s1  }
0xa: {  	[smem:$0x3FA9] =	sst s2  }
0xb: {  	[smem:$0x3FAA] =	sst s3  }
0xc: {  	[smem:$0x3FAB] =	sst s4  }
0xd: {  	[smem:$0x3FAC] =	sst s5  }
0xe: {  	[smem:$0x3FAD] =	sst s6  }
0xf: {  	[smem:$0x3FAE] =	sst s7  }
0x10: {  	[smem:$0x3FAF] =	sst s8  }
0x11: {  	[smem:$0x3FB0] =	sst s9;
	s0 =	simm.s32 @!p0 $0x0  }
0x12: {  	s1 =	sld [smem:$0x3F96];
	s0 =	simm.s32 @p0 $0x1  }
0x13: {  	[smem:$0x3FB1] =	sst s0;
	s0 =	simm.s32 @!p1 $0x0  }
0x14: {  	s2 =	sld [smem:$0x3F95];
	s0 =	simm.s32 @p1 $0x1  }
0x15: {  	[smem:$0x3FB2] =	sst s0;
	s0 =	simm.s32 @!p2 $0x0  }
0x16: {  	s3 =	sld [smem:$0x3FDB];
	s0 =	simm.s32 @p2 $0x1  }
0x17: {  	s4 =	simm.s32 $0x1BF5;
	[smem:$0x3FB4] =	sst s0  }
0x18: {  	s0 =	sld [smem:$0x3F97];
	_ =	swait.ge [sflag:s4], $0x0  }
0x19: {  	s7 =	sld [smem:$0x3F98]  }
0x1a: {  	s8 =	sadd.s32 $0xFFFFE003, lr  }
0x1b: {  	s9 =	sadd.s32 $0xFFFFFEF7, lr;
	s5 =	simm.s32 $0xFFFFFFFF;
	p2 =	slt.u32 s8, $0xFFFFF086  }
0x1c: {  	p1 =	slt.u32 s9, $0xF7A;
	s5 =	simm.s32 @!p2 $0x0  }
0x1d: {  	s5 =	simm.s32 @p1 $0x1;
	p0 =	seq.s32 s7, s2  }
0x1e: {  	s7 =	smul.u32 @!p0 $0xF7A, s2;
	p2 =	seq.s32 @!p0 s5, $0x0  }
0x1f: {  	s9 =	smul.u32 $0xF7A, s1;
	s8 =	simm.s32 @!p0 $0x1BF5;
	p2 =	por !p2, p0  }
0x20: {  	[sflag:s8] =	ssyncset.s32 @!p0 $0xFFFFF086;
	s6 =	sadd.s32 @!p0 s3, s7;
	s7 =	simm.s32 @!p0 $0x108  }
0x21: {  	s3 =	sadd.s32 s3, s9;
	s6 =	sadd.s32 @!p0 $0x88, s6;
	s7 =	simm.s32 @p2 $0x1082  }
0x22: {  	[simem:s7], [sflag:s8] =	dma.local @!p0 [hbm:s6], $0xF7A  }
0x23: {  	s9 =	sor.u32 $0xD0000000, s2;
	s6 =	simm.s32 $0x108;
	_ =	swait.ge @!p0 [sflag:s8], $0x0  }
0x24: {  	s3 =	sadd.s32 $0x88, s3;
	s6 =	simm.s32 @!p1 $0x1082;
	[sflag:s4] =	ssyncset.s32 $0xFFFFF086  }
0x25: {  	[simem:s6], [sflag:s4] =	dma.local [hbm:s3], $0xF7A  }
0x26: {  	[smem:$0x3F98] =	sst s1;
	(tag) =	ssettag s2;
	_ =	strace s9  }
0x27: {  	s1 =	sld [smem:$0x3FA8]  }
0x28: {  	s2 =	sld [smem:$0x3FA9]  }
0x29: {  	s4 =	sld [smem:$0x3FAB]  }
0x2a: {  	p0 =	seq.s32 s5, $0x0;
	s5 =	sld [smem:$0x3FAC]  }
0x2b: {  	s6 =	sld [smem:$0x3FAD]  }
0x2c: {  	s7 =	sld [smem:$0x3FAE]  }
0x2d: {  	s3 =	simm.s32 $0x108;
	s8 =	sld [smem:$0x3FAF]  }
0x2e: {  	s3 =	simm.s32 @!p0 $0x1082;
	s9 =	sld [smem:$0x3FB0]  }
0x2f: {  	lr =	sadd.s32 s0, s3;
	s0 =	sld [smem:$0x3FA7]  }
0x30: {  	s3 =	sld [smem:$0x3FAA]  }
0x31: {  	[smem:$0x3FB3] =	sst s10  }
0x32: {  	s10 =	sld [smem:$0x3FB1];
	_ =	sdelay $0x3  }
0x33: {  	p0 =	seq.s32 s10, $0x1;
	s10 =	sld [smem:$0x3FB3];
	_ =	sdelay $0x3  }
0x34: {  	[smem:$0x3FB3] =	sst s10  }
0x35: {  	s10 =	sld [smem:$0x3FB2];
	_ =	sdelay $0x3  }
0x36: {  	p1 =	seq.s32 s10, $0x1;
	s10 =	sld [smem:$0x3FB3];
	_ =	sdelay $0x3  }
0x37: {  	[smem:$0x3FB3] =	sst s10  }
0x38: {  	s10 =	sld [smem:$0x3FB4]  }
0x39: {  	_ = 	snop;
	(pc) =	sbr.ind lr, $3  }
0x3a: {  	_ = 	snop  }
0x3b: {  	_ = 	snop  }
0x3c: {  	p2 =	seq.s32 s10, $0x1;
	s10 =	sld [smem:$0x3FB3]  }
0x3d: {  	_ =	shalt  }
0x3e: {  	_ =	shalt  }
0x3f: {  	_ =	shalt  }
0x40: {  	_ =	shalt  }
0x41: {  	_ =	shalt  }
0x42: {  	_ =	shalt  }
0x43: {  	_ =	shalt  }
0x44: {  	_ =	shalt  }
0x45: {  	_ =	shalt  }
0x46: {  	_ =	shalt  }
0x47: {  	_ =	shalt  }
0x48: {  	_ =	shalt  }
0x49: {  	_ =	shalt  }
0x4a: {  	_ =	shalt  }
0x4b: {  	_ =	shalt  }
0x4c: {  	_ =	shalt  }
0x4d: {  	_ =	shalt  }
0x4e: {  	_ =	shalt  }
0x4f: {  	_ =	shalt  }
0x50: {  	_ =	shalt  }
0x51: {  	_ =	shalt  }
0x52: {  	_ =	shalt  }
0x53: {  	_ =	shalt  }
0x54: {  	_ =	shalt  }
0x55: {  	_ =	shalt  }
0x56: {  	_ =	shalt  }
0x57: {  	_ =	shalt  }
0x58: {  	_ =	shalt  }
0x59: {  	_ =	shalt  }
0x5a: {  	_ =	shalt  }
0x5b: {  	_ =	shalt  }
0x5c: {  	_ =	shalt  }
0x5d: {  	_ =	shalt  }
0x5e: {  	_ =	shalt  }
0x5f: {  	_ =	shalt  }
0x60: {  	_ =	shalt  }
0x61: {  	_ =	shalt  }
0x62: {  	_ =	shalt  }
0x63: {  	_ =	shalt  }
0x64: {  	_ =	shalt  }
0x65: {  	_ =	shalt  }
0x66: {  	_ =	shalt  }
0x67: {  	_ =	shalt  }
0x68: {  	_ =	shalt  }
0x69: {  	_ =	shalt  }
0x6a: {  	_ =	shalt  }
0x6b: {  	_ =	shalt  }
0x6c: {  	_ =	shalt  }
0x6d: {  	_ =	shalt  }
0x6e: {  	_ =	shalt  }
0x6f: {  	_ =	shalt  }
0x70: {  	_ =	shalt  }
0x71: {  	_ =	shalt  }
0x72: {  	_ =	shalt  }
0x73: {  	_ =	shalt  }
0x74: {  	_ =	shalt  }
0x75: {  	_ =	shalt  }
0x76: {  	_ =	shalt  }
0x77: {  	_ =	shalt  }
0x78: {  	_ =	shalt  }
0x79: {  	_ =	shalt  }
0x7a: {  	_ =	shalt  }
0x7b: {  	_ =	shalt  }
0x7c: {  	_ =	shalt  }
0x7d: {  	_ =	shalt  }
0x7e: {  	_ =	shalt  }
0x7f: {  	_ =	shalt  }
0x80: {  	_ =	shalt  }
0x81: {  	_ =	shalt  }
0x82: {  	_ =	shalt  }
0x83: {  	_ =	shalt  }
0x84: {  	_ =	shalt  }
0x85: {  	_ =	shalt  }
0x86: {  	_ =	shalt  }
0x87: {  	_ =	shalt  }
.Lfunc_end0:
.L_simem_size_0:
called_computation.1_lowered:
.L_overlay_start_0:
0x88: {  	s2 =	sld [smem:$0x3FD9]  }
0x89: {  	s3 =	sld [smem:$0x3FFE];
	_ =	sdelay $0x1  }
0x8a: {  	s1 =	srdreg.scid  }
0x8b: {  	s0 =	sand.u32 $0x1, s1  }
0x8c: {  	s17 =	sshll.u32 s0, $0xA;
	s2 =	sadd.s32 s3, s2  }
0x8d: {  	s2 =	sadd.s32 s2, s17  }
0x8e: {  	[smem:$0x3FBF] =	sst s2  }
0x8f: {  	_ = 	snop  }
0x90: {  	s2 =	sld [smem:$0x3FD0];
	(tm) =	ssettm $0x1  }
0x91: {  	s18 =	sld [smem:$0x3FFB];
	_ =	sdelay $0x3  }
0x92: {  	_ =	strace s18  }
0x93: {  	s3 =	sld [smem:$0x3FFC];
	_ =	sdelay $0x3  }
0x94: {  	_ =	strace s3  }
0x95: {  	s3 =	sld [smem:$0x3FFD];
	_ =	sdelay $0x3  }
0x96: {  	_ =	strace s3  }
0x97: {  	_ =	strace $0x8FFFFFFF  }
0x98: {  	s19 =	sld [smem:$0x3FDB];
	_ =	sdelay $0x1  }
0x99: {  	s4 =	simm.s32 $_scs_section_size  }
0x9a: {  	s5 =	simm.s32 $_size__tile_overlayer_lowered;
	s6 =	simm.s32 $_tile_overlayer_lowered  }
0x9b: {  	s22 =	simm.s32 $0x1BFF;
	s21 =	sshll.u32 s6, $0x1;
	s3 =	sadd.s32 s4, s19  }
0x9c: {  	s7 =	simm.s32 $0x0;
	s20 =	sshll.u32 s5, $0x1;
	s5 =	sadd.s32 s21, s3  }
0x9d: {  	[timem:s7], [sflag:s22] =	dma.local [hbm:s5], s20  }
0x9e: {  	_ =	swait.ge [sflag:s22], s20  }
0x9f: {  	s4 =	ssub.s32 $0x0, s20;
	[sflag:s22] =	ssyncset.done $0x0  }
0xa0: {  	[sflag:s22] =	ssyncadd.s32 s4;
	_ =	sdelay $0x1  }
0xa1: {  	s23 =	simm.s32 $0x1B8B  }
0xa2: {  	_ =	swait.ge [sflag:s23], $0x1  }
0xa3: {  	[sflag:s23] =	ssyncset.done $0x0  }
0xa4: {  	s25 =	simm.s32 $0x1B8E;
	s24 =	sld [smem:$0x3FFE];
	[sflag:s23] =	ssyncadd.s32 $0xFFFFFFFF  }
0xa5: {  	s26 =	simm.s32 $execute0_lowered;
	[smem:$0x3FD2] =	sst s25  }
0xa6: {  	s5 =	sshll.u32 s26, $0x1;
	_ =	strace $0x80000049;
	[dreg:$0x1] =	wrdreg $0xFFFFFFFF  }
0xa7: {  	s28 =	simm.s32 $_size_execute0_lowered;
	s3 =	sadd.s32 s3, s5;
	[dreg:$0x0] =	wrdreg $0x0  }
0xa8: {  	s5 =	sshll.u32 s28, $0x1;
	[dreg:$0x2] =	wrdreg s3  }
0xa9: {  	[dreg:$0x3] =	wrdreg s5  }
0xaa: {  	[dreg:$0x4] =	wrdreg $0xC0  }
0xab: {  	_ =	task [dreg:s7], $0x5FFFF  }
0xac: {  	[dreg:$0x1] =	wrdreg $0xFFFFFFFF  }
0xad: {  	[dreg:$0x0] =	wrdreg $0x60  }
0xae: {  	[dreg:$0x2] =	wrdreg s24  }
0xaf: {  	[dreg:$0x3] =	wrdreg s2  }
0xb0: {  	[dreg:$0x4] =	wrdreg $0xCF100  }
0xb1: {  	[dreg:$0x5] =	wrdreg $0x9  }
0xb2: {  	_ =	task.clear_ibuf [dreg:s7], $0x6FFFF;
	_ =	strace $0x90000049  }
0xb3: {  	s29 =	simm.s32 $0x9;
	_ =	strace $0x8000004B  }
0xb4: {  	_ =	swait.ge [sflag:s29], $0x1  }
0xb5: {  	[sflag:s29] =	ssyncadd.s32 $0xFFFFFFFF  }
0xb6: {  	_ =	strace $0x9000004B  }
0xb7: {  	_ =	sfence  }
0xb8: {  	s30 =	sld [smem:$0x0];
	_ =	sdelay $0x2  }
0xb9: {  	s31 =	sshll.u32 s1, $0xD;
	s1 =	sshrl.u32 s1, $0x2  }
0xba: {  	s3 =	sand.u32 $0x4000, s31;
	s1 =	sadd.s32 s1, s30  }
0xbb: {  	s0 =	sor.u32 s3, s0;
	s1 =	sshll.u32 s1, $0x11  }
0xbc: {  	s0 =	sor.u32 s1, s0  }
0xbd: {  	s0 =	sadd.s32 $0x8F2B, s0  }
0xbe: {  	[sflag:s0] =	ssyncadd.remote.s32 $0x1  }
0xbf: {  	_ =	sfence.sel $0xFFFF  }
0xc0: {  	[dreg:$0x0] =	wrdreg $0xFFFFFFFF;
	(pc) =	sbr.abs _section_cstart, $3  }
0xc1: {  	[dreg:$0x1] =	wrdreg $0xFFFFFFFF  }
0xc2: {  	_ =	task.clear_ibuf [dreg:s7], $0x2FFFF;
	_ =	strace $0x9FFFFFFF  }
0xc3: {  	(tm) =	ssettm $0x7FFFFFFF  }
tec
execute0_lowered:
.L_overlay_start_1:
0x0: {  	(tag) =	ssettag $0x1  }
0x1: {  	s0 =	srdreg.scid;
	s1 =	rddreg [dreg:$0x0]  }
0x2: {  	s10 =	stileid.u32;
	s5 =	rddreg [dreg:$0x1];
	s28 =	simm.s32 $0x6C20  }
0x3: {  	s30 =	simm.s32 $0x7620;
	s29 =	simm.s32 $0xA800;
	s7 =	smul.u32 $0x2710, s10  }
0x4: {  	s31 =	simm.s32 $0x9420;
	s0 =	sand.u32 $0x1, s0;
	s9 =	smul.u32 $0x13C00, s10  }
0x5: {  	s2 =	sshll.u32 s0, $0x4;
	s6 =	smul.u32 $0x27100, s0;
	s14 =	ssub.s32 $0x2, s0  }
0x6: {  	s0 =	smul.u32 $0x9E000, s0;
	s3 =	sor.u32 s10, s2;
	s2 =	rddreg [dreg:$0x2]  }
0x7: {  	s15 =	sshrl.u32 s14, $0x1;
	s10 =	smul.u32 $0x9E00, s10;
	s17 =	sshrl.u32 s9, $0x2  }
0x8: {  	s9 =	simm.s32 $0x7;
	s4 =	smul.u32 $0x2710, s3;
	s3 =	simm.s32 $0x0  }
0x9: {  	s6 =	sadd.s32 s7, s6;
	s11 =	sadd.s32 s17, s2;
	[smem:$0x7FF] =	sst s3  }
0xa: {  	s6 =	sshrl.u32 s6, $0x3;
	s18 =	sshrl.u32 s10, $0x1;
	s20 =	sadd.s32 $0x9E0, s11  }
0xb: {  	s21 =	sadd.s32 $0x13C0, s11;
	_ =	strace $0x8000004A;
	[dreg:$0x6] =	wrdreg s20  }
0xc: {  	s22 =	sadd.s32 $0x1DA0, s11;
	s0 =	sadd.s32 s10, s0;
	[dreg:$0x7] =	wrdreg s21  }
0xd: {  	s23 =	sadd.s32 $0x2780, s11;
	s24 =	sadd.s32 $0x3160, s11;
	[dreg:$0x8] =	wrdreg s22  }
0xe: {  	s25 =	sadd.s32 $0x3B40, s11;
	s26 =	sadd.s32 $0x4520, s11;
	[dreg:$0x9] =	wrdreg s23  }
0xf: {  	s10 =	simm.s32 $0x8;
	s11 =	simm.s32 $0x0;
	[dreg:$0xa] =	wrdreg s24  }
0x10: {  	s8 =	sshrl.u32 s4, $0x3;
	s4 =	sadd.s32 $0x2600, s1;
	[dreg:$0xb] =	wrdreg s25  }
0x11: {  	s7 =	sadd.s32 s18, s2;
	s0 =	sshrl.u32 s0, $0x4;
	[dreg:$0xc] =	wrdreg s26  }
0x12: {  	s18 =	simm.s32 $0x9;
	s20 =	simm.s32 $0x9E20;
	s21 =	simm.s32 $0x50  }
0x13: {  	s22 =	simm.s32 $0x4E20;
	s23 =	simm.s32 $0x5820;
	s25 =	simm.s32 $0x6220  }
0x14: {  	s24 =	simm.s32 $0x8A20;
	s26 =	simm.s32 $0x1;
	s8 =	sadd.s32 s8, s1  }
0x15: {  	s1 =	sadd.s32 s6, s1;
	s6 =	ssub.s32 s14, s15;
	s15 =	sadd.s32 s5, s0  }
0x16: {  	s0 =	simm.s32 $0x3;
	s5 =	simm.s32 $0x4;
	s16 =	sadd.s32 $0x47600, s8  }
0x17: {  	s19 =	sadd.s32 $0x51240, s8;
	s17 =	smax.u32 s6, $0x1;
	[dreg:$0x4] =	wrdreg s16  }
0x18: {  	s6 =	simm.s32 $0x5;
	s8 =	simm.s32 $0x6;
	[dreg:$0x5] =	wrdreg s19  }
0x19: {  	v0 =	vimm.bf16 $0.0e+00;
	v1 =	vimm.f32 $0.0e+00;
	v2 =	vimm.f32 $1.000000000e+00;
	s16 =	sadd.s32 $0xC400, s1;
	s1 =	simm.s32 $0x8020;
	s19 =	simm.s32 $0x2  }
.LBB2_1:
0x1a: {  	s12 =	rddreg [dreg:$0x4]  }
0x1b: {  	[tilespmem:s3], [sflag:$0x9] =	stream.linear.gather [hbm4b:s12+s3], $0x2710, $0x38;
	[tilespmem:$0x11E10] =	vst v63  }
0x1c: {  	_ =	swait.ge [sflag:s18], $0x2710  }
0x1d: {  	[sflag:s18] =	ssyncset.done $0x0  }
0x1e: {  	s13 =	simm.s32 $0x2710;
	s14 =	rddreg [dreg:$0x5];
	[sflag:s18] =	ssyncadd.s32 $0xFFFFD8F0  }
0x1f: {  	[tilespmem:s13], [sflag:$0x9] =	stream.linear.gather [hbm4b:s14+s3], $0x2710, $0x38;
	[tilespmem:$0x11E10] =	vst v63  }
0x20: {  	_ =	swait.ge [sflag:s18], $0x2710  }
0x21: {  	[sflag:s18] =	ssyncset.done $0x0  }
0x22: {  	s12 =	simm.s32 $0x0;
	[sflag:s18] =	ssyncadd.s32 $0xFFFFD8F0  }
.LBB2_2:
0x23: {  	p0 =	sne.s32 s12, $0x2700  }
.Ltmp0:
0x24: {  	_ = 	snop;
	(pc) =	sbr.rel @p0 .LBB2_2-.Ltmp0, $4  }
0x25: {  	_ = 	snop  }
0x26: {  	s13 =	sshra.s32 s12, $0x2  }
0x27: {  	[tilespmem:s13+$0x9E20] =	vst v0  }
0x28: {  	s12 =	sadd.s32 $0x80, s12;
	[tilespmem:s13+$0x9E30] =	vst v0  }
0x29: {  	s12 =	simm.s32 $0x40;
	s13 =	simm.s32 $0x0  }
.LBB2_4:
0x2a: {  	p0 =	sne.s32 s12, $0x9C00;
	[tilespmem:s13+$0xA800] =	vst v1;
	s13 =	smov.u32 s12;
	s12 =	sadd.s32 $0x40, s12  }
.Ltmp1:
0x2b: {  	(pc) =	sbr.rel @p0 .LBB2_4-.Ltmp1, $2  }
0x2c: {  	_ =	sdelay $0x2  }
0x2d: {  	s13 =	sshra.s32 s13, $0x2  }
0x2e: {  	[tilespmem:s13+$0xA800] =	vst v1  }
0x2f: {  	[spmem:s7] =	stream.linear.scatter [tilespmem:s20], [sflag:$0x9], $0x9E0, $0x38;
	[tilespmem:$0x11E10] =	vst v63  }
0x30: {  	_ =	swait.ge [sflag:s18], $0x9E0  }
0x31: {  	[sflag:s18] =	ssyncset.done $0x0  }
0x32: {  	s12 =	rddreg [dreg:$0x6];
	[sflag:s18] =	ssyncadd.s32 $0xFFFFF620  }
0x33: {  	[spmem:s12] =	stream.linear.scatter [tilespmem:s20], [sflag:$0x9], $0x9E0, $0x38;
	[tilespmem:$0x11E10] =	vst v63  }
0x34: {  	_ =	swait.ge [sflag:s18], $0x9E0  }
0x35: {  	[sflag:s18] =	ssyncset.done $0x0  }
0x36: {  	s14 =	rddreg [dreg:$0x7];
	[sflag:s18] =	ssyncadd.s32 $0xFFFFF620  }
0x37: {  	[spmem:s14] =	stream.linear.scatter [tilespmem:s20], [sflag:$0x9], $0x9E0, $0x38;
	[tilespmem:$0x11E10] =	vst v63  }
0x38: {  	_ =	swait.ge [sflag:s18], $0x9E0  }
0x39: {  	[sflag:s18] =	ssyncset.done $0x0  }
0x3a: {  	s13 =	rddreg [dreg:$0x8];
	[sflag:s18] =	ssyncadd.s32 $0xFFFFF620  }
0x3b: {  	[spmem:s13] =	stream.linear.scatter [tilespmem:s20], [sflag:$0x9], $0x9E0, $0x38;
	[tilespmem:$0x11E10] =	vst v63  }
0x3c: {  	_ =	swait.ge [sflag:s18], $0x9E0  }
0x3d: {  	[sflag:s18] =	ssyncset.done $0x0  }
0x3e: {  	s14 =	rddreg [dreg:$0x9];
	[sflag:s18] =	ssyncadd.s32 $0xFFFFF620  }
0x3f: {  	[spmem:s14] =	stream.linear.scatter [tilespmem:s20], [sflag:$0x9], $0x9E0, $0x38;
	[tilespmem:$0x11E10] =	vst v63  }
0x40: {  	_ =	swait.ge [sflag:s18], $0x9E0  }
0x41: {  	[sflag:s18] =	ssyncset.done $0x0  }
0x42: {  	s13 =	rddreg [dreg:$0xa];
	[sflag:s18] =	ssyncadd.s32 $0xFFFFF620  }
0x43: {  	[spmem:s13] =	stream.linear.scatter [tilespmem:s20], [sflag:$0x9], $0x9E0, $0x38;
	[tilespmem:$0x11E10] =	vst v63  }
0x44: {  	_ =	swait.ge [sflag:s18], $0x9E0  }
0x45: {  	[sflag:s18] =	ssyncset.done $0x0  }
0x46: {  	s14 =	rddreg [dreg:$0xb];
	[sflag:s18] =	ssyncadd.s32 $0xFFFFF620  }
0x47: {  	[spmem:s14] =	stream.linear.scatter [tilespmem:s20], [sflag:$0x9], $0x9E0, $0x38;
	[tilespmem:$0x11E10] =	vst v63  }
0x48: {  	_ =	swait.ge [sflag:s18], $0x9E0  }
0x49: {  	[sflag:s18] =	ssyncset.done $0x0  }
0x4a: {  	s13 =	rddreg [dreg:$0xc];
	[sflag:s18] =	ssyncadd.s32 $0xFFFFF620  }
0x4b: {  	[spmem:s13] =	stream.linear.scatter [tilespmem:s20], [sflag:$0x9], $0x9E0, $0x38;
	[tilespmem:$0x11E10] =	vst v63  }
0x4c: {  	_ =	swait.ge [sflag:s18], $0x9E0  }
0x4d: {  	[sflag:s18] =	ssyncset.done $0x0  }
0x4e: {  	[sflag:s18] =	ssyncadd.s32 $0xFFFFF620  }
0x4f: {  	s12 =	simm.s32 $0x0;
	[bflag:$0x0] =	sbarrier.arrive $0xFFFF  }
0x50: {  	[tilespmem:s22], [sflag:$0x1] =	stream.indirect.gather [hbm4b:s4+s21], $0x20, s12, s21, $0xb8;
	[tilespmem:$0x11E10] =	vst v63  }
0x51: {  	_ = 	snop  }
0x52: {  	[tilespmem:s23], [sflag:$0x2] =	stream.indirect.gather [hbm4b:s4+s21], $0x20, s21, s21, $0xb8;
	[tilespmem:$0x11E10] =	vst v63  }
0x53: {  	s14 =	simm.s32 $0xA0  }
0x54: {  	[tilespmem:s25], [sflag:$0x3] =	stream.indirect.gather [hbm4b:s4+s21], $0x20, s14, s21, $0xb8;
	[tilespmem:$0x11E10] =	vst v63  }
0x55: {  	s14 =	simm.s32 $0xF0  }
0x56: {  	[tilespmem:s28], [sflag:$0x4] =	stream.indirect.gather [hbm4b:s4+s21], $0x20, s14, s21, $0xb8;
	[tilespmem:$0x11E10] =	vst v63  }
0x57: {  	s14 =	simm.s32 $0x140  }
0x58: {  	[tilespmem:s30], [sflag:$0x5] =	stream.indirect.gather [hbm4b:s4+s21], $0x20, s14, s21, $0xb8;
	[tilespmem:$0x11E10] =	vst v63  }
0x59: {  	s14 =	simm.s32 $0x190  }
0x5a: {  	[tilespmem:s1], [sflag:$0x6] =	stream.indirect.gather [hbm4b:s4+s21], $0x20, s14, s21, $0xb8;
	[tilespmem:$0x11E10] =	vst v63  }
0x5b: {  	s14 =	simm.s32 $0x1E0  }
0x5c: {  	[tilespmem:s24], [sflag:$0x7] =	stream.indirect.gather [hbm4b:s4+s21], $0x20, s14, s21, $0xb8;
	[tilespmem:$0x11E10] =	vst v63  }
.LBB2_6:
0x5d: {  	_ =	swait.ge [sflag:s26], $0xA00  }
0x5e: {  	s13 =	sshra.s32 s12, $0x2;
	[sflag:s26] =	ssyncset.done $0x0  }
0x5f: {  	s14 =	sadd.s32 $0x2710, s13;
	[sflag:s26] =	ssyncadd.s32 $0xFFFFF600  }
0x60: {  	[spmem:s2] =	stream.indirect.scatter.add.bf16 [tilespmem:s22], [sflag:$0x9], $0x20, s14, s21, $0xb8;
	[tilespmem:$0x11E10] =	vst v63  }
0x61: {  	_ =	swait.ge [sflag:s18], $0xA00  }
0x62: {  	[sflag:s18] =	ssyncset.done $0x0  }
0x63: {  	[sflag:s18] =	ssyncadd.s32 $0xFFFFF600  }
0x64: {  	v3 =	vld [tilespmem:s13+$0x2710];
	_ =	sdelay $0x7  }
0x65: {  	[tilespmem:v3+s29+$0x0] =	vst.idx.add.f32.msk $0xffff, v2  }
0x66: {  	v3 =	vld [tilespmem:s13+$0x2720];
	_ =	sdelay $0x7  }
0x67: {  	[tilespmem:v3+s29+$0x0] =	vst.idx.add.f32.msk $0xffff, v2  }
0x68: {  	v3 =	vld [tilespmem:s13+$0x2730];
	_ =	sdelay $0x7  }
0x69: {  	[tilespmem:v3+s29+$0x0] =	vst.idx.add.f32.msk $0xffff, v2  }
0x6a: {  	v3 =	vld [tilespmem:s13+$0x2740];
	_ =	sdelay $0x7  }
0x6b: {  	[tilespmem:v3+s29+$0x0] =	vst.idx.add.f32.msk $0xffff, v2  }
0x6c: {  	v3 =	vld [tilespmem:s13+$0x2750];
	_ =	sdelay $0x7  }
0x6d: {  	s14 =	sadd.s32 $0x230, s13;
	[tilespmem:v3+s29+$0x0] =	vst.idx.add.f32.msk $0xffff, v2  }
0x6e: {  	[tilespmem:s31], [sflag:$0x8] =	stream.indirect.gather [hbm4b:s4+s21], $0x20, s14, s21, $0xb8;
	[tilespmem:$0x11E10] =	vst v63  }
0x6f: {  	_ =	swait.ge [sflag:s19], $0xA00  }
0x70: {  	[sflag:s19] =	ssyncset.done $0x0  }
0x71: {  	s14 =	sadd.s32 $0x2760, s13;
	[sflag:s19] =	ssyncadd.s32 $0xFFFFF600  }
0x72: {  	[spmem:s2] =	stream.indirect.scatter.add.bf16 [tilespmem:s23], [sflag:$0x9], $0x20, s14, s21, $0xb8;
	[tilespmem:$0x11E10] =	vst v63  }
0x73: {  	_ =	swait.ge [sflag:s18], $0xA00  }
0x74: {  	[sflag:s18] =	ssyncset.done $0x0  }
0x75: {  	[sflag:s18] =	ssyncadd.s32 $0xFFFFF600  }
0x76: {  	v3 =	vld [tilespmem:s13+$0x2760];
	_ =	sdelay $0x7  }
0x77: {  	[tilespmem:v3+s29+$0x0] =	vst.idx.add.f32.msk $0xffff, v2  }
0x78: {  	v3 =	vld [tilespmem:s13+$0x2770];
	_ =	sdelay $0x7  }
0x79: {  	[tilespmem:v3+s29+$0x0] =	vst.idx.add.f32.msk $0xffff, v2  }
0x7a: {  	v3 =	vld [tilespmem:s13+$0x2780];
	_ =	sdelay $0x7  }
0x7b: {  	[tilespmem:v3+s29+$0x0] =	vst.idx.add.f32.msk $0xffff, v2  }
0x7c: {  	v3 =	vld [tilespmem:s13+$0x2790];
	_ =	sdelay $0x7  }
0x7d: {  	[tilespmem:v3+s29+$0x0] =	vst.idx.add.f32.msk $0xffff, v2  }
0x7e: {  	v3 =	vld [tilespmem:s13+$0x27A0];
	_ =	sdelay $0x7  }
0x7f: {  	s14 =	sadd.s32 $0x280, s13;
	[tilespmem:v3+s29+$0x0] =	vst.idx.add.f32.msk $0xffff, v2  }
0x80: {  	[tilespmem:s22], [sflag:$0x1] =	stream.indirect.gather [hbm4b:s4+s21], $0x20, s14, s21, $0xb8;
	[tilespmem:$0x11E10] =	vst v63  }
0x81: {  	_ =	swait.ge [sflag:s0], $0xA00  }
0x82: {  	[sflag:s0] =	ssyncset.done $0x0  }
0x83: {  	s14 =	sadd.s32 $0x27B0, s13;
	[sflag:s0] =	ssyncadd.s32 $0xFFFFF600  }
0x84: {  	[spmem:s2] =	stream.indirect.scatter.add.bf16 [tilespmem:s25], [sflag:$0x9], $0x20, s14, s21, $0xb8;
	[tilespmem:$0x11E10] =	vst v63  }
0x85: {  	_ =	swait.ge [sflag:s18], $0xA00  }
0x86: {  	[sflag:s18] =	ssyncset.done $0x0  }
0x87: {  	[sflag:s18] =	ssyncadd.s32 $0xFFFFF600  }
0x88: {  	v3 =	vld [tilespmem:s13+$0x27B0];
	_ =	sdelay $0x7  }
0x89: {  	[tilespmem:v3+s29+$0x0] =	vst.idx.add.f32.msk $0xffff, v2  }
0x8a: {  	v3 =	vld [tilespmem:s13+$0x27C0];
	_ =	sdelay $0x7  }
0x8b: {  	[tilespmem:v3+s29+$0x0] =	vst.idx.add.f32.msk $0xffff, v2  }
0x8c: {  	v3 =	vld [tilespmem:s13+$0x27D0];
	_ =	sdelay $0x7  }
0x8d: {  	[tilespmem:v3+s29+$0x0] =	vst.idx.add.f32.msk $0xffff, v2  }
0x8e: {  	v3 =	vld [tilespmem:s13+$0x27E0];
	_ =	sdelay $0x7  }
0x8f: {  	[tilespmem:v3+s29+$0x0] =	vst.idx.add.f32.msk $0xffff, v2  }
0x90: {  	v3 =	vld [tilespmem:s13+$0x27F0];
	_ =	sdelay $0x7  }
0x91: {  	s14 =	sadd.s32 $0x2D0, s13;
	[tilespmem:v3+s29+$0x0] =	vst.idx.add.f32.msk $0xffff, v2  }
0x92: {  	[tilespmem:s23], [sflag:$0x2] =	stream.indirect.gather [hbm4b:s4+s21], $0x20, s14, s21, $0xb8;
	[tilespmem:$0x11E10] =	vst v63  }
0x93: {  	_ =	swait.ge [sflag:s5], $0xA00  }
0x94: {  	[sflag:s5] =	ssyncset.done $0x0  }
0x95: {  	s14 =	sadd.s32 $0x2800, s13;
	[sflag:s5] =	ssyncadd.s32 $0xFFFFF600  }
0x96: {  	[spmem:s2] =	stream.indirect.scatter.add.bf16 [tilespmem:s28], [sflag:$0x9], $0x20, s14, s21, $0xb8;
	[tilespmem:$0x11E10] =	vst v63  }
0x97: {  	_ =	swait.ge [sflag:s18], $0xA00  }
0x98: {  	[sflag:s18] =	ssyncset.done $0x0  }
0x99: {  	[sflag:s18] =	ssyncadd.s32 $0xFFFFF600  }
0x9a: {  	v3 =	vld [tilespmem:s13+$0x2800];
	_ =	sdelay $0x7  }
0x9b: {  	[tilespmem:v3+s29+$0x0] =	vst.idx.add.f32.msk $0xffff, v2  }
0x9c: {  	v3 =	vld [tilespmem:s13+$0x2810];
	_ =	sdelay $0x7  }
0x9d: {  	[tilespmem:v3+s29+$0x0] =	vst.idx.add.f32.msk $0xffff, v2  }
0x9e: {  	v3 =	vld [tilespmem:s13+$0x2820];
	_ =	sdelay $0x7  }
0x9f: {  	[tilespmem:v3+s29+$0x0] =	vst.idx.add.f32.msk $0xffff, v2  }
0xa0: {  	v3 =	vld [tilespmem:s13+$0x2830];
	_ =	sdelay $0x7  }
0xa1: {  	[tilespmem:v3+s29+$0x0] =	vst.idx.add.f32.msk $0xffff, v2  }
0xa2: {  	v3 =	vld [tilespmem:s13+$0x2840];
	_ =	sdelay $0x7  }
0xa3: {  	s14 =	sadd.s32 $0x320, s13;
	[tilespmem:v3+s29+$0x0] =	vst.idx.add.f32.msk $0xffff, v2  }
0xa4: {  	[tilespmem:s25], [sflag:$0x3] =	stream.indirect.gather [hbm4b:s4+s21], $0x20, s14, s21, $0xb8;
	[tilespmem:$0x11E10] =	vst v63  }
0xa5: {  	_ =	swait.ge [sflag:s6], $0xA00  }
0xa6: {  	[sflag:s6] =	ssyncset.done $0x0  }
0xa7: {  	s14 =	sadd.s32 $0x2850, s13;
	[sflag:s6] =	ssyncadd.s32 $0xFFFFF600  }
0xa8: {  	[spmem:s2] =	stream.indirect.scatter.add.bf16 [tilespmem:s30], [sflag:$0x9], $0x20, s14, s21, $0xb8;
	[tilespmem:$0x11E10] =	vst v63  }
0xa9: {  	_ =	swait.ge [sflag:s18], $0xA00  }
0xaa: {  	[sflag:s18] =	ssyncset.done $0x0  }
0xab: {  	[sflag:s18] =	ssyncadd.s32 $0xFFFFF600  }
0xac: {  	v3 =	vld [tilespmem:s13+$0x2850];
	_ =	sdelay $0x7  }
0xad: {  	[tilespmem:v3+s29+$0x0] =	vst.idx.add.f32.msk $0xffff, v2  }
0xae: {  	v3 =	vld [tilespmem:s13+$0x2860];
	_ =	sdelay $0x7  }
0xaf: {  	[tilespmem:v3+s29+$0x0] =	vst.idx.add.f32.msk $0xffff, v2  }
0xb0: {  	v3 =	vld [tilespmem:s13+$0x2870];
	_ =	sdelay $0x7  }
0xb1: {  	[tilespmem:v3+s29+$0x0] =	vst.idx.add.f32.msk $0xffff, v2  }
0xb2: {  	v3 =	vld [tilespmem:s13+$0x2880];
	_ =	sdelay $0x7  }
0xb3: {  	[tilespmem:v3+s29+$0x0] =	vst.idx.add.f32.msk $0xffff, v2  }
0xb4: {  	v3 =	vld [tilespmem:s13+$0x2890];
	_ =	sdelay $0x7  }
0xb5: {  	s14 =	sadd.s32 $0x370, s13;
	[tilespmem:v3+s29+$0x0] =	vst.idx.add.f32.msk $0xffff, v2  }
0xb6: {  	[tilespmem:s28], [sflag:$0x4] =	stream.indirect.gather [hbm4b:s4+s21], $0x20, s14, s21, $0xb8;
	[tilespmem:$0x11E10] =	vst v63  }
0xb7: {  	_ =	swait.ge [sflag:s8], $0xA00  }
0xb8: {  	[sflag:s8] =	ssyncset.done $0x0  }
0xb9: {  	s14 =	sadd.s32 $0x28A0, s13;
	[sflag:s8] =	ssyncadd.s32 $0xFFFFF600  }
0xba: {  	[spmem:s2] =	stream.indirect.scatter.add.bf16 [tilespmem:s1], [sflag:$0x9], $0x20, s14, s21, $0xb8;
	[tilespmem:$0x11E10] =	vst v63  }
0xbb: {  	_ =	swait.ge [sflag:s18], $0xA00  }
0xbc: {  	[sflag:s18] =	ssyncset.done $0x0  }
0xbd: {  	[sflag:s18] =	ssyncadd.s32 $0xFFFFF600  }
0xbe: {  	v3 =	vld [tilespmem:s13+$0x28A0];
	_ =	sdelay $0x7  }
0xbf: {  	[tilespmem:v3+s29+$0x0] =	vst.idx.add.f32.msk $0xffff, v2  }
0xc0: {  	v3 =	vld [tilespmem:s13+$0x28B0];
	_ =	sdelay $0x7  }
0xc1: {  	[tilespmem:v3+s29+$0x0] =	vst.idx.add.f32.msk $0xffff, v2  }
0xc2: {  	v3 =	vld [tilespmem:s13+$0x28C0];
	_ =	sdelay $0x7  }
0xc3: {  	[tilespmem:v3+s29+$0x0] =	vst.idx.add.f32.msk $0xffff, v2  }
0xc4: {  	v3 =	vld [tilespmem:s13+$0x28D0];
	_ =	sdelay $0x7  }
0xc5: {  	[tilespmem:v3+s29+$0x0] =	vst.idx.add.f32.msk $0xffff, v2  }
0xc6: {  	v3 =	vld [tilespmem:s13+$0x28E0];
	_ =	sdelay $0x7  }
0xc7: {  	s14 =	sadd.s32 $0x3C0, s13;
	[tilespmem:v3+s29+$0x0] =	vst.idx.add.f32.msk $0xffff, v2  }
0xc8: {  	[tilespmem:s30], [sflag:$0x5] =	stream.indirect.gather [hbm4b:s4+s21], $0x20, s14, s21, $0xb8;
	[tilespmem:$0x11E10] =	vst v63  }
0xc9: {  	_ =	swait.ge [sflag:s9], $0xA00  }
0xca: {  	[sflag:s9] =	ssyncset.done $0x0  }
0xcb: {  	s14 =	sadd.s32 $0x28F0, s13;
	[sflag:s9] =	ssyncadd.s32 $0xFFFFF600  }
0xcc: {  	[spmem:s2] =	stream.indirect.scatter.add.bf16 [tilespmem:s24], [sflag:$0x9], $0x20, s14, s21, $0xb8;
	[tilespmem:$0x11E10] =	vst v63  }
0xcd: {  	_ =	swait.ge [sflag:s18], $0xA00  }
0xce: {  	[sflag:s18] =	ssyncset.done $0x0  }
0xcf: {  	[sflag:s18] =	ssyncadd.s32 $0xFFFFF600  }
0xd0: {  	v3 =	vld [tilespmem:s13+$0x28F0];
	_ =	sdelay $0x7  }
0xd1: {  	[tilespmem:v3+s29+$0x0] =	vst.idx.add.f32.msk $0xffff, v2  }
0xd2: {  	v3 =	vld [tilespmem:s13+$0x2900];
	_ =	sdelay $0x7  }
0xd3: {  	[tilespmem:v3+s29+$0x0] =	vst.idx.add.f32.msk $0xffff, v2  }
0xd4: {  	v3 =	vld [tilespmem:s13+$0x2910];
	_ =	sdelay $0x7  }
0xd5: {  	[tilespmem:v3+s29+$0x0] =	vst.idx.add.f32.msk $0xffff, v2  }
0xd6: {  	v3 =	vld [tilespmem:s13+$0x2920];
	_ =	sdelay $0x7  }
0xd7: {  	[tilespmem:v3+s29+$0x0] =	vst.idx.add.f32.msk $0xffff, v2  }
0xd8: {  	v3 =	vld [tilespmem:s13+$0x2930];
	_ =	sdelay $0x7  }
0xd9: {  	s14 =	sadd.s32 $0x410, s13;
	[tilespmem:v3+s29+$0x0] =	vst.idx.add.f32.msk $0xffff, v2  }
0xda: {  	[tilespmem:s1], [sflag:$0x6] =	stream.indirect.gather [hbm4b:s4+s21], $0x20, s14, s21, $0xb8;
	[tilespmem:$0x11E10] =	vst v63  }
0xdb: {  	_ =	swait.ge [sflag:s10], $0xA00  }
0xdc: {  	[sflag:s10] =	ssyncset.done $0x0  }
0xdd: {  	s14 =	sadd.s32 $0x2940, s13;
	[sflag:s10] =	ssyncadd.s32 $0xFFFFF600  }
0xde: {  	[spmem:s2] =	stream.indirect.scatter.add.bf16 [tilespmem:s31], [sflag:$0x9], $0x20, s14, s21, $0xb8;
	[tilespmem:$0x11E10] =	vst v63  }
0xdf: {  	_ =	swait.ge [sflag:s18], $0xA00  }
0xe0: {  	[sflag:s18] =	ssyncset.done $0x0  }
0xe1: {  	[sflag:s18] =	ssyncadd.s32 $0xFFFFF600  }
0xe2: {  	v3 =	vld [tilespmem:s13+$0x2940];
	_ =	sdelay $0x7  }
0xe3: {  	[tilespmem:v3+s29+$0x0] =	vst.idx.add.f32.msk $0xffff, v2  }
0xe4: {  	v3 =	vld [tilespmem:s13+$0x2950];
	_ =	sdelay $0x7  }
0xe5: {  	[tilespmem:v3+s29+$0x0] =	vst.idx.add.f32.msk $0xffff, v2  }
0xe6: {  	v3 =	vld [tilespmem:s13+$0x2960];
	_ =	sdelay $0x7  }
0xe7: {  	[tilespmem:v3+s29+$0x0] =	vst.idx.add.f32.msk $0xffff, v2  }
0xe8: {  	v3 =	vld [tilespmem:s13+$0x2970];
	_ =	sdelay $0x7  }
0xe9: {  	[tilespmem:v3+s29+$0x0] =	vst.idx.add.f32.msk $0xffff, v2  }
0xea: {  	v3 =	vld [tilespmem:s13+$0x2980];
	_ =	sdelay $0x3  }
0xeb: {  	p0 =	sne.s32 s12, $0x8200  }
.Ltmp2:
0xec: {  	_ = 	snop;
	(pc) =	sbr.rel @p0 .LBB2_6-.Ltmp2, $3  }
0xed: {  	_ =	sdelay $0x1  }
0xee: {  	s12 =	sadd.s32 $0xA00, s12;
	s13 =	sadd.s32 $0x460, s13;
	[tilespmem:v3+s29+$0x0] =	vst.idx.add.f32.msk $0xffff, v2  }
0xef: {  	[tilespmem:s24], [sflag:$0x7] =	stream.indirect.gather [hbm4b:s4+s21], $0x20, s13, s21, $0xb8;
	[tilespmem:$0x11E10] =	vst v63  }
0xf0: {  	_ =	swait.ge [sflag:s26], $0xA00  }
0xf1: {  	[sflag:s26] =	ssyncset.done $0x0  }
0xf2: {  	s12 =	simm.s32 $0x4A10;
	[sflag:s26] =	ssyncadd.s32 $0xFFFFF600  }
0xf3: {  	[spmem:s2] =	stream.indirect.scatter.add.bf16 [tilespmem:s22], [sflag:$0x9], $0x20, s12, s21, $0xb8;
	[tilespmem:$0x11E10] =	vst v63  }
0xf4: {  	_ =	swait.ge [sflag:s18], $0xA00  }
0xf5: {  	[sflag:s18] =	ssyncset.done $0x0  }
0xf6: {  	[sflag:s18] =	ssyncadd.s32 $0xFFFFF600  }
0xf7: {  	v3 =	vld [tilespmem:$0x4A10];
	_ =	sdelay $0x7  }
0xf8: {  	[tilespmem:v3+s29+$0x0] =	vst.idx.add.f32.msk $0xffff, v2  }
0xf9: {  	v3 =	vld [tilespmem:$0x4A20];
	_ =	sdelay $0x7  }
0xfa: {  	[tilespmem:v3+s29+$0x0] =	vst.idx.add.f32.msk $0xffff, v2  }
0xfb: {  	v3 =	vld [tilespmem:$0x4A30];
	_ =	sdelay $0x7  }
0xfc: {  	[tilespmem:v3+s29+$0x0] =	vst.idx.add.f32.msk $0xffff, v2  }
0xfd: {  	v3 =	vld [tilespmem:$0x4A40];
	_ =	sdelay $0x7  }
0xfe: {  	[tilespmem:v3+s29+$0x0] =	vst.idx.add.f32.msk $0xffff, v2  }
0xff: {  	v3 =	vld [tilespmem:$0x4A50];
	_ =	sdelay $0x7  }
0x100: {  	s14 =	simm.s32 $0x2530;
	[tilespmem:v3+s29+$0x0] =	vst.idx.add.f32.msk $0xffff, v2  }
0x101: {  	[tilespmem:s31], [sflag:$0x8] =	stream.indirect.gather [hbm4b:s4+s21], $0x20, s14, s21, $0xb8;
	[tilespmem:$0x11E10] =	vst v63  }
0x102: {  	_ =	swait.ge [sflag:s19], $0xA00  }
0x103: {  	[sflag:s19] =	ssyncset.done $0x0  }
0x104: {  	s13 =	simm.s32 $0x4A60;
	[sflag:s19] =	ssyncadd.s32 $0xFFFFF600  }
0x105: {  	[spmem:s2] =	stream.indirect.scatter.add.bf16 [tilespmem:s23], [sflag:$0x9], $0x20, s13, s21, $0xb8;
	[tilespmem:$0x11E10] =	vst v63  }
0x106: {  	_ =	swait.ge [sflag:s18], $0xA00  }
0x107: {  	[sflag:s18] =	ssyncset.done $0x0  }
0x108: {  	[sflag:s18] =	ssyncadd.s32 $0xFFFFF600  }
0x109: {  	v3 =	vld [tilespmem:$0x4A60];
	_ =	sdelay $0x7  }
0x10a: {  	[tilespmem:v3+s29+$0x0] =	vst.idx.add.f32.msk $0xffff, v2  }
0x10b: {  	v3 =	vld [tilespmem:$0x4A70];
	_ =	sdelay $0x7  }
0x10c: {  	[tilespmem:v3+s29+$0x0] =	vst.idx.add.f32.msk $0xffff, v2  }
0x10d: {  	v3 =	vld [tilespmem:$0x4A80];
	_ =	sdelay $0x7  }
0x10e: {  	[tilespmem:v3+s29+$0x0] =	vst.idx.add.f32.msk $0xffff, v2  }
0x10f: {  	v3 =	vld [tilespmem:$0x4A90];
	_ =	sdelay $0x7  }
0x110: {  	[tilespmem:v3+s29+$0x0] =	vst.idx.add.f32.msk $0xffff, v2  }
0x111: {  	v3 =	vld [tilespmem:$0x4AA0];
	_ =	sdelay $0x7  }
0x112: {  	s14 =	simm.s32 $0x2580;
	[tilespmem:v3+s29+$0x0] =	vst.idx.add.f32.msk $0xffff, v2  }
0x113: {  	[tilespmem:s22], [sflag:$0x1] =	stream.indirect.gather [hbm4b:s4+s21], $0x20, s14, s21, $0xb8;
	[tilespmem:$0x11E10] =	vst v63  }
0x114: {  	_ =	swait.ge [sflag:s0], $0xA00  }
0x115: {  	[sflag:s0] =	ssyncset.done $0x0  }
0x116: {  	s13 =	simm.s32 $0x4AB0;
	[sflag:s0] =	ssyncadd.s32 $0xFFFFF600  }
0x117: {  	[spmem:s2] =	stream.indirect.scatter.add.bf16 [tilespmem:s25], [sflag:$0x9], $0x20, s13, s21, $0xb8;
	[tilespmem:$0x11E10] =	vst v63  }
0x118: {  	_ =	swait.ge [sflag:s18], $0xA00  }
0x119: {  	[sflag:s18] =	ssyncset.done $0x0  }
0x11a: {  	[sflag:s18] =	ssyncadd.s32 $0xFFFFF600  }
0x11b: {  	v3 =	vld [tilespmem:$0x4AB0];
	_ =	sdelay $0x7  }
0x11c: {  	[tilespmem:v3+s29+$0x0] =	vst.idx.add.f32.msk $0xffff, v2  }
0x11d: {  	v3 =	vld [tilespmem:$0x4AC0];
	_ =	sdelay $0x7  }
0x11e: {  	[tilespmem:v3+s29+$0x0] =	vst.idx.add.f32.msk $0xffff, v2  }
0x11f: {  	v3 =	vld [tilespmem:$0x4AD0];
	_ =	sdelay $0x7  }
0x120: {  	[tilespmem:v3+s29+$0x0] =	vst.idx.add.f32.msk $0xffff, v2  }
0x121: {  	v3 =	vld [tilespmem:$0x4AE0];
	_ =	sdelay $0x7  }
0x122: {  	[tilespmem:v3+s29+$0x0] =	vst.idx.add.f32.msk $0xffff, v2  }
0x123: {  	v3 =	vld [tilespmem:$0x4AF0];
	_ =	sdelay $0x7  }
0x124: {  	s14 =	simm.s32 $0x25D0;
	[tilespmem:v3+s29+$0x0] =	vst.idx.add.f32.msk $0xffff, v2  }
0x125: {  	[tilespmem:s23], [sflag:$0x2] =	stream.indirect.gather [hbm4b:s4+s21], $0x20, s14, s21, $0xb8;
	[tilespmem:$0x11E10] =	vst v63  }
0x126: {  	_ =	swait.ge [sflag:s5], $0xA00  }
0x127: {  	[sflag:s5] =	ssyncset.done $0x0  }
0x128: {  	s13 =	simm.s32 $0x4B00;
	[sflag:s5] =	ssyncadd.s32 $0xFFFFF600  }
0x129: {  	[spmem:s2] =	stream.indirect.scatter.add.bf16 [tilespmem:s28], [sflag:$0x9], $0x20, s13, s21, $0xb8;
	[tilespmem:$0x11E10] =	vst v63  }
0x12a: {  	_ =	swait.ge [sflag:s18], $0xA00  }
0x12b: {  	[sflag:s18] =	ssyncset.done $0x0  }
0x12c: {  	[sflag:s18] =	ssyncadd.s32 $0xFFFFF600  }
0x12d: {  	v3 =	vld [tilespmem:$0x4B00];
	_ =	sdelay $0x7  }
0x12e: {  	[tilespmem:v3+s29+$0x0] =	vst.idx.add.f32.msk $0xffff, v2  }
0x12f: {  	v3 =	vld [tilespmem:$0x4B10];
	_ =	sdelay $0x7  }
0x130: {  	[tilespmem:v3+s29+$0x0] =	vst.idx.add.f32.msk $0xffff, v2  }
0x131: {  	v3 =	vld [tilespmem:$0x4B20];
	_ =	sdelay $0x7  }
0x132: {  	[tilespmem:v3+s29+$0x0] =	vst.idx.add.f32.msk $0xffff, v2  }
0x133: {  	v3 =	vld [tilespmem:$0x4B30];
	_ =	sdelay $0x7  }
0x134: {  	[tilespmem:v3+s29+$0x0] =	vst.idx.add.f32.msk $0xffff, v2  }
0x135: {  	v3 =	vld [tilespmem:$0x4B40];
	_ =	sdelay $0x7  }
0x136: {  	s14 =	simm.s32 $0x2620;
	[tilespmem:v3+s29+$0x0] =	vst.idx.add.f32.msk $0xffff, v2  }
0x137: {  	[tilespmem:s25], [sflag:$0x3] =	stream.indirect.gather [hbm4b:s4+s21], $0x20, s14, s21, $0xb8;
	[tilespmem:$0x11E10] =	vst v63  }
0x138: {  	_ =	swait.ge [sflag:s6], $0xA00  }
0x139: {  	[sflag:s6] =	ssyncset.done $0x0  }
0x13a: {  	s13 =	simm.s32 $0x4B50;
	[sflag:s6] =	ssyncadd.s32 $0xFFFFF600  }
0x13b: {  	[spmem:s2] =	stream.indirect.scatter.add.bf16 [tilespmem:s30], [sflag:$0x9], $0x20, s13, s21, $0xb8;
	[tilespmem:$0x11E10] =	vst v63  }
0x13c: {  	_ =	swait.ge [sflag:s18], $0xA00  }
0x13d: {  	[sflag:s18] =	ssyncset.done $0x0  }
0x13e: {  	[sflag:s18] =	ssyncadd.s32 $0xFFFFF600  }
0x13f: {  	v3 =	vld [tilespmem:$0x4B50];
	_ =	sdelay $0x7  }
0x140: {  	[tilespmem:v3+s29+$0x0] =	vst.idx.add.f32.msk $0xffff, v2  }
0x141: {  	v3 =	vld [tilespmem:$0x4B60];
	_ =	sdelay $0x7  }
0x142: {  	[tilespmem:v3+s29+$0x0] =	vst.idx.add.f32.msk $0xffff, v2  }
0x143: {  	v3 =	vld [tilespmem:$0x4B70];
	_ =	sdelay $0x7  }
0x144: {  	[tilespmem:v3+s29+$0x0] =	vst.idx.add.f32.msk $0xffff, v2  }
0x145: {  	v3 =	vld [tilespmem:$0x4B80];
	_ =	sdelay $0x7  }
0x146: {  	[tilespmem:v3+s29+$0x0] =	vst.idx.add.f32.msk $0xffff, v2  }
0x147: {  	v3 =	vld [tilespmem:$0x4B90];
	_ =	sdelay $0x7  }
0x148: {  	s14 =	simm.s32 $0x2670;
	[tilespmem:v3+s29+$0x0] =	vst.idx.add.f32.msk $0xffff, v2  }
0x149: {  	[tilespmem:s28], [sflag:$0x4] =	stream.indirect.gather [hbm4b:s4+s21], $0x20, s14, s21, $0xb8;
	[tilespmem:$0x11E10] =	vst v63  }
0x14a: {  	_ =	swait.ge [sflag:s8], $0xA00  }
0x14b: {  	[sflag:s8] =	ssyncset.done $0x0  }
0x14c: {  	s13 =	simm.s32 $0x4BA0;
	[sflag:s8] =	ssyncadd.s32 $0xFFFFF600  }
0x14d: {  	[spmem:s2] =	stream.indirect.scatter.add.bf16 [tilespmem:s1], [sflag:$0x9], $0x20, s13, s21, $0xb8;
	[tilespmem:$0x11E10] =	vst v63  }
0x14e: {  	_ =	swait.ge [sflag:s18], $0xA00  }
0x14f: {  	[sflag:s18] =	ssyncset.done $0x0  }
0x150: {  	[sflag:s18] =	ssyncadd.s32 $0xFFFFF600  }
0x151: {  	v3 =	vld [tilespmem:$0x4BA0];
	_ =	sdelay $0x7  }
0x152: {  	[tilespmem:v3+s29+$0x0] =	vst.idx.add.f32.msk $0xffff, v2  }
0x153: {  	v3 =	vld [tilespmem:$0x4BB0];
	_ =	sdelay $0x7  }
0x154: {  	[tilespmem:v3+s29+$0x0] =	vst.idx.add.f32.msk $0xffff, v2  }
0x155: {  	v3 =	vld [tilespmem:$0x4BC0];
	_ =	sdelay $0x7  }
0x156: {  	[tilespmem:v3+s29+$0x0] =	vst.idx.add.f32.msk $0xffff, v2  }
0x157: {  	v3 =	vld [tilespmem:$0x4BD0];
	_ =	sdelay $0x7  }
0x158: {  	[tilespmem:v3+s29+$0x0] =	vst.idx.add.f32.msk $0xffff, v2  }
0x159: {  	v3 =	vld [tilespmem:$0x4BE0];
	_ =	sdelay $0x7  }
0x15a: {  	s14 =	simm.s32 $0x26C0;
	[tilespmem:v3+s29+$0x0] =	vst.idx.add.f32.msk $0xffff, v2  }
0x15b: {  	[tilespmem:s30], [sflag:$0x5] =	stream.indirect.gather [hbm4b:s4+s21], $0x20, s14, s21, $0xb8;
	[tilespmem:$0x11E10] =	vst v63  }
0x15c: {  	_ =	swait.ge [sflag:s9], $0xA00  }
0x15d: {  	[sflag:s9] =	ssyncset.done $0x0  }
0x15e: {  	s13 =	simm.s32 $0x4BF0;
	[sflag:s9] =	ssyncadd.s32 $0xFFFFF600  }
0x15f: {  	[spmem:s2] =	stream.indirect.scatter.add.bf16 [tilespmem:s24], [sflag:$0x9], $0x20, s13, s21, $0xb8;
	[tilespmem:$0x11E10] =	vst v63  }
0x160: {  	_ =	swait.ge [sflag:s18], $0xA00  }
0x161: {  	[sflag:s18] =	ssyncset.done $0x0  }
0x162: {  	[sflag:s18] =	ssyncadd.s32 $0xFFFFF600  }
0x163: {  	v3 =	vld [tilespmem:$0x4BF0];
	_ =	sdelay $0x7  }
0x164: {  	[tilespmem:v3+s29+$0x0] =	vst.idx.add.f32.msk $0xffff, v2  }
0x165: {  	v3 =	vld [tilespmem:$0x4C00];
	_ =	sdelay $0x7  }
0x166: {  	[tilespmem:v3+s29+$0x0] =	vst.idx.add.f32.msk $0xffff, v2  }
0x167: {  	v3 =	vld [tilespmem:$0x4C10];
	_ =	sdelay $0x7  }
0x168: {  	[tilespmem:v3+s29+$0x0] =	vst.idx.add.f32.msk $0xffff, v2  }
0x169: {  	v3 =	vld [tilespmem:$0x4C20];
	_ =	sdelay $0x7  }
0x16a: {  	[tilespmem:v3+s29+$0x0] =	vst.idx.add.f32.msk $0xffff, v2  }
0x16b: {  	v3 =	vld [tilespmem:$0x4C30];
	_ =	sdelay $0x7  }
0x16c: {  	[tilespmem:v3+s29+$0x0] =	vst.idx.add.f32.msk $0xffff, v2  }
0x16d: {  	_ =	swait.ge [sflag:s10], $0xA00  }
0x16e: {  	[sflag:s10] =	ssyncset.done $0x0  }
0x16f: {  	s14 =	simm.s32 $0x4C40;
	[sflag:s10] =	ssyncadd.s32 $0xFFFFF600  }
0x170: {  	[spmem:s2] =	stream.indirect.scatter.add.bf16 [tilespmem:s31], [sflag:$0x9], $0x20, s14, s21, $0xb8;
	[tilespmem:$0x11E10] =	vst v63  }
0x171: {  	_ =	swait.ge [sflag:s18], $0xA00  }
0x172: {  	[sflag:s18] =	ssyncset.done $0x0  }
0x173: {  	[sflag:s18] =	ssyncadd.s32 $0xFFFFF600  }
0x174: {  	v3 =	vld [tilespmem:$0x4C40];
	_ =	sdelay $0x7  }
0x175: {  	[tilespmem:v3+s29+$0x0] =	vst.idx.add.f32.msk $0xffff, v2  }
0x176: {  	v3 =	vld [tilespmem:$0x4C50];
	_ =	sdelay $0x7  }
0x177: {  	[tilespmem:v3+s29+$0x0] =	vst.idx.add.f32.msk $0xffff, v2  }
0x178: {  	v3 =	vld [tilespmem:$0x4C60];
	_ =	sdelay $0x7  }
0x179: {  	[tilespmem:v3+s29+$0x0] =	vst.idx.add.f32.msk $0xffff, v2  }
0x17a: {  	v3 =	vld [tilespmem:$0x4C70];
	_ =	sdelay $0x7  }
0x17b: {  	[tilespmem:v3+s29+$0x0] =	vst.idx.add.f32.msk $0xffff, v2  }
0x17c: {  	v3 =	vld [tilespmem:$0x4C80];
	_ =	sdelay $0x7  }
0x17d: {  	[tilespmem:v3+s29+$0x0] =	vst.idx.add.f32.msk $0xffff, v2  }
0x17e: {  	_ =	swait.ge [sflag:s26], $0xA00  }
0x17f: {  	[sflag:s26] =	ssyncset.done $0x0  }
0x180: {  	s13 =	simm.s32 $0x4C90;
	[sflag:s26] =	ssyncadd.s32 $0xFFFFF600  }
0x181: {  	[spmem:s2] =	stream.indirect.scatter.add.bf16 [tilespmem:s22], [sflag:$0x9], $0x20, s13, s21, $0xb8;
	[tilespmem:$0x11E10] =	vst v63  }
0x182: {  	_ =	swait.ge [sflag:s18], $0xA00  }
0x183: {  	[sflag:s18] =	ssyncset.done $0x0  }
0x184: {  	[sflag:s18] =	ssyncadd.s32 $0xFFFFF600  }
0x185: {  	v3 =	vld [tilespmem:$0x4C90];
	_ =	sdelay $0x7  }
0x186: {  	[tilespmem:v3+s29+$0x0] =	vst.idx.add.f32.msk $0xffff, v2  }
0x187: {  	v3 =	vld [tilespmem:$0x4CA0];
	_ =	sdelay $0x7  }
0x188: {  	[tilespmem:v3+s29+$0x0] =	vst.idx.add.f32.msk $0xffff, v2  }
0x189: {  	v3 =	vld [tilespmem:$0x4CB0];
	_ =	sdelay $0x7  }
0x18a: {  	[tilespmem:v3+s29+$0x0] =	vst.idx.add.f32.msk $0xffff, v2  }
0x18b: {  	v3 =	vld [tilespmem:$0x4CC0];
	_ =	sdelay $0x7  }
0x18c: {  	[tilespmem:v3+s29+$0x0] =	vst.idx.add.f32.msk $0xffff, v2  }
0x18d: {  	v3 =	vld [tilespmem:$0x4CD0];
	_ =	sdelay $0x7  }
0x18e: {  	[tilespmem:v3+s29+$0x0] =	vst.idx.add.f32.msk $0xffff, v2  }
0x18f: {  	_ =	swait.ge [sflag:s19], $0xA00  }
0x190: {  	[sflag:s19] =	ssyncset.done $0x0  }
0x191: {  	s14 =	simm.s32 $0x4CE0;
	[sflag:s19] =	ssyncadd.s32 $0xFFFFF600  }
0x192: {  	[spmem:s2] =	stream.indirect.scatter.add.bf16 [tilespmem:s23], [sflag:$0x9], $0x20, s14, s21, $0xb8;
	[tilespmem:$0x11E10] =	vst v63  }
0x193: {  	_ =	swait.ge [sflag:s18], $0xA00  }
0x194: {  	[sflag:s18] =	ssyncset.done $0x0  }
0x195: {  	[sflag:s18] =	ssyncadd.s32 $0xFFFFF600  }
0x196: {  	v3 =	vld [tilespmem:$0x4CE0];
	_ =	sdelay $0x7  }
0x197: {  	[tilespmem:v3+s29+$0x0] =	vst.idx.add.f32.msk $0xffff, v2  }
0x198: {  	v3 =	vld [tilespmem:$0x4CF0];
	_ =	sdelay $0x7  }
0x199: {  	[tilespmem:v3+s29+$0x0] =	vst.idx.add.f32.msk $0xffff, v2  }
0x19a: {  	v3 =	vld [tilespmem:$0x4D00];
	_ =	sdelay $0x7  }
0x19b: {  	[tilespmem:v3+s29+$0x0] =	vst.idx.add.f32.msk $0xffff, v2  }
0x19c: {  	v3 =	vld [tilespmem:$0x4D10];
	_ =	sdelay $0x7  }
0x19d: {  	[tilespmem:v3+s29+$0x0] =	vst.idx.add.f32.msk $0xffff, v2  }
0x19e: {  	v3 =	vld [tilespmem:$0x4D20];
	_ =	sdelay $0x7  }
0x19f: {  	[tilespmem:v3+s29+$0x0] =	vst.idx.add.f32.msk $0xffff, v2  }
0x1a0: {  	_ =	swait.ge [sflag:s0], $0xA00  }
0x1a1: {  	[sflag:s0] =	ssyncset.done $0x0  }
0x1a2: {  	s13 =	simm.s32 $0x4D30;
	[sflag:s0] =	ssyncadd.s32 $0xFFFFF600  }
0x1a3: {  	[spmem:s2] =	stream.indirect.scatter.add.bf16 [tilespmem:s25], [sflag:$0x9], $0x20, s13, s21, $0xb8;
	[tilespmem:$0x11E10] =	vst v63  }
0x1a4: {  	_ =	swait.ge [sflag:s18], $0xA00  }
0x1a5: {  	[sflag:s18] =	ssyncset.done $0x0  }
0x1a6: {  	[sflag:s18] =	ssyncadd.s32 $0xFFFFF600  }
0x1a7: {  	v3 =	vld [tilespmem:$0x4D30];
	_ =	sdelay $0x7  }
0x1a8: {  	[tilespmem:v3+s29+$0x0] =	vst.idx.add.f32.msk $0xffff, v2  }
0x1a9: {  	v3 =	vld [tilespmem:$0x4D40];
	_ =	sdelay $0x7  }
0x1aa: {  	[tilespmem:v3+s29+$0x0] =	vst.idx.add.f32.msk $0xffff, v2  }
0x1ab: {  	v3 =	vld [tilespmem:$0x4D50];
	_ =	sdelay $0x7  }
0x1ac: {  	[tilespmem:v3+s29+$0x0] =	vst.idx.add.f32.msk $0xffff, v2  }
0x1ad: {  	v3 =	vld [tilespmem:$0x4D60];
	_ =	sdelay $0x7  }
0x1ae: {  	[tilespmem:v3+s29+$0x0] =	vst.idx.add.f32.msk $0xffff, v2  }
0x1af: {  	v3 =	vld [tilespmem:$0x4D70];
	_ =	sdelay $0x7  }
0x1b0: {  	[tilespmem:v3+s29+$0x0] =	vst.idx.add.f32.msk $0xffff, v2  }
0x1b1: {  	_ =	swait.ge [sflag:s5], $0xA00  }
0x1b2: {  	[sflag:s5] =	ssyncset.done $0x0  }
0x1b3: {  	s14 =	simm.s32 $0x4D80;
	[sflag:s5] =	ssyncadd.s32 $0xFFFFF600  }
0x1b4: {  	[spmem:s2] =	stream.indirect.scatter.add.bf16 [tilespmem:s28], [sflag:$0x9], $0x20, s14, s21, $0xb8;
	[tilespmem:$0x11E10] =	vst v63  }
0x1b5: {  	_ =	swait.ge [sflag:s18], $0xA00  }
0x1b6: {  	[sflag:s18] =	ssyncset.done $0x0  }
0x1b7: {  	[sflag:s18] =	ssyncadd.s32 $0xFFFFF600  }
0x1b8: {  	v3 =	vld [tilespmem:$0x4D80];
	_ =	sdelay $0x7  }
0x1b9: {  	[tilespmem:v3+s29+$0x0] =	vst.idx.add.f32.msk $0xffff, v2  }
0x1ba: {  	v3 =	vld [tilespmem:$0x4D90];
	_ =	sdelay $0x7  }
0x1bb: {  	[tilespmem:v3+s29+$0x0] =	vst.idx.add.f32.msk $0xffff, v2  }
0x1bc: {  	v3 =	vld [tilespmem:$0x4DA0];
	_ =	sdelay $0x7  }
0x1bd: {  	[tilespmem:v3+s29+$0x0] =	vst.idx.add.f32.msk $0xffff, v2  }
0x1be: {  	v3 =	vld [tilespmem:$0x4DB0];
	_ =	sdelay $0x7  }
0x1bf: {  	[tilespmem:v3+s29+$0x0] =	vst.idx.add.f32.msk $0xffff, v2  }
0x1c0: {  	v3 =	vld [tilespmem:$0x4DC0];
	_ =	sdelay $0x7  }
0x1c1: {  	[tilespmem:v3+s29+$0x0] =	vst.idx.add.f32.msk $0xffff, v2  }
0x1c2: {  	_ =	swait.ge [sflag:s6], $0xA00  }
0x1c3: {  	[sflag:s6] =	ssyncset.done $0x0  }
0x1c4: {  	s13 =	simm.s32 $0x4DD0;
	[sflag:s6] =	ssyncadd.s32 $0xFFFFF600  }
0x1c5: {  	[spmem:s2] =	stream.indirect.scatter.add.bf16 [tilespmem:s30], [sflag:$0x9], $0x20, s13, s21, $0xb8;
	[tilespmem:$0x11E10] =	vst v63  }
0x1c6: {  	_ =	swait.ge [sflag:s18], $0xA00  }
0x1c7: {  	[sflag:s18] =	ssyncset.done $0x0  }
0x1c8: {  	[sflag:s18] =	ssyncadd.s32 $0xFFFFF600  }
0x1c9: {  	v3 =	vld [tilespmem:$0x4DD0];
	_ =	sdelay $0x7  }
0x1ca: {  	[tilespmem:v3+s29+$0x0] =	vst.idx.add.f32.msk $0xffff, v2  }
0x1cb: {  	v3 =	vld [tilespmem:$0x4DE0];
	_ =	sdelay $0x7  }
0x1cc: {  	[tilespmem:v3+s29+$0x0] =	vst.idx.add.f32.msk $0xffff, v2  }
0x1cd: {  	v3 =	vld [tilespmem:$0x4DF0];
	_ =	sdelay $0x7  }
0x1ce: {  	[tilespmem:v3+s29+$0x0] =	vst.idx.add.f32.msk $0xffff, v2  }
0x1cf: {  	v3 =	vld [tilespmem:$0x4E00];
	_ =	sdelay $0x7  }
0x1d0: {  	[tilespmem:v3+s29+$0x0] =	vst.idx.add.f32.msk $0xffff, v2  }
0x1d1: {  	v3 =	vld [tilespmem:$0x4E10];
	_ =	sdelay $0x6  }
0x1d2: {  	s14 =	stileid.u32  }
0x1d3: {  	s12 =	sshll.u32 s14, $0x6;
	[tilespmem:v3+s29+$0x0] =	vst.idx.add.f32.msk $0xffff, v2  }
0x1d4: {  	s12 =	sor.u32 $0x1C09, s12;
	s13 =	sshrl.u32 s7, $0x3;
	[bflag:$0x0] =	sbarrier.arrive $0xFFFF  }
0x1d5: {  	[hbm:s15], [sflag:s12] =	dma.local [spmem:s13], $0x9E0  }
0x1d6: {  	s11 =	sadd.s32 $0x1, s11;
	_ =	swait.ge [sflag:s18], $0x9E0  }
0x1d7: {  	p0 =	sne.s32 s11, s17;
	[sflag:s18] =	ssyncset.done $0x0  }
.Ltmp3:
0x1d8: {  	[sflag:s18] =	ssyncadd.s32 $0xFFFFF620;
	(pc) =	sbr.rel @p0 .LBB2_1-.Ltmp3, $4  }
0x1d9: {  	[hbm4b:s16+s3] =	stream.linear.scatter [tilespmem:s29], [sflag:$0x9], $0x2710, $0x38;
	[tilespmem:$0x11E10] =	vst v63  }
0x1da: {  	_ =	swait.ge [sflag:s18], $0x2710  }
0x1db: {  	[sflag:s18] =	ssyncset.done $0x0  }
0x1dc: {  	[sflag:s18] =	ssyncadd.s32 $0xFFFFD8F0  }
0x1dd: {  	_ =	sfence.sel $0x180000  }
0x1de: {  	[bflag:$0x0] =	sbarrier.arrive $0xFFFF  }
0x1df: {  	_ =	strace $0x9000004A  }
0x1e0: {  	s0 =	stileid.u32;
	[bflag:$0x2] =	sbarrier.arrive $0xFFFF  }
0x1e1: {  	p0 =	sne.s32 s0, $0x0;
	s0 =	rddreg [dreg:$0x3]  }
0x1e2: {  	s0 =	sadd.s32 @!p0 $0x100000, s0  }
0x1e3: {  	[sflag:s0] =	ssyncadd.tile.s32 @!p0 $0x1;
	_ =	shalt  }
.Lfunc_end2:
_tile_overlayer_lowered:
.L_overlay_start_2:
0x1e4: {  	(tag) =	ssettag $0x2  }
0x1e5: {  	s0 =	rddreg [dreg:$0x0];
	s2 =	stileid.u32  }
0x1e6: {  	s1 =	rddreg [dreg:$0x1];
	p0 =	sne.s32 s2, $0x0  }
0x1e7: {  	s3 =	rddreg [dreg:$0x2];
	[bflag:$0x3] =	sbarrier.arrive $0xFFFF;
	s2 =	simm.s32 @!p0 $0x1C09  }
0x1e8: {  	[timem:s3], [sflag:s2] =	dma.local @!p0 [hbm:s0], s1  }
0x1e9: {  	s0 =	simm.s32 @!p0 $0x9  }
0x1ea: {  	_ =	swait.ge @!p0 [sflag:s0], s1  }
0x1eb: {  	s1 =	ssub.s32 @!p0 $0x0, s1;
	[sflag:s0] =	ssyncset.done @!p0 $0x0  }
0x1ec: {  	[sflag:s0] =	ssyncadd.s32 @!p0 s1  }
0x1ed: {  	[bflag:$0x3] =	sbarrier.arrive $0xFFFF  }
0x1ee: {  	_ =	shalt  }

</sc_bundles>
